<compile_context>
chip_gen: v7x
topology: tpu7x:2x2x1
jax: 0.10.2.dev20260603
libtpu: 0.0.44.dev20260713+nightly
codegen_flags: <defaults>
</compile_context>

<pallas_src>
import functools

import jax
import jax.numpy as jnp
from jax import lax
from jax.experimental import pallas as pl
from jax.experimental.pallas import tpu as pltpu
from jax.experimental.pallas import tpu_sc as plsc

_B, _T, _E, _D = 16, 2048, 512, 512
_ROWS = _B * _T
_NW = 32
_RPW = _ROWS // _NW
_R = 16
_NB = 2
_NBO = 2
_NCHUNK = _RPW // _R
_LANES = 16
_NTOK = 1000


def _tables_body(tok_ref, sty_ref, w_ref, b_ref, ttst_ref):
    w = w_ref[...]
    ttst_ref[: _NTOK, :] = (
        jnp.dot(tok_ref[...], w, preferred_element_type=jnp.float32) + b_ref[...]
    )
    ttst_ref[_NTOK:, :] = jnp.dot(sty_ref[...], w,
                                  preferred_element_type=jnp.float32)


def _fused_tables(token_table, style_table, W, b):
    return pl.pallas_call(
        _tables_body,
        out_shape=jax.ShapeDtypeStruct((_NTOK + 256, _D), jnp.float32),
    )(token_table, style_table, W, b.reshape(1, _D))


def _sc_body(cidx_hbm, audio_hbm, noizy_hbm, times_hbm, ttst_hbm,
             out_hbm, cidx, timesv, noizyb, audb, gatb, outb, insems, outsems):
    wid = lax.axis_index("s") * 2 + lax.axis_index("c")
    base0 = wid * _RPW
    b_idx = wid // 2

    pltpu.sync_copy(cidx_hbm.at[pl.ds(base0 * 2, _RPW * 2)], cidx)
    pltpu.sync_copy(times_hbm.at[b_idx], timesv)
    tvec = timesv[...]

    def issue_in(ci, s):
        base = base0 + ci * _R
        pltpu.async_copy(ttst_hbm.at[cidx.at[pl.ds(ci * 2 * _R, 2 * _R)]],
                         gatb.at[s], insems[s])
        pltpu.async_copy(noizy_hbm.at[pl.ds(base, _R)], noizyb.at[s], insems[s])
        pltpu.async_copy(audio_hbm.at[pl.ds(base, _R)], audb.at[s], insems[s])

    def wait_in(ci, s):
        base = base0 + ci * _R
        pltpu.make_async_copy(ttst_hbm.at[cidx.at[pl.ds(ci * 2 * _R, 2 * _R)]],
                              gatb.at[s], insems[s]).wait()
        pltpu.make_async_copy(noizy_hbm.at[pl.ds(base, _R)], noizyb.at[s],
                              insems[s]).wait()
        pltpu.make_async_copy(audio_hbm.at[pl.ds(base, _R)], audb.at[s],
                              insems[s]).wait()

    def issue_out(ci, so):
        base = base0 + ci * _R
        pltpu.async_copy(outb.at[so], out_hbm.at[pl.ds(base, _R)], outsems[so])

    def wait_out(ci, so):
        base = base0 + ci * _R
        pltpu.make_async_copy(outb.at[so], out_hbm.at[pl.ds(base, _R)],
                              outsems[so]).wait()

    def compute(s, so):
        @plsc.parallel_loop(0, _R, unroll=2)
        def row(r):
            for kb in range(_D // 32):
                slm = pl.ds(kb * _LANES, _LANES)
                tw = gatb[s, r, slm]
                sw = gatb[s, _R + r, slm]
                t0 = lax.bitcast_convert_type(lax.shift_left(tw, 16), jnp.float32)
                t1 = lax.bitcast_convert_type(
                    lax.bitwise_and(tw, jnp.int32(-65536)), jnp.float32)
                s0 = lax.bitcast_convert_type(lax.shift_left(sw, 16), jnp.float32)
                s1 = lax.bitcast_convert_type(
                    lax.bitwise_and(sw, jnp.int32(-65536)), jnp.float32)
                sl0 = pl.ds(kb * 32, _LANES)
                sl1 = pl.ds(kb * 32 + _LANES, _LANES)
                outb[so, r, sl0] = (
                    (noizyb[s, r, sl0] + t0)
                    + (s0 + tvec * audb[s, r, sl0])
                )
                outb[so, r, sl1] = (
                    (noizyb[s, r, sl1] + t1)
                    + (s1 + tvec * audb[s, r, sl1])
                )

    for p in range(_NB - 1):
        issue_in(p, p)

    @pl.loop(0, _NCHUNK, step=_NB)
    def outer(ci0):
        for s in range(_NB):
            ci = ci0 + s
            so = s % _NBO
            wait_in(ci, s)
            ns = (s + _NB - 1) % _NB

            @pl.when(ci + _NB - 1 < _NCHUNK)
            def _():
                issue_in(ci + _NB - 1, ns)

            @pl.when(ci >= _NBO)
            def _():
                wait_out(ci - _NBO, so)

            compute(s, so)
            issue_out(ci, so)

    for ci in range(_NCHUNK - _NBO, _NCHUNK):
        wait_out(ci, ci % _NBO)


@functools.partial(jax.jit)
def kernel(tokens, tokens_style, audio, audio_noizy, times, token_table,
           style_table, W, b):
    ttst = _fused_tables(token_table, style_table, W, b)
    ttst = jnp.transpose(
        ttst.reshape(_NTOK + 256, _D // 32, 2, _LANES), (0, 1, 3, 2)
    ).reshape(_NTOK + 256, _D).astype(jnp.bfloat16)
    ttst = lax.bitcast_convert_type(
        ttst.reshape(_NTOK + 256, _D // 2, 2), jnp.int32
    )

    tok = tokens.reshape(_NW, _NCHUNK, _R).astype(jnp.int32)
    sty = tokens_style.reshape(_NW, _NCHUNK, _R).astype(jnp.int32) + _NTOK
    cidx = jnp.concatenate([tok, sty], axis=2).reshape(_ROWS * 2)

    mesh = plsc.VectorSubcoreMesh(core_axis_name="c", subcore_axis_name="s")
    sc = pl.kernel(
        _sc_body,
        out_type=jax.ShapeDtypeStruct((_ROWS, _D), jnp.float32),
        mesh=mesh,
        scratch_types=[
            pltpu.VMEM((_RPW * 2,), jnp.int32),
            pltpu.VMEM((_LANES,), jnp.float32),
            pltpu.VMEM((_NB, _R, _D), jnp.float32),
            pltpu.VMEM((_NB, _R, _D), jnp.float32),
            pltpu.VMEM((_NB, 2 * _R, _D // 2), jnp.int32),
            pltpu.VMEM((_NBO, _R, _D), jnp.float32),
            [pltpu.SemaphoreType.DMA] * _NB,
            [pltpu.SemaphoreType.DMA] * _NBO,
        ],
    )
    out = sc(
        cidx,
        audio.reshape(_ROWS, _D),
        audio_noizy.reshape(_ROWS, _D),
        jnp.broadcast_to(times[:, None], (_B, _LANES)),
        ttst,
    )
    return out.reshape(_B, _T, _D)

# --- scband reference (transcript-rebuilt; emitter-appended) ---
"""Pipeline reference for scband-audio-predictor-75703093559819 (READ-ONLY COPY).

The authoritative reference and input builder live on the scoring server;
editing this copy changes nothing except your own understanding.
"""

import jax, jax.numpy as jnp
import numpy as np

B, T, E, D = 16, 2048, 512, 512
N_TOKENS, N_STYLE = 1000, 256


def setup_inputs(seed: int = 0) -> dict:
    key = jax.random.key(seed)
    ks = jax.random.split(key, 9)
    tokens = jax.random.randint(ks[0], (B, T), 0, N_TOKENS, dtype=jnp.int64 if jax.config.jax_enable_x64 else jnp.int32)
    tokens_style = jax.random.randint(ks[1], (B, T), 0, N_STYLE, dtype=jnp.int64 if jax.config.jax_enable_x64 else jnp.int32)
    audio = jax.random.normal(ks[2], (B, T, D), dtype=jnp.float32)
    audio_noizy = jax.random.normal(ks[3], (B, T, D), dtype=jnp.float32)
    times = jax.random.uniform(ks[4], (B,), dtype=jnp.float32)
    token_table = jax.random.normal(ks[5], (N_TOKENS, E), dtype=jnp.float32) * 0.02
    style_table = jax.random.normal(ks[6], (N_STYLE, E), dtype=jnp.float32) * 0.02
    W = jax.random.normal(ks[7], (E, D), dtype=jnp.float32) * (1.0 / np.sqrt(E))
    b = jnp.zeros((D,), dtype=jnp.float32)
    return {"tokens": tokens, "tokens_style": tokens_style, "audio": audio,
            "audio_noizy": audio_noizy, "times": times, "token_table": token_table,
            "style_table": style_table, "W": W, "b": b}


def reference(tokens, tokens_style, audio, audio_noizy, times, token_table, style_table, W, b):
    # token_embedding(tokens) + style_embedding(tokens_style)  -> gathers
    tokens_embed = jnp.take(token_table, tokens, axis=0)
    tokens_embed = tokens_embed + jnp.take(style_table, tokens_style, axis=0)
    # conditioning linear
    conditioning = jnp.einsum('bte,ed->btd', tokens_embed, W) + b
    # flow stand-in (injected dependency in original): time-scaled residual flow step
    out = audio_noizy + conditioning + times[:, None, None] * audio
    return out

if __name__ == "__main__":
    import jax
    _d = setup_inputs()
    print(jax.jit(kernel)(*tuple(_d.values())))

</pallas_src>

<mosaic_0001>
#map = affine_map<(d0, d1) -> (0)>
#map1 = affine_map<(d0, d1) -> (0, 0)>
module attributes {stable_mosaic.version = 14 : i64} {
  func.func @_sc_body(%arg0: i32, %arg1: i32, %arg2: memref<65536xi32, #tpu.memory_space<hbm>>, %arg3: memref<32768x512xf32, #tpu.memory_space<hbm>>, %arg4: memref<32768x512xf32, #tpu.memory_space<hbm>>, %arg5: memref<16x16xf32, #tpu.memory_space<hbm>>, %arg6: memref<1256x256xi32, #tpu.memory_space<hbm>>, %arg7: memref<32768x512xf32, #tpu.memory_space<hbm>>, %arg8: memref<2048xi32, #tpu.memory_space<vmem>>, %arg9: memref<16xf32, #tpu.memory_space<vmem>>, %arg10: memref<2x16x512xf32, #tpu.memory_space<vmem>>, %arg11: memref<2x16x512xf32, #tpu.memory_space<vmem>>, %arg12: memref<2x32x256xi32, #tpu.memory_space<vmem>>, %arg13: memref<2x16x512xf32, #tpu.memory_space<vmem>>, %arg14: memref<!tpu.dma_semaphore, #tpu.memory_space<semaphore_mem>>, %arg15: memref<!tpu.dma_semaphore, #tpu.memory_space<semaphore_mem>>, %arg16: memref<!tpu.dma_semaphore, #tpu.memory_space<semaphore_mem>>, %arg17: memref<!tpu.dma_semaphore, #tpu.memory_space<semaphore_mem>>) attributes {dimension_semantics = [#tpu.dimension_semantics<core_parallel>, #tpu.dimension_semantics<subcore_parallel>], iteration_bounds = array<i64: 2, 16>, scalar_prefetch = 0 : i64, scratch_operands = 10 : i64, tpu.core_type = #tpu.core_type<sc_vector_subcore>, window_params = [{transform_indices = #map}, {transform_indices = #map1}, {transform_indices = #map1}, {transform_indices = #map1}, {transform_indices = #map1}, {transform_indices = #map1}]} {
    %mul3A = arith.constant 2 : i32
    %mul3A_0 = arith.muli %arg1, %mul3A : i32
    %add3A = arith.addi %mul3A_0, %arg0 : i32
    %mul3A_1 = arith.constant 1024 : i32
    %mul3A_2 = arith.muli %add3A, %mul3A_1 : i32
    %jit3A = arith.constant 2 : i32
    %div3A = arith.divsi %add3A, %jit3A : i32
    %sign3A = arith.constant 0 : i32
    %sign3A_3 = arith.cmpi sgt, %add3A, %sign3A : i32
    %sign3A_4 = arith.extui %sign3A_3 : i1 to i32
    %sign3A_5 = arith.constant 0 : i32
    %sign3A_6 = arith.cmpi slt, %add3A, %sign3A_5 : i32
    %sign3A_7 = arith.extui %sign3A_6 : i1 to i32
    %sign3A_8 = arith.subi %sign3A_4, %sign3A_7 : i32
    %sign3A_9 = arith.constant 0 : i32
    %sign3A_10 = arith.cmpi sgt, %jit3A, %sign3A_9 : i32
    %sign3A_11 = arith.extui %sign3A_10 : i1 to i32
    %sign3A_12 = arith.constant 0 : i32
    %sign3A_13 = arith.cmpi slt, %jit3A, %sign3A_12 : i32
    %sign3A_14 = arith.extui %sign3A_13 : i1 to i32
    %sign3A_15 = arith.subi %sign3A_11, %sign3A_14 : i32
    %ne3A = arith.cmpi ne, %sign3A_8, %sign3A_15 : i32
    %rem3A = arith.remsi %add3A, %jit3A : i32
    %ne3A_16 = arith.constant 0 : i32
    %ne3A_17 = arith.cmpi ne, %rem3A, %ne3A_16 : i32
    %and3A = arith.andi %ne3A, %ne3A_17 : i1
    %sub3A = arith.constant 1 : i32
    %sub3A_18 = arith.subi %div3A, %sub3A : i32
    %select_n3A = arith.select %and3A, %sub3A_18, %div3A : i32
    %mul3A_19 = arith.constant 2 : i32
    %mul3A_20 = arith.muli %mul3A_2, %mul3A_19 : i32
    "tpu.region"() ({
      %run_scoped3A = tpu.sem_alloc : memref<!tpu.dma_semaphore, #tpu.memory_space<semaphore_mem>>
      %dma_start3A_93 = tpu.memref_slice %arg2[%mul3A_20] : memref<65536xi32, #tpu.memory_space<hbm>> -> memref<2048xi32, #tpu.memory_space<hbm>>
      %dma_start3A_94 = tpu.memref_slice %arg2[%mul3A_20] : memref<65536xi32, #tpu.memory_space<hbm>> -> memref<2048xi32, #tpu.memory_space<hbm>>
      tpu.enqueue_dma source(%dma_start3A_94 : memref<2048xi32, #tpu.memory_space<hbm>>) target(%arg8 : memref<2048xi32, #tpu.memory_space<vmem>>) target_semaphore(%run_scoped3A : memref<!tpu.dma_semaphore, #tpu.memory_space<semaphore_mem>>)
      %dma_wait3A_95 = tpu.memref_slice %arg2[%mul3A_20] : memref<65536xi32, #tpu.memory_space<hbm>> -> memref<2048xi32, #tpu.memory_space<hbm>>
      %dma_wait3A_96 = tpu.memref_slice %arg2[%mul3A_20] : memref<65536xi32, #tpu.memory_space<hbm>> -> memref<2048xi32, #tpu.memory_space<hbm>>
      tpu.wait_dma2 semaphore(%run_scoped3A : memref<!tpu.dma_semaphore, #tpu.memory_space<semaphore_mem>>) src(%dma_wait3A_96 : memref<2048xi32, #tpu.memory_space<hbm>>) dst(%arg8 : memref<2048xi32, #tpu.memory_space<vmem>>)
      tpu.yield
    }) : () -> ()
    "tpu.region"() ({
      %run_scoped3A = tpu.sem_alloc : memref<!tpu.dma_semaphore, #tpu.memory_space<semaphore_mem>>
      %dma_start3A_93 = arith.constant 0 : i32
      %dma_start3A_94 = tpu.memref_slice %arg5[%select_n3A, %dma_start3A_93] : memref<16x16xf32, #tpu.memory_space<hbm>> -> memref<1x16xf32, #tpu.memory_space<hbm>>
      %dma_start3A_95 = tpu.memref_squeeze %dma_start3A_94 : memref<1x16xf32, #tpu.memory_space<hbm>> -> memref<16xf32, #tpu.memory_space<hbm>>
      %dma_start3A_96 = arith.constant 0 : i32
      %dma_start3A_97 = tpu.memref_slice %arg5[%select_n3A, %dma_start3A_96] : memref<16x16xf32, #tpu.memory_space<hbm>> -> memref<1x16xf32, #tpu.memory_space<hbm>>
      %dma_start3A_98 = tpu.memref_squeeze %dma_start3A_97 : memref<1x16xf32, #tpu.memory_space<hbm>> -> memref<16xf32, #tpu.memory_space<hbm>>
      tpu.enqueue_dma source(%dma_start3A_98 : memref<16xf32, #tpu.memory_space<hbm>>) target(%arg9 : memref<16xf32, #tpu.memory_space<vmem>>) target_semaphore(%run_scoped3A : memref<!tpu.dma_semaphore, #tpu.memory_space<semaphore_mem>>)
      %dma_wait3A_99 = arith.constant 0 : i32
      %dma_wait3A_100 = tpu.memref_slice %arg5[%select_n3A, %dma_wait3A_99] : memref<16x16xf32, #tpu.memory_space<hbm>> -> memref<1x16xf32, #tpu.memory_space<hbm>>
      %dma_wait3A_101 = tpu.memref_squeeze %dma_wait3A_100 : memref<1x16xf32, #tpu.memory_space<hbm>> -> memref<16xf32, #tpu.memory_space<hbm>>
      %dma_wait3A_102 = arith.constant 0 : i32
      %dma_wait3A_103 = tpu.memref_slice %arg5[%select_n3A, %dma_wait3A_102] : memref<16x16xf32, #tpu.memory_space<hbm>> -> memref<1x16xf32, #tpu.memory_space<hbm>>
      %dma_wait3A_104 = tpu.memref_squeeze %dma_wait3A_103 : memref<1x16xf32, #tpu.memory_space<hbm>> -> memref<16xf32, #tpu.memory_space<hbm>>
      tpu.wait_dma2 semaphore(%run_scoped3A : memref<!tpu.dma_semaphore, #tpu.memory_space<semaphore_mem>>) src(%dma_wait3A_104 : memref<16xf32, #tpu.memory_space<hbm>>) dst(%arg9 : memref<16xf32, #tpu.memory_space<vmem>>)
      tpu.yield
    }) : () -> ()
    %get3A = arith.constant 0 : index
    %get3A_21 = tpu.vector_load %arg9[%get3A] {strides = array<i32>} : memref<16xf32, #tpu.memory_space<vmem>>, vector<16xf32>,
    %get3A_22 = vector.shape_cast %get3A_21 : vector<16xf32> to vector<16xf32>
    %add3A_23 = arith.constant 0 : i32
    %add3A_24 = arith.addi %mul3A_2, %add3A_23 : i32
    %dma_start3A = arith.constant 0 : i32
    %dma_start3A_25 = arith.constant 0 : i32
    %dma_start3A_26 = arith.constant 0 : i32
    %dma_start3A_27 = tpu.memref_slice %arg12[%dma_start3A, %dma_start3A_25, %dma_start3A_26] : memref<2x32x256xi32, #tpu.memory_space<vmem>> -> memref<1x32x256xi32, #tpu.memory_space<vmem>>
    %dma_start3A_28 = tpu.memref_squeeze %dma_start3A_27 : memref<1x32x256xi32, #tpu.memory_space<vmem>> -> memref<32x256xi32, #tpu.memory_space<vmem>>
    %dma_start3A_29 = arith.constant 0 : i32
    %dma_start3A_30 = tpu.memref_slice %arg8[%dma_start3A_29] : memref<2048xi32, #tpu.memory_space<vmem>> -> memref<32xi32, #tpu.memory_space<vmem>>
    %dma_start3A_31 = arith.constant 0 : i32
    %dma_start3A_32 = arith.constant 0 : i32
    %dma_start3A_33 = tpu.memref_slice %arg6[%dma_start3A_31, %dma_start3A_32] : memref<1256x256xi32, #tpu.memory_space<hbm>> -> memref<1256x256xi32, #tpu.memory_space<hbm>>
    tpu.enqueue_indirect_dma source(%dma_start3A_33 : memref<1256x256xi32, #tpu.memory_space<hbm>>) target(%dma_start3A_28 : memref<32x256xi32, #tpu.memory_space<vmem>>) offsets(%dma_start3A_30 : memref<32xi32, #tpu.memory_space<vmem>>) semaphore(%arg14 : memref<!tpu.dma_semaphore, #tpu.memory_space<semaphore_mem>>)
    %dma_start3A_34 = arith.constant 0 : i32
    %dma_start3A_35 = arith.constant 0 : i32
    %dma_start3A_36 = arith.constant 0 : i32
    %dma_start3A_37 = tpu.memref_slice %arg10[%dma_start3A_34, %dma_start3A_35, %dma_start3A_36] : memref<2x16x512xf32, #tpu.memory_space<vmem>> -> memref<1x16x512xf32, #tpu.memory_space<vmem>>
    %dma_start3A_38 = tpu.memref_squeeze %dma_start3A_37 : memref<1x16x512xf32, #tpu.memory_space<vmem>> -> memref<16x512xf32, #tpu.memory_space<vmem>>
    %dma_start3A_39 = arith.constant 0 : i32
    %dma_start3A_40 = tpu.memref_slice %arg4[%add3A_24, %dma_start3A_39] : memref<32768x512xf32, #tpu.memory_space<hbm>> -> memref<16x512xf32, #tpu.memory_space<hbm>>
    %dma_start3A_41 = arith.constant 0 : i32
    %dma_start3A_42 = arith.constant 0 : i32
    %dma_start3A_43 = tpu.memref_slice %arg10[%dma_start3A_34, %dma_start3A_41, %dma_start3A_42] : memref<2x16x512xf32, #tpu.memory_space<vmem>> -> memref<1x16x512xf32, #tpu.memory_space<vmem>>
    %dma_start3A_44 = tpu.memref_squeeze %dma_start3A_43 : memref<1x16x512xf32, #tpu.memory_space<vmem>> -> memref<16x512xf32, #tpu.memory_space<vmem>>
    %dma_start3A_45 = arith.constant 0 : i32
    %dma_start3A_46 = tpu.memref_slice %arg4[%add3A_24, %dma_start3A_45] : memref<32768x512xf32, #tpu.memory_space<hbm>> -> memref<16x512xf32, #tpu.memory_space<hbm>>
    tpu.enqueue_dma source(%dma_start3A_46 : memref<16x512xf32, #tpu.memory_space<hbm>>) target(%dma_start3A_44 : memref<16x512xf32, #tpu.memory_space<vmem>>) target_semaphore(%arg14 : memref<!tpu.dma_semaphore, #tpu.memory_space<semaphore_mem>>)
    %dma_start3A_47 = arith.constant 0 : i32
    %dma_start3A_48 = arith.constant 0 : i32
    %dma_start3A_49 = arith.constant 0 : i32
    %dma_start3A_50 = tpu.memref_slice %arg11[%dma_start3A_47, %dma_start3A_48, %dma_start3A_49] : memref<2x16x512xf32, #tpu.memory_space<vmem>> -> memref<1x16x512xf32, #tpu.memory_space<vmem>>
    %dma_start3A_51 = tpu.memref_squeeze %dma_start3A_50 : memref<1x16x512xf32, #tpu.memory_space<vmem>> -> memref<16x512xf32, #tpu.memory_space<vmem>>
    %dma_start3A_52 = arith.constant 0 : i32
    %dma_start3A_53 = tpu.memref_slice %arg3[%add3A_24, %dma_start3A_52] : memref<32768x512xf32, #tpu.memory_space<hbm>> -> memref<16x512xf32, #tpu.memory_space<hbm>>
    %dma_start3A_54 = arith.constant 0 : i32
    %dma_start3A_55 = arith.constant 0 : i32
    %dma_start3A_56 = tpu.memref_slice %arg11[%dma_start3A_47, %dma_start3A_54, %dma_start3A_55] : memref<2x16x512xf32, #tpu.memory_space<vmem>> -> memref<1x16x512xf32, #tpu.memory_space<vmem>>
    %dma_start3A_57 = tpu.memref_squeeze %dma_start3A_56 : memref<1x16x512xf32, #tpu.memory_space<vmem>> -> memref<16x512xf32, #tpu.memory_space<vmem>>
    %dma_start3A_58 = arith.constant 0 : i32
    %dma_start3A_59 = tpu.memref_slice %arg3[%add3A_24, %dma_start3A_58] : memref<32768x512xf32, #tpu.memory_space<hbm>> -> memref<16x512xf32, #tpu.memory_space<hbm>>
    tpu.enqueue_dma source(%dma_start3A_59 : memref<16x512xf32, #tpu.memory_space<hbm>>) target(%dma_start3A_57 : memref<16x512xf32, #tpu.memory_space<vmem>>) target_semaphore(%arg14 : memref<!tpu.dma_semaphore, #tpu.memory_space<semaphore_mem>>)
    %scan3A = arith.constant 0 : i32
    %scan3A_60 = arith.constant 32 : i32
    %scan3A_61 = arith.addi %scan3A, %scan3A_60 : i32
    %scan3A_62 = arith.constant 1 : i32
    scf.for %scan3A_93 = %scan3A to %scan3A_61 step %scan3A_62  : i32 {
      %mul3A_94 = arith.constant 2 : i32
      %mul3A_95 = arith.muli %scan3A_93, %mul3A_94 : i32
      %add3A_96 = arith.constant 0 : i32
      %add3A_97 = arith.addi %add3A_96, %mul3A_95 : i32
      %add3A_98 = arith.constant 0 : i32
      %add3A_99 = arith.addi %add3A_97, %add3A_98 : i32
      %mul3A_100 = arith.constant 16 : i32
      %mul3A_101 = arith.muli %add3A_99, %mul3A_100 : i32
      %add3A_102 = arith.addi %mul3A_2, %mul3A_101 : i32
      %mul3A_103 = arith.constant 2 : i32
      %mul3A_104 = arith.muli %add3A_99, %mul3A_103 : i32
      %mul3A_105 = arith.constant 16 : i32
      %mul3A_106 = arith.muli %mul3A_104, %mul3A_105 : i32
      %dma_wait3A_107 = arith.constant 0 : i32
      %dma_wait3A_108 = arith.constant 0 : i32
      %dma_wait3A_109 = arith.constant 0 : i32
      %dma_wait3A_110 = tpu.memref_slice %arg12[%dma_wait3A_107, %dma_wait3A_108, %dma_wait3A_109] : memref<2x32x256xi32, #tpu.memory_space<vmem>> -> memref<1x32x256xi32, #tpu.memory_space<vmem>>
      %dma_wait3A_111 = tpu.memref_squeeze %dma_wait3A_110 : memref<1x32x256xi32, #tpu.memory_space<vmem>> -> memref<32x256xi32, #tpu.memory_space<vmem>>
      %dma_wait3A_112 = tpu.memref_slice %arg8[%mul3A_106] : memref<2048xi32, #tpu.memory_space<vmem>> -> memref<32xi32, #tpu.memory_space<vmem>>
      %dma_wait3A_113 = arith.constant 0 : i32
      %dma_wait3A_114 = arith.constant 0 : i32
      %dma_wait3A_115 = tpu.memref_slice %arg6[%dma_wait3A_113, %dma_wait3A_114] : memref<1256x256xi32, #tpu.memory_space<hbm>> -> memref<1256x256xi32, #tpu.memory_space<hbm>>
      tpu.wait_indirect_dma semaphore(%arg14 : memref<!tpu.dma_semaphore, #tpu.memory_space<semaphore_mem>>) src(%dma_wait3A_115 : memref<1256x256xi32, #tpu.memory_space<hbm>>) dst(%dma_wait3A_111 : memref<32x256xi32, #tpu.memory_space<vmem>>)
      %dma_wait3A_116 = arith.constant 0 : i32
      %dma_wait3A_117 = arith.constant 0 : i32
      %dma_wait3A_118 = arith.constant 0 : i32
      %dma_wait3A_119 = tpu.memref_slice %arg10[%dma_wait3A_116, %dma_wait3A_117, %dma_wait3A_118] : memref<2x16x512xf32, #tpu.memory_space<vmem>> -> memref<1x16x512xf32, #tpu.memory_space<vmem>>
      %dma_wait3A_120 = tpu.memref_squeeze %dma_wait3A_119 : memref<1x16x512xf32, #tpu.memory_space<vmem>> -> memref<16x512xf32, #tpu.memory_space<vmem>>
      %dma_wait3A_121 = arith.constant 0 : i32
      %dma_wait3A_122 = tpu.memref_slice %arg4[%add3A_102, %dma_wait3A_121] : memref<32768x512xf32, #tpu.memory_space<hbm>> -> memref<16x512xf32, #tpu.memory_space<hbm>>
      %dma_wait3A_123 = arith.constant 0 : i32
      %dma_wait3A_124 = arith.constant 0 : i32
      %dma_wait3A_125 = tpu.memref_slice %arg10[%dma_wait3A_116, %dma_wait3A_123, %dma_wait3A_124] : memref<2x16x512xf32, #tpu.memory_space<vmem>> -> memref<1x16x512xf32, #tpu.memory_space<vmem>>
      %dma_wait3A_126 = tpu.memref_squeeze %dma_wait3A_125 : memref<1x16x512xf32, #tpu.memory_space<vmem>> -> memref<16x512xf32, #tpu.memory_space<vmem>>
      %dma_wait3A_127 = arith.constant 0 : i32
      %dma_wait3A_128 = tpu.memref_slice %arg4[%add3A_102, %dma_wait3A_127] : memref<32768x512xf32, #tpu.memory_space<hbm>> -> memref<16x512xf32, #tpu.memory_space<hbm>>
      tpu.wait_dma2 semaphore(%arg14 : memref<!tpu.dma_semaphore, #tpu.memory_space<semaphore_mem>>) src(%dma_wait3A_128 : memref<16x512xf32, #tpu.memory_space<hbm>>) dst(%dma_wait3A_126 : memref<16x512xf32, #tpu.memory_space<vmem>>)
      %dma_wait3A_129 = arith.constant 0 : i32
      %dma_wait3A_130 = arith.constant 0 : i32
      %dma_wait3A_131 = arith.constant 0 : i32
      %dma_wait3A_132 = tpu.memref_slice %arg11[%dma_wait3A_129, %dma_wait3A_130, %dma_wait3A_131] : memref<2x16x512xf32, #tpu.memory_space<vmem>> -> memref<1x16x512xf32, #tpu.memory_space<vmem>>
      %dma_wait3A_133 = tpu.memref_squeeze %dma_wait3A_132 : memref<1x16x512xf32, #tpu.memory_space<vmem>> -> memref<16x512xf32, #tpu.memory_space<vmem>>
      %dma_wait3A_134 = arith.constant 0 : i32
      %dma_wait3A_135 = tpu.memref_slice %arg3[%add3A_102, %dma_wait3A_134] : memref<32768x512xf32, #tpu.memory_space<hbm>> -> memref<16x512xf32, #tpu.memory_space<hbm>>
      %dma_wait3A_136 = arith.constant 0 : i32
      %dma_wait3A_137 = arith.constant 0 : i32
      %dma_wait3A_138 = tpu.memref_slice %arg11[%dma_wait3A_129, %dma_wait3A_136, %dma_wait3A_137] : memref<2x16x512xf32, #tpu.memory_space<vmem>> -> memref<1x16x512xf32, #tpu.memory_space<vmem>>
      %dma_wait3A_139 = tpu.memref_squeeze %dma_wait3A_138 : memref<1x16x512xf32, #tpu.memory_space<vmem>> -> memref<16x512xf32, #tpu.memory_space<vmem>>
      %dma_wait3A_140 = arith.constant 0 : i32
      %dma_wait3A_141 = tpu.memref_slice %arg3[%add3A_102, %dma_wait3A_140] : memref<32768x512xf32, #tpu.memory_space<hbm>> -> memref<16x512xf32, #tpu.memory_space<hbm>>
      tpu.wait_dma2 semaphore(%arg14 : memref<!tpu.dma_semaphore, #tpu.memory_space<semaphore_mem>>) src(%dma_wait3A_141 : memref<16x512xf32, #tpu.memory_space<hbm>>) dst(%dma_wait3A_139 : memref<16x512xf32, #tpu.memory_space<vmem>>)
      %add3A_142 = arith.constant 2 : i32
      %add3A_143 = arith.addi %add3A_99, %add3A_142 : i32
      %sub3A_144 = arith.constant 1 : i32
      %sub3A_145 = arith.subi %add3A_143, %sub3A_144 : i32
      %lt3A = arith.constant 64 : i32
      %lt3A_146 = arith.cmpi slt, %sub3A_145, %lt3A : i32
      %convert_element_type3A = arith.extui %lt3A_146 : i1 to i32
      %cond3A = arith.constant 0 : i32
      %cond3A_147 = arith.cmpi ne, %convert_element_type3A, %cond3A : i32
      scf.if %cond3A_147 {
        %add3A_247 = arith.constant 2 : i32
        %add3A_248 = arith.addi %add3A_99, %add3A_247 : i32
        %sub3A_249 = arith.constant 1 : i32
        %sub3A_250 = arith.subi %add3A_248, %sub3A_249 : i32
        %mul3A_251 = arith.constant 16 : i32
        %mul3A_252 = arith.muli %sub3A_250, %mul3A_251 : i32
        %add3A_253 = arith.addi %mul3A_2, %mul3A_252 : i32
        %mul3A_254 = arith.constant 2 : i32
        %mul3A_255 = arith.muli %sub3A_250, %mul3A_254 : i32
        %mul3A_256 = arith.constant 16 : i32
        %mul3A_257 = arith.muli %mul3A_255, %mul3A_256 : i32
        %dma_start3A_258 = arith.constant 1 : i32
        %dma_start3A_259 = arith.constant 0 : i32
        %dma_start3A_260 = arith.constant 0 : i32
        %dma_start3A_261 = tpu.memref_slice %arg12[%dma_start3A_258, %dma_start3A_259, %dma_start3A_260] : memref<2x32x256xi32, #tpu.memory_space<vmem>> -> memref<1x32x256xi32, #tpu.memory_space<vmem>>
        %dma_start3A_262 = tpu.memref_squeeze %dma_start3A_261 : memref<1x32x256xi32, #tpu.memory_space<vmem>> -> memref<32x256xi32, #tpu.memory_space<vmem>>
        %dma_start3A_263 = tpu.memref_slice %arg8[%mul3A_257] : memref<2048xi32, #tpu.memory_space<vmem>> -> memref<32xi32, #tpu.memory_space<vmem>>
        %dma_start3A_264 = arith.constant 0 : i32
        %dma_start3A_265 = arith.constant 0 : i32
        %dma_start3A_266 = tpu.memref_slice %arg6[%dma_start3A_264, %dma_start3A_265] : memref<1256x256xi32, #tpu.memory_space<hbm>> -> memref<1256x256xi32, #tpu.memory_space<hbm>>
        tpu.enqueue_indirect_dma source(%dma_start3A_266 : memref<1256x256xi32, #tpu.memory_space<hbm>>) target(%dma_start3A_262 : memref<32x256xi32, #tpu.memory_space<vmem>>) offsets(%dma_start3A_263 : memref<32xi32, #tpu.memory_space<vmem>>) semaphore(%arg15 : memref<!tpu.dma_semaphore, #tpu.memory_space<semaphore_mem>>)
        %dma_start3A_267 = arith.constant 1 : i32
        %dma_start3A_268 = arith.constant 0 : i32
        %dma_start3A_269 = arith.constant 0 : i32
        %dma_start3A_270 = tpu.memref_slice %arg10[%dma_start3A_267, %dma_start3A_268, %dma_start3A_269] : memref<2x16x512xf32, #tpu.memory_space<vmem>> -> memref<1x16x512xf32, #tpu.memory_space<vmem>>
        %dma_start3A_271 = tpu.memref_squeeze %dma_start3A_270 : memref<1x16x512xf32, #tpu.memory_space<vmem>> -> memref<16x512xf32, #tpu.memory_space<vmem>>
        %dma_start3A_272 = arith.constant 0 : i32
        %dma_start3A_273 = tpu.memref_slice %arg4[%add3A_253, %dma_start3A_272] : memref<32768x512xf32, #tpu.memory_space<hbm>> -> memref<16x512xf32, #tpu.memory_space<hbm>>
        %dma_start3A_274 = arith.constant 0 : i32
        %dma_start3A_275 = arith.constant 0 : i32
        %dma_start3A_276 = tpu.memref_slice %arg10[%dma_start3A_267, %dma_start3A_274, %dma_start3A_275] : memref<2x16x512xf32, #tpu.memory_space<vmem>> -> memref<1x16x512xf32, #tpu.memory_space<vmem>>
        %dma_start3A_277 = tpu.memref_squeeze %dma_start3A_276 : memref<1x16x512xf32, #tpu.memory_space<vmem>> -> memref<16x512xf32, #tpu.memory_space<vmem>>
        %dma_start3A_278 = arith.constant 0 : i32
        %dma_start3A_279 = tpu.memref_slice %arg4[%add3A_253, %dma_start3A_278] : memref<32768x512xf32, #tpu.memory_space<hbm>> -> memref<16x512xf32, #tpu.memory_space<hbm>>
        tpu.enqueue_dma source(%dma_start3A_279 : memref<16x512xf32, #tpu.memory_space<hbm>>) target(%dma_start3A_277 : memref<16x512xf32, #tpu.memory_space<vmem>>) target_semaphore(%arg15 : memref<!tpu.dma_semaphore, #tpu.memory_space<semaphore_mem>>)
        %dma_start3A_280 = arith.constant 1 : i32
        %dma_start3A_281 = arith.constant 0 : i32
        %dma_start3A_282 = arith.constant 0 : i32
        %dma_start3A_283 = tpu.memref_slice %arg11[%dma_start3A_280, %dma_start3A_281, %dma_start3A_282] : memref<2x16x512xf32, #tpu.memory_space<vmem>> -> memref<1x16x512xf32, #tpu.memory_space<vmem>>
        %dma_start3A_284 = tpu.memref_squeeze %dma_start3A_283 : memref<1x16x512xf32, #tpu.memory_space<vmem>> -> memref<16x512xf32, #tpu.memory_space<vmem>>
        %dma_start3A_285 = arith.constant 0 : i32
        %dma_start3A_286 = tpu.memref_slice %arg3[%add3A_253, %dma_start3A_285] : memref<32768x512xf32, #tpu.memory_space<hbm>> -> memref<16x512xf32, #tpu.memory_space<hbm>>
        %dma_start3A_287 = arith.constant 0 : i32
        %dma_start3A_288 = arith.constant 0 : i32
        %dma_start3A_289 = tpu.memref_slice %arg11[%dma_start3A_280, %dma_start3A_287, %dma_start3A_288] : memref<2x16x512xf32, #tpu.memory_space<vmem>> -> memref<1x16x512xf32, #tpu.memory_space<vmem>>
        %dma_start3A_290 = tpu.memref_squeeze %dma_start3A_289 : memref<1x16x512xf32, #tpu.memory_space<vmem>> -> memref<16x512xf32, #tpu.memory_space<vmem>>
        %dma_start3A_291 = arith.constant 0 : i32
        %dma_start3A_292 = tpu.memref_slice %arg3[%add3A_253, %dma_start3A_291] : memref<32768x512xf32, #tpu.memory_space<hbm>> -> memref<16x512xf32, #tpu.memory_space<hbm>>
        tpu.enqueue_dma source(%dma_start3A_292 : memref<16x512xf32, #tpu.memory_space<hbm>>) target(%dma_start3A_290 : memref<16x512xf32, #tpu.memory_space<vmem>>) target_semaphore(%arg15 : memref<!tpu.dma_semaphore, #tpu.memory_space<semaphore_mem>>)
      } else {
      }
      %ge3A = arith.constant 2 : i32
      %ge3A_148 = arith.cmpi sge, %add3A_99, %ge3A : i32
      %convert_element_type3A_149 = arith.extui %ge3A_148 : i1 to i32
      %cond3A_150 = arith.constant 0 : i32
      %cond3A_151 = arith.cmpi ne, %convert_element_type3A_149, %cond3A_150 : i32
      scf.if %cond3A_151 {
        %sub3A_247 = arith.constant 2 : i32
        %sub3A_248 = arith.subi %add3A_99, %sub3A_247 : i32
        %mul3A_249 = arith.constant 16 : i32
        %mul3A_250 = arith.muli %sub3A_248, %mul3A_249 : i32
        %add3A_251 = arith.addi %mul3A_2, %mul3A_250 : i32
        %dma_wait3A_252 = arith.constant 0 : i32
        %dma_wait3A_253 = arith.constant 0 : i32
        %dma_wait3A_254 = arith.constant 0 : i32
        %dma_wait3A_255 = tpu.memref_slice %arg13[%dma_wait3A_252, %dma_wait3A_253, %dma_wait3A_254] : memref<2x16x512xf32, #tpu.memory_space<vmem>> -> memref<1x16x512xf32, #tpu.memory_space<vmem>>
        %dma_wait3A_256 = tpu.memref_squeeze %dma_wait3A_255 : memref<1x16x512xf32, #tpu.memory_space<vmem>> -> memref<16x512xf32, #tpu.memory_space<vmem>>
        %dma_wait3A_257 = arith.constant 0 : i32
        %dma_wait3A_258 = tpu.memref_slice %arg7[%add3A_251, %dma_wait3A_257] : memref<32768x512xf32, #tpu.memory_space<hbm>> -> memref<16x512xf32, #tpu.memory_space<hbm>>
        %dma_wait3A_259 = arith.constant 0 : i32
        %dma_wait3A_260 = tpu.memref_slice %arg7[%add3A_251, %dma_wait3A_259] : memref<32768x512xf32, #tpu.memory_space<hbm>> -> memref<16x512xf32, #tpu.memory_space<hbm>>
        %dma_wait3A_261 = arith.constant 0 : i32
        %dma_wait3A_262 = arith.constant 0 : i32
        %dma_wait3A_263 = tpu.memref_slice %arg13[%dma_wait3A_252, %dma_wait3A_261, %dma_wait3A_262] : memref<2x16x512xf32, #tpu.memory_space<vmem>> -> memref<1x16x512xf32, #tpu.memory_space<vmem>>
        %dma_wait3A_264 = tpu.memref_squeeze %dma_wait3A_263 : memref<1x16x512xf32, #tpu.memory_space<vmem>> -> memref<16x512xf32, #tpu.memory_space<vmem>>
        tpu.wait_dma2 semaphore(%arg16 : memref<!tpu.dma_semaphore, #tpu.memory_space<semaphore_mem>>) src(%dma_wait3A_264 : memref<16x512xf32, #tpu.memory_space<vmem>>) dst(%dma_wait3A_260 : memref<16x512xf32, #tpu.memory_space<hbm>>)
      } else {
      }
      %parallel_loop3A = arith.constant 0 : i32
      %parallel_loop3A_152 = arith.constant 16 : i32
      %parallel_loop3A_153 = arith.constant 1 : i32
      scf.for %parallel_loop3A_247 = %parallel_loop3A to %parallel_loop3A_152 step %parallel_loop3A_153  : i32 {
        %parallel_loop3A_248 = arith.constant 0 : i32
        %parallel_loop3A_249 = arith.index_cast %parallel_loop3A_248 : i32 to index
        %parallel_loop3A_250 = arith.index_cast %parallel_loop3A_247 : i32 to index
        %parallel_loop3A_251 = arith.constant 0 : index
        %parallel_loop3A_252 = tpu.vector_load %arg12[%parallel_loop3A_249, %parallel_loop3A_250, %parallel_loop3A_251] {strides = array<i32>} : memref<2x32x256xi32, #tpu.memory_space<vmem>>, vector<1x1x16xi32>,
        %parallel_loop3A_253 = vector.shape_cast %parallel_loop3A_252 : vector<1x1x16xi32> to vector<16xi32>
        %parallel_loop3A_254 = arith.constant 16 : i32
        %parallel_loop3A_255 = arith.addi %parallel_loop3A_254, %parallel_loop3A_247 : i32
        %parallel_loop3A_256 = arith.constant 0 : i32
        %parallel_loop3A_257 = arith.index_cast %parallel_loop3A_256 : i32 to index
        %parallel_loop3A_258 = arith.index_cast %parallel_loop3A_255 : i32 to index
        %parallel_loop3A_259 = arith.constant 0 : index
        %parallel_loop3A_260 = tpu.vector_load %arg12[%parallel_loop3A_257, %parallel_loop3A_258, %parallel_loop3A_259] {strides = array<i32>} : memref<2x32x256xi32, #tpu.memory_space<vmem>>, vector<1x1x16xi32>,
        %parallel_loop3A_261 = vector.shape_cast %parallel_loop3A_260 : vector<1x1x16xi32> to vector<16xi32>
        %parallel_loop3A_262 = arith.constant 16 : i32
        %parallel_loop3A_263 = vector.broadcast %parallel_loop3A_262 : i32 to vector<16xi32>
        %parallel_loop3A_264 = arith.shli %parallel_loop3A_253, %parallel_loop3A_263 : vector<16xi32>
        %parallel_loop3A_265 = tpu.bitcast %parallel_loop3A_264 : vector<16xi32> -> vector<16xf32>
        %parallel_loop3A_266 = arith.constant -65536 : i32
        %parallel_loop3A_267 = vector.broadcast %parallel_loop3A_266 : i32 to vector<16xi32>
        %parallel_loop3A_268 = arith.andi %parallel_loop3A_253, %parallel_loop3A_267 : vector<16xi32>
        %parallel_loop3A_269 = tpu.bitcast %parallel_loop3A_268 : vector<16xi32> -> vector<16xf32>
        %parallel_loop3A_270 = arith.constant 16 : i32
        %parallel_loop3A_271 = vector.broadcast %parallel_loop3A_270 : i32 to vector<16xi32>
        %parallel_loop3A_272 = arith.shli %parallel_loop3A_261, %parallel_loop3A_271 : vector<16xi32>
        %parallel_loop3A_273 = tpu.bitcast %parallel_loop3A_272 : vector<16xi32> -> vector<16xf32>
        %parallel_loop3A_274 = arith.constant -65536 : i32
        %parallel_loop3A_275 = vector.broadcast %parallel_loop3A_274 : i32 to vector<16xi32>
        %parallel_loop3A_276 = arith.andi %parallel_loop3A_261, %parallel_loop3A_275 : vector<16xi32>
        %parallel_loop3A_277 = tpu.bitcast %parallel_loop3A_276 : vector<16xi32> -> vector<16xf32>
        %parallel_loop3A_278 = arith.constant 0 : i32
        %parallel_loop3A_279 = arith.index_cast %parallel_loop3A_278 : i32 to index
        %parallel_loop3A_280 = arith.index_cast %parallel_loop3A_247 : i32 to index
        %parallel_loop3A_281 = arith.constant 0 : index
        %parallel_loop3A_282 = tpu.vector_load %arg10[%parallel_loop3A_279, %parallel_loop3A_280, %parallel_loop3A_281] {strides = array<i32>} : memref<2x16x512xf32, #tpu.memory_space<vmem>>, vector<1x1x16xf32>,
        %parallel_loop3A_283 = vector.shape_cast %parallel_loop3A_282 : vector<1x1x16xf32> to vector<16xf32>
        %parallel_loop3A_284 = arith.addf %parallel_loop3A_283, %parallel_loop3A_265 : vector<16xf32>
        %parallel_loop3A_285 = arith.constant 0 : i32
        %parallel_loop3A_286 = arith.index_cast %parallel_loop3A_285 : i32 to index
        %parallel_loop3A_287 = arith.index_cast %parallel_loop3A_247 : i32 to index
        %parallel_loop3A_288 = arith.constant 0 : index
        %parallel_loop3A_289 = tpu.vector_load %arg11[%parallel_loop3A_286, %parallel_loop3A_287, %parallel_loop3A_288] {strides = array<i32>} : memref<2x16x512xf32, #tpu.memory_space<vmem>>, vector<1x1x16xf32>,
        %parallel_loop3A_290 = vector.shape_cast %parallel_loop3A_289 : vector<1x1x16xf32> to vector<16xf32>
        %parallel_loop3A_291 = arith.mulf %get3A_22, %parallel_loop3A_290 : vector<16xf32>
        %parallel_loop3A_292 = arith.addf %parallel_loop3A_273, %parallel_loop3A_291 : vector<16xf32>
        %parallel_loop3A_293 = arith.addf %parallel_loop3A_284, %parallel_loop3A_292 : vector<16xf32>
        %parallel_loop3A_294 = arith.constant 0 : i32
        %parallel_loop3A_295 = arith.index_cast %parallel_loop3A_294 : i32 to index
        %parallel_loop3A_296 = arith.index_cast %parallel_loop3A_247 : i32 to index
        %parallel_loop3A_297 = arith.constant 0 : index
        %parallel_loop3A_298 = tpu.vector_load %arg13[%parallel_loop3A_295, %parallel_loop3A_296, %parallel_loop3A_297] {strides = array<i32>} : memref<2x16x512xf32, #tpu.memory_space<vmem>>, vector<1x1x16xf32>,
        %parallel_loop3A_299 = vector.shape_cast %parallel_loop3A_298 : vector<1x1x16xf32> to vector<16xf32>
        %parallel_loop3A_300 = vector.shape_cast %parallel_loop3A_293 : vector<16xf32> to vector<1x1x16xf32>
        tpu.vector_store %arg13[%parallel_loop3A_295, %parallel_loop3A_296, %parallel_loop3A_297], %parallel_loop3A_300 {strides = array<i32>} : memref<2x16x512xf32, #tpu.memory_space<vmem>>, vector<1x1x16xf32>,
        %parallel_loop3A_301 = arith.constant 0 : i32
        %parallel_loop3A_302 = arith.index_cast %parallel_loop3A_301 : i32 to index
        %parallel_loop3A_303 = arith.index_cast %parallel_loop3A_247 : i32 to index
        %parallel_loop3A_304 = arith.constant 16 : index
        %parallel_loop3A_305 = tpu.vector_load %arg10[%parallel_loop3A_302, %parallel_loop3A_303, %parallel_loop3A_304] {strides = array<i32>} : memref<2x16x512xf32, #tpu.memory_space<vmem>>, vector<1x1x16xf32>,
        %parallel_loop3A_306 = vector.shape_cast %parallel_loop3A_305 : vector<1x1x16xf32> to vector<16xf32>
        %parallel_loop3A_307 = arith.addf %parallel_loop3A_306, %parallel_loop3A_269 : vector<16xf32>
        %parallel_loop3A_308 = arith.constant 0 : i32
        %parallel_loop3A_309 = arith.index_cast %parallel_loop3A_308 : i32 to index
        %parallel_loop3A_310 = arith.index_cast %parallel_loop3A_247 : i32 to index
        %parallel_loop3A_311 = arith.constant 16 : index
        %parallel_loop3A_312 = tpu.vector_load %arg11[%parallel_loop3A_309, %parallel_loop3A_310, %parallel_loop3A_311] {strides = array<i32>} : memref<2x16x512xf32, #tpu.memory_space<vmem>>, vector<1x1x16xf32>,
        %parallel_loop3A_313 = vector.shape_cast %parallel_loop3A_312 : vector<1x1x16xf32> to vector<16xf32>
        %parallel_loop3A_314 = arith.mulf %get3A_22, %parallel_loop3A_313 : vector<16xf32>
        %parallel_loop3A_315 = arith.addf %parallel_loop3A_277, %parallel_loop3A_314 : vector<16xf32>
        %parallel_loop3A_316 = arith.addf %parallel_loop3A_307, %parallel_loop3A_315 : vector<16xf32>
        %parallel_loop3A_317 = arith.constant 0 : i32
        %parallel_loop3A_318 = arith.index_cast %parallel_loop3A_317 : i32 to index
        %parallel_loop3A_319 = arith.index_cast %parallel_loop3A_247 : i32 to index
        %parallel_loop3A_320 = arith.constant 16 : index
        %parallel_loop3A_321 = tpu.vector_load %arg13[%parallel_loop3A_318, %parallel_loop3A_319, %parallel_loop3A_320] {strides = array<i32>} : memref<2x16x512xf32, #tpu.memory_space<vmem>>, vector<1x1x16xf32>,
        %parallel_loop3A_322 = vector.shape_cast %parallel_loop3A_321 : vector<1x1x16xf32> to vector<16xf32>
        %parallel_loop3A_323 = vector.shape_cast %parallel_loop3A_316 : vector<16xf32> to vector<1x1x16xf32>
        tpu.vector_store %arg13[%parallel_loop3A_318, %parallel_loop3A_319, %parallel_loop3A_320], %parallel_loop3A_323 {strides = array<i32>} : memref<2x16x512xf32, #tpu.memory_space<vmem>>, vector<1x1x16xf32>,
        %parallel_loop3A_324 = arith.constant 0 : i32
        %parallel_loop3A_325 = arith.index_cast %parallel_loop3A_324 : i32 to index
        %parallel_loop3A_326 = arith.index_cast %parallel_loop3A_247 : i32 to index
        %parallel_loop3A_327 = arith.constant 16 : index
        %parallel_loop3A_328 = tpu.vector_load %arg12[%parallel_loop3A_325, %parallel_loop3A_326, %parallel_loop3A_327] {strides = array<i32>} : memref<2x32x256xi32, #tpu.memory_space<vmem>>, vector<1x1x16xi32>,
        %parallel_loop3A_329 = vector.shape_cast %parallel_loop3A_328 : vector<1x1x16xi32> to vector<16xi32>
        %parallel_loop3A_330 = arith.constant 16 : i32
        %parallel_loop3A_331 = arith.addi %parallel_loop3A_330, %parallel_loop3A_247 : i32
        %parallel_loop3A_332 = arith.constant 0 : i32
        %parallel_loop3A_333 = arith.index_cast %parallel_loop3A_332 : i32 to index
        %parallel_loop3A_334 = arith.index_cast %parallel_loop3A_331 : i32 to index
        %parallel_loop3A_335 = arith.constant 16 : index
        %parallel_loop3A_336 = tpu.vector_load %arg12[%parallel_loop3A_333, %parallel_loop3A_334, %parallel_loop3A_335] {strides = array<i32>} : memref<2x32x256xi32, #tpu.memory_space<vmem>>, vector<1x1x16xi32>,
        %parallel_loop3A_337 = vector.shape_cast %parallel_loop3A_336 : vector<1x1x16xi32> to vector<16xi32>
        %parallel_loop3A_338 = arith.constant 16 : i32
        %parallel_loop3A_339 = vector.broadcast %parallel_loop3A_338 : i32 to vector<16xi32>
        %parallel_loop3A_340 = arith.shli %parallel_loop3A_329, %parallel_loop3A_339 : vector<16xi32>
        %parallel_loop3A_341 = tpu.bitcast %parallel_loop3A_340 : vector<16xi32> -> vector<16xf32>
        %parallel_loop3A_342 = arith.constant -65536 : i32
        %parallel_loop3A_343 = vector.broadcast %parallel_loop3A_342 : i32 to vector<16xi32>
        %parallel_loop3A_344 = arith.andi %parallel_loop3A_329, %parallel_loop3A_343 : vector<16xi32>
        %parallel_loop3A_345 = tpu.bitcast %parallel_loop3A_344 : vector<16xi32> -> vector<16xf32>
        %parallel_loop3A_346 = arith.constant 16 : i32
        %parallel_loop3A_347 = vector.broadcast %parallel_loop3A_346 : i32 to vector<16xi32>
        %parallel_loop3A_348 = arith.shli %parallel_loop3A_337, %parallel_loop3A_347 : vector<16xi32>
        %parallel_loop3A_349 = tpu.bitcast %parallel_loop3A_348 : vector<16xi32> -> vector<16xf32>
        %parallel_loop3A_350 = arith.constant -65536 : i32
        %parallel_loop3A_351 = vector.broadcast %parallel_loop3A_350 : i32 to vector<16xi32>
        %parallel_loop3A_352 = arith.andi %parallel_loop3A_337, %parallel_loop3A_351 : vector<16xi32>
        %parallel_loop3A_353 = tpu.bitcast %parallel_loop3A_352 : vector<16xi32> -> vector<16xf32>
        %parallel_loop3A_354 = arith.constant 0 : i32
        %parallel_loop3A_355 = arith.index_cast %parallel_loop3A_354 : i32 to index
        %parallel_loop3A_356 = arith.index_cast %parallel_loop3A_247 : i32 to index
        %parallel_loop3A_357 = arith.constant 32 : index
        %parallel_loop3A_358 = tpu.vector_load %arg10[%parallel_loop3A_355, %parallel_loop3A_356, %parallel_loop3A_357] {strides = array<i32>} : memref<2x16x512xf32, #tpu.memory_space<vmem>>, vector<1x1x16xf32>,
        %parallel_loop3A_359 = vector.shape_cast %parallel_loop3A_358 : vector<1x1x16xf32> to vector<16xf32>
        %parallel_loop3A_360 = arith.addf %parallel_loop3A_359, %parallel_loop3A_341 : vector<16xf32>
        %parallel_loop3A_361 = arith.constant 0 : i32
        %parallel_loop3A_362 = arith.index_cast %parallel_loop3A_361 : i32 to index
        %parallel_loop3A_363 = arith.index_cast %parallel_loop3A_247 : i32 to index
        %parallel_loop3A_364 = arith.constant 32 : index
        %parallel_loop3A_365 = tpu.vector_load %arg11[%parallel_loop3A_362, %parallel_loop3A_363, %parallel_loop3A_364] {strides = array<i32>} : memref<2x16x512xf32, #tpu.memory_space<vmem>>, vector<1x1x16xf32>,
        %parallel_loop3A_366 = vector.shape_cast %parallel_loop3A_365 : vector<1x1x16xf32> to vector<16xf32>
        %parallel_loop3A_367 = arith.mulf %get3A_22, %parallel_loop3A_366 : vector<16xf32>
        %parallel_loop3A_368 = arith.addf %parallel_loop3A_349, %parallel_loop3A_367 : vector<16xf32>
        %parallel_loop3A_369 = arith.addf %parallel_loop3A_360, %parallel_loop3A_368 : vector<16xf32>
        %parallel_loop3A_370 = arith.constant 0 : i32
        %parallel_loop3A_371 = arith.index_cast %parallel_loop3A_370 : i32 to index
        %parallel_loop3A_372 = arith.index_cast %parallel_loop3A_247 : i32 to index
        %parallel_loop3A_373 = arith.constant 32 : index
        %parallel_loop3A_374 = tpu.vector_load %arg13[%parallel_loop3A_371, %parallel_loop3A_372, %parallel_loop3A_373] {strides = array<i32>} : memref<2x16x512xf32, #tpu.memory_space<vmem>>, vector<1x1x16xf32>,
        %parallel_loop3A_375 = vector.shape_cast %parallel_loop3A_374 : vector<1x1x16xf32> to vector<16xf32>
        %parallel_loop3A_376 = vector.shape_cast %parallel_loop3A_369 : vector<16xf32> to vector<1x1x16xf32>
        tpu.vector_store %arg13[%parallel_loop3A_371, %parallel_loop3A_372, %parallel_loop3A_373], %parallel_loop3A_376 {strides = array<i32>} : memref<2x16x512xf32, #tpu.memory_space<vmem>>, vector<1x1x16xf32>,
        %parallel_loop3A_377 = arith.constant 0 : i32
        %parallel_loop3A_378 = arith.index_cast %parallel_loop3A_377 : i32 to index
        %parallel_loop3A_379 = arith.index_cast %parallel_loop3A_247 : i32 to index
        %parallel_loop3A_380 = arith.constant 48 : index
        %parallel_loop3A_381 = tpu.vector_load %arg10[%parallel_loop3A_378, %parallel_loop3A_379, %parallel_loop3A_380] {strides = array<i32>} : memref<2x16x512xf32, #tpu.memory_space<vmem>>, vector<1x1x16xf32>,
        %parallel_loop3A_382 = vector.shape_cast %parallel_loop3A_381 : vector<1x1x16xf32> to vector<16xf32>
        %parallel_loop3A_383 = arith.addf %parallel_loop3A_382, %parallel_loop3A_345 : vector<16xf32>
        %parallel_loop3A_384 = arith.constant 0 : i32
        %parallel_loop3A_385 = arith.index_cast %parallel_loop3A_384 : i32 to index
        %parallel_loop3A_386 = arith.index_cast %parallel_loop3A_247 : i32 to index
        %parallel_loop3A_387 = arith.constant 48 : index
        %parallel_loop3A_388 = tpu.vector_load %arg11[%parallel_loop3A_385, %parallel_loop3A_386, %parallel_loop3A_387] {strides = array<i32>} : memref<2x16x512xf32, #tpu.memory_space<vmem>>, vector<1x1x16xf32>,
        %parallel_loop3A_389 = vector.shape_cast %parallel_loop3A_388 : vector<1x1x16xf32> to vector<16xf32>
        %parallel_loop3A_390 = arith.mulf %get3A_22, %parallel_loop3A_389 : vector<16xf32>
        %parallel_loop3A_391 = arith.addf %parallel_loop3A_353, %parallel_loop3A_390 : vector<16xf32>
        %parallel_loop3A_392 = arith.addf %parallel_loop3A_383, %parallel_loop3A_391 : vector<16xf32>
        %parallel_loop3A_393 = arith.constant 0 : i32
        %parallel_loop3A_394 = arith.index_cast %parallel_loop3A_393 : i32 to index
        %parallel_loop3A_395 = arith.index_cast %parallel_loop3A_247 : i32 to index
        %parallel_loop3A_396 = arith.constant 48 : index
        %parallel_loop3A_397 = tpu.vector_load %arg13[%parallel_loop3A_394, %parallel_loop3A_395, %parallel_loop3A_396] {strides = array<i32>} : memref<2x16x512xf32, #tpu.memory_space<vmem>>, vector<1x1x16xf32>,
        %parallel_loop3A_398 = vector.shape_cast %parallel_loop3A_397 : vector<1x1x16xf32> to vector<16xf32>
        %parallel_loop3A_399 = vector.shape_cast %parallel_loop3A_392 : vector<16xf32> to vector<1x1x16xf32>
        tpu.vector_store %arg13[%parallel_loop3A_394, %parallel_loop3A_395, %parallel_loop3A_396], %parallel_loop3A_399 {strides = array<i32>} : memref<2x16x512xf32, #tpu.memory_space<vmem>>, vector<1x1x16xf32>,
        %parallel_loop3A_400 = arith.constant 0 : i32
        %parallel_loop3A_401 = arith.index_cast %parallel_loop3A_400 : i32 to index
        %parallel_loop3A_402 = arith.index_cast %parallel_loop3A_247 : i32 to index
        %parallel_loop3A_403 = arith.constant 32 : index
        %parallel_loop3A_404 = tpu.vector_load %arg12[%parallel_loop3A_401, %parallel_loop3A_402, %parallel_loop3A_403] {strides = array<i32>} : memref<2x32x256xi32, #tpu.memory_space<vmem>>, vector<1x1x16xi32>,
        %parallel_loop3A_405 = vector.shape_cast %parallel_loop3A_404 : vector<1x1x16xi32> to vector<16xi32>
        %parallel_loop3A_406 = arith.constant 16 : i32
        %parallel_loop3A_407 = arith.addi %parallel_loop3A_406, %parallel_loop3A_247 : i32
        %parallel_loop3A_408 = arith.constant 0 : i32
        %parallel_loop3A_409 = arith.index_cast %parallel_loop3A_408 : i32 to index
        %parallel_loop3A_410 = arith.index_cast %parallel_loop3A_407 : i32 to index
        %parallel_loop3A_411 = arith.constant 32 : index
        %parallel_loop3A_412 = tpu.vector_load %arg12[%parallel_loop3A_409, %parallel_loop3A_410, %parallel_loop3A_411] {strides = array<i32>} : memref<2x32x256xi32, #tpu.memory_space<vmem>>, vector<1x1x16xi32>,
        %parallel_loop3A_413 = vector.shape_cast %parallel_loop3A_412 : vector<1x1x16xi32> to vector<16xi32>
        %parallel_loop3A_414 = arith.constant 16 : i32
        %parallel_loop3A_415 = vector.broadcast %parallel_loop3A_414 : i32 to vector<16xi32>
        %parallel_loop3A_416 = arith.shli %parallel_loop3A_405, %parallel_loop3A_415 : vector<16xi32>
        %parallel_loop3A_417 = tpu.bitcast %parallel_loop3A_416 : vector<16xi32> -> vector<16xf32>
        %parallel_loop3A_418 = arith.constant -65536 : i32
        %parallel_loop3A_419 = vector.broadcast %parallel_loop3A_418 : i32 to vector<16xi32>
        %parallel_loop3A_420 = arith.andi %parallel_loop3A_405, %parallel_loop3A_419 : vector<16xi32>
        %parallel_loop3A_421 = tpu.bitcast %parallel_loop3A_420 : vector<16xi32> -> vector<16xf32>
        %parallel_loop3A_422 = arith.constant 16 : i32
        %parallel_loop3A_423 = vector.broadcast %parallel_loop3A_422 : i32 to vector<16xi32>
        %parallel_loop3A_424 = arith.shli %parallel_loop3A_413, %parallel_loop3A_423 : vector<16xi32>
        %parallel_loop3A_425 = tpu.bitcast %parallel_loop3A_424 : vector<16xi32> -> vector<16xf32>
        %parallel_loop3A_426 = arith.constant -65536 : i32
        %parallel_loop3A_427 = vector.broadcast %parallel_loop3A_426 : i32 to vector<16xi32>
        %parallel_loop3A_428 = arith.andi %parallel_loop3A_413, %parallel_loop3A_427 : vector<16xi32>
        %parallel_loop3A_429 = tpu.bitcast %parallel_loop3A_428 : vector<16xi32> -> vector<16xf32>
        %parallel_loop3A_430 = arith.constant 0 : i32
        %parallel_loop3A_431 = arith.index_cast %parallel_loop3A_430 : i32 to index
        %parallel_loop3A_432 = arith.index_cast %parallel_loop3A_247 : i32 to index
        %parallel_loop3A_433 = arith.constant 64 : index
        %parallel_loop3A_434 = tpu.vector_load %arg10[%parallel_loop3A_431, %parallel_loop3A_432, %parallel_loop3A_433] {strides = array<i32>} : memref<2x16x512xf32, #tpu.memory_space<vmem>>, vector<1x1x16xf32>,
        %parallel_loop3A_435 = vector.shape_cast %parallel_loop3A_434 : vector<1x1x16xf32> to vector<16xf32>
        %parallel_loop3A_436 = arith.addf %parallel_loop3A_435, %parallel_loop3A_417 : vector<16xf32>
        %parallel_loop3A_437 = arith.constant 0 : i32
        %parallel_loop3A_438 = arith.index_cast %parallel_loop3A_437 : i32 to index
        %parallel_loop3A_439 = arith.index_cast %parallel_loop3A_247 : i32 to index
        %parallel_loop3A_440 = arith.constant 64 : index
        %parallel_loop3A_441 = tpu.vector_load %arg11[%parallel_loop3A_438, %parallel_loop3A_439, %parallel_loop3A_440] {strides = array<i32>} : memref<2x16x512xf32, #tpu.memory_space<vmem>>, vector<1x1x16xf32>,
        %parallel_loop3A_442 = vector.shape_cast %parallel_loop3A_441 : vector<1x1x16xf32> to vector<16xf32>
        %parallel_loop3A_443 = arith.mulf %get3A_22, %parallel_loop3A_442 : vector<16xf32>
        %parallel_loop3A_444 = arith.addf %parallel_loop3A_425, %parallel_loop3A_443 : vector<16xf32>
        %parallel_loop3A_445 = arith.addf %parallel_loop3A_436, %parallel_loop3A_444 : vector<16xf32>
        %parallel_loop3A_446 = arith.constant 0 : i32
        %parallel_loop3A_447 = arith.index_cast %parallel_loop3A_446 : i32 to index
        %parallel_loop3A_448 = arith.index_cast %parallel_loop3A_247 : i32 to index
        %parallel_loop3A_449 = arith.constant 64 : index
        %parallel_loop3A_450 = tpu.vector_load %arg13[%parallel_loop3A_447, %parallel_loop3A_448, %parallel_loop3A_449] {strides = array<i32>} : memref<2x16x512xf32, #tpu.memory_space<vmem>>, vector<1x1x16xf32>,
        %parallel_loop3A_451 = vector.shape_cast %parallel_loop3A_450 : vector<1x1x16xf32> to vector<16xf32>
        %parallel_loop3A_452 = vector.shape_cast %parallel_loop3A_445 : vector<16xf32> to vector<1x1x16xf32>
        tpu.vector_store %arg13[%parallel_loop3A_447, %parallel_loop3A_448, %parallel_loop3A_449], %parallel_loop3A_452 {strides = array<i32>} : memref<2x16x512xf32, #tpu.memory_space<vmem>>, vector<1x1x16xf32>,
        %parallel_loop3A_453 = arith.constant 0 : i32
        %parallel_loop3A_454 = arith.index_cast %parallel_loop3A_453 : i32 to index
        %parallel_loop3A_455 = arith.index_cast %parallel_loop3A_247 : i32 to index
        %parallel_loop3A_456 = arith.constant 80 : index
        %parallel_loop3A_457 = tpu.vector_load %arg10[%parallel_loop3A_454, %parallel_loop3A_455, %parallel_loop3A_456] {strides = array<i32>} : memref<2x16x512xf32, #tpu.memory_space<vmem>>, vector<1x1x16xf32>,
        %parallel_loop3A_458 = vector.shape_cast %parallel_loop3A_457 : vector<1x1x16xf32> to vector<16xf32>
        %parallel_loop3A_459 = arith.addf %parallel_loop3A_458, %parallel_loop3A_421 : vector<16xf32>
        %parallel_loop3A_460 = arith.constant 0 : i32
        %parallel_loop3A_461 = arith.index_cast %parallel_loop3A_460 : i32 to index
        %parallel_loop3A_462 = arith.index_cast %parallel_loop3A_247 : i32 to index
        %parallel_loop3A_463 = arith.constant 80 : index
        %parallel_loop3A_464 = tpu.vector_load %arg11[%parallel_loop3A_461, %parallel_loop3A_462, %parallel_loop3A_463] {strides = array<i32>} : memref<2x16x512xf32, #tpu.memory_space<vmem>>, vector<1x1x16xf32>,
        %parallel_loop3A_465 = vector.shape_cast %parallel_loop3A_464 : vector<1x1x16xf32> to vector<16xf32>
        %parallel_loop3A_466 = arith.mulf %get3A_22, %parallel_loop3A_465 : vector<16xf32>
        %parallel_loop3A_467 = arith.addf %parallel_loop3A_429, %parallel_loop3A_466 : vector<16xf32>
        %parallel_loop3A_468 = arith.addf %parallel_loop3A_459, %parallel_loop3A_467 : vector<16xf32>
        %parallel_loop3A_469 = arith.constant 0 : i32
        %parallel_loop3A_470 = arith.index_cast %parallel_loop3A_469 : i32 to index
        %parallel_loop3A_471 = arith.index_cast %parallel_loop3A_247 : i32 to index
        %parallel_loop3A_472 = arith.constant 80 : index
        %parallel_loop3A_473 = tpu.vector_load %arg13[%parallel_loop3A_470, %parallel_loop3A_471, %parallel_loop3A_472] {strides = array<i32>} : memref<2x16x512xf32, #tpu.memory_space<vmem>>, vector<1x1x16xf32>,
        %parallel_loop3A_474 = vector.shape_cast %parallel_loop3A_473 : vector<1x1x16xf32> to vector<16xf32>
        %parallel_loop3A_475 = vector.shape_cast %parallel_loop3A_468 : vector<16xf32> to vector<1x1x16xf32>
        tpu.vector_store %arg13[%parallel_loop3A_470, %parallel_loop3A_471, %parallel_loop3A_472], %parallel_loop3A_475 {strides = array<i32>} : memref<2x16x512xf32, #tpu.memory_space<vmem>>, vector<1x1x16xf32>,
        %parallel_loop3A_476 = arith.constant 0 : i32
        %parallel_loop3A_477 = arith.index_cast %parallel_loop3A_476 : i32 to index
        %parallel_loop3A_478 = arith.index_cast %parallel_loop3A_247 : i32 to index
        %parallel_loop3A_479 = arith.constant 48 : index
        %parallel_loop3A_480 = tpu.vector_load %arg12[%parallel_loop3A_477, %parallel_loop3A_478, %parallel_loop3A_479] {strides = array<i32>} : memref<2x32x256xi32, #tpu.memory_space<vmem>>, vector<1x1x16xi32>,
        %parallel_loop3A_481 = vector.shape_cast %parallel_loop3A_480 : vector<1x1x16xi32> to vector<16xi32>
        %parallel_loop3A_482 = arith.constant 16 : i32
        %parallel_loop3A_483 = arith.addi %parallel_loop3A_482, %parallel_loop3A_247 : i32
        %parallel_loop3A_484 = arith.constant 0 : i32
        %parallel_loop3A_485 = arith.index_cast %parallel_loop3A_484 : i32 to index
        %parallel_loop3A_486 = arith.index_cast %parallel_loop3A_483 : i32 to index
        %parallel_loop3A_487 = arith.constant 48 : index
        %parallel_loop3A_488 = tpu.vector_load %arg12[%parallel_loop3A_485, %parallel_loop3A_486, %parallel_loop3A_487] {strides = array<i32>} : memref<2x32x256xi32, #tpu.memory_space<vmem>>, vector<1x1x16xi32>,
        %parallel_loop3A_489 = vector.shape_cast %parallel_loop3A_488 : vector<1x1x16xi32> to vector<16xi32>
        %parallel_loop3A_490 = arith.constant 16 : i32
        %parallel_loop3A_491 = vector.broadcast %parallel_loop3A_490 : i32 to vector<16xi32>
        %parallel_loop3A_492 = arith.shli %parallel_loop3A_481, %parallel_loop3A_491 : vector<16xi32>
        %parallel_loop3A_493 = tpu.bitcast %parallel_loop3A_492 : vector<16xi32> -> vector<16xf32>
        %parallel_loop3A_494 = arith.constant -65536 : i32
        %parallel_loop3A_495 = vector.broadcast %parallel_loop3A_494 : i32 to vector<16xi32>
        %parallel_loop3A_496 = arith.andi %parallel_loop3A_481, %parallel_loop3A_495 : vector<16xi32>
        %parallel_loop3A_497 = tpu.bitcast %parallel_loop3A_496 : vector<16xi32> -> vector<16xf32>
        %parallel_loop3A_498 = arith.constant 16 : i32
        %parallel_loop3A_499 = vector.broadcast %parallel_loop3A_498 : i32 to vector<16xi32>
        %parallel_loop3A_500 = arith.shli %parallel_loop3A_489, %parallel_loop3A_499 : vector<16xi32>
        %parallel_loop3A_501 = tpu.bitcast %parallel_loop3A_500 : vector<16xi32> -> vector<16xf32>
        %parallel_loop3A_502 = arith.constant -65536 : i32
        %parallel_loop3A_503 = vector.broadcast %parallel_loop3A_502 : i32 to vector<16xi32>
        %parallel_loop3A_504 = arith.andi %parallel_loop3A_489, %parallel_loop3A_503 : vector<16xi32>
        %parallel_loop3A_505 = tpu.bitcast %parallel_loop3A_504 : vector<16xi32> -> vector<16xf32>
        %parallel_loop3A_506 = arith.constant 0 : i32
        %parallel_loop3A_507 = arith.index_cast %parallel_loop3A_506 : i32 to index
        %parallel_loop3A_508 = arith.index_cast %parallel_loop3A_247 : i32 to index
        %parallel_loop3A_509 = arith.constant 96 : index
        %parallel_loop3A_510 = tpu.vector_load %arg10[%parallel_loop3A_507, %parallel_loop3A_508, %parallel_loop3A_509] {strides = array<i32>} : memref<2x16x512xf32, #tpu.memory_space<vmem>>, vector<1x1x16xf32>,
        %parallel_loop3A_511 = vector.shape_cast %parallel_loop3A_510 : vector<1x1x16xf32> to vector<16xf32>
        %parallel_loop3A_512 = arith.addf %parallel_loop3A_511, %parallel_loop3A_493 : vector<16xf32>
        %parallel_loop3A_513 = arith.constant 0 : i32
        %parallel_loop3A_514 = arith.index_cast %parallel_loop3A_513 : i32 to index
        %parallel_loop3A_515 = arith.index_cast %parallel_loop3A_247 : i32 to index
        %parallel_loop3A_516 = arith.constant 96 : index
        %parallel_loop3A_517 = tpu.vector_load %arg11[%parallel_loop3A_514, %parallel_loop3A_515, %parallel_loop3A_516] {strides = array<i32>} : memref<2x16x512xf32, #tpu.memory_space<vmem>>, vector<1x1x16xf32>,
        %parallel_loop3A_518 = vector.shape_cast %parallel_loop3A_517 : vector<1x1x16xf32> to vector<16xf32>
        %parallel_loop3A_519 = arith.mulf %get3A_22, %parallel_loop3A_518 : vector<16xf32>
        %parallel_loop3A_520 = arith.addf %parallel_loop3A_501, %parallel_loop3A_519 : vector<16xf32>
        %parallel_loop3A_521 = arith.addf %parallel_loop3A_512, %parallel_loop3A_520 : vector<16xf32>
        %parallel_loop3A_522 = arith.constant 0 : i32
        %parallel_loop3A_523 = arith.index_cast %parallel_loop3A_522 : i32 to index
        %parallel_loop3A_524 = arith.index_cast %parallel_loop3A_247 : i32 to index
        %parallel_loop3A_525 = arith.constant 96 : index
        %parallel_loop3A_526 = tpu.vector_load %arg13[%parallel_loop3A_523, %parallel_loop3A_524, %parallel_loop3A_525] {strides = array<i32>} : memref<2x16x512xf32, #tpu.memory_space<vmem>>, vector<1x1x16xf32>,
        %parallel_loop3A_527 = vector.shape_cast %parallel_loop3A_526 : vector<1x1x16xf32> to vector<16xf32>
        %parallel_loop3A_528 = vector.shape_cast %parallel_loop3A_521 : vector<16xf32> to vector<1x1x16xf32>
        tpu.vector_store %arg13[%parallel_loop3A_523, %parallel_loop3A_524, %parallel_loop3A_525], %parallel_loop3A_528 {strides = array<i32>} : memref<2x16x512xf32, #tpu.memory_space<vmem>>, vector<1x1x16xf32>,
        %parallel_loop3A_529 = arith.constant 0 : i32
        %parallel_loop3A_530 = arith.index_cast %parallel_loop3A_529 : i32 to index
        %parallel_loop3A_531 = arith.index_cast %parallel_loop3A_247 : i32 to index
        %parallel_loop3A_532 = arith.constant 112 : index
        %parallel_loop3A_533 = tpu.vector_load %arg10[%parallel_loop3A_530, %parallel_loop3A_531, %parallel_loop3A_532] {strides = array<i32>} : memref<2x16x512xf32, #tpu.memory_space<vmem>>, vector<1x1x16xf32>,
        %parallel_loop3A_534 = vector.shape_cast %parallel_loop3A_533 : vector<1x1x16xf32> to vector<16xf32>
        %parallel_loop3A_535 = arith.addf %parallel_loop3A_534, %parallel_loop3A_497 : vector<16xf32>
        %parallel_loop3A_536 = arith.constant 0 : i32
        %parallel_loop3A_537 = arith.index_cast %parallel_loop3A_536 : i32 to index
        %parallel_loop3A_538 = arith.index_cast %parallel_loop3A_247 : i32 to index
        %parallel_loop3A_539 = arith.constant 112 : index
        %parallel_loop3A_540 = tpu.vector_load %arg11[%parallel_loop3A_537, %parallel_loop3A_538, %parallel_loop3A_539] {strides = array<i32>} : memref<2x16x512xf32, #tpu.memory_space<vmem>>, vector<1x1x16xf32>,
        %parallel_loop3A_541 = vector.shape_cast %parallel_loop3A_540 : vector<1x1x16xf32> to vector<16xf32>
        %parallel_loop3A_542 = arith.mulf %get3A_22, %parallel_loop3A_541 : vector<16xf32>
        %parallel_loop3A_543 = arith.addf %parallel_loop3A_505, %parallel_loop3A_542 : vector<16xf32>
        %parallel_loop3A_544 = arith.addf %parallel_loop3A_535, %parallel_loop3A_543 : vector<16xf32>
        %parallel_loop3A_545 = arith.constant 0 : i32
        %parallel_loop3A_546 = arith.index_cast %parallel_loop3A_545 : i32 to index
        %parallel_loop3A_547 = arith.index_cast %parallel_loop3A_247 : i32 to index
        %parallel_loop3A_548 = arith.constant 112 : index
        %parallel_loop3A_549 = tpu.vector_load %arg13[%parallel_loop3A_546, %parallel_loop3A_547, %parallel_loop3A_548] {strides = array<i32>} : memref<2x16x512xf32, #tpu.memory_space<vmem>>, vector<1x1x16xf32>,
        %parallel_loop3A_550 = vector.shape_cast %parallel_loop3A_549 : vector<1x1x16xf32> to vector<16xf32>
        %parallel_loop3A_551 = vector.shape_cast %parallel_loop3A_544 : vector<16xf32> to vector<1x1x16xf32>
        tpu.vector_store %arg13[%parallel_loop3A_546, %parallel_loop3A_547, %parallel_loop3A_548], %parallel_loop3A_551 {strides = array<i32>} : memref<2x16x512xf32, #tpu.memory_space<vmem>>, vector<1x1x16xf32>,
        %parallel_loop3A_552 = arith.constant 0 : i32
        %parallel_loop3A_553 = arith.index_cast %parallel_loop3A_552 : i32 to index
        %parallel_loop3A_554 = arith.index_cast %parallel_loop3A_247 : i32 to index
        %parallel_loop3A_555 = arith.constant 64 : index
        %parallel_loop3A_556 = tpu.vector_load %arg12[%parallel_loop3A_553, %parallel_loop3A_554, %parallel_loop3A_555] {strides = array<i32>} : memref<2x32x256xi32, #tpu.memory_space<vmem>>, vector<1x1x16xi32>,
        %parallel_loop3A_557 = vector.shape_cast %parallel_loop3A_556 : vector<1x1x16xi32> to vector<16xi32>
        %parallel_loop3A_558 = arith.constant 16 : i32
        %parallel_loop3A_559 = arith.addi %parallel_loop3A_558, %parallel_loop3A_247 : i32
        %parallel_loop3A_560 = arith.constant 0 : i32
        %parallel_loop3A_561 = arith.index_cast %parallel_loop3A_560 : i32 to index
        %parallel_loop3A_562 = arith.index_cast %parallel_loop3A_559 : i32 to index
        %parallel_loop3A_563 = arith.constant 64 : index
        %parallel_loop3A_564 = tpu.vector_load %arg12[%parallel_loop3A_561, %parallel_loop3A_562, %parallel_loop3A_563] {strides = array<i32>} : memref<2x32x256xi32, #tpu.memory_space<vmem>>, vector<1x1x16xi32>,
        %parallel_loop3A_565 = vector.shape_cast %parallel_loop3A_564 : vector<1x1x16xi32> to vector<16xi32>
        %parallel_loop3A_566 = arith.constant 16 : i32
        %parallel_loop3A_567 = vector.broadcast %parallel_loop3A_566 : i32 to vector<16xi32>
        %parallel_loop3A_568 = arith.shli %parallel_loop3A_557, %parallel_loop3A_567 : vector<16xi32>
        %parallel_loop3A_569 = tpu.bitcast %parallel_loop3A_568 : vector<16xi32> -> vector<16xf32>
        %parallel_loop3A_570 = arith.constant -65536 : i32
        %parallel_loop3A_571 = vector.broadcast %parallel_loop3A_570 : i32 to vector<16xi32>
        %parallel_loop3A_572 = arith.andi %parallel_loop3A_557, %parallel_loop3A_571 : vector<16xi32>
        %parallel_loop3A_573 = tpu.bitcast %parallel_loop3A_572 : vector<16xi32> -> vector<16xf32>
        %parallel_loop3A_574 = arith.constant 16 : i32
        %parallel_loop3A_575 = vector.broadcast %parallel_loop3A_574 : i32 to vector<16xi32>
        %parallel_loop3A_576 = arith.shli %parallel_loop3A_565, %parallel_loop3A_575 : vector<16xi32>
        %parallel_loop3A_577 = tpu.bitcast %parallel_loop3A_576 : vector<16xi32> -> vector<16xf32>
        %parallel_loop3A_578 = arith.constant -65536 : i32
        %parallel_loop3A_579 = vector.broadcast %parallel_loop3A_578 : i32 to vector<16xi32>
        %parallel_loop3A_580 = arith.andi %parallel_loop3A_565, %parallel_loop3A_579 : vector<16xi32>
        %parallel_loop3A_581 = tpu.bitcast %parallel_loop3A_580 : vector<16xi32> -> vector<16xf32>
        %parallel_loop3A_582 = arith.constant 0 : i32
        %parallel_loop3A_583 = arith.index_cast %parallel_loop3A_582 : i32 to index
        %parallel_loop3A_584 = arith.index_cast %parallel_loop3A_247 : i32 to index
        %parallel_loop3A_585 = arith.constant 128 : index
        %parallel_loop3A_586 = tpu.vector_load %arg10[%parallel_loop3A_583, %parallel_loop3A_584, %parallel_loop3A_585] {strides = array<i32>} : memref<2x16x512xf32, #tpu.memory_space<vmem>>, vector<1x1x16xf32>,
        %parallel_loop3A_587 = vector.shape_cast %parallel_loop3A_586 : vector<1x1x16xf32> to vector<16xf32>
        %parallel_loop3A_588 = arith.addf %parallel_loop3A_587, %parallel_loop3A_569 : vector<16xf32>
        %parallel_loop3A_589 = arith.constant 0 : i32
        %parallel_loop3A_590 = arith.index_cast %parallel_loop3A_589 : i32 to index
        %parallel_loop3A_591 = arith.index_cast %parallel_loop3A_247 : i32 to index
        %parallel_loop3A_592 = arith.constant 128 : index
        %parallel_loop3A_593 = tpu.vector_load %arg11[%parallel_loop3A_590, %parallel_loop3A_591, %parallel_loop3A_592] {strides = array<i32>} : memref<2x16x512xf32, #tpu.memory_space<vmem>>, vector<1x1x16xf32>,
        %parallel_loop3A_594 = vector.shape_cast %parallel_loop3A_593 : vector<1x1x16xf32> to vector<16xf32>
        %parallel_loop3A_595 = arith.mulf %get3A_22, %parallel_loop3A_594 : vector<16xf32>
        %parallel_loop3A_596 = arith.addf %parallel_loop3A_577, %parallel_loop3A_595 : vector<16xf32>
        %parallel_loop3A_597 = arith.addf %parallel_loop3A_588, %parallel_loop3A_596 : vector<16xf32>
        %parallel_loop3A_598 = arith.constant 0 : i32
        %parallel_loop3A_599 = arith.index_cast %parallel_loop3A_598 : i32 to index
        %parallel_loop3A_600 = arith.index_cast %parallel_loop3A_247 : i32 to index
        %parallel_loop3A_601 = arith.constant 128 : index
        %parallel_loop3A_602 = tpu.vector_load %arg13[%parallel_loop3A_599, %parallel_loop3A_600, %parallel_loop3A_601] {strides = array<i32>} : memref<2x16x512xf32, #tpu.memory_space<vmem>>, vector<1x1x16xf32>,
        %parallel_loop3A_603 = vector.shape_cast %parallel_loop3A_602 : vector<1x1x16xf32> to vector<16xf32>
        %parallel_loop3A_604 = vector.shape_cast %parallel_loop3A_597 : vector<16xf32> to vector<1x1x16xf32>
        tpu.vector_store %arg13[%parallel_loop3A_599, %parallel_loop3A_600, %parallel_loop3A_601], %parallel_loop3A_604 {strides = array<i32>} : memref<2x16x512xf32, #tpu.memory_space<vmem>>, vector<1x1x16xf32>,
        %parallel_loop3A_605 = arith.constant 0 : i32
        %parallel_loop3A_606 = arith.index_cast %parallel_loop3A_605 : i32 to index
        %parallel_loop3A_607 = arith.index_cast %parallel_loop3A_247 : i32 to index
        %parallel_loop3A_608 = arith.constant 144 : index
        %parallel_loop3A_609 = tpu.vector_load %arg10[%parallel_loop3A_606, %parallel_loop3A_607, %parallel_loop3A_608] {strides = array<i32>} : memref<2x16x512xf32, #tpu.memory_space<vmem>>, vector<1x1x16xf32>,
        %parallel_loop3A_610 = vector.shape_cast %parallel_loop3A_609 : vector<1x1x16xf32> to vector<16xf32>
        %parallel_loop3A_611 = arith.addf %parallel_loop3A_610, %parallel_loop3A_573 : vector<16xf32>
        %parallel_loop3A_612 = arith.constant 0 : i32
        %parallel_loop3A_613 = arith.index_cast %parallel_loop3A_612 : i32 to index
        %parallel_loop3A_614 = arith.index_cast %parallel_loop3A_247 : i32 to index
        %parallel_loop3A_615 = arith.constant 144 : index
        %parallel_loop3A_616 = tpu.vector_load %arg11[%parallel_loop3A_613, %parallel_loop3A_614, %parallel_loop3A_615] {strides = array<i32>} : memref<2x16x512xf32, #tpu.memory_space<vmem>>, vector<1x1x16xf32>,
        %parallel_loop3A_617 = vector.shape_cast %parallel_loop3A_616 : vector<1x1x16xf32> to vector<16xf32>
        %parallel_loop3A_618 = arith.mulf %get3A_22, %parallel_loop3A_617 : vector<16xf32>
        %parallel_loop3A_619 = arith.addf %parallel_loop3A_581, %parallel_loop3A_618 : vector<16xf32>
        %parallel_loop3A_620 = arith.addf %parallel_loop3A_611, %parallel_loop3A_619 : vector<16xf32>
        %parallel_loop3A_621 = arith.constant 0 : i32
        %parallel_loop3A_622 = arith.index_cast %parallel_loop3A_621 : i32 to index
        %parallel_loop3A_623 = arith.index_cast %parallel_loop3A_247 : i32 to index
        %parallel_loop3A_624 = arith.constant 144 : index
        %parallel_loop3A_625 = tpu.vector_load %arg13[%parallel_loop3A_622, %parallel_loop3A_623, %parallel_loop3A_624] {strides = array<i32>} : memref<2x16x512xf32, #tpu.memory_space<vmem>>, vector<1x1x16xf32>,
        %parallel_loop3A_626 = vector.shape_cast %parallel_loop3A_625 : vector<1x1x16xf32> to vector<16xf32>
        %parallel_loop3A_627 = vector.shape_cast %parallel_loop3A_620 : vector<16xf32> to vector<1x1x16xf32>
        tpu.vector_store %arg13[%parallel_loop3A_622, %parallel_loop3A_623, %parallel_loop3A_624], %parallel_loop3A_627 {strides = array<i32>} : memref<2x16x512xf32, #tpu.memory_space<vmem>>, vector<1x1x16xf32>,
        %parallel_loop3A_628 = arith.constant 0 : i32
        %parallel_loop3A_629 = arith.index_cast %parallel_loop3A_628 : i32 to index
        %parallel_loop3A_630 = arith.index_cast %parallel_loop3A_247 : i32 to index
        %parallel_loop3A_631 = arith.constant 80 : index
        %parallel_loop3A_632 = tpu.vector_load %arg12[%parallel_loop3A_629, %parallel_loop3A_630, %parallel_loop3A_631] {strides = array<i32>} : memref<2x32x256xi32, #tpu.memory_space<vmem>>, vector<1x1x16xi32>,
        %parallel_loop3A_633 = vector.shape_cast %parallel_loop3A_632 : vector<1x1x16xi32> to vector<16xi32>
        %parallel_loop3A_634 = arith.constant 16 : i32
        %parallel_loop3A_635 = arith.addi %parallel_loop3A_634, %parallel_loop3A_247 : i32
        %parallel_loop3A_636 = arith.constant 0 : i32
        %parallel_loop3A_637 = arith.index_cast %parallel_loop3A_636 : i32 to index
        %parallel_loop3A_638 = arith.index_cast %parallel_loop3A_635 : i32 to index
        %parallel_loop3A_639 = arith.constant 80 : index
        %parallel_loop3A_640 = tpu.vector_load %arg12[%parallel_loop3A_637, %parallel_loop3A_638, %parallel_loop3A_639] {strides = array<i32>} : memref<2x32x256xi32, #tpu.memory_space<vmem>>, vector<1x1x16xi32>,
        %parallel_loop3A_641 = vector.shape_cast %parallel_loop3A_640 : vector<1x1x16xi32> to vector<16xi32>
        %parallel_loop3A_642 = arith.constant 16 : i32
        %parallel_loop3A_643 = vector.broadcast %parallel_loop3A_642 : i32 to vector<16xi32>
        %parallel_loop3A_644 = arith.shli %parallel_loop3A_633, %parallel_loop3A_643 : vector<16xi32>
        %parallel_loop3A_645 = tpu.bitcast %parallel_loop3A_644 : vector<16xi32> -> vector<16xf32>
        %parallel_loop3A_646 = arith.constant -65536 : i32
        %parallel_loop3A_647 = vector.broadcast %parallel_loop3A_646 : i32 to vector<16xi32>
        %parallel_loop3A_648 = arith.andi %parallel_loop3A_633, %parallel_loop3A_647 : vector<16xi32>
        %parallel_loop3A_649 = tpu.bitcast %parallel_loop3A_648 : vector<16xi32> -> vector<16xf32>
        %parallel_loop3A_650 = arith.constant 16 : i32
        %parallel_loop3A_651 = vector.broadcast %parallel_loop3A_650 : i32 to vector<16xi32>
        %parallel_loop3A_652 = arith.shli %parallel_loop3A_641, %parallel_loop3A_651 : vector<16xi32>
        %parallel_loop3A_653 = tpu.bitcast %parallel_loop3A_652 : vector<16xi32> -> vector<16xf32>
        %parallel_loop3A_654 = arith.constant -65536 : i32
        %parallel_loop3A_655 = vector.broadcast %parallel_loop3A_654 : i32 to vector<16xi32>
        %parallel_loop3A_656 = arith.andi %parallel_loop3A_641, %parallel_loop3A_655 : vector<16xi32>
        %parallel_loop3A_657 = tpu.bitcast %parallel_loop3A_656 : vector<16xi32> -> vector<16xf32>
        %parallel_loop3A_658 = arith.constant 0 : i32
        %parallel_loop3A_659 = arith.index_cast %parallel_loop3A_658 : i32 to index
        %parallel_loop3A_660 = arith.index_cast %parallel_loop3A_247 : i32 to index
        %parallel_loop3A_661 = arith.constant 160 : index
        %parallel_loop3A_662 = tpu.vector_load %arg10[%parallel_loop3A_659, %parallel_loop3A_660, %parallel_loop3A_661] {strides = array<i32>} : memref<2x16x512xf32, #tpu.memory_space<vmem>>, vector<1x1x16xf32>,
        %parallel_loop3A_663 = vector.shape_cast %parallel_loop3A_662 : vector<1x1x16xf32> to vector<16xf32>
        %parallel_loop3A_664 = arith.addf %parallel_loop3A_663, %parallel_loop3A_645 : vector<16xf32>
        %parallel_loop3A_665 = arith.constant 0 : i32
        %parallel_loop3A_666 = arith.index_cast %parallel_loop3A_665 : i32 to index
        %parallel_loop3A_667 = arith.index_cast %parallel_loop3A_247 : i32 to index
        %parallel_loop3A_668 = arith.constant 160 : index
        %parallel_loop3A_669 = tpu.vector_load %arg11[%parallel_loop3A_666, %parallel_loop3A_667, %parallel_loop3A_668] {strides = array<i32>} : memref<2x16x512xf32, #tpu.memory_space<vmem>>, vector<1x1x16xf32>,
        %parallel_loop3A_670 = vector.shape_cast %parallel_loop3A_669 : vector<1x1x16xf32> to vector<16xf32>
        %parallel_loop3A_671 = arith.mulf %get3A_22, %parallel_loop3A_670 : vector<16xf32>
        %parallel_loop3A_672 = arith.addf %parallel_loop3A_653, %parallel_loop3A_671 : vector<16xf32>
        %parallel_loop3A_673 = arith.addf %parallel_loop3A_664, %parallel_loop3A_672 : vector<16xf32>
        %parallel_loop3A_674 = arith.constant 0 : i32
        %parallel_loop3A_675 = arith.index_cast %parallel_loop3A_674 : i32 to index
        %parallel_loop3A_676 = arith.index_cast %parallel_loop3A_247 : i32 to index
        %parallel_loop3A_677 = arith.constant 160 : index
        %parallel_loop3A_678 = tpu.vector_load %arg13[%parallel_loop3A_675, %parallel_loop3A_676, %parallel_loop3A_677] {strides = array<i32>} : memref<2x16x512xf32, #tpu.memory_space<vmem>>, vector<1x1x16xf32>,
        %parallel_loop3A_679 = vector.shape_cast %parallel_loop3A_678 : vector<1x1x16xf32> to vector<16xf32>
        %parallel_loop3A_680 = vector.shape_cast %parallel_loop3A_673 : vector<16xf32> to vector<1x1x16xf32>
        tpu.vector_store %arg13[%parallel_loop3A_675, %parallel_loop3A_676, %parallel_loop3A_677], %parallel_loop3A_680 {strides = array<i32>} : memref<2x16x512xf32, #tpu.memory_space<vmem>>, vector<1x1x16xf32>,
        %parallel_loop3A_681 = arith.constant 0 : i32
        %parallel_loop3A_682 = arith.index_cast %parallel_loop3A_681 : i32 to index
        %parallel_loop3A_683 = arith.index_cast %parallel_loop3A_247 : i32 to index
        %parallel_loop3A_684 = arith.constant 176 : index
        %parallel_loop3A_685 = tpu.vector_load %arg10[%parallel_loop3A_682, %parallel_loop3A_683, %parallel_loop3A_684] {strides = array<i32>} : memref<2x16x512xf32, #tpu.memory_space<vmem>>, vector<1x1x16xf32>,
        %parallel_loop3A_686 = vector.shape_cast %parallel_loop3A_685 : vector<1x1x16xf32> to vector<16xf32>
        %parallel_loop3A_687 = arith.addf %parallel_loop3A_686, %parallel_loop3A_649 : vector<16xf32>
        %parallel_loop3A_688 = arith.constant 0 : i32
        %parallel_loop3A_689 = arith.index_cast %parallel_loop3A_688 : i32 to index
        %parallel_loop3A_690 = arith.index_cast %parallel_loop3A_247 : i32 to index
        %parallel_loop3A_691 = arith.constant 176 : index
        %parallel_loop3A_692 = tpu.vector_load %arg11[%parallel_loop3A_689, %parallel_loop3A_690, %parallel_loop3A_691] {strides = array<i32>} : memref<2x16x512xf32, #tpu.memory_space<vmem>>, vector<1x1x16xf32>,
        %parallel_loop3A_693 = vector.shape_cast %parallel_loop3A_692 : vector<1x1x16xf32> to vector<16xf32>
        %parallel_loop3A_694 = arith.mulf %get3A_22, %parallel_loop3A_693 : vector<16xf32>
        %parallel_loop3A_695 = arith.addf %parallel_loop3A_657, %parallel_loop3A_694 : vector<16xf32>
        %parallel_loop3A_696 = arith.addf %parallel_loop3A_687, %parallel_loop3A_695 : vector<16xf32>
        %parallel_loop3A_697 = arith.constant 0 : i32
        %parallel_loop3A_698 = arith.index_cast %parallel_loop3A_697 : i32 to index
        %parallel_loop3A_699 = arith.index_cast %parallel_loop3A_247 : i32 to index
        %parallel_loop3A_700 = arith.constant 176 : index
        %parallel_loop3A_701 = tpu.vector_load %arg13[%parallel_loop3A_698, %parallel_loop3A_699, %parallel_loop3A_700] {strides = array<i32>} : memref<2x16x512xf32, #tpu.memory_space<vmem>>, vector<1x1x16xf32>,
        %parallel_loop3A_702 = vector.shape_cast %parallel_loop3A_701 : vector<1x1x16xf32> to vector<16xf32>
        %parallel_loop3A_703 = vector.shape_cast %parallel_loop3A_696 : vector<16xf32> to vector<1x1x16xf32>
        tpu.vector_store %arg13[%parallel_loop3A_698, %parallel_loop3A_699, %parallel_loop3A_700], %parallel_loop3A_703 {strides = array<i32>} : memref<2x16x512xf32, #tpu.memory_space<vmem>>, vector<1x1x16xf32>,
        %parallel_loop3A_704 = arith.constant 0 : i32
        %parallel_loop3A_705 = arith.index_cast %parallel_loop3A_704 : i32 to index
        %parallel_loop3A_706 = arith.index_cast %parallel_loop3A_247 : i32 to index
        %parallel_loop3A_707 = arith.constant 96 : index
        %parallel_loop3A_708 = tpu.vector_load %arg12[%parallel_loop3A_705, %parallel_loop3A_706, %parallel_loop3A_707] {strides = array<i32>} : memref<2x32x256xi32, #tpu.memory_space<vmem>>, vector<1x1x16xi32>,
        %parallel_loop3A_709 = vector.shape_cast %parallel_loop3A_708 : vector<1x1x16xi32> to vector<16xi32>
        %parallel_loop3A_710 = arith.constant 16 : i32
        %parallel_loop3A_711 = arith.addi %parallel_loop3A_710, %parallel_loop3A_247 : i32
        %parallel_loop3A_712 = arith.constant 0 : i32
        %parallel_loop3A_713 = arith.index_cast %parallel_loop3A_712 : i32 to index
        %parallel_loop3A_714 = arith.index_cast %parallel_loop3A_711 : i32 to index
        %parallel_loop3A_715 = arith.constant 96 : index
        %parallel_loop3A_716 = tpu.vector_load %arg12[%parallel_loop3A_713, %parallel_loop3A_714, %parallel_loop3A_715] {strides = array<i32>} : memref<2x32x256xi32, #tpu.memory_space<vmem>>, vector<1x1x16xi32>,
        %parallel_loop3A_717 = vector.shape_cast %parallel_loop3A_716 : vector<1x1x16xi32> to vector<16xi32>
        %parallel_loop3A_718 = arith.constant 16 : i32
        %parallel_loop3A_719 = vector.broadcast %parallel_loop3A_718 : i32 to vector<16xi32>
        %parallel_loop3A_720 = arith.shli %parallel_loop3A_709, %parallel_loop3A_719 : vector<16xi32>
        %parallel_loop3A_721 = tpu.bitcast %parallel_loop3A_720 : vector<16xi32> -> vector<16xf32>
        %parallel_loop3A_722 = arith.constant -65536 : i32
        %parallel_loop3A_723 = vector.broadcast %parallel_loop3A_722 : i32 to vector<16xi32>
        %parallel_loop3A_724 = arith.andi %parallel_loop3A_709, %parallel_loop3A_723 : vector<16xi32>
        %parallel_loop3A_725 = tpu.bitcast %parallel_loop3A_724 : vector<16xi32> -> vector<16xf32>
        %parallel_loop3A_726 = arith.constant 16 : i32
        %parallel_loop3A_727 = vector.broadcast %parallel_loop3A_726 : i32 to vector<16xi32>
        %parallel_loop3A_728 = arith.shli %parallel_loop3A_717, %parallel_loop3A_727 : vector<16xi32>
        %parallel_loop3A_729 = tpu.bitcast %parallel_loop3A_728 : vector<16xi32> -> vector<16xf32>
        %parallel_loop3A_730 = arith.constant -65536 : i32
        %parallel_loop3A_731 = vector.broadcast %parallel_loop3A_730 : i32 to vector<16xi32>
        %parallel_loop3A_732 = arith.andi %parallel_loop3A_717, %parallel_loop3A_731 : vector<16xi32>
        %parallel_loop3A_733 = tpu.bitcast %parallel_loop3A_732 : vector<16xi32> -> vector<16xf32>
        %parallel_loop3A_734 = arith.constant 0 : i32
        %parallel_loop3A_735 = arith.index_cast %parallel_loop3A_734 : i32 to index
        %parallel_loop3A_736 = arith.index_cast %parallel_loop3A_247 : i32 to index
        %parallel_loop3A_737 = arith.constant 192 : index
        %parallel_loop3A_738 = tpu.vector_load %arg10[%parallel_loop3A_735, %parallel_loop3A_736, %parallel_loop3A_737] {strides = array<i32>} : memref<2x16x512xf32, #tpu.memory_space<vmem>>, vector<1x1x16xf32>,
        %parallel_loop3A_739 = vector.shape_cast %parallel_loop3A_738 : vector<1x1x16xf32> to vector<16xf32>
        %parallel_loop3A_740 = arith.addf %parallel_loop3A_739, %parallel_loop3A_721 : vector<16xf32>
        %parallel_loop3A_741 = arith.constant 0 : i32
        %parallel_loop3A_742 = arith.index_cast %parallel_loop3A_741 : i32 to index
        %parallel_loop3A_743 = arith.index_cast %parallel_loop3A_247 : i32 to index
        %parallel_loop3A_744 = arith.constant 192 : index
        %parallel_loop3A_745 = tpu.vector_load %arg11[%parallel_loop3A_742, %parallel_loop3A_743, %parallel_loop3A_744] {strides = array<i32>} : memref<2x16x512xf32, #tpu.memory_space<vmem>>, vector<1x1x16xf32>,
        %parallel_loop3A_746 = vector.shape_cast %parallel_loop3A_745 : vector<1x1x16xf32> to vector<16xf32>
        %parallel_loop3A_747 = arith.mulf %get3A_22, %parallel_loop3A_746 : vector<16xf32>
        %parallel_loop3A_748 = arith.addf %parallel_loop3A_729, %parallel_loop3A_747 : vector<16xf32>
        %parallel_loop3A_749 = arith.addf %parallel_loop3A_740, %parallel_loop3A_748 : vector<16xf32>
        %parallel_loop3A_750 = arith.constant 0 : i32
        %parallel_loop3A_751 = arith.index_cast %parallel_loop3A_750 : i32 to index
        %parallel_loop3A_752 = arith.index_cast %parallel_loop3A_247 : i32 to index
        %parallel_loop3A_753 = arith.constant 192 : index
        %parallel_loop3A_754 = tpu.vector_load %arg13[%parallel_loop3A_751, %parallel_loop3A_752, %parallel_loop3A_753] {strides = array<i32>} : memref<2x16x512xf32, #tpu.memory_space<vmem>>, vector<1x1x16xf32>,
        %parallel_loop3A_755 = vector.shape_cast %parallel_loop3A_754 : vector<1x1x16xf32> to vector<16xf32>
        %parallel_loop3A_756 = vector.shape_cast %parallel_loop3A_749 : vector<16xf32> to vector<1x1x16xf32>
        tpu.vector_store %arg13[%parallel_loop3A_751, %parallel_loop3A_752, %parallel_loop3A_753], %parallel_loop3A_756 {strides = array<i32>} : memref<2x16x512xf32, #tpu.memory_space<vmem>>, vector<1x1x16xf32>,
        %parallel_loop3A_757 = arith.constant 0 : i32
        %parallel_loop3A_758 = arith.index_cast %parallel_loop3A_757 : i32 to index
        %parallel_loop3A_759 = arith.index_cast %parallel_loop3A_247 : i32 to index
        %parallel_loop3A_760 = arith.constant 208 : index
        %parallel_loop3A_761 = tpu.vector_load %arg10[%parallel_loop3A_758, %parallel_loop3A_759, %parallel_loop3A_760] {strides = array<i32>} : memref<2x16x512xf32, #tpu.memory_space<vmem>>, vector<1x1x16xf32>,
        %parallel_loop3A_762 = vector.shape_cast %parallel_loop3A_761 : vector<1x1x16xf32> to vector<16xf32>
        %parallel_loop3A_763 = arith.addf %parallel_loop3A_762, %parallel_loop3A_725 : vector<16xf32>
        %parallel_loop3A_764 = arith.constant 0 : i32
        %parallel_loop3A_765 = arith.index_cast %parallel_loop3A_764 : i32 to index
        %parallel_loop3A_766 = arith.index_cast %parallel_loop3A_247 : i32 to index
        %parallel_loop3A_767 = arith.constant 208 : index
        %parallel_loop3A_768 = tpu.vector_load %arg11[%parallel_loop3A_765, %parallel_loop3A_766, %parallel_loop3A_767] {strides = array<i32>} : memref<2x16x512xf32, #tpu.memory_space<vmem>>, vector<1x1x16xf32>,
        %parallel_loop3A_769 = vector.shape_cast %parallel_loop3A_768 : vector<1x1x16xf32> to vector<16xf32>
        %parallel_loop3A_770 = arith.mulf %get3A_22, %parallel_loop3A_769 : vector<16xf32>
        %parallel_loop3A_771 = arith.addf %parallel_loop3A_733, %parallel_loop3A_770 : vector<16xf32>
        %parallel_loop3A_772 = arith.addf %parallel_loop3A_763, %parallel_loop3A_771 : vector<16xf32>
        %parallel_loop3A_773 = arith.constant 0 : i32
        %parallel_loop3A_774 = arith.index_cast %parallel_loop3A_773 : i32 to index
        %parallel_loop3A_775 = arith.index_cast %parallel_loop3A_247 : i32 to index
        %parallel_loop3A_776 = arith.constant 208 : index
        %parallel_loop3A_777 = tpu.vector_load %arg13[%parallel_loop3A_774, %parallel_loop3A_775, %parallel_loop3A_776] {strides = array<i32>} : memref<2x16x512xf32, #tpu.memory_space<vmem>>, vector<1x1x16xf32>,
        %parallel_loop3A_778 = vector.shape_cast %parallel_loop3A_777 : vector<1x1x16xf32> to vector<16xf32>
        %parallel_loop3A_779 = vector.shape_cast %parallel_loop3A_772 : vector<16xf32> to vector<1x1x16xf32>
        tpu.vector_store %arg13[%parallel_loop3A_774, %parallel_loop3A_775, %parallel_loop3A_776], %parallel_loop3A_779 {strides = array<i32>} : memref<2x16x512xf32, #tpu.memory_space<vmem>>, vector<1x1x16xf32>,
        %parallel_loop3A_780 = arith.constant 0 : i32
        %parallel_loop3A_781 = arith.index_cast %parallel_loop3A_780 : i32 to index
        %parallel_loop3A_782 = arith.index_cast %parallel_loop3A_247 : i32 to index
        %parallel_loop3A_783 = arith.constant 112 : index
        %parallel_loop3A_784 = tpu.vector_load %arg12[%parallel_loop3A_781, %parallel_loop3A_782, %parallel_loop3A_783] {strides = array<i32>} : memref<2x32x256xi32, #tpu.memory_space<vmem>>, vector<1x1x16xi32>,
        %parallel_loop3A_785 = vector.shape_cast %parallel_loop3A_784 : vector<1x1x16xi32> to vector<16xi32>
        %parallel_loop3A_786 = arith.constant 16 : i32
        %parallel_loop3A_787 = arith.addi %parallel_loop3A_786, %parallel_loop3A_247 : i32
        %parallel_loop3A_788 = arith.constant 0 : i32
        %parallel_loop3A_789 = arith.index_cast %parallel_loop3A_788 : i32 to index
        %parallel_loop3A_790 = arith.index_cast %parallel_loop3A_787 : i32 to index
        %parallel_loop3A_791 = arith.constant 112 : index
        %parallel_loop3A_792 = tpu.vector_load %arg12[%parallel_loop3A_789, %parallel_loop3A_790, %parallel_loop3A_791] {strides = array<i32>} : memref<2x32x256xi32, #tpu.memory_space<vmem>>, vector<1x1x16xi32>,
        %parallel_loop3A_793 = vector.shape_cast %parallel_loop3A_792 : vector<1x1x16xi32> to vector<16xi32>
        %parallel_loop3A_794 = arith.constant 16 : i32
        %parallel_loop3A_795 = vector.broadcast %parallel_loop3A_794 : i32 to vector<16xi32>
        %parallel_loop3A_796 = arith.shli %parallel_loop3A_785, %parallel_loop3A_795 : vector<16xi32>
        %parallel_loop3A_797 = tpu.bitcast %parallel_loop3A_796 : vector<16xi32> -> vector<16xf32>
        %parallel_loop3A_798 = arith.constant -65536 : i32
        %parallel_loop3A_799 = vector.broadcast %parallel_loop3A_798 : i32 to vector<16xi32>
        %parallel_loop3A_800 = arith.andi %parallel_loop3A_785, %parallel_loop3A_799 : vector<16xi32>
        %parallel_loop3A_801 = tpu.bitcast %parallel_loop3A_800 : vector<16xi32> -> vector<16xf32>
        %parallel_loop3A_802 = arith.constant 16 : i32
        %parallel_loop3A_803 = vector.broadcast %parallel_loop3A_802 : i32 to vector<16xi32>
        %parallel_loop3A_804 = arith.shli %parallel_loop3A_793, %parallel_loop3A_803 : vector<16xi32>
        %parallel_loop3A_805 = tpu.bitcast %parallel_loop3A_804 : vector<16xi32> -> vector<16xf32>
        %parallel_loop3A_806 = arith.constant -65536 : i32
        %parallel_loop3A_807 = vector.broadcast %parallel_loop3A_806 : i32 to vector<16xi32>
        %parallel_loop3A_808 = arith.andi %parallel_loop3A_793, %parallel_loop3A_807 : vector<16xi32>
        %parallel_loop3A_809 = tpu.bitcast %parallel_loop3A_808 : vector<16xi32> -> vector<16xf32>
        %parallel_loop3A_810 = arith.constant 0 : i32
        %parallel_loop3A_811 = arith.index_cast %parallel_loop3A_810 : i32 to index
        %parallel_loop3A_812 = arith.index_cast %parallel_loop3A_247 : i32 to index
        %parallel_loop3A_813 = arith.constant 224 : index
        %parallel_loop3A_814 = tpu.vector_load %arg10[%parallel_loop3A_811, %parallel_loop3A_812, %parallel_loop3A_813] {strides = array<i32>} : memref<2x16x512xf32, #tpu.memory_space<vmem>>, vector<1x1x16xf32>,
        %parallel_loop3A_815 = vector.shape_cast %parallel_loop3A_814 : vector<1x1x16xf32> to vector<16xf32>
        %parallel_loop3A_816 = arith.addf %parallel_loop3A_815, %parallel_loop3A_797 : vector<16xf32>
        %parallel_loop3A_817 = arith.constant 0 : i32
        %parallel_loop3A_818 = arith.index_cast %parallel_loop3A_817 : i32 to index
        %parallel_loop3A_819 = arith.index_cast %parallel_loop3A_247 : i32 to index
        %parallel_loop3A_820 = arith.constant 224 : index
        %parallel_loop3A_821 = tpu.vector_load %arg11[%parallel_loop3A_818, %parallel_loop3A_819, %parallel_loop3A_820] {strides = array<i32>} : memref<2x16x512xf32, #tpu.memory_space<vmem>>, vector<1x1x16xf32>,
        %parallel_loop3A_822 = vector.shape_cast %parallel_loop3A_821 : vector<1x1x16xf32> to vector<16xf32>
        %parallel_loop3A_823 = arith.mulf %get3A_22, %parallel_loop3A_822 : vector<16xf32>
        %parallel_loop3A_824 = arith.addf %parallel_loop3A_805, %parallel_loop3A_823 : vector<16xf32>
        %parallel_loop3A_825 = arith.addf %parallel_loop3A_816, %parallel_loop3A_824 : vector<16xf32>
        %parallel_loop3A_826 = arith.constant 0 : i32
        %parallel_loop3A_827 = arith.index_cast %parallel_loop3A_826 : i32 to index
        %parallel_loop3A_828 = arith.index_cast %parallel_loop3A_247 : i32 to index
        %parallel_loop3A_829 = arith.constant 224 : index
        %parallel_loop3A_830 = tpu.vector_load %arg13[%parallel_loop3A_827, %parallel_loop3A_828, %parallel_loop3A_829] {strides = array<i32>} : memref<2x16x512xf32, #tpu.memory_space<vmem>>, vector<1x1x16xf32>,
        %parallel_loop3A_831 = vector.shape_cast %parallel_loop3A_830 : vector<1x1x16xf32> to vector<16xf32>
        %parallel_loop3A_832 = vector.shape_cast %parallel_loop3A_825 : vector<16xf32> to vector<1x1x16xf32>
        tpu.vector_store %arg13[%parallel_loop3A_827, %parallel_loop3A_828, %parallel_loop3A_829], %parallel_loop3A_832 {strides = array<i32>} : memref<2x16x512xf32, #tpu.memory_space<vmem>>, vector<1x1x16xf32>,
        %parallel_loop3A_833 = arith.constant 0 : i32
        %parallel_loop3A_834 = arith.index_cast %parallel_loop3A_833 : i32 to index
        %parallel_loop3A_835 = arith.index_cast %parallel_loop3A_247 : i32 to index
        %parallel_loop3A_836 = arith.constant 240 : index
        %parallel_loop3A_837 = tpu.vector_load %arg10[%parallel_loop3A_834, %parallel_loop3A_835, %parallel_loop3A_836] {strides = array<i32>} : memref<2x16x512xf32, #tpu.memory_space<vmem>>, vector<1x1x16xf32>,
        %parallel_loop3A_838 = vector.shape_cast %parallel_loop3A_837 : vector<1x1x16xf32> to vector<16xf32>
        %parallel_loop3A_839 = arith.addf %parallel_loop3A_838, %parallel_loop3A_801 : vector<16xf32>
        %parallel_loop3A_840 = arith.constant 0 : i32
        %parallel_loop3A_841 = arith.index_cast %parallel_loop3A_840 : i32 to index
        %parallel_loop3A_842 = arith.index_cast %parallel_loop3A_247 : i32 to index
        %parallel_loop3A_843 = arith.constant 240 : index
        %parallel_loop3A_844 = tpu.vector_load %arg11[%parallel_loop3A_841, %parallel_loop3A_842, %parallel_loop3A_843] {strides = array<i32>} : memref<2x16x512xf32, #tpu.memory_space<vmem>>, vector<1x1x16xf32>,
        %parallel_loop3A_845 = vector.shape_cast %parallel_loop3A_844 : vector<1x1x16xf32> to vector<16xf32>
        %parallel_loop3A_846 = arith.mulf %get3A_22, %parallel_loop3A_845 : vector<16xf32>
        %parallel_loop3A_847 = arith.addf %parallel_loop3A_809, %parallel_loop3A_846 : vector<16xf32>
        %parallel_loop3A_848 = arith.addf %parallel_loop3A_839, %parallel_loop3A_847 : vector<16xf32>
        %parallel_loop3A_849 = arith.constant 0 : i32
        %parallel_loop3A_850 = arith.index_cast %parallel_loop3A_849 : i32 to index
        %parallel_loop3A_851 = arith.index_cast %parallel_loop3A_247 : i32 to index
        %parallel_loop3A_852 = arith.constant 240 : index
        %parallel_loop3A_853 = tpu.vector_load %arg13[%parallel_loop3A_850, %parallel_loop3A_851, %parallel_loop3A_852] {strides = array<i32>} : memref<2x16x512xf32, #tpu.memory_space<vmem>>, vector<1x1x16xf32>,
        %parallel_loop3A_854 = vector.shape_cast %parallel_loop3A_853 : vector<1x1x16xf32> to vector<16xf32>
        %parallel_loop3A_855 = vector.shape_cast %parallel_loop3A_848 : vector<16xf32> to vector<1x1x16xf32>
        tpu.vector_store %arg13[%parallel_loop3A_850, %parallel_loop3A_851, %parallel_loop3A_852], %parallel_loop3A_855 {strides = array<i32>} : memref<2x16x512xf32, #tpu.memory_space<vmem>>, vector<1x1x16xf32>,
        %parallel_loop3A_856 = arith.constant 0 : i32
        %parallel_loop3A_857 = arith.index_cast %parallel_loop3A_856 : i32 to index
        %parallel_loop3A_858 = arith.index_cast %parallel_loop3A_247 : i32 to index
        %parallel_loop3A_859 = arith.constant 128 : index
        %parallel_loop3A_860 = tpu.vector_load %arg12[%parallel_loop3A_857, %parallel_loop3A_858, %parallel_loop3A_859] {strides = array<i32>} : memref<2x32x256xi32, #tpu.memory_space<vmem>>, vector<1x1x16xi32>,
        %parallel_loop3A_861 = vector.shape_cast %parallel_loop3A_860 : vector<1x1x16xi32> to vector<16xi32>
        %parallel_loop3A_862 = arith.constant 16 : i32
        %parallel_loop3A_863 = arith.addi %parallel_loop3A_862, %parallel_loop3A_247 : i32
        %parallel_loop3A_864 = arith.constant 0 : i32
        %parallel_loop3A_865 = arith.index_cast %parallel_loop3A_864 : i32 to index
        %parallel_loop3A_866 = arith.index_cast %parallel_loop3A_863 : i32 to index
        %parallel_loop3A_867 = arith.constant 128 : index
        %parallel_loop3A_868 = tpu.vector_load %arg12[%parallel_loop3A_865, %parallel_loop3A_866, %parallel_loop3A_867] {strides = array<i32>} : memref<2x32x256xi32, #tpu.memory_space<vmem>>, vector<1x1x16xi32>,
        %parallel_loop3A_869 = vector.shape_cast %parallel_loop3A_868 : vector<1x1x16xi32> to vector<16xi32>
        %parallel_loop3A_870 = arith.constant 16 : i32
        %parallel_loop3A_871 = vector.broadcast %parallel_loop3A_870 : i32 to vector<16xi32>
        %parallel_loop3A_872 = arith.shli %parallel_loop3A_861, %parallel_loop3A_871 : vector<16xi32>
        %parallel_loop3A_873 = tpu.bitcast %parallel_loop3A_872 : vector<16xi32> -> vector<16xf32>
        %parallel_loop3A_874 = arith.constant -65536 : i32
        %parallel_loop3A_875 = vector.broadcast %parallel_loop3A_874 : i32 to vector<16xi32>
        %parallel_loop3A_876 = arith.andi %parallel_loop3A_861, %parallel_loop3A_875 : vector<16xi32>
        %parallel_loop3A_877 = tpu.bitcast %parallel_loop3A_876 : vector<16xi32> -> vector<16xf32>
        %parallel_loop3A_878 = arith.constant 16 : i32
        %parallel_loop3A_879 = vector.broadcast %parallel_loop3A_878 : i32 to vector<16xi32>
        %parallel_loop3A_880 = arith.shli %parallel_loop3A_869, %parallel_loop3A_879 : vector<16xi32>
        %parallel_loop3A_881 = tpu.bitcast %parallel_loop3A_880 : vector<16xi32> -> vector<16xf32>
        %parallel_loop3A_882 = arith.constant -65536 : i32
        %parallel_loop3A_883 = vector.broadcast %parallel_loop3A_882 : i32 to vector<16xi32>
        %parallel_loop3A_884 = arith.andi %parallel_loop3A_869, %parallel_loop3A_883 : vector<16xi32>
        %parallel_loop3A_885 = tpu.bitcast %parallel_loop3A_884 : vector<16xi32> -> vector<16xf32>
        %parallel_loop3A_886 = arith.constant 0 : i32
        %parallel_loop3A_887 = arith.index_cast %parallel_loop3A_886 : i32 to index
        %parallel_loop3A_888 = arith.index_cast %parallel_loop3A_247 : i32 to index
        %parallel_loop3A_889 = arith.constant 256 : index
        %parallel_loop3A_890 = tpu.vector_load %arg10[%parallel_loop3A_887, %parallel_loop3A_888, %parallel_loop3A_889] {strides = array<i32>} : memref<2x16x512xf32, #tpu.memory_space<vmem>>, vector<1x1x16xf32>,
        %parallel_loop3A_891 = vector.shape_cast %parallel_loop3A_890 : vector<1x1x16xf32> to vector<16xf32>
        %parallel_loop3A_892 = arith.addf %parallel_loop3A_891, %parallel_loop3A_873 : vector<16xf32>
        %parallel_loop3A_893 = arith.constant 0 : i32
        %parallel_loop3A_894 = arith.index_cast %parallel_loop3A_893 : i32 to index
        %parallel_loop3A_895 = arith.index_cast %parallel_loop3A_247 : i32 to index
        %parallel_loop3A_896 = arith.constant 256 : index
        %parallel_loop3A_897 = tpu.vector_load %arg11[%parallel_loop3A_894, %parallel_loop3A_895, %parallel_loop3A_896] {strides = array<i32>} : memref<2x16x512xf32, #tpu.memory_space<vmem>>, vector<1x1x16xf32>,
        %parallel_loop3A_898 = vector.shape_cast %parallel_loop3A_897 : vector<1x1x16xf32> to vector<16xf32>
        %parallel_loop3A_899 = arith.mulf %get3A_22, %parallel_loop3A_898 : vector<16xf32>
        %parallel_loop3A_900 = arith.addf %parallel_loop3A_881, %parallel_loop3A_899 : vector<16xf32>
        %parallel_loop3A_901 = arith.addf %parallel_loop3A_892, %parallel_loop3A_900 : vector<16xf32>
        %parallel_loop3A_902 = arith.constant 0 : i32
        %parallel_loop3A_903 = arith.index_cast %parallel_loop3A_902 : i32 to index
        %parallel_loop3A_904 = arith.index_cast %parallel_loop3A_247 : i32 to index
        %parallel_loop3A_905 = arith.constant 256 : index
        %parallel_loop3A_906 = tpu.vector_load %arg13[%parallel_loop3A_903, %parallel_loop3A_904, %parallel_loop3A_905] {strides = array<i32>} : memref<2x16x512xf32, #tpu.memory_space<vmem>>, vector<1x1x16xf32>,
        %parallel_loop3A_907 = vector.shape_cast %parallel_loop3A_906 : vector<1x1x16xf32> to vector<16xf32>
        %parallel_loop3A_908 = vector.shape_cast %parallel_loop3A_901 : vector<16xf32> to vector<1x1x16xf32>
        tpu.vector_store %arg13[%parallel_loop3A_903, %parallel_loop3A_904, %parallel_loop3A_905], %parallel_loop3A_908 {strides = array<i32>} : memref<2x16x512xf32, #tpu.memory_space<vmem>>, vector<1x1x16xf32>,
        %parallel_loop3A_909 = arith.constant 0 : i32
        %parallel_loop3A_910 = arith.index_cast %parallel_loop3A_909 : i32 to index
        %parallel_loop3A_911 = arith.index_cast %parallel_loop3A_247 : i32 to index
        %parallel_loop3A_912 = arith.constant 272 : index
        %parallel_loop3A_913 = tpu.vector_load %arg10[%parallel_loop3A_910, %parallel_loop3A_911, %parallel_loop3A_912] {strides = array<i32>} : memref<2x16x512xf32, #tpu.memory_space<vmem>>, vector<1x1x16xf32>,
        %parallel_loop3A_914 = vector.shape_cast %parallel_loop3A_913 : vector<1x1x16xf32> to vector<16xf32>
        %parallel_loop3A_915 = arith.addf %parallel_loop3A_914, %parallel_loop3A_877 : vector<16xf32>
        %parallel_loop3A_916 = arith.constant 0 : i32
        %parallel_loop3A_917 = arith.index_cast %parallel_loop3A_916 : i32 to index
        %parallel_loop3A_918 = arith.index_cast %parallel_loop3A_247 : i32 to index
        %parallel_loop3A_919 = arith.constant 272 : index
        %parallel_loop3A_920 = tpu.vector_load %arg11[%parallel_loop3A_917, %parallel_loop3A_918, %parallel_loop3A_919] {strides = array<i32>} : memref<2x16x512xf32, #tpu.memory_space<vmem>>, vector<1x1x16xf32>,
        %parallel_loop3A_921 = vector.shape_cast %parallel_loop3A_920 : vector<1x1x16xf32> to vector<16xf32>
        %parallel_loop3A_922 = arith.mulf %get3A_22, %parallel_loop3A_921 : vector<16xf32>
        %parallel_loop3A_923 = arith.addf %parallel_loop3A_885, %parallel_loop3A_922 : vector<16xf32>
        %parallel_loop3A_924 = arith.addf %parallel_loop3A_915, %parallel_loop3A_923 : vector<16xf32>
        %parallel_loop3A_925 = arith.constant 0 : i32
        %parallel_loop3A_926 = arith.index_cast %parallel_loop3A_925 : i32 to index
        %parallel_loop3A_927 = arith.index_cast %parallel_loop3A_247 : i32 to index
        %parallel_loop3A_928 = arith.constant 272 : index
        %parallel_loop3A_929 = tpu.vector_load %arg13[%parallel_loop3A_926, %parallel_loop3A_927, %parallel_loop3A_928] {strides = array<i32>} : memref<2x16x512xf32, #tpu.memory_space<vmem>>, vector<1x1x16xf32>,
        %parallel_loop3A_930 = vector.shape_cast %parallel_loop3A_929 : vector<1x1x16xf32> to vector<16xf32>
        %parallel_loop3A_931 = vector.shape_cast %parallel_loop3A_924 : vector<16xf32> to vector<1x1x16xf32>
        tpu.vector_store %arg13[%parallel_loop3A_926, %parallel_loop3A_927, %parallel_loop3A_928], %parallel_loop3A_931 {strides = array<i32>} : memref<2x16x512xf32, #tpu.memory_space<vmem>>, vector<1x1x16xf32>,
        %parallel_loop3A_932 = arith.constant 0 : i32
        %parallel_loop3A_933 = arith.index_cast %parallel_loop3A_932 : i32 to index
        %parallel_loop3A_934 = arith.index_cast %parallel_loop3A_247 : i32 to index
        %parallel_loop3A_935 = arith.constant 144 : index
        %parallel_loop3A_936 = tpu.vector_load %arg12[%parallel_loop3A_933, %parallel_loop3A_934, %parallel_loop3A_935] {strides = array<i32>} : memref<2x32x256xi32, #tpu.memory_space<vmem>>, vector<1x1x16xi32>,
        %parallel_loop3A_937 = vector.shape_cast %parallel_loop3A_936 : vector<1x1x16xi32> to vector<16xi32>
        %parallel_loop3A_938 = arith.constant 16 : i32
        %parallel_loop3A_939 = arith.addi %parallel_loop3A_938, %parallel_loop3A_247 : i32
        %parallel_loop3A_940 = arith.constant 0 : i32
        %parallel_loop3A_941 = arith.index_cast %parallel_loop3A_940 : i32 to index
        %parallel_loop3A_942 = arith.index_cast %parallel_loop3A_939 : i32 to index
        %parallel_loop3A_943 = arith.constant 144 : index
        %parallel_loop3A_944 = tpu.vector_load %arg12[%parallel_loop3A_941, %parallel_loop3A_942, %parallel_loop3A_943] {strides = array<i32>} : memref<2x32x256xi32, #tpu.memory_space<vmem>>, vector<1x1x16xi32>,
        %parallel_loop3A_945 = vector.shape_cast %parallel_loop3A_944 : vector<1x1x16xi32> to vector<16xi32>
        %parallel_loop3A_946 = arith.constant 16 : i32
        %parallel_loop3A_947 = vector.broadcast %parallel_loop3A_946 : i32 to vector<16xi32>
        %parallel_loop3A_948 = arith.shli %parallel_loop3A_937, %parallel_loop3A_947 : vector<16xi32>
        %parallel_loop3A_949 = tpu.bitcast %parallel_loop3A_948 : vector<16xi32> -> vector<16xf32>
        %parallel_loop3A_950 = arith.constant -65536 : i32
        %parallel_loop3A_951 = vector.broadcast %parallel_loop3A_950 : i32 to vector<16xi32>
        %parallel_loop3A_952 = arith.andi %parallel_loop3A_937, %parallel_loop3A_951 : vector<16xi32>
        %parallel_loop3A_953 = tpu.bitcast %parallel_loop3A_952 : vector<16xi32> -> vector<16xf32>
        %parallel_loop3A_954 = arith.constant 16 : i32
        %parallel_loop3A_955 = vector.broadcast %parallel_loop3A_954 : i32 to vector<16xi32>
        %parallel_loop3A_956 = arith.shli %parallel_loop3A_945, %parallel_loop3A_955 : vector<16xi32>
        %parallel_loop3A_957 = tpu.bitcast %parallel_loop3A_956 : vector<16xi32> -> vector<16xf32>
        %parallel_loop3A_958 = arith.constant -65536 : i32
        %parallel_loop3A_959 = vector.broadcast %parallel_loop3A_958 : i32 to vector<16xi32>
        %parallel_loop3A_960 = arith.andi %parallel_loop3A_945, %parallel_loop3A_959 : vector<16xi32>
        %parallel_loop3A_961 = tpu.bitcast %parallel_loop3A_960 : vector<16xi32> -> vector<16xf32>
        %parallel_loop3A_962 = arith.constant 0 : i32
        %parallel_loop3A_963 = arith.index_cast %parallel_loop3A_962 : i32 to index
        %parallel_loop3A_964 = arith.index_cast %parallel_loop3A_247 : i32 to index
        %parallel_loop3A_965 = arith.constant 288 : index
        %parallel_loop3A_966 = tpu.vector_load %arg10[%parallel_loop3A_963, %parallel_loop3A_964, %parallel_loop3A_965] {strides = array<i32>} : memref<2x16x512xf32, #tpu.memory_space<vmem>>, vector<1x1x16xf32>,
        %parallel_loop3A_967 = vector.shape_cast %parallel_loop3A_966 : vector<1x1x16xf32> to vector<16xf32>
        %parallel_loop3A_968 = arith.addf %parallel_loop3A_967, %parallel_loop3A_949 : vector<16xf32>
        %parallel_loop3A_969 = arith.constant 0 : i32
        %parallel_loop3A_970 = arith.index_cast %parallel_loop3A_969 : i32 to index
        %parallel_loop3A_971 = arith.index_cast %parallel_loop3A_247 : i32 to index
        %parallel_loop3A_972 = arith.constant 288 : index
        %parallel_loop3A_973 = tpu.vector_load %arg11[%parallel_loop3A_970, %parallel_loop3A_971, %parallel_loop3A_972] {strides = array<i32>} : memref<2x16x512xf32, #tpu.memory_space<vmem>>, vector<1x1x16xf32>,
        %parallel_loop3A_974 = vector.shape_cast %parallel_loop3A_973 : vector<1x1x16xf32> to vector<16xf32>
        %parallel_loop3A_975 = arith.mulf %get3A_22, %parallel_loop3A_974 : vector<16xf32>
        %parallel_loop3A_976 = arith.addf %parallel_loop3A_957, %parallel_loop3A_975 : vector<16xf32>
        %parallel_loop3A_977 = arith.addf %parallel_loop3A_968, %parallel_loop3A_976 : vector<16xf32>
        %parallel_loop3A_978 = arith.constant 0 : i32
        %parallel_loop3A_979 = arith.index_cast %parallel_loop3A_978 : i32 to index
        %parallel_loop3A_980 = arith.index_cast %parallel_loop3A_247 : i32 to index
        %parallel_loop3A_981 = arith.constant 288 : index
        %parallel_loop3A_982 = tpu.vector_load %arg13[%parallel_loop3A_979, %parallel_loop3A_980, %parallel_loop3A_981] {strides = array<i32>} : memref<2x16x512xf32, #tpu.memory_space<vmem>>, vector<1x1x16xf32>,
        %parallel_loop3A_983 = vector.shape_cast %parallel_loop3A_982 : vector<1x1x16xf32> to vector<16xf32>
        %parallel_loop3A_984 = vector.shape_cast %parallel_loop3A_977 : vector<16xf32> to vector<1x1x16xf32>
        tpu.vector_store %arg13[%parallel_loop3A_979, %parallel_loop3A_980, %parallel_loop3A_981], %parallel_loop3A_984 {strides = array<i32>} : memref<2x16x512xf32, #tpu.memory_space<vmem>>, vector<1x1x16xf32>,
        %parallel_loop3A_985 = arith.constant 0 : i32
        %parallel_loop3A_986 = arith.index_cast %parallel_loop3A_985 : i32 to index
        %parallel_loop3A_987 = arith.index_cast %parallel_loop3A_247 : i32 to index
        %parallel_loop3A_988 = arith.constant 304 : index
        %parallel_loop3A_989 = tpu.vector_load %arg10[%parallel_loop3A_986, %parallel_loop3A_987, %parallel_loop3A_988] {strides = array<i32>} : memref<2x16x512xf32, #tpu.memory_space<vmem>>, vector<1x1x16xf32>,
        %parallel_loop3A_990 = vector.shape_cast %parallel_loop3A_989 : vector<1x1x16xf32> to vector<16xf32>
        %parallel_loop3A_991 = arith.addf %parallel_loop3A_990, %parallel_loop3A_953 : vector<16xf32>
        %parallel_loop3A_992 = arith.constant 0 : i32
        %parallel_loop3A_993 = arith.index_cast %parallel_loop3A_992 : i32 to index
        %parallel_loop3A_994 = arith.index_cast %parallel_loop3A_247 : i32 to index
        %parallel_loop3A_995 = arith.constant 304 : index
        %parallel_loop3A_996 = tpu.vector_load %arg11[%parallel_loop3A_993, %parallel_loop3A_994, %parallel_loop3A_995] {strides = array<i32>} : memref<2x16x512xf32, #tpu.memory_space<vmem>>, vector<1x1x16xf32>,
        %parallel_loop3A_997 = vector.shape_cast %parallel_loop3A_996 : vector<1x1x16xf32> to vector<16xf32>
        %parallel_loop3A_998 = arith.mulf %get3A_22, %parallel_loop3A_997 : vector<16xf32>
        %parallel_loop3A_999 = arith.addf %parallel_loop3A_961, %parallel_loop3A_998 : vector<16xf32>
        %parallel_loop3A_1000 = arith.addf %parallel_loop3A_991, %parallel_loop3A_999 : vector<16xf32>
        %parallel_loop3A_1001 = arith.constant 0 : i32
        %parallel_loop3A_1002 = arith.index_cast %parallel_loop3A_1001 : i32 to index
        %parallel_loop3A_1003 = arith.index_cast %parallel_loop3A_247 : i32 to index
        %parallel_loop3A_1004 = arith.constant 304 : index
        %parallel_loop3A_1005 = tpu.vector_load %arg13[%parallel_loop3A_1002, %parallel_loop3A_1003, %parallel_loop3A_1004] {strides = array<i32>} : memref<2x16x512xf32, #tpu.memory_space<vmem>>, vector<1x1x16xf32>,
        %parallel_loop3A_1006 = vector.shape_cast %parallel_loop3A_1005 : vector<1x1x16xf32> to vector<16xf32>
        %parallel_loop3A_1007 = vector.shape_cast %parallel_loop3A_1000 : vector<16xf32> to vector<1x1x16xf32>
        tpu.vector_store %arg13[%parallel_loop3A_1002, %parallel_loop3A_1003, %parallel_loop3A_1004], %parallel_loop3A_1007 {strides = array<i32>} : memref<2x16x512xf32, #tpu.memory_space<vmem>>, vector<1x1x16xf32>,
        %parallel_loop3A_1008 = arith.constant 0 : i32
        %parallel_loop3A_1009 = arith.index_cast %parallel_loop3A_1008 : i32 to index
        %parallel_loop3A_1010 = arith.index_cast %parallel_loop3A_247 : i32 to index
        %parallel_loop3A_1011 = arith.constant 160 : index
        %parallel_loop3A_1012 = tpu.vector_load %arg12[%parallel_loop3A_1009, %parallel_loop3A_1010, %parallel_loop3A_1011] {strides = array<i32>} : memref<2x32x256xi32, #tpu.memory_space<vmem>>, vector<1x1x16xi32>,
        %parallel_loop3A_1013 = vector.shape_cast %parallel_loop3A_1012 : vector<1x1x16xi32> to vector<16xi32>
        %parallel_loop3A_1014 = arith.constant 16 : i32
        %parallel_loop3A_1015 = arith.addi %parallel_loop3A_1014, %parallel_loop3A_247 : i32
        %parallel_loop3A_1016 = arith.constant 0 : i32
        %parallel_loop3A_1017 = arith.index_cast %parallel_loop3A_1016 : i32 to index
        %parallel_loop3A_1018 = arith.index_cast %parallel_loop3A_1015 : i32 to index
        %parallel_loop3A_1019 = arith.constant 160 : index
        %parallel_loop3A_1020 = tpu.vector_load %arg12[%parallel_loop3A_1017, %parallel_loop3A_1018, %parallel_loop3A_1019] {strides = array<i32>} : memref<2x32x256xi32, #tpu.memory_space<vmem>>, vector<1x1x16xi32>,
        %parallel_loop3A_1021 = vector.shape_cast %parallel_loop3A_1020 : vector<1x1x16xi32> to vector<16xi32>
        %parallel_loop3A_1022 = arith.constant 16 : i32
        %parallel_loop3A_1023 = vector.broadcast %parallel_loop3A_1022 : i32 to vector<16xi32>
        %parallel_loop3A_1024 = arith.shli %parallel_loop3A_1013, %parallel_loop3A_1023 : vector<16xi32>
        %parallel_loop3A_1025 = tpu.bitcast %parallel_loop3A_1024 : vector<16xi32> -> vector<16xf32>
        %parallel_loop3A_1026 = arith.constant -65536 : i32
        %parallel_loop3A_1027 = vector.broadcast %parallel_loop3A_1026 : i32 to vector<16xi32>
        %parallel_loop3A_1028 = arith.andi %parallel_loop3A_1013, %parallel_loop3A_1027 : vector<16xi32>
        %parallel_loop3A_1029 = tpu.bitcast %parallel_loop3A_1028 : vector<16xi32> -> vector<16xf32>
        %parallel_loop3A_1030 = arith.constant 16 : i32
        %parallel_loop3A_1031 = vector.broadcast %parallel_loop3A_1030 : i32 to vector<16xi32>
        %parallel_loop3A_1032 = arith.shli %parallel_loop3A_1021, %parallel_loop3A_1031 : vector<16xi32>
        %parallel_loop3A_1033 = tpu.bitcast %parallel_loop3A_1032 : vector<16xi32> -> vector<16xf32>
        %parallel_loop3A_1034 = arith.constant -65536 : i32
        %parallel_loop3A_1035 = vector.broadcast %parallel_loop3A_1034 : i32 to vector<16xi32>
        %parallel_loop3A_1036 = arith.andi %parallel_loop3A_1021, %parallel_loop3A_1035 : vector<16xi32>
        %parallel_loop3A_1037 = tpu.bitcast %parallel_loop3A_1036 : vector<16xi32> -> vector<16xf32>
        %parallel_loop3A_1038 = arith.constant 0 : i32
        %parallel_loop3A_1039 = arith.index_cast %parallel_loop3A_1038 : i32 to index
        %parallel_loop3A_1040 = arith.index_cast %parallel_loop3A_247 : i32 to index
        %parallel_loop3A_1041 = arith.constant 320 : index
        %parallel_loop3A_1042 = tpu.vector_load %arg10[%parallel_loop3A_1039, %parallel_loop3A_1040, %parallel_loop3A_1041] {strides = array<i32>} : memref<2x16x512xf32, #tpu.memory_space<vmem>>, vector<1x1x16xf32>,
        %parallel_loop3A_1043 = vector.shape_cast %parallel_loop3A_1042 : vector<1x1x16xf32> to vector<16xf32>
        %parallel_loop3A_1044 = arith.addf %parallel_loop3A_1043, %parallel_loop3A_1025 : vector<16xf32>
        %parallel_loop3A_1045 = arith.constant 0 : i32
        %parallel_loop3A_1046 = arith.index_cast %parallel_loop3A_1045 : i32 to index
        %parallel_loop3A_1047 = arith.index_cast %parallel_loop3A_247 : i32 to index
        %parallel_loop3A_1048 = arith.constant 320 : index
        %parallel_loop3A_1049 = tpu.vector_load %arg11[%parallel_loop3A_1046, %parallel_loop3A_1047, %parallel_loop3A_1048] {strides = array<i32>} : memref<2x16x512xf32, #tpu.memory_space<vmem>>, vector<1x1x16xf32>,
        %parallel_loop3A_1050 = vector.shape_cast %parallel_loop3A_1049 : vector<1x1x16xf32> to vector<16xf32>
        %parallel_loop3A_1051 = arith.mulf %get3A_22, %parallel_loop3A_1050 : vector<16xf32>
        %parallel_loop3A_1052 = arith.addf %parallel_loop3A_1033, %parallel_loop3A_1051 : vector<16xf32>
        %parallel_loop3A_1053 = arith.addf %parallel_loop3A_1044, %parallel_loop3A_1052 : vector<16xf32>
        %parallel_loop3A_1054 = arith.constant 0 : i32
        %parallel_loop3A_1055 = arith.index_cast %parallel_loop3A_1054 : i32 to index
        %parallel_loop3A_1056 = arith.index_cast %parallel_loop3A_247 : i32 to index
        %parallel_loop3A_1057 = arith.constant 320 : index
        %parallel_loop3A_1058 = tpu.vector_load %arg13[%parallel_loop3A_1055, %parallel_loop3A_1056, %parallel_loop3A_1057] {strides = array<i32>} : memref<2x16x512xf32, #tpu.memory_space<vmem>>, vector<1x1x16xf32>,
        %parallel_loop3A_1059 = vector.shape_cast %parallel_loop3A_1058 : vector<1x1x16xf32> to vector<16xf32>
        %parallel_loop3A_1060 = vector.shape_cast %parallel_loop3A_1053 : vector<16xf32> to vector<1x1x16xf32>
        tpu.vector_store %arg13[%parallel_loop3A_1055, %parallel_loop3A_1056, %parallel_loop3A_1057], %parallel_loop3A_1060 {strides = array<i32>} : memref<2x16x512xf32, #tpu.memory_space<vmem>>, vector<1x1x16xf32>,
        %parallel_loop3A_1061 = arith.constant 0 : i32
        %parallel_loop3A_1062 = arith.index_cast %parallel_loop3A_1061 : i32 to index
        %parallel_loop3A_1063 = arith.index_cast %parallel_loop3A_247 : i32 to index
        %parallel_loop3A_1064 = arith.constant 336 : index
        %parallel_loop3A_1065 = tpu.vector_load %arg10[%parallel_loop3A_1062, %parallel_loop3A_1063, %parallel_loop3A_1064] {strides = array<i32>} : memref<2x16x512xf32, #tpu.memory_space<vmem>>, vector<1x1x16xf32>,
        %parallel_loop3A_1066 = vector.shape_cast %parallel_loop3A_1065 : vector<1x1x16xf32> to vector<16xf32>
        %parallel_loop3A_1067 = arith.addf %parallel_loop3A_1066, %parallel_loop3A_1029 : vector<16xf32>
        %parallel_loop3A_1068 = arith.constant 0 : i32
        %parallel_loop3A_1069 = arith.index_cast %parallel_loop3A_1068 : i32 to index
        %parallel_loop3A_1070 = arith.index_cast %parallel_loop3A_247 : i32 to index
        %parallel_loop3A_1071 = arith.constant 336 : index
        %parallel_loop3A_1072 = tpu.vector_load %arg11[%parallel_loop3A_1069, %parallel_loop3A_1070, %parallel_loop3A_1071] {strides = array<i32>} : memref<2x16x512xf32, #tpu.memory_space<vmem>>, vector<1x1x16xf32>,
        %parallel_loop3A_1073 = vector.shape_cast %parallel_loop3A_1072 : vector<1x1x16xf32> to vector<16xf32>
        %parallel_loop3A_1074 = arith.mulf %get3A_22, %parallel_loop3A_1073 : vector<16xf32>
        %parallel_loop3A_1075 = arith.addf %parallel_loop3A_1037, %parallel_loop3A_1074 : vector<16xf32>
        %parallel_loop3A_1076 = arith.addf %parallel_loop3A_1067, %parallel_loop3A_1075 : vector<16xf32>
        %parallel_loop3A_1077 = arith.constant 0 : i32
        %parallel_loop3A_1078 = arith.index_cast %parallel_loop3A_1077 : i32 to index
        %parallel_loop3A_1079 = arith.index_cast %parallel_loop3A_247 : i32 to index
        %parallel_loop3A_1080 = arith.constant 336 : index
        %parallel_loop3A_1081 = tpu.vector_load %arg13[%parallel_loop3A_1078, %parallel_loop3A_1079, %parallel_loop3A_1080] {strides = array<i32>} : memref<2x16x512xf32, #tpu.memory_space<vmem>>, vector<1x1x16xf32>,
        %parallel_loop3A_1082 = vector.shape_cast %parallel_loop3A_1081 : vector<1x1x16xf32> to vector<16xf32>
        %parallel_loop3A_1083 = vector.shape_cast %parallel_loop3A_1076 : vector<16xf32> to vector<1x1x16xf32>
        tpu.vector_store %arg13[%parallel_loop3A_1078, %parallel_loop3A_1079, %parallel_loop3A_1080], %parallel_loop3A_1083 {strides = array<i32>} : memref<2x16x512xf32, #tpu.memory_space<vmem>>, vector<1x1x16xf32>,
        %parallel_loop3A_1084 = arith.constant 0 : i32
        %parallel_loop3A_1085 = arith.index_cast %parallel_loop3A_1084 : i32 to index
        %parallel_loop3A_1086 = arith.index_cast %parallel_loop3A_247 : i32 to index
        %parallel_loop3A_1087 = arith.constant 176 : index
        %parallel_loop3A_1088 = tpu.vector_load %arg12[%parallel_loop3A_1085, %parallel_loop3A_1086, %parallel_loop3A_1087] {strides = array<i32>} : memref<2x32x256xi32, #tpu.memory_space<vmem>>, vector<1x1x16xi32>,
        %parallel_loop3A_1089 = vector.shape_cast %parallel_loop3A_1088 : vector<1x1x16xi32> to vector<16xi32>
        %parallel_loop3A_1090 = arith.constant 16 : i32
        %parallel_loop3A_1091 = arith.addi %parallel_loop3A_1090, %parallel_loop3A_247 : i32
        %parallel_loop3A_1092 = arith.constant 0 : i32
        %parallel_loop3A_1093 = arith.index_cast %parallel_loop3A_1092 : i32 to index
        %parallel_loop3A_1094 = arith.index_cast %parallel_loop3A_1091 : i32 to index
        %parallel_loop3A_1095 = arith.constant 176 : index
        %parallel_loop3A_1096 = tpu.vector_load %arg12[%parallel_loop3A_1093, %parallel_loop3A_1094, %parallel_loop3A_1095] {strides = array<i32>} : memref<2x32x256xi32, #tpu.memory_space<vmem>>, vector<1x1x16xi32>,
        %parallel_loop3A_1097 = vector.shape_cast %parallel_loop3A_1096 : vector<1x1x16xi32> to vector<16xi32>
        %parallel_loop3A_1098 = arith.constant 16 : i32
        %parallel_loop3A_1099 = vector.broadcast %parallel_loop3A_1098 : i32 to vector<16xi32>
        %parallel_loop3A_1100 = arith.shli %parallel_loop3A_1089, %parallel_loop3A_1099 : vector<16xi32>
        %parallel_loop3A_1101 = tpu.bitcast %parallel_loop3A_1100 : vector<16xi32> -> vector<16xf32>
        %parallel_loop3A_1102 = arith.constant -65536 : i32
        %parallel_loop3A_1103 = vector.broadcast %parallel_loop3A_1102 : i32 to vector<16xi32>
        %parallel_loop3A_1104 = arith.andi %parallel_loop3A_1089, %parallel_loop3A_1103 : vector<16xi32>
        %parallel_loop3A_1105 = tpu.bitcast %parallel_loop3A_1104 : vector<16xi32> -> vector<16xf32>
        %parallel_loop3A_1106 = arith.constant 16 : i32
        %parallel_loop3A_1107 = vector.broadcast %parallel_loop3A_1106 : i32 to vector<16xi32>
        %parallel_loop3A_1108 = arith.shli %parallel_loop3A_1097, %parallel_loop3A_1107 : vector<16xi32>
        %parallel_loop3A_1109 = tpu.bitcast %parallel_loop3A_1108 : vector<16xi32> -> vector<16xf32>
        %parallel_loop3A_1110 = arith.constant -65536 : i32
        %parallel_loop3A_1111 = vector.broadcast %parallel_loop3A_1110 : i32 to vector<16xi32>
        %parallel_loop3A_1112 = arith.andi %parallel_loop3A_1097, %parallel_loop3A_1111 : vector<16xi32>
        %parallel_loop3A_1113 = tpu.bitcast %parallel_loop3A_1112 : vector<16xi32> -> vector<16xf32>
        %parallel_loop3A_1114 = arith.constant 0 : i32
        %parallel_loop3A_1115 = arith.index_cast %parallel_loop3A_1114 : i32 to index
        %parallel_loop3A_1116 = arith.index_cast %parallel_loop3A_247 : i32 to index
        %parallel_loop3A_1117 = arith.constant 352 : index
        %parallel_loop3A_1118 = tpu.vector_load %arg10[%parallel_loop3A_1115, %parallel_loop3A_1116, %parallel_loop3A_1117] {strides = array<i32>} : memref<2x16x512xf32, #tpu.memory_space<vmem>>, vector<1x1x16xf32>,
        %parallel_loop3A_1119 = vector.shape_cast %parallel_loop3A_1118 : vector<1x1x16xf32> to vector<16xf32>
        %parallel_loop3A_1120 = arith.addf %parallel_loop3A_1119, %parallel_loop3A_1101 : vector<16xf32>
        %parallel_loop3A_1121 = arith.constant 0 : i32
        %parallel_loop3A_1122 = arith.index_cast %parallel_loop3A_1121 : i32 to index
        %parallel_loop3A_1123 = arith.index_cast %parallel_loop3A_247 : i32 to index
        %parallel_loop3A_1124 = arith.constant 352 : index
        %parallel_loop3A_1125 = tpu.vector_load %arg11[%parallel_loop3A_1122, %parallel_loop3A_1123, %parallel_loop3A_1124] {strides = array<i32>} : memref<2x16x512xf32, #tpu.memory_space<vmem>>, vector<1x1x16xf32>,
        %parallel_loop3A_1126 = vector.shape_cast %parallel_loop3A_1125 : vector<1x1x16xf32> to vector<16xf32>
        %parallel_loop3A_1127 = arith.mulf %get3A_22, %parallel_loop3A_1126 : vector<16xf32>
        %parallel_loop3A_1128 = arith.addf %parallel_loop3A_1109, %parallel_loop3A_1127 : vector<16xf32>
        %parallel_loop3A_1129 = arith.addf %parallel_loop3A_1120, %parallel_loop3A_1128 : vector<16xf32>
        %parallel_loop3A_1130 = arith.constant 0 : i32
        %parallel_loop3A_1131 = arith.index_cast %parallel_loop3A_1130 : i32 to index
        %parallel_loop3A_1132 = arith.index_cast %parallel_loop3A_247 : i32 to index
        %parallel_loop3A_1133 = arith.constant 352 : index
        %parallel_loop3A_1134 = tpu.vector_load %arg13[%parallel_loop3A_1131, %parallel_loop3A_1132, %parallel_loop3A_1133] {strides = array<i32>} : memref<2x16x512xf32, #tpu.memory_space<vmem>>, vector<1x1x16xf32>,
        %parallel_loop3A_1135 = vector.shape_cast %parallel_loop3A_1134 : vector<1x1x16xf32> to vector<16xf32>
        %parallel_loop3A_1136 = vector.shape_cast %parallel_loop3A_1129 : vector<16xf32> to vector<1x1x16xf32>
        tpu.vector_store %arg13[%parallel_loop3A_1131, %parallel_loop3A_1132, %parallel_loop3A_1133], %parallel_loop3A_1136 {strides = array<i32>} : memref<2x16x512xf32, #tpu.memory_space<vmem>>, vector<1x1x16xf32>,
        %parallel_loop3A_1137 = arith.constant 0 : i32
        %parallel_loop3A_1138 = arith.index_cast %parallel_loop3A_1137 : i32 to index
        %parallel_loop3A_1139 = arith.index_cast %parallel_loop3A_247 : i32 to index
        %parallel_loop3A_1140 = arith.constant 368 : index
        %parallel_loop3A_1141 = tpu.vector_load %arg10[%parallel_loop3A_1138, %parallel_loop3A_1139, %parallel_loop3A_1140] {strides = array<i32>} : memref<2x16x512xf32, #tpu.memory_space<vmem>>, vector<1x1x16xf32>,
        %parallel_loop3A_1142 = vector.shape_cast %parallel_loop3A_1141 : vector<1x1x16xf32> to vector<16xf32>
        %parallel_loop3A_1143 = arith.addf %parallel_loop3A_1142, %parallel_loop3A_1105 : vector<16xf32>
        %parallel_loop3A_1144 = arith.constant 0 : i32
        %parallel_loop3A_1145 = arith.index_cast %parallel_loop3A_1144 : i32 to index
        %parallel_loop3A_1146 = arith.index_cast %parallel_loop3A_247 : i32 to index
        %parallel_loop3A_1147 = arith.constant 368 : index
        %parallel_loop3A_1148 = tpu.vector_load %arg11[%parallel_loop3A_1145, %parallel_loop3A_1146, %parallel_loop3A_1147] {strides = array<i32>} : memref<2x16x512xf32, #tpu.memory_space<vmem>>, vector<1x1x16xf32>,
        %parallel_loop3A_1149 = vector.shape_cast %parallel_loop3A_1148 : vector<1x1x16xf32> to vector<16xf32>
        %parallel_loop3A_1150 = arith.mulf %get3A_22, %parallel_loop3A_1149 : vector<16xf32>
        %parallel_loop3A_1151 = arith.addf %parallel_loop3A_1113, %parallel_loop3A_1150 : vector<16xf32>
        %parallel_loop3A_1152 = arith.addf %parallel_loop3A_1143, %parallel_loop3A_1151 : vector<16xf32>
        %parallel_loop3A_1153 = arith.constant 0 : i32
        %parallel_loop3A_1154 = arith.index_cast %parallel_loop3A_1153 : i32 to index
        %parallel_loop3A_1155 = arith.index_cast %parallel_loop3A_247 : i32 to index
        %parallel_loop3A_1156 = arith.constant 368 : index
        %parallel_loop3A_1157 = tpu.vector_load %arg13[%parallel_loop3A_1154, %parallel_loop3A_1155, %parallel_loop3A_1156] {strides = array<i32>} : memref<2x16x512xf32, #tpu.memory_space<vmem>>, vector<1x1x16xf32>,
        %parallel_loop3A_1158 = vector.shape_cast %parallel_loop3A_1157 : vector<1x1x16xf32> to vector<16xf32>
        %parallel_loop3A_1159 = vector.shape_cast %parallel_loop3A_1152 : vector<16xf32> to vector<1x1x16xf32>
        tpu.vector_store %arg13[%parallel_loop3A_1154, %parallel_loop3A_1155, %parallel_loop3A_1156], %parallel_loop3A_1159 {strides = array<i32>} : memref<2x16x512xf32, #tpu.memory_space<vmem>>, vector<1x1x16xf32>,
        %parallel_loop3A_1160 = arith.constant 0 : i32
        %parallel_loop3A_1161 = arith.index_cast %parallel_loop3A_1160 : i32 to index
        %parallel_loop3A_1162 = arith.index_cast %parallel_loop3A_247 : i32 to index
        %parallel_loop3A_1163 = arith.constant 192 : index
        %parallel_loop3A_1164 = tpu.vector_load %arg12[%parallel_loop3A_1161, %parallel_loop3A_1162, %parallel_loop3A_1163] {strides = array<i32>} : memref<2x32x256xi32, #tpu.memory_space<vmem>>, vector<1x1x16xi32>,
        %parallel_loop3A_1165 = vector.shape_cast %parallel_loop3A_1164 : vector<1x1x16xi32> to vector<16xi32>
        %parallel_loop3A_1166 = arith.constant 16 : i32
        %parallel_loop3A_1167 = arith.addi %parallel_loop3A_1166, %parallel_loop3A_247 : i32
        %parallel_loop3A_1168 = arith.constant 0 : i32
        %parallel_loop3A_1169 = arith.index_cast %parallel_loop3A_1168 : i32 to index
        %parallel_loop3A_1170 = arith.index_cast %parallel_loop3A_1167 : i32 to index
        %parallel_loop3A_1171 = arith.constant 192 : index
        %parallel_loop3A_1172 = tpu.vector_load %arg12[%parallel_loop3A_1169, %parallel_loop3A_1170, %parallel_loop3A_1171] {strides = array<i32>} : memref<2x32x256xi32, #tpu.memory_space<vmem>>, vector<1x1x16xi32>,
        %parallel_loop3A_1173 = vector.shape_cast %parallel_loop3A_1172 : vector<1x1x16xi32> to vector<16xi32>
        %parallel_loop3A_1174 = arith.constant 16 : i32
        %parallel_loop3A_1175 = vector.broadcast %parallel_loop3A_1174 : i32 to vector<16xi32>
        %parallel_loop3A_1176 = arith.shli %parallel_loop3A_1165, %parallel_loop3A_1175 : vector<16xi32>
        %parallel_loop3A_1177 = tpu.bitcast %parallel_loop3A_1176 : vector<16xi32> -> vector<16xf32>
        %parallel_loop3A_1178 = arith.constant -65536 : i32
        %parallel_loop3A_1179 = vector.broadcast %parallel_loop3A_1178 : i32 to vector<16xi32>
        %parallel_loop3A_1180 = arith.andi %parallel_loop3A_1165, %parallel_loop3A_1179 : vector<16xi32>
        %parallel_loop3A_1181 = tpu.bitcast %parallel_loop3A_1180 : vector<16xi32> -> vector<16xf32>
        %parallel_loop3A_1182 = arith.constant 16 : i32
        %parallel_loop3A_1183 = vector.broadcast %parallel_loop3A_1182 : i32 to vector<16xi32>
        %parallel_loop3A_1184 = arith.shli %parallel_loop3A_1173, %parallel_loop3A_1183 : vector<16xi32>
        %parallel_loop3A_1185 = tpu.bitcast %parallel_loop3A_1184 : vector<16xi32> -> vector<16xf32>
        %parallel_loop3A_1186 = arith.constant -65536 : i32
        %parallel_loop3A_1187 = vector.broadcast %parallel_loop3A_1186 : i32 to vector<16xi32>
        %parallel_loop3A_1188 = arith.andi %parallel_loop3A_1173, %parallel_loop3A_1187 : vector<16xi32>
        %parallel_loop3A_1189 = tpu.bitcast %parallel_loop3A_1188 : vector<16xi32> -> vector<16xf32>
        %parallel_loop3A_1190 = arith.constant 0 : i32
        %parallel_loop3A_1191 = arith.index_cast %parallel_loop3A_1190 : i32 to index
        %parallel_loop3A_1192 = arith.index_cast %parallel_loop3A_247 : i32 to index
        %parallel_loop3A_1193 = arith.constant 384 : index
        %parallel_loop3A_1194 = tpu.vector_load %arg10[%parallel_loop3A_1191, %parallel_loop3A_1192, %parallel_loop3A_1193] {strides = array<i32>} : memref<2x16x512xf32, #tpu.memory_space<vmem>>, vector<1x1x16xf32>,
        %parallel_loop3A_1195 = vector.shape_cast %parallel_loop3A_1194 : vector<1x1x16xf32> to vector<16xf32>
        %parallel_loop3A_1196 = arith.addf %parallel_loop3A_1195, %parallel_loop3A_1177 : vector<16xf32>
        %parallel_loop3A_1197 = arith.constant 0 : i32
        %parallel_loop3A_1198 = arith.index_cast %parallel_loop3A_1197 : i32 to index
        %parallel_loop3A_1199 = arith.index_cast %parallel_loop3A_247 : i32 to index
        %parallel_loop3A_1200 = arith.constant 384 : index
        %parallel_loop3A_1201 = tpu.vector_load %arg11[%parallel_loop3A_1198, %parallel_loop3A_1199, %parallel_loop3A_1200] {strides = array<i32>} : memref<2x16x512xf32, #tpu.memory_space<vmem>>, vector<1x1x16xf32>,
        %parallel_loop3A_1202 = vector.shape_cast %parallel_loop3A_1201 : vector<1x1x16xf32> to vector<16xf32>
        %parallel_loop3A_1203 = arith.mulf %get3A_22, %parallel_loop3A_1202 : vector<16xf32>
        %parallel_loop3A_1204 = arith.addf %parallel_loop3A_1185, %parallel_loop3A_1203 : vector<16xf32>
        %parallel_loop3A_1205 = arith.addf %parallel_loop3A_1196, %parallel_loop3A_1204 : vector<16xf32>
        %parallel_loop3A_1206 = arith.constant 0 : i32
        %parallel_loop3A_1207 = arith.index_cast %parallel_loop3A_1206 : i32 to index
        %parallel_loop3A_1208 = arith.index_cast %parallel_loop3A_247 : i32 to index
        %parallel_loop3A_1209 = arith.constant 384 : index
        %parallel_loop3A_1210 = tpu.vector_load %arg13[%parallel_loop3A_1207, %parallel_loop3A_1208, %parallel_loop3A_1209] {strides = array<i32>} : memref<2x16x512xf32, #tpu.memory_space<vmem>>, vector<1x1x16xf32>,
        %parallel_loop3A_1211 = vector.shape_cast %parallel_loop3A_1210 : vector<1x1x16xf32> to vector<16xf32>
        %parallel_loop3A_1212 = vector.shape_cast %parallel_loop3A_1205 : vector<16xf32> to vector<1x1x16xf32>
        tpu.vector_store %arg13[%parallel_loop3A_1207, %parallel_loop3A_1208, %parallel_loop3A_1209], %parallel_loop3A_1212 {strides = array<i32>} : memref<2x16x512xf32, #tpu.memory_space<vmem>>, vector<1x1x16xf32>,
        %parallel_loop3A_1213 = arith.constant 0 : i32
        %parallel_loop3A_1214 = arith.index_cast %parallel_loop3A_1213 : i32 to index
        %parallel_loop3A_1215 = arith.index_cast %parallel_loop3A_247 : i32 to index
        %parallel_loop3A_1216 = arith.constant 400 : index
        %parallel_loop3A_1217 = tpu.vector_load %arg10[%parallel_loop3A_1214, %parallel_loop3A_1215, %parallel_loop3A_1216] {strides = array<i32>} : memref<2x16x512xf32, #tpu.memory_space<vmem>>, vector<1x1x16xf32>,
        %parallel_loop3A_1218 = vector.shape_cast %parallel_loop3A_1217 : vector<1x1x16xf32> to vector<16xf32>
        %parallel_loop3A_1219 = arith.addf %parallel_loop3A_1218, %parallel_loop3A_1181 : vector<16xf32>
        %parallel_loop3A_1220 = arith.constant 0 : i32
        %parallel_loop3A_1221 = arith.index_cast %parallel_loop3A_1220 : i32 to index
        %parallel_loop3A_1222 = arith.index_cast %parallel_loop3A_247 : i32 to index
        %parallel_loop3A_1223 = arith.constant 400 : index
        %parallel_loop3A_1224 = tpu.vector_load %arg11[%parallel_loop3A_1221, %parallel_loop3A_1222, %parallel_loop3A_1223] {strides = array<i32>} : memref<2x16x512xf32, #tpu.memory_space<vmem>>, vector<1x1x16xf32>,
        %parallel_loop3A_1225 = vector.shape_cast %parallel_loop3A_1224 : vector<1x1x16xf32> to vector<16xf32>
        %parallel_loop3A_1226 = arith.mulf %get3A_22, %parallel_loop3A_1225 : vector<16xf32>
        %parallel_loop3A_1227 = arith.addf %parallel_loop3A_1189, %parallel_loop3A_1226 : vector<16xf32>
        %parallel_loop3A_1228 = arith.addf %parallel_loop3A_1219, %parallel_loop3A_1227 : vector<16xf32>
        %parallel_loop3A_1229 = arith.constant 0 : i32
        %parallel_loop3A_1230 = arith.index_cast %parallel_loop3A_1229 : i32 to index
        %parallel_loop3A_1231 = arith.index_cast %parallel_loop3A_247 : i32 to index
        %parallel_loop3A_1232 = arith.constant 400 : index
        %parallel_loop3A_1233 = tpu.vector_load %arg13[%parallel_loop3A_1230, %parallel_loop3A_1231, %parallel_loop3A_1232] {strides = array<i32>} : memref<2x16x512xf32, #tpu.memory_space<vmem>>, vector<1x1x16xf32>,
        %parallel_loop3A_1234 = vector.shape_cast %parallel_loop3A_1233 : vector<1x1x16xf32> to vector<16xf32>
        %parallel_loop3A_1235 = vector.shape_cast %parallel_loop3A_1228 : vector<16xf32> to vector<1x1x16xf32>
        tpu.vector_store %arg13[%parallel_loop3A_1230, %parallel_loop3A_1231, %parallel_loop3A_1232], %parallel_loop3A_1235 {strides = array<i32>} : memref<2x16x512xf32, #tpu.memory_space<vmem>>, vector<1x1x16xf32>,
        %parallel_loop3A_1236 = arith.constant 0 : i32
        %parallel_loop3A_1237 = arith.index_cast %parallel_loop3A_1236 : i32 to index
        %parallel_loop3A_1238 = arith.index_cast %parallel_loop3A_247 : i32 to index
        %parallel_loop3A_1239 = arith.constant 208 : index
        %parallel_loop3A_1240 = tpu.vector_load %arg12[%parallel_loop3A_1237, %parallel_loop3A_1238, %parallel_loop3A_1239] {strides = array<i32>} : memref<2x32x256xi32, #tpu.memory_space<vmem>>, vector<1x1x16xi32>,
        %parallel_loop3A_1241 = vector.shape_cast %parallel_loop3A_1240 : vector<1x1x16xi32> to vector<16xi32>
        %parallel_loop3A_1242 = arith.constant 16 : i32
        %parallel_loop3A_1243 = arith.addi %parallel_loop3A_1242, %parallel_loop3A_247 : i32
        %parallel_loop3A_1244 = arith.constant 0 : i32
        %parallel_loop3A_1245 = arith.index_cast %parallel_loop3A_1244 : i32 to index
        %parallel_loop3A_1246 = arith.index_cast %parallel_loop3A_1243 : i32 to index
        %parallel_loop3A_1247 = arith.constant 208 : index
        %parallel_loop3A_1248 = tpu.vector_load %arg12[%parallel_loop3A_1245, %parallel_loop3A_1246, %parallel_loop3A_1247] {strides = array<i32>} : memref<2x32x256xi32, #tpu.memory_space<vmem>>, vector<1x1x16xi32>,
        %parallel_loop3A_1249 = vector.shape_cast %parallel_loop3A_1248 : vector<1x1x16xi32> to vector<16xi32>
        %parallel_loop3A_1250 = arith.constant 16 : i32
        %parallel_loop3A_1251 = vector.broadcast %parallel_loop3A_1250 : i32 to vector<16xi32>
        %parallel_loop3A_1252 = arith.shli %parallel_loop3A_1241, %parallel_loop3A_1251 : vector<16xi32>
        %parallel_loop3A_1253 = tpu.bitcast %parallel_loop3A_1252 : vector<16xi32> -> vector<16xf32>
        %parallel_loop3A_1254 = arith.constant -65536 : i32
        %parallel_loop3A_1255 = vector.broadcast %parallel_loop3A_1254 : i32 to vector<16xi32>
        %parallel_loop3A_1256 = arith.andi %parallel_loop3A_1241, %parallel_loop3A_1255 : vector<16xi32>
        %parallel_loop3A_1257 = tpu.bitcast %parallel_loop3A_1256 : vector<16xi32> -> vector<16xf32>
        %parallel_loop3A_1258 = arith.constant 16 : i32
        %parallel_loop3A_1259 = vector.broadcast %parallel_loop3A_1258 : i32 to vector<16xi32>
        %parallel_loop3A_1260 = arith.shli %parallel_loop3A_1249, %parallel_loop3A_1259 : vector<16xi32>
        %parallel_loop3A_1261 = tpu.bitcast %parallel_loop3A_1260 : vector<16xi32> -> vector<16xf32>
        %parallel_loop3A_1262 = arith.constant -65536 : i32
        %parallel_loop3A_1263 = vector.broadcast %parallel_loop3A_1262 : i32 to vector<16xi32>
        %parallel_loop3A_1264 = arith.andi %parallel_loop3A_1249, %parallel_loop3A_1263 : vector<16xi32>
        %parallel_loop3A_1265 = tpu.bitcast %parallel_loop3A_1264 : vector<16xi32> -> vector<16xf32>
        %parallel_loop3A_1266 = arith.constant 0 : i32
        %parallel_loop3A_1267 = arith.index_cast %parallel_loop3A_1266 : i32 to index
        %parallel_loop3A_1268 = arith.index_cast %parallel_loop3A_247 : i32 to index
        %parallel_loop3A_1269 = arith.constant 416 : index
        %parallel_loop3A_1270 = tpu.vector_load %arg10[%parallel_loop3A_1267, %parallel_loop3A_1268, %parallel_loop3A_1269] {strides = array<i32>} : memref<2x16x512xf32, #tpu.memory_space<vmem>>, vector<1x1x16xf32>,
        %parallel_loop3A_1271 = vector.shape_cast %parallel_loop3A_1270 : vector<1x1x16xf32> to vector<16xf32>
        %parallel_loop3A_1272 = arith.addf %parallel_loop3A_1271, %parallel_loop3A_1253 : vector<16xf32>
        %parallel_loop3A_1273 = arith.constant 0 : i32
        %parallel_loop3A_1274 = arith.index_cast %parallel_loop3A_1273 : i32 to index
        %parallel_loop3A_1275 = arith.index_cast %parallel_loop3A_247 : i32 to index
        %parallel_loop3A_1276 = arith.constant 416 : index
        %parallel_loop3A_1277 = tpu.vector_load %arg11[%parallel_loop3A_1274, %parallel_loop3A_1275, %parallel_loop3A_1276] {strides = array<i32>} : memref<2x16x512xf32, #tpu.memory_space<vmem>>, vector<1x1x16xf32>,
        %parallel_loop3A_1278 = vector.shape_cast %parallel_loop3A_1277 : vector<1x1x16xf32> to vector<16xf32>
        %parallel_loop3A_1279 = arith.mulf %get3A_22, %parallel_loop3A_1278 : vector<16xf32>
        %parallel_loop3A_1280 = arith.addf %parallel_loop3A_1261, %parallel_loop3A_1279 : vector<16xf32>
        %parallel_loop3A_1281 = arith.addf %parallel_loop3A_1272, %parallel_loop3A_1280 : vector<16xf32>
        %parallel_loop3A_1282 = arith.constant 0 : i32
        %parallel_loop3A_1283 = arith.index_cast %parallel_loop3A_1282 : i32 to index
        %parallel_loop3A_1284 = arith.index_cast %parallel_loop3A_247 : i32 to index
        %parallel_loop3A_1285 = arith.constant 416 : index
        %parallel_loop3A_1286 = tpu.vector_load %arg13[%parallel_loop3A_1283, %parallel_loop3A_1284, %parallel_loop3A_1285] {strides = array<i32>} : memref<2x16x512xf32, #tpu.memory_space<vmem>>, vector<1x1x16xf32>,
        %parallel_loop3A_1287 = vector.shape_cast %parallel_loop3A_1286 : vector<1x1x16xf32> to vector<16xf32>
        %parallel_loop3A_1288 = vector.shape_cast %parallel_loop3A_1281 : vector<16xf32> to vector<1x1x16xf32>
        tpu.vector_store %arg13[%parallel_loop3A_1283, %parallel_loop3A_1284, %parallel_loop3A_1285], %parallel_loop3A_1288 {strides = array<i32>} : memref<2x16x512xf32, #tpu.memory_space<vmem>>, vector<1x1x16xf32>,
        %parallel_loop3A_1289 = arith.constant 0 : i32
        %parallel_loop3A_1290 = arith.index_cast %parallel_loop3A_1289 : i32 to index
        %parallel_loop3A_1291 = arith.index_cast %parallel_loop3A_247 : i32 to index
        %parallel_loop3A_1292 = arith.constant 432 : index
        %parallel_loop3A_1293 = tpu.vector_load %arg10[%parallel_loop3A_1290, %parallel_loop3A_1291, %parallel_loop3A_1292] {strides = array<i32>} : memref<2x16x512xf32, #tpu.memory_space<vmem>>, vector<1x1x16xf32>,
        %parallel_loop3A_1294 = vector.shape_cast %parallel_loop3A_1293 : vector<1x1x16xf32> to vector<16xf32>
        %parallel_loop3A_1295 = arith.addf %parallel_loop3A_1294, %parallel_loop3A_1257 : vector<16xf32>
        %parallel_loop3A_1296 = arith.constant 0 : i32
        %parallel_loop3A_1297 = arith.index_cast %parallel_loop3A_1296 : i32 to index
        %parallel_loop3A_1298 = arith.index_cast %parallel_loop3A_247 : i32 to index
        %parallel_loop3A_1299 = arith.constant 432 : index
        %parallel_loop3A_1300 = tpu.vector_load %arg11[%parallel_loop3A_1297, %parallel_loop3A_1298, %parallel_loop3A_1299] {strides = array<i32>} : memref<2x16x512xf32, #tpu.memory_space<vmem>>, vector<1x1x16xf32>,
        %parallel_loop3A_1301 = vector.shape_cast %parallel_loop3A_1300 : vector<1x1x16xf32> to vector<16xf32>
        %parallel_loop3A_1302 = arith.mulf %get3A_22, %parallel_loop3A_1301 : vector<16xf32>
        %parallel_loop3A_1303 = arith.addf %parallel_loop3A_1265, %parallel_loop3A_1302 : vector<16xf32>
        %parallel_loop3A_1304 = arith.addf %parallel_loop3A_1295, %parallel_loop3A_1303 : vector<16xf32>
        %parallel_loop3A_1305 = arith.constant 0 : i32
        %parallel_loop3A_1306 = arith.index_cast %parallel_loop3A_1305 : i32 to index
        %parallel_loop3A_1307 = arith.index_cast %parallel_loop3A_247 : i32 to index
        %parallel_loop3A_1308 = arith.constant 432 : index
        %parallel_loop3A_1309 = tpu.vector_load %arg13[%parallel_loop3A_1306, %parallel_loop3A_1307, %parallel_loop3A_1308] {strides = array<i32>} : memref<2x16x512xf32, #tpu.memory_space<vmem>>, vector<1x1x16xf32>,
        %parallel_loop3A_1310 = vector.shape_cast %parallel_loop3A_1309 : vector<1x1x16xf32> to vector<16xf32>
        %parallel_loop3A_1311 = vector.shape_cast %parallel_loop3A_1304 : vector<16xf32> to vector<1x1x16xf32>
        tpu.vector_store %arg13[%parallel_loop3A_1306, %parallel_loop3A_1307, %parallel_loop3A_1308], %parallel_loop3A_1311 {strides = array<i32>} : memref<2x16x512xf32, #tpu.memory_space<vmem>>, vector<1x1x16xf32>,
        %parallel_loop3A_1312 = arith.constant 0 : i32
        %parallel_loop3A_1313 = arith.index_cast %parallel_loop3A_1312 : i32 to index
        %parallel_loop3A_1314 = arith.index_cast %parallel_loop3A_247 : i32 to index
        %parallel_loop3A_1315 = arith.constant 224 : index
        %parallel_loop3A_1316 = tpu.vector_load %arg12[%parallel_loop3A_1313, %parallel_loop3A_1314, %parallel_loop3A_1315] {strides = array<i32>} : memref<2x32x256xi32, #tpu.memory_space<vmem>>, vector<1x1x16xi32>,
        %parallel_loop3A_1317 = vector.shape_cast %parallel_loop3A_1316 : vector<1x1x16xi32> to vector<16xi32>
        %parallel_loop3A_1318 = arith.constant 16 : i32
        %parallel_loop3A_1319 = arith.addi %parallel_loop3A_1318, %parallel_loop3A_247 : i32
        %parallel_loop3A_1320 = arith.constant 0 : i32
        %parallel_loop3A_1321 = arith.index_cast %parallel_loop3A_1320 : i32 to index
        %parallel_loop3A_1322 = arith.index_cast %parallel_loop3A_1319 : i32 to index
        %parallel_loop3A_1323 = arith.constant 224 : index
        %parallel_loop3A_1324 = tpu.vector_load %arg12[%parallel_loop3A_1321, %parallel_loop3A_1322, %parallel_loop3A_1323] {strides = array<i32>} : memref<2x32x256xi32, #tpu.memory_space<vmem>>, vector<1x1x16xi32>,
        %parallel_loop3A_1325 = vector.shape_cast %parallel_loop3A_1324 : vector<1x1x16xi32> to vector<16xi32>
        %parallel_loop3A_1326 = arith.constant 16 : i32
        %parallel_loop3A_1327 = vector.broadcast %parallel_loop3A_1326 : i32 to vector<16xi32>
        %parallel_loop3A_1328 = arith.shli %parallel_loop3A_1317, %parallel_loop3A_1327 : vector<16xi32>
        %parallel_loop3A_1329 = tpu.bitcast %parallel_loop3A_1328 : vector<16xi32> -> vector<16xf32>
        %parallel_loop3A_1330 = arith.constant -65536 : i32
        %parallel_loop3A_1331 = vector.broadcast %parallel_loop3A_1330 : i32 to vector<16xi32>
        %parallel_loop3A_1332 = arith.andi %parallel_loop3A_1317, %parallel_loop3A_1331 : vector<16xi32>
        %parallel_loop3A_1333 = tpu.bitcast %parallel_loop3A_1332 : vector<16xi32> -> vector<16xf32>
        %parallel_loop3A_1334 = arith.constant 16 : i32
        %parallel_loop3A_1335 = vector.broadcast %parallel_loop3A_1334 : i32 to vector<16xi32>
        %parallel_loop3A_1336 = arith.shli %parallel_loop3A_1325, %parallel_loop3A_1335 : vector<16xi32>
        %parallel_loop3A_1337 = tpu.bitcast %parallel_loop3A_1336 : vector<16xi32> -> vector<16xf32>
        %parallel_loop3A_1338 = arith.constant -65536 : i32
        %parallel_loop3A_1339 = vector.broadcast %parallel_loop3A_1338 : i32 to vector<16xi32>
        %parallel_loop3A_1340 = arith.andi %parallel_loop3A_1325, %parallel_loop3A_1339 : vector<16xi32>
        %parallel_loop3A_1341 = tpu.bitcast %parallel_loop3A_1340 : vector<16xi32> -> vector<16xf32>
        %parallel_loop3A_1342 = arith.constant 0 : i32
        %parallel_loop3A_1343 = arith.index_cast %parallel_loop3A_1342 : i32 to index
        %parallel_loop3A_1344 = arith.index_cast %parallel_loop3A_247 : i32 to index
        %parallel_loop3A_1345 = arith.constant 448 : index
        %parallel_loop3A_1346 = tpu.vector_load %arg10[%parallel_loop3A_1343, %parallel_loop3A_1344, %parallel_loop3A_1345] {strides = array<i32>} : memref<2x16x512xf32, #tpu.memory_space<vmem>>, vector<1x1x16xf32>,
        %parallel_loop3A_1347 = vector.shape_cast %parallel_loop3A_1346 : vector<1x1x16xf32> to vector<16xf32>
        %parallel_loop3A_1348 = arith.addf %parallel_loop3A_1347, %parallel_loop3A_1329 : vector<16xf32>
        %parallel_loop3A_1349 = arith.constant 0 : i32
        %parallel_loop3A_1350 = arith.index_cast %parallel_loop3A_1349 : i32 to index
        %parallel_loop3A_1351 = arith.index_cast %parallel_loop3A_247 : i32 to index
        %parallel_loop3A_1352 = arith.constant 448 : index
        %parallel_loop3A_1353 = tpu.vector_load %arg11[%parallel_loop3A_1350, %parallel_loop3A_1351, %parallel_loop3A_1352] {strides = array<i32>} : memref<2x16x512xf32, #tpu.memory_space<vmem>>, vector<1x1x16xf32>,
        %parallel_loop3A_1354 = vector.shape_cast %parallel_loop3A_1353 : vector<1x1x16xf32> to vector<16xf32>
        %parallel_loop3A_1355 = arith.mulf %get3A_22, %parallel_loop3A_1354 : vector<16xf32>
        %parallel_loop3A_1356 = arith.addf %parallel_loop3A_1337, %parallel_loop3A_1355 : vector<16xf32>
        %parallel_loop3A_1357 = arith.addf %parallel_loop3A_1348, %parallel_loop3A_1356 : vector<16xf32>
        %parallel_loop3A_1358 = arith.constant 0 : i32
        %parallel_loop3A_1359 = arith.index_cast %parallel_loop3A_1358 : i32 to index
        %parallel_loop3A_1360 = arith.index_cast %parallel_loop3A_247 : i32 to index
        %parallel_loop3A_1361 = arith.constant 448 : index
        %parallel_loop3A_1362 = tpu.vector_load %arg13[%parallel_loop3A_1359, %parallel_loop3A_1360, %parallel_loop3A_1361] {strides = array<i32>} : memref<2x16x512xf32, #tpu.memory_space<vmem>>, vector<1x1x16xf32>,
        %parallel_loop3A_1363 = vector.shape_cast %parallel_loop3A_1362 : vector<1x1x16xf32> to vector<16xf32>
        %parallel_loop3A_1364 = vector.shape_cast %parallel_loop3A_1357 : vector<16xf32> to vector<1x1x16xf32>
        tpu.vector_store %arg13[%parallel_loop3A_1359, %parallel_loop3A_1360, %parallel_loop3A_1361], %parallel_loop3A_1364 {strides = array<i32>} : memref<2x16x512xf32, #tpu.memory_space<vmem>>, vector<1x1x16xf32>,
        %parallel_loop3A_1365 = arith.constant 0 : i32
        %parallel_loop3A_1366 = arith.index_cast %parallel_loop3A_1365 : i32 to index
        %parallel_loop3A_1367 = arith.index_cast %parallel_loop3A_247 : i32 to index
        %parallel_loop3A_1368 = arith.constant 464 : index
        %parallel_loop3A_1369 = tpu.vector_load %arg10[%parallel_loop3A_1366, %parallel_loop3A_1367, %parallel_loop3A_1368] {strides = array<i32>} : memref<2x16x512xf32, #tpu.memory_space<vmem>>, vector<1x1x16xf32>,
        %parallel_loop3A_1370 = vector.shape_cast %parallel_loop3A_1369 : vector<1x1x16xf32> to vector<16xf32>
        %parallel_loop3A_1371 = arith.addf %parallel_loop3A_1370, %parallel_loop3A_1333 : vector<16xf32>
        %parallel_loop3A_1372 = arith.constant 0 : i32
        %parallel_loop3A_1373 = arith.index_cast %parallel_loop3A_1372 : i32 to index
        %parallel_loop3A_1374 = arith.index_cast %parallel_loop3A_247 : i32 to index
        %parallel_loop3A_1375 = arith.constant 464 : index
        %parallel_loop3A_1376 = tpu.vector_load %arg11[%parallel_loop3A_1373, %parallel_loop3A_1374, %parallel_loop3A_1375] {strides = array<i32>} : memref<2x16x512xf32, #tpu.memory_space<vmem>>, vector<1x1x16xf32>,
        %parallel_loop3A_1377 = vector.shape_cast %parallel_loop3A_1376 : vector<1x1x16xf32> to vector<16xf32>
        %parallel_loop3A_1378 = arith.mulf %get3A_22, %parallel_loop3A_1377 : vector<16xf32>
        %parallel_loop3A_1379 = arith.addf %parallel_loop3A_1341, %parallel_loop3A_1378 : vector<16xf32>
        %parallel_loop3A_1380 = arith.addf %parallel_loop3A_1371, %parallel_loop3A_1379 : vector<16xf32>
        %parallel_loop3A_1381 = arith.constant 0 : i32
        %parallel_loop3A_1382 = arith.index_cast %parallel_loop3A_1381 : i32 to index
        %parallel_loop3A_1383 = arith.index_cast %parallel_loop3A_247 : i32 to index
        %parallel_loop3A_1384 = arith.constant 464 : index
        %parallel_loop3A_1385 = tpu.vector_load %arg13[%parallel_loop3A_1382, %parallel_loop3A_1383, %parallel_loop3A_1384] {strides = array<i32>} : memref<2x16x512xf32, #tpu.memory_space<vmem>>, vector<1x1x16xf32>,
        %parallel_loop3A_1386 = vector.shape_cast %parallel_loop3A_1385 : vector<1x1x16xf32> to vector<16xf32>
        %parallel_loop3A_1387 = vector.shape_cast %parallel_loop3A_1380 : vector<16xf32> to vector<1x1x16xf32>
        tpu.vector_store %arg13[%parallel_loop3A_1382, %parallel_loop3A_1383, %parallel_loop3A_1384], %parallel_loop3A_1387 {strides = array<i32>} : memref<2x16x512xf32, #tpu.memory_space<vmem>>, vector<1x1x16xf32>,
        %parallel_loop3A_1388 = arith.constant 0 : i32
        %parallel_loop3A_1389 = arith.index_cast %parallel_loop3A_1388 : i32 to index
        %parallel_loop3A_1390 = arith.index_cast %parallel_loop3A_247 : i32 to index
        %parallel_loop3A_1391 = arith.constant 240 : index
        %parallel_loop3A_1392 = tpu.vector_load %arg12[%parallel_loop3A_1389, %parallel_loop3A_1390, %parallel_loop3A_1391] {strides = array<i32>} : memref<2x32x256xi32, #tpu.memory_space<vmem>>, vector<1x1x16xi32>,
        %parallel_loop3A_1393 = vector.shape_cast %parallel_loop3A_1392 : vector<1x1x16xi32> to vector<16xi32>
        %parallel_loop3A_1394 = arith.constant 16 : i32
        %parallel_loop3A_1395 = arith.addi %parallel_loop3A_1394, %parallel_loop3A_247 : i32
        %parallel_loop3A_1396 = arith.constant 0 : i32
        %parallel_loop3A_1397 = arith.index_cast %parallel_loop3A_1396 : i32 to index
        %parallel_loop3A_1398 = arith.index_cast %parallel_loop3A_1395 : i32 to index
        %parallel_loop3A_1399 = arith.constant 240 : index
        %parallel_loop3A_1400 = tpu.vector_load %arg12[%parallel_loop3A_1397, %parallel_loop3A_1398, %parallel_loop3A_1399] {strides = array<i32>} : memref<2x32x256xi32, #tpu.memory_space<vmem>>, vector<1x1x16xi32>,
        %parallel_loop3A_1401 = vector.shape_cast %parallel_loop3A_1400 : vector<1x1x16xi32> to vector<16xi32>
        %parallel_loop3A_1402 = arith.constant 16 : i32
        %parallel_loop3A_1403 = vector.broadcast %parallel_loop3A_1402 : i32 to vector<16xi32>
        %parallel_loop3A_1404 = arith.shli %parallel_loop3A_1393, %parallel_loop3A_1403 : vector<16xi32>
        %parallel_loop3A_1405 = tpu.bitcast %parallel_loop3A_1404 : vector<16xi32> -> vector<16xf32>
        %parallel_loop3A_1406 = arith.constant -65536 : i32
        %parallel_loop3A_1407 = vector.broadcast %parallel_loop3A_1406 : i32 to vector<16xi32>
        %parallel_loop3A_1408 = arith.andi %parallel_loop3A_1393, %parallel_loop3A_1407 : vector<16xi32>
        %parallel_loop3A_1409 = tpu.bitcast %parallel_loop3A_1408 : vector<16xi32> -> vector<16xf32>
        %parallel_loop3A_1410 = arith.constant 16 : i32
        %parallel_loop3A_1411 = vector.broadcast %parallel_loop3A_1410 : i32 to vector<16xi32>
        %parallel_loop3A_1412 = arith.shli %parallel_loop3A_1401, %parallel_loop3A_1411 : vector<16xi32>
        %parallel_loop3A_1413 = tpu.bitcast %parallel_loop3A_1412 : vector<16xi32> -> vector<16xf32>
        %parallel_loop3A_1414 = arith.constant -65536 : i32
        %parallel_loop3A_1415 = vector.broadcast %parallel_loop3A_1414 : i32 to vector<16xi32>
        %parallel_loop3A_1416 = arith.andi %parallel_loop3A_1401, %parallel_loop3A_1415 : vector<16xi32>
        %parallel_loop3A_1417 = tpu.bitcast %parallel_loop3A_1416 : vector<16xi32> -> vector<16xf32>
        %parallel_loop3A_1418 = arith.constant 0 : i32
        %parallel_loop3A_1419 = arith.index_cast %parallel_loop3A_1418 : i32 to index
        %parallel_loop3A_1420 = arith.index_cast %parallel_loop3A_247 : i32 to index
        %parallel_loop3A_1421 = arith.constant 480 : index
        %parallel_loop3A_1422 = tpu.vector_load %arg10[%parallel_loop3A_1419, %parallel_loop3A_1420, %parallel_loop3A_1421] {strides = array<i32>} : memref<2x16x512xf32, #tpu.memory_space<vmem>>, vector<1x1x16xf32>,
        %parallel_loop3A_1423 = vector.shape_cast %parallel_loop3A_1422 : vector<1x1x16xf32> to vector<16xf32>
        %parallel_loop3A_1424 = arith.addf %parallel_loop3A_1423, %parallel_loop3A_1405 : vector<16xf32>
        %parallel_loop3A_1425 = arith.constant 0 : i32
        %parallel_loop3A_1426 = arith.index_cast %parallel_loop3A_1425 : i32 to index
        %parallel_loop3A_1427 = arith.index_cast %parallel_loop3A_247 : i32 to index
        %parallel_loop3A_1428 = arith.constant 480 : index
        %parallel_loop3A_1429 = tpu.vector_load %arg11[%parallel_loop3A_1426, %parallel_loop3A_1427, %parallel_loop3A_1428] {strides = array<i32>} : memref<2x16x512xf32, #tpu.memory_space<vmem>>, vector<1x1x16xf32>,
        %parallel_loop3A_1430 = vector.shape_cast %parallel_loop3A_1429 : vector<1x1x16xf32> to vector<16xf32>
        %parallel_loop3A_1431 = arith.mulf %get3A_22, %parallel_loop3A_1430 : vector<16xf32>
        %parallel_loop3A_1432 = arith.addf %parallel_loop3A_1413, %parallel_loop3A_1431 : vector<16xf32>
        %parallel_loop3A_1433 = arith.addf %parallel_loop3A_1424, %parallel_loop3A_1432 : vector<16xf32>
        %parallel_loop3A_1434 = arith.constant 0 : i32
        %parallel_loop3A_1435 = arith.index_cast %parallel_loop3A_1434 : i32 to index
        %parallel_loop3A_1436 = arith.index_cast %parallel_loop3A_247 : i32 to index
        %parallel_loop3A_1437 = arith.constant 480 : index
        %parallel_loop3A_1438 = tpu.vector_load %arg13[%parallel_loop3A_1435, %parallel_loop3A_1436, %parallel_loop3A_1437] {strides = array<i32>} : memref<2x16x512xf32, #tpu.memory_space<vmem>>, vector<1x1x16xf32>,
        %parallel_loop3A_1439 = vector.shape_cast %parallel_loop3A_1438 : vector<1x1x16xf32> to vector<16xf32>
        %parallel_loop3A_1440 = vector.shape_cast %parallel_loop3A_1433 : vector<16xf32> to vector<1x1x16xf32>
        tpu.vector_store %arg13[%parallel_loop3A_1435, %parallel_loop3A_1436, %parallel_loop3A_1437], %parallel_loop3A_1440 {strides = array<i32>} : memref<2x16x512xf32, #tpu.memory_space<vmem>>, vector<1x1x16xf32>,
        %parallel_loop3A_1441 = arith.constant 0 : i32
        %parallel_loop3A_1442 = arith.index_cast %parallel_loop3A_1441 : i32 to index
        %parallel_loop3A_1443 = arith.index_cast %parallel_loop3A_247 : i32 to index
        %parallel_loop3A_1444 = arith.constant 496 : index
        %parallel_loop3A_1445 = tpu.vector_load %arg10[%parallel_loop3A_1442, %parallel_loop3A_1443, %parallel_loop3A_1444] {strides = array<i32>} : memref<2x16x512xf32, #tpu.memory_space<vmem>>, vector<1x1x16xf32>,
        %parallel_loop3A_1446 = vector.shape_cast %parallel_loop3A_1445 : vector<1x1x16xf32> to vector<16xf32>
        %parallel_loop3A_1447 = arith.addf %parallel_loop3A_1446, %parallel_loop3A_1409 : vector<16xf32>
        %parallel_loop3A_1448 = arith.constant 0 : i32
        %parallel_loop3A_1449 = arith.index_cast %parallel_loop3A_1448 : i32 to index
        %parallel_loop3A_1450 = arith.index_cast %parallel_loop3A_247 : i32 to index
        %parallel_loop3A_1451 = arith.constant 496 : index
        %parallel_loop3A_1452 = tpu.vector_load %arg11[%parallel_loop3A_1449, %parallel_loop3A_1450, %parallel_loop3A_1451] {strides = array<i32>} : memref<2x16x512xf32, #tpu.memory_space<vmem>>, vector<1x1x16xf32>,
        %parallel_loop3A_1453 = vector.shape_cast %parallel_loop3A_1452 : vector<1x1x16xf32> to vector<16xf32>
        %parallel_loop3A_1454 = arith.mulf %get3A_22, %parallel_loop3A_1453 : vector<16xf32>
        %parallel_loop3A_1455 = arith.addf %parallel_loop3A_1417, %parallel_loop3A_1454 : vector<16xf32>
        %parallel_loop3A_1456 = arith.addf %parallel_loop3A_1447, %parallel_loop3A_1455 : vector<16xf32>
        %parallel_loop3A_1457 = arith.constant 0 : i32
        %parallel_loop3A_1458 = arith.index_cast %parallel_loop3A_1457 : i32 to index
        %parallel_loop3A_1459 = arith.index_cast %parallel_loop3A_247 : i32 to index
        %parallel_loop3A_1460 = arith.constant 496 : index
        %parallel_loop3A_1461 = tpu.vector_load %arg13[%parallel_loop3A_1458, %parallel_loop3A_1459, %parallel_loop3A_1460] {strides = array<i32>} : memref<2x16x512xf32, #tpu.memory_space<vmem>>, vector<1x1x16xf32>,
        %parallel_loop3A_1462 = vector.shape_cast %parallel_loop3A_1461 : vector<1x1x16xf32> to vector<16xf32>
        %parallel_loop3A_1463 = vector.shape_cast %parallel_loop3A_1456 : vector<16xf32> to vector<1x1x16xf32>
        tpu.vector_store %arg13[%parallel_loop3A_1458, %parallel_loop3A_1459, %parallel_loop3A_1460], %parallel_loop3A_1463 {strides = array<i32>} : memref<2x16x512xf32, #tpu.memory_space<vmem>>, vector<1x1x16xf32>,
      } {sc.loop_unroll_factor = 2 : i64, sc.parallel_access}
      %mul3A_154 = arith.constant 16 : i32
      %mul3A_155 = arith.muli %add3A_99, %mul3A_154 : i32
      %add3A_156 = arith.addi %mul3A_2, %mul3A_155 : i32
      %dma_start3A_157 = arith.constant 0 : i32
      %dma_start3A_158 = arith.constant 0 : i32
      %dma_start3A_159 = arith.constant 0 : i32
      %dma_start3A_160 = tpu.memref_slice %arg13[%dma_start3A_157, %dma_start3A_158, %dma_start3A_159] : memref<2x16x512xf32, #tpu.memory_space<vmem>> -> memref<1x16x512xf32, #tpu.memory_space<vmem>>
      %dma_start3A_161 = tpu.memref_squeeze %dma_start3A_160 : memref<1x16x512xf32, #tpu.memory_space<vmem>> -> memref<16x512xf32, #tpu.memory_space<vmem>>
      %dma_start3A_162 = arith.constant 0 : i32
      %dma_start3A_163 = tpu.memref_slice %arg7[%add3A_156, %dma_start3A_162] : memref<32768x512xf32, #tpu.memory_space<hbm>> -> memref<16x512xf32, #tpu.memory_space<hbm>>
      %dma_start3A_164 = arith.constant 0 : i32
      %dma_start3A_165 = tpu.memref_slice %arg7[%add3A_156, %dma_start3A_164] : memref<32768x512xf32, #tpu.memory_space<hbm>> -> memref<16x512xf32, #tpu.memory_space<hbm>>
      %dma_start3A_166 = arith.constant 0 : i32
      %dma_start3A_167 = arith.constant 0 : i32
      %dma_start3A_168 = tpu.memref_slice %arg13[%dma_start3A_157, %dma_start3A_166, %dma_start3A_167] : memref<2x16x512xf32, #tpu.memory_space<vmem>> -> memref<1x16x512xf32, #tpu.memory_space<vmem>>
      %dma_start3A_169 = tpu.memref_squeeze %dma_start3A_168 : memref<1x16x512xf32, #tpu.memory_space<vmem>> -> memref<16x512xf32, #tpu.memory_space<vmem>>
      tpu.enqueue_dma source(%dma_start3A_169 : memref<16x512xf32, #tpu.memory_space<vmem>>) target(%dma_start3A_165 : memref<16x512xf32, #tpu.memory_space<hbm>>) target_semaphore(%arg16 : memref<!tpu.dma_semaphore, #tpu.memory_space<semaphore_mem>>)
      %add3A_170 = arith.constant 1 : i32
      %add3A_171 = arith.addi %add3A_97, %add3A_170 : i32
      %mul3A_172 = arith.constant 16 : i32
      %mul3A_173 = arith.muli %add3A_171, %mul3A_172 : i32
      %add3A_174 = arith.addi %mul3A_2, %mul3A_173 : i32
      %mul3A_175 = arith.constant 2 : i32
      %mul3A_176 = arith.muli %add3A_171, %mul3A_175 : i32
      %mul3A_177 = arith.constant 16 : i32
      %mul3A_178 = arith.muli %mul3A_176, %mul3A_177 : i32
      %dma_wait3A_179 = arith.constant 1 : i32
      %dma_wait3A_180 = arith.constant 0 : i32
      %dma_wait3A_181 = arith.constant 0 : i32
      %dma_wait3A_182 = tpu.memref_slice %arg12[%dma_wait3A_179, %dma_wait3A_180, %dma_wait3A_181] : memref<2x32x256xi32, #tpu.memory_space<vmem>> -> memref<1x32x256xi32, #tpu.memory_space<vmem>>
      %dma_wait3A_183 = tpu.memref_squeeze %dma_wait3A_182 : memref<1x32x256xi32, #tpu.memory_space<vmem>> -> memref<32x256xi32, #tpu.memory_space<vmem>>
      %dma_wait3A_184 = tpu.memref_slice %arg8[%mul3A_178] : memref<2048xi32, #tpu.memory_space<vmem>> -> memref<32xi32, #tpu.memory_space<vmem>>
      %dma_wait3A_185 = arith.constant 0 : i32
      %dma_wait3A_186 = arith.constant 0 : i32
      %dma_wait3A_187 = tpu.memref_slice %arg6[%dma_wait3A_185, %dma_wait3A_186] : memref<1256x256xi32, #tpu.memory_space<hbm>> -> memref<1256x256xi32, #tpu.memory_space<hbm>>
      tpu.wait_indirect_dma semaphore(%arg15 : memref<!tpu.dma_semaphore, #tpu.memory_space<semaphore_mem>>) src(%dma_wait3A_187 : memref<1256x256xi32, #tpu.memory_space<hbm>>) dst(%dma_wait3A_183 : memref<32x256xi32, #tpu.memory_space<vmem>>)
      %dma_wait3A_188 = arith.constant 1 : i32
      %dma_wait3A_189 = arith.constant 0 : i32
      %dma_wait3A_190 = arith.constant 0 : i32
      %dma_wait3A_191 = tpu.memref_slice %arg10[%dma_wait3A_188, %dma_wait3A_189, %dma_wait3A_190] : memref<2x16x512xf32, #tpu.memory_space<vmem>> -> memref<1x16x512xf32, #tpu.memory_space<vmem>>
      %dma_wait3A_192 = tpu.memref_squeeze %dma_wait3A_191 : memref<1x16x512xf32, #tpu.memory_space<vmem>> -> memref<16x512xf32, #tpu.memory_space<vmem>>
      %dma_wait3A_193 = arith.constant 0 : i32
      %dma_wait3A_194 = tpu.memref_slice %arg4[%add3A_174, %dma_wait3A_193] : memref<32768x512xf32, #tpu.memory_space<hbm>> -> memref<16x512xf32, #tpu.memory_space<hbm>>
      %dma_wait3A_195 = arith.constant 0 : i32
      %dma_wait3A_196 = arith.constant 0 : i32
      %dma_wait3A_197 = tpu.memref_slice %arg10[%dma_wait3A_188, %dma_wait3A_195, %dma_wait3A_196] : memref<2x16x512xf32, #tpu.memory_space<vmem>> -> memref<1x16x512xf32, #tpu.memory_space<vmem>>
      %dma_wait3A_198 = tpu.memref_squeeze %dma_wait3A_197 : memref<1x16x512xf32, #tpu.memory_space<vmem>> -> memref<16x512xf32, #tpu.memory_space<vmem>>
      %dma_wait3A_199 = arith.constant 0 : i32
      %dma_wait3A_200 = tpu.memref_slice %arg4[%add3A_174, %dma_wait3A_199] : memref<32768x512xf32, #tpu.memory_space<hbm>> -> memref<16x512xf32, #tpu.memory_space<hbm>>
      tpu.wait_dma2 semaphore(%arg15 : memref<!tpu.dma_semaphore, #tpu.memory_space<semaphore_mem>>) src(%dma_wait3A_200 : memref<16x512xf32, #tpu.memory_space<hbm>>) dst(%dma_wait3A_198 : memref<16x512xf32, #tpu.memory_space<vmem>>)
      %dma_wait3A_201 = arith.constant 1 : i32
      %dma_wait3A_202 = arith.constant 0 : i32
      %dma_wait3A_203 = arith.constant 0 : i32
      %dma_wait3A_204 = tpu.memref_slice %arg11[%dma_wait3A_201, %dma_wait3A_202, %dma_wait3A_203] : memref<2x16x512xf32, #tpu.memory_space<vmem>> -> memref<1x16x512xf32, #tpu.memory_space<vmem>>
      %dma_wait3A_205 = tpu.memref_squeeze %dma_wait3A_204 : memref<1x16x512xf32, #tpu.memory_space<vmem>> -> memref<16x512xf32, #tpu.memory_space<vmem>>
      %dma_wait3A_206 = arith.constant 0 : i32
      %dma_wait3A_207 = tpu.memref_slice %arg3[%add3A_174, %dma_wait3A_206] : memref<32768x512xf32, #tpu.memory_space<hbm>> -> memref<16x512xf32, #tpu.memory_space<hbm>>
      %dma_wait3A_208 = arith.constant 0 : i32
      %dma_wait3A_209 = arith.constant 0 : i32
      %dma_wait3A_210 = tpu.memref_slice %arg11[%dma_wait3A_201, %dma_wait3A_208, %dma_wait3A_209] : memref<2x16x512xf32, #tpu.memory_space<vmem>> -> memref<1x16x512xf32, #tpu.memory_space<vmem>>
      %dma_wait3A_211 = tpu.memref_squeeze %dma_wait3A_210 : memref<1x16x512xf32, #tpu.memory_space<vmem>> -> memref<16x512xf32, #tpu.memory_space<vmem>>
      %dma_wait3A_212 = arith.constant 0 : i32
      %dma_wait3A_213 = tpu.memref_slice %arg3[%add3A_174, %dma_wait3A_212] : memref<32768x512xf32, #tpu.memory_space<hbm>> -> memref<16x512xf32, #tpu.memory_space<hbm>>
      tpu.wait_dma2 semaphore(%arg15 : memref<!tpu.dma_semaphore, #tpu.memory_space<semaphore_mem>>) src(%dma_wait3A_213 : memref<16x512xf32, #tpu.memory_space<hbm>>) dst(%dma_wait3A_211 : memref<16x512xf32, #tpu.memory_space<vmem>>)
      %add3A_214 = arith.constant 2 : i32
      %add3A_215 = arith.addi %add3A_171, %add3A_214 : i32
      %sub3A_216 = arith.constant 1 : i32
      %sub3A_217 = arith.subi %add3A_215, %sub3A_216 : i32
      %lt3A_218 = arith.constant 64 : i32
      %lt3A_219 = arith.cmpi slt, %sub3A_217, %lt3A_218 : i32
      %convert_element_type3A_220 = arith.extui %lt3A_219 : i1 to i32
      %cond3A_221 = arith.constant 0 : i32
      %cond3A_222 = arith.cmpi ne, %convert_element_type3A_220, %cond3A_221 : i32
      scf.if %cond3A_222 {
        %add3A_247 = arith.constant 2 : i32
        %add3A_248 = arith.addi %add3A_171, %add3A_247 : i32
        %sub3A_249 = arith.constant 1 : i32
        %sub3A_250 = arith.subi %add3A_248, %sub3A_249 : i32
        %mul3A_251 = arith.constant 16 : i32
        %mul3A_252 = arith.muli %sub3A_250, %mul3A_251 : i32
        %add3A_253 = arith.addi %mul3A_2, %mul3A_252 : i32
        %mul3A_254 = arith.constant 2 : i32
        %mul3A_255 = arith.muli %sub3A_250, %mul3A_254 : i32
        %mul3A_256 = arith.constant 16 : i32
        %mul3A_257 = arith.muli %mul3A_255, %mul3A_256 : i32
        %dma_start3A_258 = arith.constant 0 : i32
        %dma_start3A_259 = arith.constant 0 : i32
        %dma_start3A_260 = arith.constant 0 : i32
        %dma_start3A_261 = tpu.memref_slice %arg12[%dma_start3A_258, %dma_start3A_259, %dma_start3A_260] : memref<2x32x256xi32, #tpu.memory_space<vmem>> -> memref<1x32x256xi32, #tpu.memory_space<vmem>>
        %dma_start3A_262 = tpu.memref_squeeze %dma_start3A_261 : memref<1x32x256xi32, #tpu.memory_space<vmem>> -> memref<32x256xi32, #tpu.memory_space<vmem>>
        %dma_start3A_263 = tpu.memref_slice %arg8[%mul3A_257] : memref<2048xi32, #tpu.memory_space<vmem>> -> memref<32xi32, #tpu.memory_space<vmem>>
        %dma_start3A_264 = arith.constant 0 : i32
        %dma_start3A_265 = arith.constant 0 : i32
        %dma_start3A_266 = tpu.memref_slice %arg6[%dma_start3A_264, %dma_start3A_265] : memref<1256x256xi32, #tpu.memory_space<hbm>> -> memref<1256x256xi32, #tpu.memory_space<hbm>>
        tpu.enqueue_indirect_dma source(%dma_start3A_266 : memref<1256x256xi32, #tpu.memory_space<hbm>>) target(%dma_start3A_262 : memref<32x256xi32, #tpu.memory_space<vmem>>) offsets(%dma_start3A_263 : memref<32xi32, #tpu.memory_space<vmem>>) semaphore(%arg14 : memref<!tpu.dma_semaphore, #tpu.memory_space<semaphore_mem>>)
        %dma_start3A_267 = arith.constant 0 : i32
        %dma_start3A_268 = arith.constant 0 : i32
        %dma_start3A_269 = arith.constant 0 : i32
        %dma_start3A_270 = tpu.memref_slice %arg10[%dma_start3A_267, %dma_start3A_268, %dma_start3A_269] : memref<2x16x512xf32, #tpu.memory_space<vmem>> -> memref<1x16x512xf32, #tpu.memory_space<vmem>>
        %dma_start3A_271 = tpu.memref_squeeze %dma_start3A_270 : memref<1x16x512xf32, #tpu.memory_space<vmem>> -> memref<16x512xf32, #tpu.memory_space<vmem>>
        %dma_start3A_272 = arith.constant 0 : i32
        %dma_start3A_273 = tpu.memref_slice %arg4[%add3A_253, %dma_start3A_272] : memref<32768x512xf32, #tpu.memory_space<hbm>> -> memref<16x512xf32, #tpu.memory_space<hbm>>
        %dma_start3A_274 = arith.constant 0 : i32
        %dma_start3A_275 = arith.constant 0 : i32
        %dma_start3A_276 = tpu.memref_slice %arg10[%dma_start3A_267, %dma_start3A_274, %dma_start3A_275] : memref<2x16x512xf32, #tpu.memory_space<vmem>> -> memref<1x16x512xf32, #tpu.memory_space<vmem>>
        %dma_start3A_277 = tpu.memref_squeeze %dma_start3A_276 : memref<1x16x512xf32, #tpu.memory_space<vmem>> -> memref<16x512xf32, #tpu.memory_space<vmem>>
        %dma_start3A_278 = arith.constant 0 : i32
        %dma_start3A_279 = tpu.memref_slice %arg4[%add3A_253, %dma_start3A_278] : memref<32768x512xf32, #tpu.memory_space<hbm>> -> memref<16x512xf32, #tpu.memory_space<hbm>>
        tpu.enqueue_dma source(%dma_start3A_279 : memref<16x512xf32, #tpu.memory_space<hbm>>) target(%dma_start3A_277 : memref<16x512xf32, #tpu.memory_space<vmem>>) target_semaphore(%arg14 : memref<!tpu.dma_semaphore, #tpu.memory_space<semaphore_mem>>)
        %dma_start3A_280 = arith.constant 0 : i32
        %dma_start3A_281 = arith.constant 0 : i32
        %dma_start3A_282 = arith.constant 0 : i32
        %dma_start3A_283 = tpu.memref_slice %arg11[%dma_start3A_280, %dma_start3A_281, %dma_start3A_282] : memref<2x16x512xf32, #tpu.memory_space<vmem>> -> memref<1x16x512xf32, #tpu.memory_space<vmem>>
        %dma_start3A_284 = tpu.memref_squeeze %dma_start3A_283 : memref<1x16x512xf32, #tpu.memory_space<vmem>> -> memref<16x512xf32, #tpu.memory_space<vmem>>
        %dma_start3A_285 = arith.constant 0 : i32
        %dma_start3A_286 = tpu.memref_slice %arg3[%add3A_253, %dma_start3A_285] : memref<32768x512xf32, #tpu.memory_space<hbm>> -> memref<16x512xf32, #tpu.memory_space<hbm>>
        %dma_start3A_287 = arith.constant 0 : i32
        %dma_start3A_288 = arith.constant 0 : i32
        %dma_start3A_289 = tpu.memref_slice %arg11[%dma_start3A_280, %dma_start3A_287, %dma_start3A_288] : memref<2x16x512xf32, #tpu.memory_space<vmem>> -> memref<1x16x512xf32, #tpu.memory_space<vmem>>
        %dma_start3A_290 = tpu.memref_squeeze %dma_start3A_289 : memref<1x16x512xf32, #tpu.memory_space<vmem>> -> memref<16x512xf32, #tpu.memory_space<vmem>>
        %dma_start3A_291 = arith.constant 0 : i32
        %dma_start3A_292 = tpu.memref_slice %arg3[%add3A_253, %dma_start3A_291] : memref<32768x512xf32, #tpu.memory_space<hbm>> -> memref<16x512xf32, #tpu.memory_space<hbm>>
        tpu.enqueue_dma source(%dma_start3A_292 : memref<16x512xf32, #tpu.memory_space<hbm>>) target(%dma_start3A_290 : memref<16x512xf32, #tpu.memory_space<vmem>>) target_semaphore(%arg14 : memref<!tpu.dma_semaphore, #tpu.memory_space<semaphore_mem>>)
      } else {
      }
      %ge3A_223 = arith.constant 2 : i32
      %ge3A_224 = arith.cmpi sge, %add3A_171, %ge3A_223 : i32
      %convert_element_type3A_225 = arith.extui %ge3A_224 : i1 to i32
      %cond3A_226 = arith.constant 0 : i32
      %cond3A_227 = arith.cmpi ne, %convert_element_type3A_225, %cond3A_226 : i32
      scf.if %cond3A_227 {
        %sub3A_247 = arith.constant 2 : i32
        %sub3A_248 = arith.subi %add3A_171, %sub3A_247 : i32
        %mul3A_249 = arith.constant 16 : i32
        %mul3A_250 = arith.muli %sub3A_248, %mul3A_249 : i32
        %add3A_251 = arith.addi %mul3A_2, %mul3A_250 : i32
        %dma_wait3A_252 = arith.constant 1 : i32
        %dma_wait3A_253 = arith.constant 0 : i32
        %dma_wait3A_254 = arith.constant 0 : i32
        %dma_wait3A_255 = tpu.memref_slice %arg13[%dma_wait3A_252, %dma_wait3A_253, %dma_wait3A_254] : memref<2x16x512xf32, #tpu.memory_space<vmem>> -> memref<1x16x512xf32, #tpu.memory_space<vmem>>
        %dma_wait3A_256 = tpu.memref_squeeze %dma_wait3A_255 : memref<1x16x512xf32, #tpu.memory_space<vmem>> -> memref<16x512xf32, #tpu.memory_space<vmem>>
        %dma_wait3A_257 = arith.constant 0 : i32
        %dma_wait3A_258 = tpu.memref_slice %arg7[%add3A_251, %dma_wait3A_257] : memref<32768x512xf32, #tpu.memory_space<hbm>> -> memref<16x512xf32, #tpu.memory_space<hbm>>
        %dma_wait3A_259 = arith.constant 0 : i32
        %dma_wait3A_260 = tpu.memref_slice %arg7[%add3A_251, %dma_wait3A_259] : memref<32768x512xf32, #tpu.memory_space<hbm>> -> memref<16x512xf32, #tpu.memory_space<hbm>>
        %dma_wait3A_261 = arith.constant 0 : i32
        %dma_wait3A_262 = arith.constant 0 : i32
        %dma_wait3A_263 = tpu.memref_slice %arg13[%dma_wait3A_252, %dma_wait3A_261, %dma_wait3A_262] : memref<2x16x512xf32, #tpu.memory_space<vmem>> -> memref<1x16x512xf32, #tpu.memory_space<vmem>>
        %dma_wait3A_264 = tpu.memref_squeeze %dma_wait3A_263 : memref<1x16x512xf32, #tpu.memory_space<vmem>> -> memref<16x512xf32, #tpu.memory_space<vmem>>
        tpu.wait_dma2 semaphore(%arg17 : memref<!tpu.dma_semaphore, #tpu.memory_space<semaphore_mem>>) src(%dma_wait3A_264 : memref<16x512xf32, #tpu.memory_space<vmem>>) dst(%dma_wait3A_260 : memref<16x512xf32, #tpu.memory_space<hbm>>)
      } else {
      }
      %parallel_loop3A_228 = arith.constant 0 : i32
      %parallel_loop3A_229 = arith.constant 16 : i32
      %parallel_loop3A_230 = arith.constant 1 : i32
      scf.for %parallel_loop3A_247 = %parallel_loop3A_228 to %parallel_loop3A_229 step %parallel_loop3A_230  : i32 {
        %parallel_loop3A_248 = arith.constant 1 : i32
        %parallel_loop3A_249 = arith.index_cast %parallel_loop3A_248 : i32 to index
        %parallel_loop3A_250 = arith.index_cast %parallel_loop3A_247 : i32 to index
        %parallel_loop3A_251 = arith.constant 0 : index
        %parallel_loop3A_252 = tpu.vector_load %arg12[%parallel_loop3A_249, %parallel_loop3A_250, %parallel_loop3A_251] {strides = array<i32>} : memref<2x32x256xi32, #tpu.memory_space<vmem>>, vector<1x1x16xi32>,
        %parallel_loop3A_253 = vector.shape_cast %parallel_loop3A_252 : vector<1x1x16xi32> to vector<16xi32>
        %parallel_loop3A_254 = arith.constant 16 : i32
        %parallel_loop3A_255 = arith.addi %parallel_loop3A_254, %parallel_loop3A_247 : i32
        %parallel_loop3A_256 = arith.constant 1 : i32
        %parallel_loop3A_257 = arith.index_cast %parallel_loop3A_256 : i32 to index
        %parallel_loop3A_258 = arith.index_cast %parallel_loop3A_255 : i32 to index
        %parallel_loop3A_259 = arith.constant 0 : index
        %parallel_loop3A_260 = tpu.vector_load %arg12[%parallel_loop3A_257, %parallel_loop3A_258, %parallel_loop3A_259] {strides = array<i32>} : memref<2x32x256xi32, #tpu.memory_space<vmem>>, vector<1x1x16xi32>,
        %parallel_loop3A_261 = vector.shape_cast %parallel_loop3A_260 : vector<1x1x16xi32> to vector<16xi32>
        %parallel_loop3A_262 = arith.constant 16 : i32
        %parallel_loop3A_263 = vector.broadcast %parallel_loop3A_262 : i32 to vector<16xi32>
        %parallel_loop3A_264 = arith.shli %parallel_loop3A_253, %parallel_loop3A_263 : vector<16xi32>
        %parallel_loop3A_265 = tpu.bitcast %parallel_loop3A_264 : vector<16xi32> -> vector<16xf32>
        %parallel_loop3A_266 = arith.constant -65536 : i32
        %parallel_loop3A_267 = vector.broadcast %parallel_loop3A_266 : i32 to vector<16xi32>
        %parallel_loop3A_268 = arith.andi %parallel_loop3A_253, %parallel_loop3A_267 : vector<16xi32>
        %parallel_loop3A_269 = tpu.bitcast %parallel_loop3A_268 : vector<16xi32> -> vector<16xf32>
        %parallel_loop3A_270 = arith.constant 16 : i32
        %parallel_loop3A_271 = vector.broadcast %parallel_loop3A_270 : i32 to vector<16xi32>
        %parallel_loop3A_272 = arith.shli %parallel_loop3A_261, %parallel_loop3A_271 : vector<16xi32>
        %parallel_loop3A_273 = tpu.bitcast %parallel_loop3A_272 : vector<16xi32> -> vector<16xf32>
        %parallel_loop3A_274 = arith.constant -65536 : i32
        %parallel_loop3A_275 = vector.broadcast %parallel_loop3A_274 : i32 to vector<16xi32>
        %parallel_loop3A_276 = arith.andi %parallel_loop3A_261, %parallel_loop3A_275 : vector<16xi32>
        %parallel_loop3A_277 = tpu.bitcast %parallel_loop3A_276 : vector<16xi32> -> vector<16xf32>
        %parallel_loop3A_278 = arith.constant 1 : i32
        %parallel_loop3A_279 = arith.index_cast %parallel_loop3A_278 : i32 to index
        %parallel_loop3A_280 = arith.index_cast %parallel_loop3A_247 : i32 to index
        %parallel_loop3A_281 = arith.constant 0 : index
        %parallel_loop3A_282 = tpu.vector_load %arg10[%parallel_loop3A_279, %parallel_loop3A_280, %parallel_loop3A_281] {strides = array<i32>} : memref<2x16x512xf32, #tpu.memory_space<vmem>>, vector<1x1x16xf32>,
        %parallel_loop3A_283 = vector.shape_cast %parallel_loop3A_282 : vector<1x1x16xf32> to vector<16xf32>
        %parallel_loop3A_284 = arith.addf %parallel_loop3A_283, %parallel_loop3A_265 : vector<16xf32>
        %parallel_loop3A_285 = arith.constant 1 : i32
        %parallel_loop3A_286 = arith.index_cast %parallel_loop3A_285 : i32 to index
        %parallel_loop3A_287 = arith.index_cast %parallel_loop3A_247 : i32 to index
        %parallel_loop3A_288 = arith.constant 0 : index
        %parallel_loop3A_289 = tpu.vector_load %arg11[%parallel_loop3A_286, %parallel_loop3A_287, %parallel_loop3A_288] {strides = array<i32>} : memref<2x16x512xf32, #tpu.memory_space<vmem>>, vector<1x1x16xf32>,
        %parallel_loop3A_290 = vector.shape_cast %parallel_loop3A_289 : vector<1x1x16xf32> to vector<16xf32>
        %parallel_loop3A_291 = arith.mulf %get3A_22, %parallel_loop3A_290 : vector<16xf32>
        %parallel_loop3A_292 = arith.addf %parallel_loop3A_273, %parallel_loop3A_291 : vector<16xf32>
        %parallel_loop3A_293 = arith.addf %parallel_loop3A_284, %parallel_loop3A_292 : vector<16xf32>
        %parallel_loop3A_294 = arith.constant 1 : i32
        %parallel_loop3A_295 = arith.index_cast %parallel_loop3A_294 : i32 to index
        %parallel_loop3A_296 = arith.index_cast %parallel_loop3A_247 : i32 to index
        %parallel_loop3A_297 = arith.constant 0 : index
        %parallel_loop3A_298 = tpu.vector_load %arg13[%parallel_loop3A_295, %parallel_loop3A_296, %parallel_loop3A_297] {strides = array<i32>} : memref<2x16x512xf32, #tpu.memory_space<vmem>>, vector<1x1x16xf32>,
        %parallel_loop3A_299 = vector.shape_cast %parallel_loop3A_298 : vector<1x1x16xf32> to vector<16xf32>
        %parallel_loop3A_300 = vector.shape_cast %parallel_loop3A_293 : vector<16xf32> to vector<1x1x16xf32>
        tpu.vector_store %arg13[%parallel_loop3A_295, %parallel_loop3A_296, %parallel_loop3A_297], %parallel_loop3A_300 {strides = array<i32>} : memref<2x16x512xf32, #tpu.memory_space<vmem>>, vector<1x1x16xf32>,
        %parallel_loop3A_301 = arith.constant 1 : i32
        %parallel_loop3A_302 = arith.index_cast %parallel_loop3A_301 : i32 to index
        %parallel_loop3A_303 = arith.index_cast %parallel_loop3A_247 : i32 to index
        %parallel_loop3A_304 = arith.constant 16 : index
        %parallel_loop3A_305 = tpu.vector_load %arg10[%parallel_loop3A_302, %parallel_loop3A_303, %parallel_loop3A_304] {strides = array<i32>} : memref<2x16x512xf32, #tpu.memory_space<vmem>>, vector<1x1x16xf32>,
        %parallel_loop3A_306 = vector.shape_cast %parallel_loop3A_305 : vector<1x1x16xf32> to vector<16xf32>
        %parallel_loop3A_307 = arith.addf %parallel_loop3A_306, %parallel_loop3A_269 : vector<16xf32>
        %parallel_loop3A_308 = arith.constant 1 : i32
        %parallel_loop3A_309 = arith.index_cast %parallel_loop3A_308 : i32 to index
        %parallel_loop3A_310 = arith.index_cast %parallel_loop3A_247 : i32 to index
        %parallel_loop3A_311 = arith.constant 16 : index
        %parallel_loop3A_312 = tpu.vector_load %arg11[%parallel_loop3A_309, %parallel_loop3A_310, %parallel_loop3A_311] {strides = array<i32>} : memref<2x16x512xf32, #tpu.memory_space<vmem>>, vector<1x1x16xf32>,
        %parallel_loop3A_313 = vector.shape_cast %parallel_loop3A_312 : vector<1x1x16xf32> to vector<16xf32>
        %parallel_loop3A_314 = arith.mulf %get3A_22, %parallel_loop3A_313 : vector<16xf32>
        %parallel_loop3A_315 = arith.addf %parallel_loop3A_277, %parallel_loop3A_314 : vector<16xf32>
        %parallel_loop3A_316 = arith.addf %parallel_loop3A_307, %parallel_loop3A_315 : vector<16xf32>
        %parallel_loop3A_317 = arith.constant 1 : i32
        %parallel_loop3A_318 = arith.index_cast %parallel_loop3A_317 : i32 to index
        %parallel_loop3A_319 = arith.index_cast %parallel_loop3A_247 : i32 to index
        %parallel_loop3A_320 = arith.constant 16 : index
        %parallel_loop3A_321 = tpu.vector_load %arg13[%parallel_loop3A_318, %parallel_loop3A_319, %parallel_loop3A_320] {strides = array<i32>} : memref<2x16x512xf32, #tpu.memory_space<vmem>>, vector<1x1x16xf32>,
        %parallel_loop3A_322 = vector.shape_cast %parallel_loop3A_321 : vector<1x1x16xf32> to vector<16xf32>
        %parallel_loop3A_323 = vector.shape_cast %parallel_loop3A_316 : vector<16xf32> to vector<1x1x16xf32>
        tpu.vector_store %arg13[%parallel_loop3A_318, %parallel_loop3A_319, %parallel_loop3A_320], %parallel_loop3A_323 {strides = array<i32>} : memref<2x16x512xf32, #tpu.memory_space<vmem>>, vector<1x1x16xf32>,
        %parallel_loop3A_324 = arith.constant 1 : i32
        %parallel_loop3A_325 = arith.index_cast %parallel_loop3A_324 : i32 to index
        %parallel_loop3A_326 = arith.index_cast %parallel_loop3A_247 : i32 to index
        %parallel_loop3A_327 = arith.constant 16 : index
        %parallel_loop3A_328 = tpu.vector_load %arg12[%parallel_loop3A_325, %parallel_loop3A_326, %parallel_loop3A_327] {strides = array<i32>} : memref<2x32x256xi32, #tpu.memory_space<vmem>>, vector<1x1x16xi32>,
        %parallel_loop3A_329 = vector.shape_cast %parallel_loop3A_328 : vector<1x1x16xi32> to vector<16xi32>
        %parallel_loop3A_330 = arith.constant 16 : i32
        %parallel_loop3A_331 = arith.addi %parallel_loop3A_330, %parallel_loop3A_247 : i32
        %parallel_loop3A_332 = arith.constant 1 : i32
        %parallel_loop3A_333 = arith.index_cast %parallel_loop3A_332 : i32 to index
        %parallel_loop3A_334 = arith.index_cast %parallel_loop3A_331 : i32 to index
        %parallel_loop3A_335 = arith.constant 16 : index
        %parallel_loop3A_336 = tpu.vector_load %arg12[%parallel_loop3A_333, %parallel_loop3A_334, %parallel_loop3A_335] {strides = array<i32>} : memref<2x32x256xi32, #tpu.memory_space<vmem>>, vector<1x1x16xi32>,
        %parallel_loop3A_337 = vector.shape_cast %parallel_loop3A_336 : vector<1x1x16xi32> to vector<16xi32>
        %parallel_loop3A_338 = arith.constant 16 : i32
        %parallel_loop3A_339 = vector.broadcast %parallel_loop3A_338 : i32 to vector<16xi32>
        %parallel_loop3A_340 = arith.shli %parallel_loop3A_329, %parallel_loop3A_339 : vector<16xi32>
        %parallel_loop3A_341 = tpu.bitcast %parallel_loop3A_340 : vector<16xi32> -> vector<16xf32>
        %parallel_loop3A_342 = arith.constant -65536 : i32
        %parallel_loop3A_343 = vector.broadcast %parallel_loop3A_342 : i32 to vector<16xi32>
        %parallel_loop3A_344 = arith.andi %parallel_loop3A_329, %parallel_loop3A_343 : vector<16xi32>
        %parallel_loop3A_345 = tpu.bitcast %parallel_loop3A_344 : vector<16xi32> -> vector<16xf32>
        %parallel_loop3A_346 = arith.constant 16 : i32
        %parallel_loop3A_347 = vector.broadcast %parallel_loop3A_346 : i32 to vector<16xi32>
        %parallel_loop3A_348 = arith.shli %parallel_loop3A_337, %parallel_loop3A_347 : vector<16xi32>
        %parallel_loop3A_349 = tpu.bitcast %parallel_loop3A_348 : vector<16xi32> -> vector<16xf32>
        %parallel_loop3A_350 = arith.constant -65536 : i32
        %parallel_loop3A_351 = vector.broadcast %parallel_loop3A_350 : i32 to vector<16xi32>
        %parallel_loop3A_352 = arith.andi %parallel_loop3A_337, %parallel_loop3A_351 : vector<16xi32>
        %parallel_loop3A_353 = tpu.bitcast %parallel_loop3A_352 : vector<16xi32> -> vector<16xf32>
        %parallel_loop3A_354 = arith.constant 1 : i32
        %parallel_loop3A_355 = arith.index_cast %parallel_loop3A_354 : i32 to index
        %parallel_loop3A_356 = arith.index_cast %parallel_loop3A_247 : i32 to index
        %parallel_loop3A_357 = arith.constant 32 : index
        %parallel_loop3A_358 = tpu.vector_load %arg10[%parallel_loop3A_355, %parallel_loop3A_356, %parallel_loop3A_357] {strides = array<i32>} : memref<2x16x512xf32, #tpu.memory_space<vmem>>, vector<1x1x16xf32>,
        %parallel_loop3A_359 = vector.shape_cast %parallel_loop3A_358 : vector<1x1x16xf32> to vector<16xf32>
        %parallel_loop3A_360 = arith.addf %parallel_loop3A_359, %parallel_loop3A_341 : vector<16xf32>
        %parallel_loop3A_361 = arith.constant 1 : i32
        %parallel_loop3A_362 = arith.index_cast %parallel_loop3A_361 : i32 to index
        %parallel_loop3A_363 = arith.index_cast %parallel_loop3A_247 : i32 to index
        %parallel_loop3A_364 = arith.constant 32 : index
        %parallel_loop3A_365 = tpu.vector_load %arg11[%parallel_loop3A_362, %parallel_loop3A_363, %parallel_loop3A_364] {strides = array<i32>} : memref<2x16x512xf32, #tpu.memory_space<vmem>>, vector<1x1x16xf32>,
        %parallel_loop3A_366 = vector.shape_cast %parallel_loop3A_365 : vector<1x1x16xf32> to vector<16xf32>
        %parallel_loop3A_367 = arith.mulf %get3A_22, %parallel_loop3A_366 : vector<16xf32>
        %parallel_loop3A_368 = arith.addf %parallel_loop3A_349, %parallel_loop3A_367 : vector<16xf32>
        %parallel_loop3A_369 = arith.addf %parallel_loop3A_360, %parallel_loop3A_368 : vector<16xf32>
        %parallel_loop3A_370 = arith.constant 1 : i32
        %parallel_loop3A_371 = arith.index_cast %parallel_loop3A_370 : i32 to index
        %parallel_loop3A_372 = arith.index_cast %parallel_loop3A_247 : i32 to index
        %parallel_loop3A_373 = arith.constant 32 : index
        %parallel_loop3A_374 = tpu.vector_load %arg13[%parallel_loop3A_371, %parallel_loop3A_372, %parallel_loop3A_373] {strides = array<i32>} : memref<2x16x512xf32, #tpu.memory_space<vmem>>, vector<1x1x16xf32>,
        %parallel_loop3A_375 = vector.shape_cast %parallel_loop3A_374 : vector<1x1x16xf32> to vector<16xf32>
        %parallel_loop3A_376 = vector.shape_cast %parallel_loop3A_369 : vector<16xf32> to vector<1x1x16xf32>
        tpu.vector_store %arg13[%parallel_loop3A_371, %parallel_loop3A_372, %parallel_loop3A_373], %parallel_loop3A_376 {strides = array<i32>} : memref<2x16x512xf32, #tpu.memory_space<vmem>>, vector<1x1x16xf32>,
        %parallel_loop3A_377 = arith.constant 1 : i32
        %parallel_loop3A_378 = arith.index_cast %parallel_loop3A_377 : i32 to index
        %parallel_loop3A_379 = arith.index_cast %parallel_loop3A_247 : i32 to index
        %parallel_loop3A_380 = arith.constant 48 : index
        %parallel_loop3A_381 = tpu.vector_load %arg10[%parallel_loop3A_378, %parallel_loop3A_379, %parallel_loop3A_380] {strides = array<i32>} : memref<2x16x512xf32, #tpu.memory_space<vmem>>, vector<1x1x16xf32>,
        %parallel_loop3A_382 = vector.shape_cast %parallel_loop3A_381 : vector<1x1x16xf32> to vector<16xf32>
        %parallel_loop3A_383 = arith.addf %parallel_loop3A_382, %parallel_loop3A_345 : vector<16xf32>
        %parallel_loop3A_384 = arith.constant 1 : i32
        %parallel_loop3A_385 = arith.index_cast %parallel_loop3A_384 : i32 to index
        %parallel_loop3A_386 = arith.index_cast %parallel_loop3A_247 : i32 to index
        %parallel_loop3A_387 = arith.constant 48 : index
        %parallel_loop3A_388 = tpu.vector_load %arg11[%parallel_loop3A_385, %parallel_loop3A_386, %parallel_loop3A_387] {strides = array<i32>} : memref<2x16x512xf32, #tpu.memory_space<vmem>>, vector<1x1x16xf32>,
        %parallel_loop3A_389 = vector.shape_cast %parallel_loop3A_388 : vector<1x1x16xf32> to vector<16xf32>
        %parallel_loop3A_390 = arith.mulf %get3A_22, %parallel_loop3A_389 : vector<16xf32>
        %parallel_loop3A_391 = arith.addf %parallel_loop3A_353, %parallel_loop3A_390 : vector<16xf32>
        %parallel_loop3A_392 = arith.addf %parallel_loop3A_383, %parallel_loop3A_391 : vector<16xf32>
        %parallel_loop3A_393 = arith.constant 1 : i32
        %parallel_loop3A_394 = arith.index_cast %parallel_loop3A_393 : i32 to index
        %parallel_loop3A_395 = arith.index_cast %parallel_loop3A_247 : i32 to index
        %parallel_loop3A_396 = arith.constant 48 : index
        %parallel_loop3A_397 = tpu.vector_load %arg13[%parallel_loop3A_394, %parallel_loop3A_395, %parallel_loop3A_396] {strides = array<i32>} : memref<2x16x512xf32, #tpu.memory_space<vmem>>, vector<1x1x16xf32>,
        %parallel_loop3A_398 = vector.shape_cast %parallel_loop3A_397 : vector<1x1x16xf32> to vector<16xf32>
        %parallel_loop3A_399 = vector.shape_cast %parallel_loop3A_392 : vector<16xf32> to vector<1x1x16xf32>
        tpu.vector_store %arg13[%parallel_loop3A_394, %parallel_loop3A_395, %parallel_loop3A_396], %parallel_loop3A_399 {strides = array<i32>} : memref<2x16x512xf32, #tpu.memory_space<vmem>>, vector<1x1x16xf32>,
        %parallel_loop3A_400 = arith.constant 1 : i32
        %parallel_loop3A_401 = arith.index_cast %parallel_loop3A_400 : i32 to index
        %parallel_loop3A_402 = arith.index_cast %parallel_loop3A_247 : i32 to index
        %parallel_loop3A_403 = arith.constant 32 : index
        %parallel_loop3A_404 = tpu.vector_load %arg12[%parallel_loop3A_401, %parallel_loop3A_402, %parallel_loop3A_403] {strides = array<i32>} : memref<2x32x256xi32, #tpu.memory_space<vmem>>, vector<1x1x16xi32>,
        %parallel_loop3A_405 = vector.shape_cast %parallel_loop3A_404 : vector<1x1x16xi32> to vector<16xi32>
        %parallel_loop3A_406 = arith.constant 16 : i32
        %parallel_loop3A_407 = arith.addi %parallel_loop3A_406, %parallel_loop3A_247 : i32
        %parallel_loop3A_408 = arith.constant 1 : i32
        %parallel_loop3A_409 = arith.index_cast %parallel_loop3A_408 : i32 to index
        %parallel_loop3A_410 = arith.index_cast %parallel_loop3A_407 : i32 to index
        %parallel_loop3A_411 = arith.constant 32 : index
        %parallel_loop3A_412 = tpu.vector_load %arg12[%parallel_loop3A_409, %parallel_loop3A_410, %parallel_loop3A_411] {strides = array<i32>} : memref<2x32x256xi32, #tpu.memory_space<vmem>>, vector<1x1x16xi32>,
        %parallel_loop3A_413 = vector.shape_cast %parallel_loop3A_412 : vector<1x1x16xi32> to vector<16xi32>
        %parallel_loop3A_414 = arith.constant 16 : i32
        %parallel_loop3A_415 = vector.broadcast %parallel_loop3A_414 : i32 to vector<16xi32>
        %parallel_loop3A_416 = arith.shli %parallel_loop3A_405, %parallel_loop3A_415 : vector<16xi32>
        %parallel_loop3A_417 = tpu.bitcast %parallel_loop3A_416 : vector<16xi32> -> vector<16xf32>
        %parallel_loop3A_418 = arith.constant -65536 : i32
        %parallel_loop3A_419 = vector.broadcast %parallel_loop3A_418 : i32 to vector<16xi32>
        %parallel_loop3A_420 = arith.andi %parallel_loop3A_405, %parallel_loop3A_419 : vector<16xi32>
        %parallel_loop3A_421 = tpu.bitcast %parallel_loop3A_420 : vector<16xi32> -> vector<16xf32>
        %parallel_loop3A_422 = arith.constant 16 : i32
        %parallel_loop3A_423 = vector.broadcast %parallel_loop3A_422 : i32 to vector<16xi32>
        %parallel_loop3A_424 = arith.shli %parallel_loop3A_413, %parallel_loop3A_423 : vector<16xi32>
        %parallel_loop3A_425 = tpu.bitcast %parallel_loop3A_424 : vector<16xi32> -> vector<16xf32>
        %parallel_loop3A_426 = arith.constant -65536 : i32
        %parallel_loop3A_427 = vector.broadcast %parallel_loop3A_426 : i32 to vector<16xi32>
        %parallel_loop3A_428 = arith.andi %parallel_loop3A_413, %parallel_loop3A_427 : vector<16xi32>
        %parallel_loop3A_429 = tpu.bitcast %parallel_loop3A_428 : vector<16xi32> -> vector<16xf32>
        %parallel_loop3A_430 = arith.constant 1 : i32
        %parallel_loop3A_431 = arith.index_cast %parallel_loop3A_430 : i32 to index
        %parallel_loop3A_432 = arith.index_cast %parallel_loop3A_247 : i32 to index
        %parallel_loop3A_433 = arith.constant 64 : index
        %parallel_loop3A_434 = tpu.vector_load %arg10[%parallel_loop3A_431, %parallel_loop3A_432, %parallel_loop3A_433] {strides = array<i32>} : memref<2x16x512xf32, #tpu.memory_space<vmem>>, vector<1x1x16xf32>,
        %parallel_loop3A_435 = vector.shape_cast %parallel_loop3A_434 : vector<1x1x16xf32> to vector<16xf32>
        %parallel_loop3A_436 = arith.addf %parallel_loop3A_435, %parallel_loop3A_417 : vector<16xf32>
        %parallel_loop3A_437 = arith.constant 1 : i32
        %parallel_loop3A_438 = arith.index_cast %parallel_loop3A_437 : i32 to index
        %parallel_loop3A_439 = arith.index_cast %parallel_loop3A_247 : i32 to index
        %parallel_loop3A_440 = arith.constant 64 : index
        %parallel_loop3A_441 = tpu.vector_load %arg11[%parallel_loop3A_438, %parallel_loop3A_439, %parallel_loop3A_440] {strides = array<i32>} : memref<2x16x512xf32, #tpu.memory_space<vmem>>, vector<1x1x16xf32>,
        %parallel_loop3A_442 = vector.shape_cast %parallel_loop3A_441 : vector<1x1x16xf32> to vector<16xf32>
        %parallel_loop3A_443 = arith.mulf %get3A_22, %parallel_loop3A_442 : vector<16xf32>
        %parallel_loop3A_444 = arith.addf %parallel_loop3A_425, %parallel_loop3A_443 : vector<16xf32>
        %parallel_loop3A_445 = arith.addf %parallel_loop3A_436, %parallel_loop3A_444 : vector<16xf32>
        %parallel_loop3A_446 = arith.constant 1 : i32
        %parallel_loop3A_447 = arith.index_cast %parallel_loop3A_446 : i32 to index
        %parallel_loop3A_448 = arith.index_cast %parallel_loop3A_247 : i32 to index
        %parallel_loop3A_449 = arith.constant 64 : index
        %parallel_loop3A_450 = tpu.vector_load %arg13[%parallel_loop3A_447, %parallel_loop3A_448, %parallel_loop3A_449] {strides = array<i32>} : memref<2x16x512xf32, #tpu.memory_space<vmem>>, vector<1x1x16xf32>,
        %parallel_loop3A_451 = vector.shape_cast %parallel_loop3A_450 : vector<1x1x16xf32> to vector<16xf32>
        %parallel_loop3A_452 = vector.shape_cast %parallel_loop3A_445 : vector<16xf32> to vector<1x1x16xf32>
        tpu.vector_store %arg13[%parallel_loop3A_447, %parallel_loop3A_448, %parallel_loop3A_449], %parallel_loop3A_452 {strides = array<i32>} : memref<2x16x512xf32, #tpu.memory_space<vmem>>, vector<1x1x16xf32>,
        %parallel_loop3A_453 = arith.constant 1 : i32
        %parallel_loop3A_454 = arith.index_cast %parallel_loop3A_453 : i32 to index
        %parallel_loop3A_455 = arith.index_cast %parallel_loop3A_247 : i32 to index
        %parallel_loop3A_456 = arith.constant 80 : index
        %parallel_loop3A_457 = tpu.vector_load %arg10[%parallel_loop3A_454, %parallel_loop3A_455, %parallel_loop3A_456] {strides = array<i32>} : memref<2x16x512xf32, #tpu.memory_space<vmem>>, vector<1x1x16xf32>,
        %parallel_loop3A_458 = vector.shape_cast %parallel_loop3A_457 : vector<1x1x16xf32> to vector<16xf32>
        %parallel_loop3A_459 = arith.addf %parallel_loop3A_458, %parallel_loop3A_421 : vector<16xf32>
        %parallel_loop3A_460 = arith.constant 1 : i32
        %parallel_loop3A_461 = arith.index_cast %parallel_loop3A_460 : i32 to index
        %parallel_loop3A_462 = arith.index_cast %parallel_loop3A_247 : i32 to index
        %parallel_loop3A_463 = arith.constant 80 : index
        %parallel_loop3A_464 = tpu.vector_load %arg11[%parallel_loop3A_461, %parallel_loop3A_462, %parallel_loop3A_463] {strides = array<i32>} : memref<2x16x512xf32, #tpu.memory_space<vmem>>, vector<1x1x16xf32>,
        %parallel_loop3A_465 = vector.shape_cast %parallel_loop3A_464 : vector<1x1x16xf32> to vector<16xf32>
        %parallel_loop3A_466 = arith.mulf %get3A_22, %parallel_loop3A_465 : vector<16xf32>
        %parallel_loop3A_467 = arith.addf %parallel_loop3A_429, %parallel_loop3A_466 : vector<16xf32>
        %parallel_loop3A_468 = arith.addf %parallel_loop3A_459, %parallel_loop3A_467 : vector<16xf32>
        %parallel_loop3A_469 = arith.constant 1 : i32
        %parallel_loop3A_470 = arith.index_cast %parallel_loop3A_469 : i32 to index
        %parallel_loop3A_471 = arith.index_cast %parallel_loop3A_247 : i32 to index
        %parallel_loop3A_472 = arith.constant 80 : index
        %parallel_loop3A_473 = tpu.vector_load %arg13[%parallel_loop3A_470, %parallel_loop3A_471, %parallel_loop3A_472] {strides = array<i32>} : memref<2x16x512xf32, #tpu.memory_space<vmem>>, vector<1x1x16xf32>,
        %parallel_loop3A_474 = vector.shape_cast %parallel_loop3A_473 : vector<1x1x16xf32> to vector<16xf32>
        %parallel_loop3A_475 = vector.shape_cast %parallel_loop3A_468 : vector<16xf32> to vector<1x1x16xf32>
        tpu.vector_store %arg13[%parallel_loop3A_470, %parallel_loop3A_471, %parallel_loop3A_472], %parallel_loop3A_475 {strides = array<i32>} : memref<2x16x512xf32, #tpu.memory_space<vmem>>, vector<1x1x16xf32>,
        %parallel_loop3A_476 = arith.constant 1 : i32
        %parallel_loop3A_477 = arith.index_cast %parallel_loop3A_476 : i32 to index
        %parallel_loop3A_478 = arith.index_cast %parallel_loop3A_247 : i32 to index
        %parallel_loop3A_479 = arith.constant 48 : index
        %parallel_loop3A_480 = tpu.vector_load %arg12[%parallel_loop3A_477, %parallel_loop3A_478, %parallel_loop3A_479] {strides = array<i32>} : memref<2x32x256xi32, #tpu.memory_space<vmem>>, vector<1x1x16xi32>,
        %parallel_loop3A_481 = vector.shape_cast %parallel_loop3A_480 : vector<1x1x16xi32> to vector<16xi32>
        %parallel_loop3A_482 = arith.constant 16 : i32
        %parallel_loop3A_483 = arith.addi %parallel_loop3A_482, %parallel_loop3A_247 : i32
        %parallel_loop3A_484 = arith.constant 1 : i32
        %parallel_loop3A_485 = arith.index_cast %parallel_loop3A_484 : i32 to index
        %parallel_loop3A_486 = arith.index_cast %parallel_loop3A_483 : i32 to index
        %parallel_loop3A_487 = arith.constant 48 : index
        %parallel_loop3A_488 = tpu.vector_load %arg12[%parallel_loop3A_485, %parallel_loop3A_486, %parallel_loop3A_487] {strides = array<i32>} : memref<2x32x256xi32, #tpu.memory_space<vmem>>, vector<1x1x16xi32>,
        %parallel_loop3A_489 = vector.shape_cast %parallel_loop3A_488 : vector<1x1x16xi32> to vector<16xi32>
        %parallel_loop3A_490 = arith.constant 16 : i32
        %parallel_loop3A_491 = vector.broadcast %parallel_loop3A_490 : i32 to vector<16xi32>
        %parallel_loop3A_492 = arith.shli %parallel_loop3A_481, %parallel_loop3A_491 : vector<16xi32>
        %parallel_loop3A_493 = tpu.bitcast %parallel_loop3A_492 : vector<16xi32> -> vector<16xf32>
        %parallel_loop3A_494 = arith.constant -65536 : i32
        %parallel_loop3A_495 = vector.broadcast %parallel_loop3A_494 : i32 to vector<16xi32>
        %parallel_loop3A_496 = arith.andi %parallel_loop3A_481, %parallel_loop3A_495 : vector<16xi32>
        %parallel_loop3A_497 = tpu.bitcast %parallel_loop3A_496 : vector<16xi32> -> vector<16xf32>
        %parallel_loop3A_498 = arith.constant 16 : i32
        %parallel_loop3A_499 = vector.broadcast %parallel_loop3A_498 : i32 to vector<16xi32>
        %parallel_loop3A_500 = arith.shli %parallel_loop3A_489, %parallel_loop3A_499 : vector<16xi32>
        %parallel_loop3A_501 = tpu.bitcast %parallel_loop3A_500 : vector<16xi32> -> vector<16xf32>
        %parallel_loop3A_502 = arith.constant -65536 : i32
        %parallel_loop3A_503 = vector.broadcast %parallel_loop3A_502 : i32 to vector<16xi32>
        %parallel_loop3A_504 = arith.andi %parallel_loop3A_489, %parallel_loop3A_503 : vector<16xi32>
        %parallel_loop3A_505 = tpu.bitcast %parallel_loop3A_504 : vector<16xi32> -> vector<16xf32>
        %parallel_loop3A_506 = arith.constant 1 : i32
        %parallel_loop3A_507 = arith.index_cast %parallel_loop3A_506 : i32 to index
        %parallel_loop3A_508 = arith.index_cast %parallel_loop3A_247 : i32 to index
        %parallel_loop3A_509 = arith.constant 96 : index
        %parallel_loop3A_510 = tpu.vector_load %arg10[%parallel_loop3A_507, %parallel_loop3A_508, %parallel_loop3A_509] {strides = array<i32>} : memref<2x16x512xf32, #tpu.memory_space<vmem>>, vector<1x1x16xf32>,
        %parallel_loop3A_511 = vector.shape_cast %parallel_loop3A_510 : vector<1x1x16xf32> to vector<16xf32>
        %parallel_loop3A_512 = arith.addf %parallel_loop3A_511, %parallel_loop3A_493 : vector<16xf32>
        %parallel_loop3A_513 = arith.constant 1 : i32
        %parallel_loop3A_514 = arith.index_cast %parallel_loop3A_513 : i32 to index
        %parallel_loop3A_515 = arith.index_cast %parallel_loop3A_247 : i32 to index
        %parallel_loop3A_516 = arith.constant 96 : index
        %parallel_loop3A_517 = tpu.vector_load %arg11[%parallel_loop3A_514, %parallel_loop3A_515, %parallel_loop3A_516] {strides = array<i32>} : memref<2x16x512xf32, #tpu.memory_space<vmem>>, vector<1x1x16xf32>,
        %parallel_loop3A_518 = vector.shape_cast %parallel_loop3A_517 : vector<1x1x16xf32> to vector<16xf32>
        %parallel_loop3A_519 = arith.mulf %get3A_22, %parallel_loop3A_518 : vector<16xf32>
        %parallel_loop3A_520 = arith.addf %parallel_loop3A_501, %parallel_loop3A_519 : vector<16xf32>
        %parallel_loop3A_521 = arith.addf %parallel_loop3A_512, %parallel_loop3A_520 : vector<16xf32>
        %parallel_loop3A_522 = arith.constant 1 : i32
        %parallel_loop3A_523 = arith.index_cast %parallel_loop3A_522 : i32 to index
        %parallel_loop3A_524 = arith.index_cast %parallel_loop3A_247 : i32 to index
        %parallel_loop3A_525 = arith.constant 96 : index
        %parallel_loop3A_526 = tpu.vector_load %arg13[%parallel_loop3A_523, %parallel_loop3A_524, %parallel_loop3A_525] {strides = array<i32>} : memref<2x16x512xf32, #tpu.memory_space<vmem>>, vector<1x1x16xf32>,
        %parallel_loop3A_527 = vector.shape_cast %parallel_loop3A_526 : vector<1x1x16xf32> to vector<16xf32>
        %parallel_loop3A_528 = vector.shape_cast %parallel_loop3A_521 : vector<16xf32> to vector<1x1x16xf32>
        tpu.vector_store %arg13[%parallel_loop3A_523, %parallel_loop3A_524, %parallel_loop3A_525], %parallel_loop3A_528 {strides = array<i32>} : memref<2x16x512xf32, #tpu.memory_space<vmem>>, vector<1x1x16xf32>,
        %parallel_loop3A_529 = arith.constant 1 : i32
        %parallel_loop3A_530 = arith.index_cast %parallel_loop3A_529 : i32 to index
        %parallel_loop3A_531 = arith.index_cast %parallel_loop3A_247 : i32 to index
        %parallel_loop3A_532 = arith.constant 112 : index
        %parallel_loop3A_533 = tpu.vector_load %arg10[%parallel_loop3A_530, %parallel_loop3A_531, %parallel_loop3A_532] {strides = array<i32>} : memref<2x16x512xf32, #tpu.memory_space<vmem>>, vector<1x1x16xf32>,
        %parallel_loop3A_534 = vector.shape_cast %parallel_loop3A_533 : vector<1x1x16xf32> to vector<16xf32>
        %parallel_loop3A_535 = arith.addf %parallel_loop3A_534, %parallel_loop3A_497 : vector<16xf32>
        %parallel_loop3A_536 = arith.constant 1 : i32
        %parallel_loop3A_537 = arith.index_cast %parallel_loop3A_536 : i32 to index
        %parallel_loop3A_538 = arith.index_cast %parallel_loop3A_247 : i32 to index
        %parallel_loop3A_539 = arith.constant 112 : index
        %parallel_loop3A_540 = tpu.vector_load %arg11[%parallel_loop3A_537, %parallel_loop3A_538, %parallel_loop3A_539] {strides = array<i32>} : memref<2x16x512xf32, #tpu.memory_space<vmem>>, vector<1x1x16xf32>,
        %parallel_loop3A_541 = vector.shape_cast %parallel_loop3A_540 : vector<1x1x16xf32> to vector<16xf32>
        %parallel_loop3A_542 = arith.mulf %get3A_22, %parallel_loop3A_541 : vector<16xf32>
        %parallel_loop3A_543 = arith.addf %parallel_loop3A_505, %parallel_loop3A_542 : vector<16xf32>
        %parallel_loop3A_544 = arith.addf %parallel_loop3A_535, %parallel_loop3A_543 : vector<16xf32>
        %parallel_loop3A_545 = arith.constant 1 : i32
        %parallel_loop3A_546 = arith.index_cast %parallel_loop3A_545 : i32 to index
        %parallel_loop3A_547 = arith.index_cast %parallel_loop3A_247 : i32 to index
        %parallel_loop3A_548 = arith.constant 112 : index
        %parallel_loop3A_549 = tpu.vector_load %arg13[%parallel_loop3A_546, %parallel_loop3A_547, %parallel_loop3A_548] {strides = array<i32>} : memref<2x16x512xf32, #tpu.memory_space<vmem>>, vector<1x1x16xf32>,
        %parallel_loop3A_550 = vector.shape_cast %parallel_loop3A_549 : vector<1x1x16xf32> to vector<16xf32>
        %parallel_loop3A_551 = vector.shape_cast %parallel_loop3A_544 : vector<16xf32> to vector<1x1x16xf32>
        tpu.vector_store %arg13[%parallel_loop3A_546, %parallel_loop3A_547, %parallel_loop3A_548], %parallel_loop3A_551 {strides = array<i32>} : memref<2x16x512xf32, #tpu.memory_space<vmem>>, vector<1x1x16xf32>,
        %parallel_loop3A_552 = arith.constant 1 : i32
        %parallel_loop3A_553 = arith.index_cast %parallel_loop3A_552 : i32 to index
        %parallel_loop3A_554 = arith.index_cast %parallel_loop3A_247 : i32 to index
        %parallel_loop3A_555 = arith.constant 64 : index
        %parallel_loop3A_556 = tpu.vector_load %arg12[%parallel_loop3A_553, %parallel_loop3A_554, %parallel_loop3A_555] {strides = array<i32>} : memref<2x32x256xi32, #tpu.memory_space<vmem>>, vector<1x1x16xi32>,
        %parallel_loop3A_557 = vector.shape_cast %parallel_loop3A_556 : vector<1x1x16xi32> to vector<16xi32>
        %parallel_loop3A_558 = arith.constant 16 : i32
        %parallel_loop3A_559 = arith.addi %parallel_loop3A_558, %parallel_loop3A_247 : i32
        %parallel_loop3A_560 = arith.constant 1 : i32
        %parallel_loop3A_561 = arith.index_cast %parallel_loop3A_560 : i32 to index
        %parallel_loop3A_562 = arith.index_cast %parallel_loop3A_559 : i32 to index
        %parallel_loop3A_563 = arith.constant 64 : index
        %parallel_loop3A_564 = tpu.vector_load %arg12[%parallel_loop3A_561, %parallel_loop3A_562, %parallel_loop3A_563] {strides = array<i32>} : memref<2x32x256xi32, #tpu.memory_space<vmem>>, vector<1x1x16xi32>,
        %parallel_loop3A_565 = vector.shape_cast %parallel_loop3A_564 : vector<1x1x16xi32> to vector<16xi32>
        %parallel_loop3A_566 = arith.constant 16 : i32
        %parallel_loop3A_567 = vector.broadcast %parallel_loop3A_566 : i32 to vector<16xi32>
        %parallel_loop3A_568 = arith.shli %parallel_loop3A_557, %parallel_loop3A_567 : vector<16xi32>
        %parallel_loop3A_569 = tpu.bitcast %parallel_loop3A_568 : vector<16xi32> -> vector<16xf32>
        %parallel_loop3A_570 = arith.constant -65536 : i32
        %parallel_loop3A_571 = vector.broadcast %parallel_loop3A_570 : i32 to vector<16xi32>
        %parallel_loop3A_572 = arith.andi %parallel_loop3A_557, %parallel_loop3A_571 : vector<16xi32>
        %parallel_loop3A_573 = tpu.bitcast %parallel_loop3A_572 : vector<16xi32> -> vector<16xf32>
        %parallel_loop3A_574 = arith.constant 16 : i32
        %parallel_loop3A_575 = vector.broadcast %parallel_loop3A_574 : i32 to vector<16xi32>
        %parallel_loop3A_576 = arith.shli %parallel_loop3A_565, %parallel_loop3A_575 : vector<16xi32>
        %parallel_loop3A_577 = tpu.bitcast %parallel_loop3A_576 : vector<16xi32> -> vector<16xf32>
        %parallel_loop3A_578 = arith.constant -65536 : i32
        %parallel_loop3A_579 = vector.broadcast %parallel_loop3A_578 : i32 to vector<16xi32>
        %parallel_loop3A_580 = arith.andi %parallel_loop3A_565, %parallel_loop3A_579 : vector<16xi32>
        %parallel_loop3A_581 = tpu.bitcast %parallel_loop3A_580 : vector<16xi32> -> vector<16xf32>
        %parallel_loop3A_582 = arith.constant 1 : i32
        %parallel_loop3A_583 = arith.index_cast %parallel_loop3A_582 : i32 to index
        %parallel_loop3A_584 = arith.index_cast %parallel_loop3A_247 : i32 to index
        %parallel_loop3A_585 = arith.constant 128 : index
        %parallel_loop3A_586 = tpu.vector_load %arg10[%parallel_loop3A_583, %parallel_loop3A_584, %parallel_loop3A_585] {strides = array<i32>} : memref<2x16x512xf32, #tpu.memory_space<vmem>>, vector<1x1x16xf32>,
        %parallel_loop3A_587 = vector.shape_cast %parallel_loop3A_586 : vector<1x1x16xf32> to vector<16xf32>
        %parallel_loop3A_588 = arith.addf %parallel_loop3A_587, %parallel_loop3A_569 : vector<16xf32>
        %parallel_loop3A_589 = arith.constant 1 : i32
        %parallel_loop3A_590 = arith.index_cast %parallel_loop3A_589 : i32 to index
        %parallel_loop3A_591 = arith.index_cast %parallel_loop3A_247 : i32 to index
        %parallel_loop3A_592 = arith.constant 128 : index
        %parallel_loop3A_593 = tpu.vector_load %arg11[%parallel_loop3A_590, %parallel_loop3A_591, %parallel_loop3A_592] {strides = array<i32>} : memref<2x16x512xf32, #tpu.memory_space<vmem>>, vector<1x1x16xf32>,
        %parallel_loop3A_594 = vector.shape_cast %parallel_loop3A_593 : vector<1x1x16xf32> to vector<16xf32>
        %parallel_loop3A_595 = arith.mulf %get3A_22, %parallel_loop3A_594 : vector<16xf32>
        %parallel_loop3A_596 = arith.addf %parallel_loop3A_577, %parallel_loop3A_595 : vector<16xf32>
        %parallel_loop3A_597 = arith.addf %parallel_loop3A_588, %parallel_loop3A_596 : vector<16xf32>
        %parallel_loop3A_598 = arith.constant 1 : i32
        %parallel_loop3A_599 = arith.index_cast %parallel_loop3A_598 : i32 to index
        %parallel_loop3A_600 = arith.index_cast %parallel_loop3A_247 : i32 to index
        %parallel_loop3A_601 = arith.constant 128 : index
        %parallel_loop3A_602 = tpu.vector_load %arg13[%parallel_loop3A_599, %parallel_loop3A_600, %parallel_loop3A_601] {strides = array<i32>} : memref<2x16x512xf32, #tpu.memory_space<vmem>>, vector<1x1x16xf32>,
        %parallel_loop3A_603 = vector.shape_cast %parallel_loop3A_602 : vector<1x1x16xf32> to vector<16xf32>
        %parallel_loop3A_604 = vector.shape_cast %parallel_loop3A_597 : vector<16xf32> to vector<1x1x16xf32>
        tpu.vector_store %arg13[%parallel_loop3A_599, %parallel_loop3A_600, %parallel_loop3A_601], %parallel_loop3A_604 {strides = array<i32>} : memref<2x16x512xf32, #tpu.memory_space<vmem>>, vector<1x1x16xf32>,
        %parallel_loop3A_605 = arith.constant 1 : i32
        %parallel_loop3A_606 = arith.index_cast %parallel_loop3A_605 : i32 to index
        %parallel_loop3A_607 = arith.index_cast %parallel_loop3A_247 : i32 to index
        %parallel_loop3A_608 = arith.constant 144 : index
        %parallel_loop3A_609 = tpu.vector_load %arg10[%parallel_loop3A_606, %parallel_loop3A_607, %parallel_loop3A_608] {strides = array<i32>} : memref<2x16x512xf32, #tpu.memory_space<vmem>>, vector<1x1x16xf32>,
        %parallel_loop3A_610 = vector.shape_cast %parallel_loop3A_609 : vector<1x1x16xf32> to vector<16xf32>
        %parallel_loop3A_611 = arith.addf %parallel_loop3A_610, %parallel_loop3A_573 : vector<16xf32>
        %parallel_loop3A_612 = arith.constant 1 : i32
        %parallel_loop3A_613 = arith.index_cast %parallel_loop3A_612 : i32 to index
        %parallel_loop3A_614 = arith.index_cast %parallel_loop3A_247 : i32 to index
        %parallel_loop3A_615 = arith.constant 144 : index
        %parallel_loop3A_616 = tpu.vector_load %arg11[%parallel_loop3A_613, %parallel_loop3A_614, %parallel_loop3A_615] {strides = array<i32>} : memref<2x16x512xf32, #tpu.memory_space<vmem>>, vector<1x1x16xf32>,
        %parallel_loop3A_617 = vector.shape_cast %parallel_loop3A_616 : vector<1x1x16xf32> to vector<16xf32>
        %parallel_loop3A_618 = arith.mulf %get3A_22, %parallel_loop3A_617 : vector<16xf32>
        %parallel_loop3A_619 = arith.addf %parallel_loop3A_581, %parallel_loop3A_618 : vector<16xf32>
        %parallel_loop3A_620 = arith.addf %parallel_loop3A_611, %parallel_loop3A_619 : vector<16xf32>
        %parallel_loop3A_621 = arith.constant 1 : i32
        %parallel_loop3A_622 = arith.index_cast %parallel_loop3A_621 : i32 to index
        %parallel_loop3A_623 = arith.index_cast %parallel_loop3A_247 : i32 to index
        %parallel_loop3A_624 = arith.constant 144 : index
        %parallel_loop3A_625 = tpu.vector_load %arg13[%parallel_loop3A_622, %parallel_loop3A_623, %parallel_loop3A_624] {strides = array<i32>} : memref<2x16x512xf32, #tpu.memory_space<vmem>>, vector<1x1x16xf32>,
        %parallel_loop3A_626 = vector.shape_cast %parallel_loop3A_625 : vector<1x1x16xf32> to vector<16xf32>
        %parallel_loop3A_627 = vector.shape_cast %parallel_loop3A_620 : vector<16xf32> to vector<1x1x16xf32>
        tpu.vector_store %arg13[%parallel_loop3A_622, %parallel_loop3A_623, %parallel_loop3A_624], %parallel_loop3A_627 {strides = array<i32>} : memref<2x16x512xf32, #tpu.memory_space<vmem>>, vector<1x1x16xf32>,
        %parallel_loop3A_628 = arith.constant 1 : i32
        %parallel_loop3A_629 = arith.index_cast %parallel_loop3A_628 : i32 to index
        %parallel_loop3A_630 = arith.index_cast %parallel_loop3A_247 : i32 to index
        %parallel_loop3A_631 = arith.constant 80 : index
        %parallel_loop3A_632 = tpu.vector_load %arg12[%parallel_loop3A_629, %parallel_loop3A_630, %parallel_loop3A_631] {strides = array<i32>} : memref<2x32x256xi32, #tpu.memory_space<vmem>>, vector<1x1x16xi32>,
        %parallel_loop3A_633 = vector.shape_cast %parallel_loop3A_632 : vector<1x1x16xi32> to vector<16xi32>
        %parallel_loop3A_634 = arith.constant 16 : i32
        %parallel_loop3A_635 = arith.addi %parallel_loop3A_634, %parallel_loop3A_247 : i32
        %parallel_loop3A_636 = arith.constant 1 : i32
        %parallel_loop3A_637 = arith.index_cast %parallel_loop3A_636 : i32 to index
        %parallel_loop3A_638 = arith.index_cast %parallel_loop3A_635 : i32 to index
        %parallel_loop3A_639 = arith.constant 80 : index
        %parallel_loop3A_640 = tpu.vector_load %arg12[%parallel_loop3A_637, %parallel_loop3A_638, %parallel_loop3A_639] {strides = array<i32>} : memref<2x32x256xi32, #tpu.memory_space<vmem>>, vector<1x1x16xi32>,
        %parallel_loop3A_641 = vector.shape_cast %parallel_loop3A_640 : vector<1x1x16xi32> to vector<16xi32>
        %parallel_loop3A_642 = arith.constant 16 : i32
        %parallel_loop3A_643 = vector.broadcast %parallel_loop3A_642 : i32 to vector<16xi32>
        %parallel_loop3A_644 = arith.shli %parallel_loop3A_633, %parallel_loop3A_643 : vector<16xi32>
        %parallel_loop3A_645 = tpu.bitcast %parallel_loop3A_644 : vector<16xi32> -> vector<16xf32>
        %parallel_loop3A_646 = arith.constant -65536 : i32
        %parallel_loop3A_647 = vector.broadcast %parallel_loop3A_646 : i32 to vector<16xi32>
        %parallel_loop3A_648 = arith.andi %parallel_loop3A_633, %parallel_loop3A_647 : vector<16xi32>
        %parallel_loop3A_649 = tpu.bitcast %parallel_loop3A_648 : vector<16xi32> -> vector<16xf32>
        %parallel_loop3A_650 = arith.constant 16 : i32
        %parallel_loop3A_651 = vector.broadcast %parallel_loop3A_650 : i32 to vector<16xi32>
        %parallel_loop3A_652 = arith.shli %parallel_loop3A_641, %parallel_loop3A_651 : vector<16xi32>
        %parallel_loop3A_653 = tpu.bitcast %parallel_loop3A_652 : vector<16xi32> -> vector<16xf32>
        %parallel_loop3A_654 = arith.constant -65536 : i32
        %parallel_loop3A_655 = vector.broadcast %parallel_loop3A_654 : i32 to vector<16xi32>
        %parallel_loop3A_656 = arith.andi %parallel_loop3A_641, %parallel_loop3A_655 : vector<16xi32>
        %parallel_loop3A_657 = tpu.bitcast %parallel_loop3A_656 : vector<16xi32> -> vector<16xf32>
        %parallel_loop3A_658 = arith.constant 1 : i32
        %parallel_loop3A_659 = arith.index_cast %parallel_loop3A_658 : i32 to index
        %parallel_loop3A_660 = arith.index_cast %parallel_loop3A_247 : i32 to index
        %parallel_loop3A_661 = arith.constant 160 : index
        %parallel_loop3A_662 = tpu.vector_load %arg10[%parallel_loop3A_659, %parallel_loop3A_660, %parallel_loop3A_661] {strides = array<i32>} : memref<2x16x512xf32, #tpu.memory_space<vmem>>, vector<1x1x16xf32>,
        %parallel_loop3A_663 = vector.shape_cast %parallel_loop3A_662 : vector<1x1x16xf32> to vector<16xf32>
        %parallel_loop3A_664 = arith.addf %parallel_loop3A_663, %parallel_loop3A_645 : vector<16xf32>
        %parallel_loop3A_665 = arith.constant 1 : i32
        %parallel_loop3A_666 = arith.index_cast %parallel_loop3A_665 : i32 to index
        %parallel_loop3A_667 = arith.index_cast %parallel_loop3A_247 : i32 to index
        %parallel_loop3A_668 = arith.constant 160 : index
        %parallel_loop3A_669 = tpu.vector_load %arg11[%parallel_loop3A_666, %parallel_loop3A_667, %parallel_loop3A_668] {strides = array<i32>} : memref<2x16x512xf32, #tpu.memory_space<vmem>>, vector<1x1x16xf32>,
        %parallel_loop3A_670 = vector.shape_cast %parallel_loop3A_669 : vector<1x1x16xf32> to vector<16xf32>
        %parallel_loop3A_671 = arith.mulf %get3A_22, %parallel_loop3A_670 : vector<16xf32>
        %parallel_loop3A_672 = arith.addf %parallel_loop3A_653, %parallel_loop3A_671 : vector<16xf32>
        %parallel_loop3A_673 = arith.addf %parallel_loop3A_664, %parallel_loop3A_672 : vector<16xf32>
        %parallel_loop3A_674 = arith.constant 1 : i32
        %parallel_loop3A_675 = arith.index_cast %parallel_loop3A_674 : i32 to index
        %parallel_loop3A_676 = arith.index_cast %parallel_loop3A_247 : i32 to index
        %parallel_loop3A_677 = arith.constant 160 : index
        %parallel_loop3A_678 = tpu.vector_load %arg13[%parallel_loop3A_675, %parallel_loop3A_676, %parallel_loop3A_677] {strides = array<i32>} : memref<2x16x512xf32, #tpu.memory_space<vmem>>, vector<1x1x16xf32>,
        %parallel_loop3A_679 = vector.shape_cast %parallel_loop3A_678 : vector<1x1x16xf32> to vector<16xf32>
        %parallel_loop3A_680 = vector.shape_cast %parallel_loop3A_673 : vector<16xf32> to vector<1x1x16xf32>
        tpu.vector_store %arg13[%parallel_loop3A_675, %parallel_loop3A_676, %parallel_loop3A_677], %parallel_loop3A_680 {strides = array<i32>} : memref<2x16x512xf32, #tpu.memory_space<vmem>>, vector<1x1x16xf32>,
        %parallel_loop3A_681 = arith.constant 1 : i32
        %parallel_loop3A_682 = arith.index_cast %parallel_loop3A_681 : i32 to index
        %parallel_loop3A_683 = arith.index_cast %parallel_loop3A_247 : i32 to index
        %parallel_loop3A_684 = arith.constant 176 : index
        %parallel_loop3A_685 = tpu.vector_load %arg10[%parallel_loop3A_682, %parallel_loop3A_683, %parallel_loop3A_684] {strides = array<i32>} : memref<2x16x512xf32, #tpu.memory_space<vmem>>, vector<1x1x16xf32>,
        %parallel_loop3A_686 = vector.shape_cast %parallel_loop3A_685 : vector<1x1x16xf32> to vector<16xf32>
        %parallel_loop3A_687 = arith.addf %parallel_loop3A_686, %parallel_loop3A_649 : vector<16xf32>
        %parallel_loop3A_688 = arith.constant 1 : i32
        %parallel_loop3A_689 = arith.index_cast %parallel_loop3A_688 : i32 to index
        %parallel_loop3A_690 = arith.index_cast %parallel_loop3A_247 : i32 to index
        %parallel_loop3A_691 = arith.constant 176 : index
        %parallel_loop3A_692 = tpu.vector_load %arg11[%parallel_loop3A_689, %parallel_loop3A_690, %parallel_loop3A_691] {strides = array<i32>} : memref<2x16x512xf32, #tpu.memory_space<vmem>>, vector<1x1x16xf32>,
        %parallel_loop3A_693 = vector.shape_cast %parallel_loop3A_692 : vector<1x1x16xf32> to vector<16xf32>
        %parallel_loop3A_694 = arith.mulf %get3A_22, %parallel_loop3A_693 : vector<16xf32>
        %parallel_loop3A_695 = arith.addf %parallel_loop3A_657, %parallel_loop3A_694 : vector<16xf32>
        %parallel_loop3A_696 = arith.addf %parallel_loop3A_687, %parallel_loop3A_695 : vector<16xf32>
        %parallel_loop3A_697 = arith.constant 1 : i32
        %parallel_loop3A_698 = arith.index_cast %parallel_loop3A_697 : i32 to index
        %parallel_loop3A_699 = arith.index_cast %parallel_loop3A_247 : i32 to index
        %parallel_loop3A_700 = arith.constant 176 : index
        %parallel_loop3A_701 = tpu.vector_load %arg13[%parallel_loop3A_698, %parallel_loop3A_699, %parallel_loop3A_700] {strides = array<i32>} : memref<2x16x512xf32, #tpu.memory_space<vmem>>, vector<1x1x16xf32>,
        %parallel_loop3A_702 = vector.shape_cast %parallel_loop3A_701 : vector<1x1x16xf32> to vector<16xf32>
        %parallel_loop3A_703 = vector.shape_cast %parallel_loop3A_696 : vector<16xf32> to vector<1x1x16xf32>
        tpu.vector_store %arg13[%parallel_loop3A_698, %parallel_loop3A_699, %parallel_loop3A_700], %parallel_loop3A_703 {strides = array<i32>} : memref<2x16x512xf32, #tpu.memory_space<vmem>>, vector<1x1x16xf32>,
        %parallel_loop3A_704 = arith.constant 1 : i32
        %parallel_loop3A_705 = arith.index_cast %parallel_loop3A_704 : i32 to index
        %parallel_loop3A_706 = arith.index_cast %parallel_loop3A_247 : i32 to index
        %parallel_loop3A_707 = arith.constant 96 : index
        %parallel_loop3A_708 = tpu.vector_load %arg12[%parallel_loop3A_705, %parallel_loop3A_706, %parallel_loop3A_707] {strides = array<i32>} : memref<2x32x256xi32, #tpu.memory_space<vmem>>, vector<1x1x16xi32>,
        %parallel_loop3A_709 = vector.shape_cast %parallel_loop3A_708 : vector<1x1x16xi32> to vector<16xi32>
        %parallel_loop3A_710 = arith.constant 16 : i32
        %parallel_loop3A_711 = arith.addi %parallel_loop3A_710, %parallel_loop3A_247 : i32
        %parallel_loop3A_712 = arith.constant 1 : i32
        %parallel_loop3A_713 = arith.index_cast %parallel_loop3A_712 : i32 to index
        %parallel_loop3A_714 = arith.index_cast %parallel_loop3A_711 : i32 to index
        %parallel_loop3A_715 = arith.constant 96 : index
        %parallel_loop3A_716 = tpu.vector_load %arg12[%parallel_loop3A_713, %parallel_loop3A_714, %parallel_loop3A_715] {strides = array<i32>} : memref<2x32x256xi32, #tpu.memory_space<vmem>>, vector<1x1x16xi32>,
        %parallel_loop3A_717 = vector.shape_cast %parallel_loop3A_716 : vector<1x1x16xi32> to vector<16xi32>
        %parallel_loop3A_718 = arith.constant 16 : i32
        %parallel_loop3A_719 = vector.broadcast %parallel_loop3A_718 : i32 to vector<16xi32>
        %parallel_loop3A_720 = arith.shli %parallel_loop3A_709, %parallel_loop3A_719 : vector<16xi32>
        %parallel_loop3A_721 = tpu.bitcast %parallel_loop3A_720 : vector<16xi32> -> vector<16xf32>
        %parallel_loop3A_722 = arith.constant -65536 : i32
        %parallel_loop3A_723 = vector.broadcast %parallel_loop3A_722 : i32 to vector<16xi32>
        %parallel_loop3A_724 = arith.andi %parallel_loop3A_709, %parallel_loop3A_723 : vector<16xi32>
        %parallel_loop3A_725 = tpu.bitcast %parallel_loop3A_724 : vector<16xi32> -> vector<16xf32>
        %parallel_loop3A_726 = arith.constant 16 : i32
        %parallel_loop3A_727 = vector.broadcast %parallel_loop3A_726 : i32 to vector<16xi32>
        %parallel_loop3A_728 = arith.shli %parallel_loop3A_717, %parallel_loop3A_727 : vector<16xi32>
        %parallel_loop3A_729 = tpu.bitcast %parallel_loop3A_728 : vector<16xi32> -> vector<16xf32>
        %parallel_loop3A_730 = arith.constant -65536 : i32
        %parallel_loop3A_731 = vector.broadcast %parallel_loop3A_730 : i32 to vector<16xi32>
        %parallel_loop3A_732 = arith.andi %parallel_loop3A_717, %parallel_loop3A_731 : vector<16xi32>
        %parallel_loop3A_733 = tpu.bitcast %parallel_loop3A_732 : vector<16xi32> -> vector<16xf32>
        %parallel_loop3A_734 = arith.constant 1 : i32
        %parallel_loop3A_735 = arith.index_cast %parallel_loop3A_734 : i32 to index
        %parallel_loop3A_736 = arith.index_cast %parallel_loop3A_247 : i32 to index
        %parallel_loop3A_737 = arith.constant 192 : index
        %parallel_loop3A_738 = tpu.vector_load %arg10[%parallel_loop3A_735, %parallel_loop3A_736, %parallel_loop3A_737] {strides = array<i32>} : memref<2x16x512xf32, #tpu.memory_space<vmem>>, vector<1x1x16xf32>,
        %parallel_loop3A_739 = vector.shape_cast %parallel_loop3A_738 : vector<1x1x16xf32> to vector<16xf32>
        %parallel_loop3A_740 = arith.addf %parallel_loop3A_739, %parallel_loop3A_721 : vector<16xf32>
        %parallel_loop3A_741 = arith.constant 1 : i32
        %parallel_loop3A_742 = arith.index_cast %parallel_loop3A_741 : i32 to index
        %parallel_loop3A_743 = arith.index_cast %parallel_loop3A_247 : i32 to index
        %parallel_loop3A_744 = arith.constant 192 : index
        %parallel_loop3A_745 = tpu.vector_load %arg11[%parallel_loop3A_742, %parallel_loop3A_743, %parallel_loop3A_744] {strides = array<i32>} : memref<2x16x512xf32, #tpu.memory_space<vmem>>, vector<1x1x16xf32>,
        %parallel_loop3A_746 = vector.shape_cast %parallel_loop3A_745 : vector<1x1x16xf32> to vector<16xf32>
        %parallel_loop3A_747 = arith.mulf %get3A_22, %parallel_loop3A_746 : vector<16xf32>
        %parallel_loop3A_748 = arith.addf %parallel_loop3A_729, %parallel_loop3A_747 : vector<16xf32>
        %parallel_loop3A_749 = arith.addf %parallel_loop3A_740, %parallel_loop3A_748 : vector<16xf32>
        %parallel_loop3A_750 = arith.constant 1 : i32
        %parallel_loop3A_751 = arith.index_cast %parallel_loop3A_750 : i32 to index
        %parallel_loop3A_752 = arith.index_cast %parallel_loop3A_247 : i32 to index
        %parallel_loop3A_753 = arith.constant 192 : index
        %parallel_loop3A_754 = tpu.vector_load %arg13[%parallel_loop3A_751, %parallel_loop3A_752, %parallel_loop3A_753] {strides = array<i32>} : memref<2x16x512xf32, #tpu.memory_space<vmem>>, vector<1x1x16xf32>,
        %parallel_loop3A_755 = vector.shape_cast %parallel_loop3A_754 : vector<1x1x16xf32> to vector<16xf32>
        %parallel_loop3A_756 = vector.shape_cast %parallel_loop3A_749 : vector<16xf32> to vector<1x1x16xf32>
        tpu.vector_store %arg13[%parallel_loop3A_751, %parallel_loop3A_752, %parallel_loop3A_753], %parallel_loop3A_756 {strides = array<i32>} : memref<2x16x512xf32, #tpu.memory_space<vmem>>, vector<1x1x16xf32>,
        %parallel_loop3A_757 = arith.constant 1 : i32
        %parallel_loop3A_758 = arith.index_cast %parallel_loop3A_757 : i32 to index
        %parallel_loop3A_759 = arith.index_cast %parallel_loop3A_247 : i32 to index
        %parallel_loop3A_760 = arith.constant 208 : index
        %parallel_loop3A_761 = tpu.vector_load %arg10[%parallel_loop3A_758, %parallel_loop3A_759, %parallel_loop3A_760] {strides = array<i32>} : memref<2x16x512xf32, #tpu.memory_space<vmem>>, vector<1x1x16xf32>,
        %parallel_loop3A_762 = vector.shape_cast %parallel_loop3A_761 : vector<1x1x16xf32> to vector<16xf32>
        %parallel_loop3A_763 = arith.addf %parallel_loop3A_762, %parallel_loop3A_725 : vector<16xf32>
        %parallel_loop3A_764 = arith.constant 1 : i32
        %parallel_loop3A_765 = arith.index_cast %parallel_loop3A_764 : i32 to index
        %parallel_loop3A_766 = arith.index_cast %parallel_loop3A_247 : i32 to index
        %parallel_loop3A_767 = arith.constant 208 : index
        %parallel_loop3A_768 = tpu.vector_load %arg11[%parallel_loop3A_765, %parallel_loop3A_766, %parallel_loop3A_767] {strides = array<i32>} : memref<2x16x512xf32, #tpu.memory_space<vmem>>, vector<1x1x16xf32>,
        %parallel_loop3A_769 = vector.shape_cast %parallel_loop3A_768 : vector<1x1x16xf32> to vector<16xf32>
        %parallel_loop3A_770 = arith.mulf %get3A_22, %parallel_loop3A_769 : vector<16xf32>
        %parallel_loop3A_771 = arith.addf %parallel_loop3A_733, %parallel_loop3A_770 : vector<16xf32>
        %parallel_loop3A_772 = arith.addf %parallel_loop3A_763, %parallel_loop3A_771 : vector<16xf32>
        %parallel_loop3A_773 = arith.constant 1 : i32
        %parallel_loop3A_774 = arith.index_cast %parallel_loop3A_773 : i32 to index
        %parallel_loop3A_775 = arith.index_cast %parallel_loop3A_247 : i32 to index
        %parallel_loop3A_776 = arith.constant 208 : index
        %parallel_loop3A_777 = tpu.vector_load %arg13[%parallel_loop3A_774, %parallel_loop3A_775, %parallel_loop3A_776] {strides = array<i32>} : memref<2x16x512xf32, #tpu.memory_space<vmem>>, vector<1x1x16xf32>,
        %parallel_loop3A_778 = vector.shape_cast %parallel_loop3A_777 : vector<1x1x16xf32> to vector<16xf32>
        %parallel_loop3A_779 = vector.shape_cast %parallel_loop3A_772 : vector<16xf32> to vector<1x1x16xf32>
        tpu.vector_store %arg13[%parallel_loop3A_774, %parallel_loop3A_775, %parallel_loop3A_776], %parallel_loop3A_779 {strides = array<i32>} : memref<2x16x512xf32, #tpu.memory_space<vmem>>, vector<1x1x16xf32>,
        %parallel_loop3A_780 = arith.constant 1 : i32
        %parallel_loop3A_781 = arith.index_cast %parallel_loop3A_780 : i32 to index
        %parallel_loop3A_782 = arith.index_cast %parallel_loop3A_247 : i32 to index
        %parallel_loop3A_783 = arith.constant 112 : index
        %parallel_loop3A_784 = tpu.vector_load %arg12[%parallel_loop3A_781, %parallel_loop3A_782, %parallel_loop3A_783] {strides = array<i32>} : memref<2x32x256xi32, #tpu.memory_space<vmem>>, vector<1x1x16xi32>,
        %parallel_loop3A_785 = vector.shape_cast %parallel_loop3A_784 : vector<1x1x16xi32> to vector<16xi32>
        %parallel_loop3A_786 = arith.constant 16 : i32
        %parallel_loop3A_787 = arith.addi %parallel_loop3A_786, %parallel_loop3A_247 : i32
        %parallel_loop3A_788 = arith.constant 1 : i32
        %parallel_loop3A_789 = arith.index_cast %parallel_loop3A_788 : i32 to index
        %parallel_loop3A_790 = arith.index_cast %parallel_loop3A_787 : i32 to index
        %parallel_loop3A_791 = arith.constant 112 : index
        %parallel_loop3A_792 = tpu.vector_load %arg12[%parallel_loop3A_789, %parallel_loop3A_790, %parallel_loop3A_791] {strides = array<i32>} : memref<2x32x256xi32, #tpu.memory_space<vmem>>, vector<1x1x16xi32>,
        %parallel_loop3A_793 = vector.shape_cast %parallel_loop3A_792 : vector<1x1x16xi32> to vector<16xi32>
        %parallel_loop3A_794 = arith.constant 16 : i32
        %parallel_loop3A_795 = vector.broadcast %parallel_loop3A_794 : i32 to vector<16xi32>
        %parallel_loop3A_796 = arith.shli %parallel_loop3A_785, %parallel_loop3A_795 : vector<16xi32>
        %parallel_loop3A_797 = tpu.bitcast %parallel_loop3A_796 : vector<16xi32> -> vector<16xf32>
        %parallel_loop3A_798 = arith.constant -65536 : i32
        %parallel_loop3A_799 = vector.broadcast %parallel_loop3A_798 : i32 to vector<16xi32>
        %parallel_loop3A_800 = arith.andi %parallel_loop3A_785, %parallel_loop3A_799 : vector<16xi32>
        %parallel_loop3A_801 = tpu.bitcast %parallel_loop3A_800 : vector<16xi32> -> vector<16xf32>
        %parallel_loop3A_802 = arith.constant 16 : i32
        %parallel_loop3A_803 = vector.broadcast %parallel_loop3A_802 : i32 to vector<16xi32>
        %parallel_loop3A_804 = arith.shli %parallel_loop3A_793, %parallel_loop3A_803 : vector<16xi32>
        %parallel_loop3A_805 = tpu.bitcast %parallel_loop3A_804 : vector<16xi32> -> vector<16xf32>
        %parallel_loop3A_806 = arith.constant -65536 : i32
        %parallel_loop3A_807 = vector.broadcast %parallel_loop3A_806 : i32 to vector<16xi32>
        %parallel_loop3A_808 = arith.andi %parallel_loop3A_793, %parallel_loop3A_807 : vector<16xi32>
        %parallel_loop3A_809 = tpu.bitcast %parallel_loop3A_808 : vector<16xi32> -> vector<16xf32>
        %parallel_loop3A_810 = arith.constant 1 : i32
        %parallel_loop3A_811 = arith.index_cast %parallel_loop3A_810 : i32 to index
        %parallel_loop3A_812 = arith.index_cast %parallel_loop3A_247 : i32 to index
        %parallel_loop3A_813 = arith.constant 224 : index
        %parallel_loop3A_814 = tpu.vector_load %arg10[%parallel_loop3A_811, %parallel_loop3A_812, %parallel_loop3A_813] {strides = array<i32>} : memref<2x16x512xf32, #tpu.memory_space<vmem>>, vector<1x1x16xf32>,
        %parallel_loop3A_815 = vector.shape_cast %parallel_loop3A_814 : vector<1x1x16xf32> to vector<16xf32>
        %parallel_loop3A_816 = arith.addf %parallel_loop3A_815, %parallel_loop3A_797 : vector<16xf32>
        %parallel_loop3A_817 = arith.constant 1 : i32
        %parallel_loop3A_818 = arith.index_cast %parallel_loop3A_817 : i32 to index
        %parallel_loop3A_819 = arith.index_cast %parallel_loop3A_247 : i32 to index
        %parallel_loop3A_820 = arith.constant 224 : index
        %parallel_loop3A_821 = tpu.vector_load %arg11[%parallel_loop3A_818, %parallel_loop3A_819, %parallel_loop3A_820] {strides = array<i32>} : memref<2x16x512xf32, #tpu.memory_space<vmem>>, vector<1x1x16xf32>,
        %parallel_loop3A_822 = vector.shape_cast %parallel_loop3A_821 : vector<1x1x16xf32> to vector<16xf32>
        %parallel_loop3A_823 = arith.mulf %get3A_22, %parallel_loop3A_822 : vector<16xf32>
        %parallel_loop3A_824 = arith.addf %parallel_loop3A_805, %parallel_loop3A_823 : vector<16xf32>
        %parallel_loop3A_825 = arith.addf %parallel_loop3A_816, %parallel_loop3A_824 : vector<16xf32>
        %parallel_loop3A_826 = arith.constant 1 : i32
        %parallel_loop3A_827 = arith.index_cast %parallel_loop3A_826 : i32 to index
        %parallel_loop3A_828 = arith.index_cast %parallel_loop3A_247 : i32 to index
        %parallel_loop3A_829 = arith.constant 224 : index
        %parallel_loop3A_830 = tpu.vector_load %arg13[%parallel_loop3A_827, %parallel_loop3A_828, %parallel_loop3A_829] {strides = array<i32>} : memref<2x16x512xf32, #tpu.memory_space<vmem>>, vector<1x1x16xf32>,
        %parallel_loop3A_831 = vector.shape_cast %parallel_loop3A_830 : vector<1x1x16xf32> to vector<16xf32>
        %parallel_loop3A_832 = vector.shape_cast %parallel_loop3A_825 : vector<16xf32> to vector<1x1x16xf32>
        tpu.vector_store %arg13[%parallel_loop3A_827, %parallel_loop3A_828, %parallel_loop3A_829], %parallel_loop3A_832 {strides = array<i32>} : memref<2x16x512xf32, #tpu.memory_space<vmem>>, vector<1x1x16xf32>,
        %parallel_loop3A_833 = arith.constant 1 : i32
        %parallel_loop3A_834 = arith.index_cast %parallel_loop3A_833 : i32 to index
        %parallel_loop3A_835 = arith.index_cast %parallel_loop3A_247 : i32 to index
        %parallel_loop3A_836 = arith.constant 240 : index
        %parallel_loop3A_837 = tpu.vector_load %arg10[%parallel_loop3A_834, %parallel_loop3A_835, %parallel_loop3A_836] {strides = array<i32>} : memref<2x16x512xf32, #tpu.memory_space<vmem>>, vector<1x1x16xf32>,
        %parallel_loop3A_838 = vector.shape_cast %parallel_loop3A_837 : vector<1x1x16xf32> to vector<16xf32>
        %parallel_loop3A_839 = arith.addf %parallel_loop3A_838, %parallel_loop3A_801 : vector<16xf32>
        %parallel_loop3A_840 = arith.constant 1 : i32
        %parallel_loop3A_841 = arith.index_cast %parallel_loop3A_840 : i32 to index
        %parallel_loop3A_842 = arith.index_cast %parallel_loop3A_247 : i32 to index
        %parallel_loop3A_843 = arith.constant 240 : index
        %parallel_loop3A_844 = tpu.vector_load %arg11[%parallel_loop3A_841, %parallel_loop3A_842, %parallel_loop3A_843] {strides = array<i32>} : memref<2x16x512xf32, #tpu.memory_space<vmem>>, vector<1x1x16xf32>,
        %parallel_loop3A_845 = vector.shape_cast %parallel_loop3A_844 : vector<1x1x16xf32> to vector<16xf32>
        %parallel_loop3A_846 = arith.mulf %get3A_22, %parallel_loop3A_845 : vector<16xf32>
        %parallel_loop3A_847 = arith.addf %parallel_loop3A_809, %parallel_loop3A_846 : vector<16xf32>
        %parallel_loop3A_848 = arith.addf %parallel_loop3A_839, %parallel_loop3A_847 : vector<16xf32>
        %parallel_loop3A_849 = arith.constant 1 : i32
        %parallel_loop3A_850 = arith.index_cast %parallel_loop3A_849 : i32 to index
        %parallel_loop3A_851 = arith.index_cast %parallel_loop3A_247 : i32 to index
        %parallel_loop3A_852 = arith.constant 240 : index
        %parallel_loop3A_853 = tpu.vector_load %arg13[%parallel_loop3A_850, %parallel_loop3A_851, %parallel_loop3A_852] {strides = array<i32>} : memref<2x16x512xf32, #tpu.memory_space<vmem>>, vector<1x1x16xf32>,
        %parallel_loop3A_854 = vector.shape_cast %parallel_loop3A_853 : vector<1x1x16xf32> to vector<16xf32>
        %parallel_loop3A_855 = vector.shape_cast %parallel_loop3A_848 : vector<16xf32> to vector<1x1x16xf32>
        tpu.vector_store %arg13[%parallel_loop3A_850, %parallel_loop3A_851, %parallel_loop3A_852], %parallel_loop3A_855 {strides = array<i32>} : memref<2x16x512xf32, #tpu.memory_space<vmem>>, vector<1x1x16xf32>,
        %parallel_loop3A_856 = arith.constant 1 : i32
        %parallel_loop3A_857 = arith.index_cast %parallel_loop3A_856 : i32 to index
        %parallel_loop3A_858 = arith.index_cast %parallel_loop3A_247 : i32 to index
        %parallel_loop3A_859 = arith.constant 128 : index
        %parallel_loop3A_860 = tpu.vector_load %arg12[%parallel_loop3A_857, %parallel_loop3A_858, %parallel_loop3A_859] {strides = array<i32>} : memref<2x32x256xi32, #tpu.memory_space<vmem>>, vector<1x1x16xi32>,
        %parallel_loop3A_861 = vector.shape_cast %parallel_loop3A_860 : vector<1x1x16xi32> to vector<16xi32>
        %parallel_loop3A_862 = arith.constant 16 : i32
        %parallel_loop3A_863 = arith.addi %parallel_loop3A_862, %parallel_loop3A_247 : i32
        %parallel_loop3A_864 = arith.constant 1 : i32
        %parallel_loop3A_865 = arith.index_cast %parallel_loop3A_864 : i32 to index
        %parallel_loop3A_866 = arith.index_cast %parallel_loop3A_863 : i32 to index
        %parallel_loop3A_867 = arith.constant 128 : index
        %parallel_loop3A_868 = tpu.vector_load %arg12[%parallel_loop3A_865, %parallel_loop3A_866, %parallel_loop3A_867] {strides = array<i32>} : memref<2x32x256xi32, #tpu.memory_space<vmem>>, vector<1x1x16xi32>,
        %parallel_loop3A_869 = vector.shape_cast %parallel_loop3A_868 : vector<1x1x16xi32> to vector<16xi32>
        %parallel_loop3A_870 = arith.constant 16 : i32
        %parallel_loop3A_871 = vector.broadcast %parallel_loop3A_870 : i32 to vector<16xi32>
        %parallel_loop3A_872 = arith.shli %parallel_loop3A_861, %parallel_loop3A_871 : vector<16xi32>
        %parallel_loop3A_873 = tpu.bitcast %parallel_loop3A_872 : vector<16xi32> -> vector<16xf32>
        %parallel_loop3A_874 = arith.constant -65536 : i32
        %parallel_loop3A_875 = vector.broadcast %parallel_loop3A_874 : i32 to vector<16xi32>
        %parallel_loop3A_876 = arith.andi %parallel_loop3A_861, %parallel_loop3A_875 : vector<16xi32>
        %parallel_loop3A_877 = tpu.bitcast %parallel_loop3A_876 : vector<16xi32> -> vector<16xf32>
        %parallel_loop3A_878 = arith.constant 16 : i32
        %parallel_loop3A_879 = vector.broadcast %parallel_loop3A_878 : i32 to vector<16xi32>
        %parallel_loop3A_880 = arith.shli %parallel_loop3A_869, %parallel_loop3A_879 : vector<16xi32>
        %parallel_loop3A_881 = tpu.bitcast %parallel_loop3A_880 : vector<16xi32> -> vector<16xf32>
        %parallel_loop3A_882 = arith.constant -65536 : i32
        %parallel_loop3A_883 = vector.broadcast %parallel_loop3A_882 : i32 to vector<16xi32>
        %parallel_loop3A_884 = arith.andi %parallel_loop3A_869, %parallel_loop3A_883 : vector<16xi32>
        %parallel_loop3A_885 = tpu.bitcast %parallel_loop3A_884 : vector<16xi32> -> vector<16xf32>
        %parallel_loop3A_886 = arith.constant 1 : i32
        %parallel_loop3A_887 = arith.index_cast %parallel_loop3A_886 : i32 to index
        %parallel_loop3A_888 = arith.index_cast %parallel_loop3A_247 : i32 to index
        %parallel_loop3A_889 = arith.constant 256 : index
        %parallel_loop3A_890 = tpu.vector_load %arg10[%parallel_loop3A_887, %parallel_loop3A_888, %parallel_loop3A_889] {strides = array<i32>} : memref<2x16x512xf32, #tpu.memory_space<vmem>>, vector<1x1x16xf32>,
        %parallel_loop3A_891 = vector.shape_cast %parallel_loop3A_890 : vector<1x1x16xf32> to vector<16xf32>
        %parallel_loop3A_892 = arith.addf %parallel_loop3A_891, %parallel_loop3A_873 : vector<16xf32>
        %parallel_loop3A_893 = arith.constant 1 : i32
        %parallel_loop3A_894 = arith.index_cast %parallel_loop3A_893 : i32 to index
        %parallel_loop3A_895 = arith.index_cast %parallel_loop3A_247 : i32 to index
        %parallel_loop3A_896 = arith.constant 256 : index
        %parallel_loop3A_897 = tpu.vector_load %arg11[%parallel_loop3A_894, %parallel_loop3A_895, %parallel_loop3A_896] {strides = array<i32>} : memref<2x16x512xf32, #tpu.memory_space<vmem>>, vector<1x1x16xf32>,
        %parallel_loop3A_898 = vector.shape_cast %parallel_loop3A_897 : vector<1x1x16xf32> to vector<16xf32>
        %parallel_loop3A_899 = arith.mulf %get3A_22, %parallel_loop3A_898 : vector<16xf32>
        %parallel_loop3A_900 = arith.addf %parallel_loop3A_881, %parallel_loop3A_899 : vector<16xf32>
        %parallel_loop3A_901 = arith.addf %parallel_loop3A_892, %parallel_loop3A_900 : vector<16xf32>
        %parallel_loop3A_902 = arith.constant 1 : i32
        %parallel_loop3A_903 = arith.index_cast %parallel_loop3A_902 : i32 to index
        %parallel_loop3A_904 = arith.index_cast %parallel_loop3A_247 : i32 to index
        %parallel_loop3A_905 = arith.constant 256 : index
        %parallel_loop3A_906 = tpu.vector_load %arg13[%parallel_loop3A_903, %parallel_loop3A_904, %parallel_loop3A_905] {strides = array<i32>} : memref<2x16x512xf32, #tpu.memory_space<vmem>>, vector<1x1x16xf32>,
        %parallel_loop3A_907 = vector.shape_cast %parallel_loop3A_906 : vector<1x1x16xf32> to vector<16xf32>
        %parallel_loop3A_908 = vector.shape_cast %parallel_loop3A_901 : vector<16xf32> to vector<1x1x16xf32>
        tpu.vector_store %arg13[%parallel_loop3A_903, %parallel_loop3A_904, %parallel_loop3A_905], %parallel_loop3A_908 {strides = array<i32>} : memref<2x16x512xf32, #tpu.memory_space<vmem>>, vector<1x1x16xf32>,
        %parallel_loop3A_909 = arith.constant 1 : i32
        %parallel_loop3A_910 = arith.index_cast %parallel_loop3A_909 : i32 to index
        %parallel_loop3A_911 = arith.index_cast %parallel_loop3A_247 : i32 to index
        %parallel_loop3A_912 = arith.constant 272 : index
        %parallel_loop3A_913 = tpu.vector_load %arg10[%parallel_loop3A_910, %parallel_loop3A_911, %parallel_loop3A_912] {strides = array<i32>} : memref<2x16x512xf32, #tpu.memory_space<vmem>>, vector<1x1x16xf32>,
        %parallel_loop3A_914 = vector.shape_cast %parallel_loop3A_913 : vector<1x1x16xf32> to vector<16xf32>
        %parallel_loop3A_915 = arith.addf %parallel_loop3A_914, %parallel_loop3A_877 : vector<16xf32>
        %parallel_loop3A_916 = arith.constant 1 : i32
        %parallel_loop3A_917 = arith.index_cast %parallel_loop3A_916 : i32 to index
        %parallel_loop3A_918 = arith.index_cast %parallel_loop3A_247 : i32 to index
        %parallel_loop3A_919 = arith.constant 272 : index
        %parallel_loop3A_920 = tpu.vector_load %arg11[%parallel_loop3A_917, %parallel_loop3A_918, %parallel_loop3A_919] {strides = array<i32>} : memref<2x16x512xf32, #tpu.memory_space<vmem>>, vector<1x1x16xf32>,
        %parallel_loop3A_921 = vector.shape_cast %parallel_loop3A_920 : vector<1x1x16xf32> to vector<16xf32>
        %parallel_loop3A_922 = arith.mulf %get3A_22, %parallel_loop3A_921 : vector<16xf32>
        %parallel_loop3A_923 = arith.addf %parallel_loop3A_885, %parallel_loop3A_922 : vector<16xf32>
        %parallel_loop3A_924 = arith.addf %parallel_loop3A_915, %parallel_loop3A_923 : vector<16xf32>
        %parallel_loop3A_925 = arith.constant 1 : i32
        %parallel_loop3A_926 = arith.index_cast %parallel_loop3A_925 : i32 to index
        %parallel_loop3A_927 = arith.index_cast %parallel_loop3A_247 : i32 to index
        %parallel_loop3A_928 = arith.constant 272 : index
        %parallel_loop3A_929 = tpu.vector_load %arg13[%parallel_loop3A_926, %parallel_loop3A_927, %parallel_loop3A_928] {strides = array<i32>} : memref<2x16x512xf32, #tpu.memory_space<vmem>>, vector<1x1x16xf32>,
        %parallel_loop3A_930 = vector.shape_cast %parallel_loop3A_929 : vector<1x1x16xf32> to vector<16xf32>
        %parallel_loop3A_931 = vector.shape_cast %parallel_loop3A_924 : vector<16xf32> to vector<1x1x16xf32>
        tpu.vector_store %arg13[%parallel_loop3A_926, %parallel_loop3A_927, %parallel_loop3A_928], %parallel_loop3A_931 {strides = array<i32>} : memref<2x16x512xf32, #tpu.memory_space<vmem>>, vector<1x1x16xf32>,
        %parallel_loop3A_932 = arith.constant 1 : i32
        %parallel_loop3A_933 = arith.index_cast %parallel_loop3A_932 : i32 to index
        %parallel_loop3A_934 = arith.index_cast %parallel_loop3A_247 : i32 to index
        %parallel_loop3A_935 = arith.constant 144 : index
        %parallel_loop3A_936 = tpu.vector_load %arg12[%parallel_loop3A_933, %parallel_loop3A_934, %parallel_loop3A_935] {strides = array<i32>} : memref<2x32x256xi32, #tpu.memory_space<vmem>>, vector<1x1x16xi32>,
        %parallel_loop3A_937 = vector.shape_cast %parallel_loop3A_936 : vector<1x1x16xi32> to vector<16xi32>
        %parallel_loop3A_938 = arith.constant 16 : i32
        %parallel_loop3A_939 = arith.addi %parallel_loop3A_938, %parallel_loop3A_247 : i32
        %parallel_loop3A_940 = arith.constant 1 : i32
        %parallel_loop3A_941 = arith.index_cast %parallel_loop3A_940 : i32 to index
        %parallel_loop3A_942 = arith.index_cast %parallel_loop3A_939 : i32 to index
        %parallel_loop3A_943 = arith.constant 144 : index
        %parallel_loop3A_944 = tpu.vector_load %arg12[%parallel_loop3A_941, %parallel_loop3A_942, %parallel_loop3A_943] {strides = array<i32>} : memref<2x32x256xi32, #tpu.memory_space<vmem>>, vector<1x1x16xi32>,
        %parallel_loop3A_945 = vector.shape_cast %parallel_loop3A_944 : vector<1x1x16xi32> to vector<16xi32>
        %parallel_loop3A_946 = arith.constant 16 : i32
        %parallel_loop3A_947 = vector.broadcast %parallel_loop3A_946 : i32 to vector<16xi32>
        %parallel_loop3A_948 = arith.shli %parallel_loop3A_937, %parallel_loop3A_947 : vector<16xi32>
        %parallel_loop3A_949 = tpu.bitcast %parallel_loop3A_948 : vector<16xi32> -> vector<16xf32>
        %parallel_loop3A_950 = arith.constant -65536 : i32
        %parallel_loop3A_951 = vector.broadcast %parallel_loop3A_950 : i32 to vector<16xi32>
        %parallel_loop3A_952 = arith.andi %parallel_loop3A_937, %parallel_loop3A_951 : vector<16xi32>
        %parallel_loop3A_953 = tpu.bitcast %parallel_loop3A_952 : vector<16xi32> -> vector<16xf32>
        %parallel_loop3A_954 = arith.constant 16 : i32
        %parallel_loop3A_955 = vector.broadcast %parallel_loop3A_954 : i32 to vector<16xi32>
        %parallel_loop3A_956 = arith.shli %parallel_loop3A_945, %parallel_loop3A_955 : vector<16xi32>
        %parallel_loop3A_957 = tpu.bitcast %parallel_loop3A_956 : vector<16xi32> -> vector<16xf32>
        %parallel_loop3A_958 = arith.constant -65536 : i32
        %parallel_loop3A_959 = vector.broadcast %parallel_loop3A_958 : i32 to vector<16xi32>
        %parallel_loop3A_960 = arith.andi %parallel_loop3A_945, %parallel_loop3A_959 : vector<16xi32>
        %parallel_loop3A_961 = tpu.bitcast %parallel_loop3A_960 : vector<16xi32> -> vector<16xf32>
        %parallel_loop3A_962 = arith.constant 1 : i32
        %parallel_loop3A_963 = arith.index_cast %parallel_loop3A_962 : i32 to index
        %parallel_loop3A_964 = arith.index_cast %parallel_loop3A_247 : i32 to index
        %parallel_loop3A_965 = arith.constant 288 : index
        %parallel_loop3A_966 = tpu.vector_load %arg10[%parallel_loop3A_963, %parallel_loop3A_964, %parallel_loop3A_965] {strides = array<i32>} : memref<2x16x512xf32, #tpu.memory_space<vmem>>, vector<1x1x16xf32>,
        %parallel_loop3A_967 = vector.shape_cast %parallel_loop3A_966 : vector<1x1x16xf32> to vector<16xf32>
        %parallel_loop3A_968 = arith.addf %parallel_loop3A_967, %parallel_loop3A_949 : vector<16xf32>
        %parallel_loop3A_969 = arith.constant 1 : i32
        %parallel_loop3A_970 = arith.index_cast %parallel_loop3A_969 : i32 to index
        %parallel_loop3A_971 = arith.index_cast %parallel_loop3A_247 : i32 to index
        %parallel_loop3A_972 = arith.constant 288 : index
        %parallel_loop3A_973 = tpu.vector_load %arg11[%parallel_loop3A_970, %parallel_loop3A_971, %parallel_loop3A_972] {strides = array<i32>} : memref<2x16x512xf32, #tpu.memory_space<vmem>>, vector<1x1x16xf32>,
        %parallel_loop3A_974 = vector.shape_cast %parallel_loop3A_973 : vector<1x1x16xf32> to vector<16xf32>
        %parallel_loop3A_975 = arith.mulf %get3A_22, %parallel_loop3A_974 : vector<16xf32>
        %parallel_loop3A_976 = arith.addf %parallel_loop3A_957, %parallel_loop3A_975 : vector<16xf32>
        %parallel_loop3A_977 = arith.addf %parallel_loop3A_968, %parallel_loop3A_976 : vector<16xf32>
        %parallel_loop3A_978 = arith.constant 1 : i32
        %parallel_loop3A_979 = arith.index_cast %parallel_loop3A_978 : i32 to index
        %parallel_loop3A_980 = arith.index_cast %parallel_loop3A_247 : i32 to index
        %parallel_loop3A_981 = arith.constant 288 : index
        %parallel_loop3A_982 = tpu.vector_load %arg13[%parallel_loop3A_979, %parallel_loop3A_980, %parallel_loop3A_981] {strides = array<i32>} : memref<2x16x512xf32, #tpu.memory_space<vmem>>, vector<1x1x16xf32>,
        %parallel_loop3A_983 = vector.shape_cast %parallel_loop3A_982 : vector<1x1x16xf32> to vector<16xf32>
        %parallel_loop3A_984 = vector.shape_cast %parallel_loop3A_977 : vector<16xf32> to vector<1x1x16xf32>
        tpu.vector_store %arg13[%parallel_loop3A_979, %parallel_loop3A_980, %parallel_loop3A_981], %parallel_loop3A_984 {strides = array<i32>} : memref<2x16x512xf32, #tpu.memory_space<vmem>>, vector<1x1x16xf32>,
        %parallel_loop3A_985 = arith.constant 1 : i32
        %parallel_loop3A_986 = arith.index_cast %parallel_loop3A_985 : i32 to index
        %parallel_loop3A_987 = arith.index_cast %parallel_loop3A_247 : i32 to index
        %parallel_loop3A_988 = arith.constant 304 : index
        %parallel_loop3A_989 = tpu.vector_load %arg10[%parallel_loop3A_986, %parallel_loop3A_987, %parallel_loop3A_988] {strides = array<i32>} : memref<2x16x512xf32, #tpu.memory_space<vmem>>, vector<1x1x16xf32>,
        %parallel_loop3A_990 = vector.shape_cast %parallel_loop3A_989 : vector<1x1x16xf32> to vector<16xf32>
        %parallel_loop3A_991 = arith.addf %parallel_loop3A_990, %parallel_loop3A_953 : vector<16xf32>
        %parallel_loop3A_992 = arith.constant 1 : i32
        %parallel_loop3A_993 = arith.index_cast %parallel_loop3A_992 : i32 to index
        %parallel_loop3A_994 = arith.index_cast %parallel_loop3A_247 : i32 to index
        %parallel_loop3A_995 = arith.constant 304 : index
        %parallel_loop3A_996 = tpu.vector_load %arg11[%parallel_loop3A_993, %parallel_loop3A_994, %parallel_loop3A_995] {strides = array<i32>} : memref<2x16x512xf32, #tpu.memory_space<vmem>>, vector<1x1x16xf32>,
        %parallel_loop3A_997 = vector.shape_cast %parallel_loop3A_996 : vector<1x1x16xf32> to vector<16xf32>
        %parallel_loop3A_998 = arith.mulf %get3A_22, %parallel_loop3A_997 : vector<16xf32>
        %parallel_loop3A_999 = arith.addf %parallel_loop3A_961, %parallel_loop3A_998 : vector<16xf32>
        %parallel_loop3A_1000 = arith.addf %parallel_loop3A_991, %parallel_loop3A_999 : vector<16xf32>
        %parallel_loop3A_1001 = arith.constant 1 : i32
        %parallel_loop3A_1002 = arith.index_cast %parallel_loop3A_1001 : i32 to index
        %parallel_loop3A_1003 = arith.index_cast %parallel_loop3A_247 : i32 to index
        %parallel_loop3A_1004 = arith.constant 304 : index
        %parallel_loop3A_1005 = tpu.vector_load %arg13[%parallel_loop3A_1002, %parallel_loop3A_1003, %parallel_loop3A_1004] {strides = array<i32>} : memref<2x16x512xf32, #tpu.memory_space<vmem>>, vector<1x1x16xf32>,
        %parallel_loop3A_1006 = vector.shape_cast %parallel_loop3A_1005 : vector<1x1x16xf32> to vector<16xf32>
        %parallel_loop3A_1007 = vector.shape_cast %parallel_loop3A_1000 : vector<16xf32> to vector<1x1x16xf32>
        tpu.vector_store %arg13[%parallel_loop3A_1002, %parallel_loop3A_1003, %parallel_loop3A_1004], %parallel_loop3A_1007 {strides = array<i32>} : memref<2x16x512xf32, #tpu.memory_space<vmem>>, vector<1x1x16xf32>,
        %parallel_loop3A_1008 = arith.constant 1 : i32
        %parallel_loop3A_1009 = arith.index_cast %parallel_loop3A_1008 : i32 to index
        %parallel_loop3A_1010 = arith.index_cast %parallel_loop3A_247 : i32 to index
        %parallel_loop3A_1011 = arith.constant 160 : index
        %parallel_loop3A_1012 = tpu.vector_load %arg12[%parallel_loop3A_1009, %parallel_loop3A_1010, %parallel_loop3A_1011] {strides = array<i32>} : memref<2x32x256xi32, #tpu.memory_space<vmem>>, vector<1x1x16xi32>,
        %parallel_loop3A_1013 = vector.shape_cast %parallel_loop3A_1012 : vector<1x1x16xi32> to vector<16xi32>
        %parallel_loop3A_1014 = arith.constant 16 : i32
        %parallel_loop3A_1015 = arith.addi %parallel_loop3A_1014, %parallel_loop3A_247 : i32
        %parallel_loop3A_1016 = arith.constant 1 : i32
        %parallel_loop3A_1017 = arith.index_cast %parallel_loop3A_1016 : i32 to index
        %parallel_loop3A_1018 = arith.index_cast %parallel_loop3A_1015 : i32 to index
        %parallel_loop3A_1019 = arith.constant 160 : index
        %parallel_loop3A_1020 = tpu.vector_load %arg12[%parallel_loop3A_1017, %parallel_loop3A_1018, %parallel_loop3A_1019] {strides = array<i32>} : memref<2x32x256xi32, #tpu.memory_space<vmem>>, vector<1x1x16xi32>,
        %parallel_loop3A_1021 = vector.shape_cast %parallel_loop3A_1020 : vector<1x1x16xi32> to vector<16xi32>
        %parallel_loop3A_1022 = arith.constant 16 : i32
        %parallel_loop3A_1023 = vector.broadcast %parallel_loop3A_1022 : i32 to vector<16xi32>
        %parallel_loop3A_1024 = arith.shli %parallel_loop3A_1013, %parallel_loop3A_1023 : vector<16xi32>
        %parallel_loop3A_1025 = tpu.bitcast %parallel_loop3A_1024 : vector<16xi32> -> vector<16xf32>
        %parallel_loop3A_1026 = arith.constant -65536 : i32
        %parallel_loop3A_1027 = vector.broadcast %parallel_loop3A_1026 : i32 to vector<16xi32>
        %parallel_loop3A_1028 = arith.andi %parallel_loop3A_1013, %parallel_loop3A_1027 : vector<16xi32>
        %parallel_loop3A_1029 = tpu.bitcast %parallel_loop3A_1028 : vector<16xi32> -> vector<16xf32>
        %parallel_loop3A_1030 = arith.constant 16 : i32
        %parallel_loop3A_1031 = vector.broadcast %parallel_loop3A_1030 : i32 to vector<16xi32>
        %parallel_loop3A_1032 = arith.shli %parallel_loop3A_1021, %parallel_loop3A_1031 : vector<16xi32>
        %parallel_loop3A_1033 = tpu.bitcast %parallel_loop3A_1032 : vector<16xi32> -> vector<16xf32>
        %parallel_loop3A_1034 = arith.constant -65536 : i32
        %parallel_loop3A_1035 = vector.broadcast %parallel_loop3A_1034 : i32 to vector<16xi32>
        %parallel_loop3A_1036 = arith.andi %parallel_loop3A_1021, %parallel_loop3A_1035 : vector<16xi32>
        %parallel_loop3A_1037 = tpu.bitcast %parallel_loop3A_1036 : vector<16xi32> -> vector<16xf32>
        %parallel_loop3A_1038 = arith.constant 1 : i32
        %parallel_loop3A_1039 = arith.index_cast %parallel_loop3A_1038 : i32 to index
        %parallel_loop3A_1040 = arith.index_cast %parallel_loop3A_247 : i32 to index
        %parallel_loop3A_1041 = arith.constant 320 : index
        %parallel_loop3A_1042 = tpu.vector_load %arg10[%parallel_loop3A_1039, %parallel_loop3A_1040, %parallel_loop3A_1041] {strides = array<i32>} : memref<2x16x512xf32, #tpu.memory_space<vmem>>, vector<1x1x16xf32>,
        %parallel_loop3A_1043 = vector.shape_cast %parallel_loop3A_1042 : vector<1x1x16xf32> to vector<16xf32>
        %parallel_loop3A_1044 = arith.addf %parallel_loop3A_1043, %parallel_loop3A_1025 : vector<16xf32>
        %parallel_loop3A_1045 = arith.constant 1 : i32
        %parallel_loop3A_1046 = arith.index_cast %parallel_loop3A_1045 : i32 to index
        %parallel_loop3A_1047 = arith.index_cast %parallel_loop3A_247 : i32 to index
        %parallel_loop3A_1048 = arith.constant 320 : index
        %parallel_loop3A_1049 = tpu.vector_load %arg11[%parallel_loop3A_1046, %parallel_loop3A_1047, %parallel_loop3A_1048] {strides = array<i32>} : memref<2x16x512xf32, #tpu.memory_space<vmem>>, vector<1x1x16xf32>,
        %parallel_loop3A_1050 = vector.shape_cast %parallel_loop3A_1049 : vector<1x1x16xf32> to vector<16xf32>
        %parallel_loop3A_1051 = arith.mulf %get3A_22, %parallel_loop3A_1050 : vector<16xf32>
        %parallel_loop3A_1052 = arith.addf %parallel_loop3A_1033, %parallel_loop3A_1051 : vector<16xf32>
        %parallel_loop3A_1053 = arith.addf %parallel_loop3A_1044, %parallel_loop3A_1052 : vector<16xf32>
        %parallel_loop3A_1054 = arith.constant 1 : i32
        %parallel_loop3A_1055 = arith.index_cast %parallel_loop3A_1054 : i32 to index
        %parallel_loop3A_1056 = arith.index_cast %parallel_loop3A_247 : i32 to index
        %parallel_loop3A_1057 = arith.constant 320 : index
        %parallel_loop3A_1058 = tpu.vector_load %arg13[%parallel_loop3A_1055, %parallel_loop3A_1056, %parallel_loop3A_1057] {strides = array<i32>} : memref<2x16x512xf32, #tpu.memory_space<vmem>>, vector<1x1x16xf32>,
        %parallel_loop3A_1059 = vector.shape_cast %parallel_loop3A_1058 : vector<1x1x16xf32> to vector<16xf32>
        %parallel_loop3A_1060 = vector.shape_cast %parallel_loop3A_1053 : vector<16xf32> to vector<1x1x16xf32>
        tpu.vector_store %arg13[%parallel_loop3A_1055, %parallel_loop3A_1056, %parallel_loop3A_1057], %parallel_loop3A_1060 {strides = array<i32>} : memref<2x16x512xf32, #tpu.memory_space<vmem>>, vector<1x1x16xf32>,
        %parallel_loop3A_1061 = arith.constant 1 : i32
        %parallel_loop3A_1062 = arith.index_cast %parallel_loop3A_1061 : i32 to index
        %parallel_loop3A_1063 = arith.index_cast %parallel_loop3A_247 : i32 to index
        %parallel_loop3A_1064 = arith.constant 336 : index
        %parallel_loop3A_1065 = tpu.vector_load %arg10[%parallel_loop3A_1062, %parallel_loop3A_1063, %parallel_loop3A_1064] {strides = array<i32>} : memref<2x16x512xf32, #tpu.memory_space<vmem>>, vector<1x1x16xf32>,
        %parallel_loop3A_1066 = vector.shape_cast %parallel_loop3A_1065 : vector<1x1x16xf32> to vector<16xf32>
        %parallel_loop3A_1067 = arith.addf %parallel_loop3A_1066, %parallel_loop3A_1029 : vector<16xf32>
        %parallel_loop3A_1068 = arith.constant 1 : i32
        %parallel_loop3A_1069 = arith.index_cast %parallel_loop3A_1068 : i32 to index
        %parallel_loop3A_1070 = arith.index_cast %parallel_loop3A_247 : i32 to index
        %parallel_loop3A_1071 = arith.constant 336 : index
        %parallel_loop3A_1072 = tpu.vector_load %arg11[%parallel_loop3A_1069, %parallel_loop3A_1070, %parallel_loop3A_1071] {strides = array<i32>} : memref<2x16x512xf32, #tpu.memory_space<vmem>>, vector<1x1x16xf32>,
        %parallel_loop3A_1073 = vector.shape_cast %parallel_loop3A_1072 : vector<1x1x16xf32> to vector<16xf32>
        %parallel_loop3A_1074 = arith.mulf %get3A_22, %parallel_loop3A_1073 : vector<16xf32>
        %parallel_loop3A_1075 = arith.addf %parallel_loop3A_1037, %parallel_loop3A_1074 : vector<16xf32>
        %parallel_loop3A_1076 = arith.addf %parallel_loop3A_1067, %parallel_loop3A_1075 : vector<16xf32>
        %parallel_loop3A_1077 = arith.constant 1 : i32
        %parallel_loop3A_1078 = arith.index_cast %parallel_loop3A_1077 : i32 to index
        %parallel_loop3A_1079 = arith.index_cast %parallel_loop3A_247 : i32 to index
        %parallel_loop3A_1080 = arith.constant 336 : index
        %parallel_loop3A_1081 = tpu.vector_load %arg13[%parallel_loop3A_1078, %parallel_loop3A_1079, %parallel_loop3A_1080] {strides = array<i32>} : memref<2x16x512xf32, #tpu.memory_space<vmem>>, vector<1x1x16xf32>,
        %parallel_loop3A_1082 = vector.shape_cast %parallel_loop3A_1081 : vector<1x1x16xf32> to vector<16xf32>
        %parallel_loop3A_1083 = vector.shape_cast %parallel_loop3A_1076 : vector<16xf32> to vector<1x1x16xf32>
        tpu.vector_store %arg13[%parallel_loop3A_1078, %parallel_loop3A_1079, %parallel_loop3A_1080], %parallel_loop3A_1083 {strides = array<i32>} : memref<2x16x512xf32, #tpu.memory_space<vmem>>, vector<1x1x16xf32>,
        %parallel_loop3A_1084 = arith.constant 1 : i32
        %parallel_loop3A_1085 = arith.index_cast %parallel_loop3A_1084 : i32 to index
        %parallel_loop3A_1086 = arith.index_cast %parallel_loop3A_247 : i32 to index
        %parallel_loop3A_1087 = arith.constant 176 : index
        %parallel_loop3A_1088 = tpu.vector_load %arg12[%parallel_loop3A_1085, %parallel_loop3A_1086, %parallel_loop3A_1087] {strides = array<i32>} : memref<2x32x256xi32, #tpu.memory_space<vmem>>, vector<1x1x16xi32>,
        %parallel_loop3A_1089 = vector.shape_cast %parallel_loop3A_1088 : vector<1x1x16xi32> to vector<16xi32>
        %parallel_loop3A_1090 = arith.constant 16 : i32
        %parallel_loop3A_1091 = arith.addi %parallel_loop3A_1090, %parallel_loop3A_247 : i32
        %parallel_loop3A_1092 = arith.constant 1 : i32
        %parallel_loop3A_1093 = arith.index_cast %parallel_loop3A_1092 : i32 to index
        %parallel_loop3A_1094 = arith.index_cast %parallel_loop3A_1091 : i32 to index
        %parallel_loop3A_1095 = arith.constant 176 : index
        %parallel_loop3A_1096 = tpu.vector_load %arg12[%parallel_loop3A_1093, %parallel_loop3A_1094, %parallel_loop3A_1095] {strides = array<i32>} : memref<2x32x256xi32, #tpu.memory_space<vmem>>, vector<1x1x16xi32>,
        %parallel_loop3A_1097 = vector.shape_cast %parallel_loop3A_1096 : vector<1x1x16xi32> to vector<16xi32>
        %parallel_loop3A_1098 = arith.constant 16 : i32
        %parallel_loop3A_1099 = vector.broadcast %parallel_loop3A_1098 : i32 to vector<16xi32>
        %parallel_loop3A_1100 = arith.shli %parallel_loop3A_1089, %parallel_loop3A_1099 : vector<16xi32>
        %parallel_loop3A_1101 = tpu.bitcast %parallel_loop3A_1100 : vector<16xi32> -> vector<16xf32>
        %parallel_loop3A_1102 = arith.constant -65536 : i32
        %parallel_loop3A_1103 = vector.broadcast %parallel_loop3A_1102 : i32 to vector<16xi32>
        %parallel_loop3A_1104 = arith.andi %parallel_loop3A_1089, %parallel_loop3A_1103 : vector<16xi32>
        %parallel_loop3A_1105 = tpu.bitcast %parallel_loop3A_1104 : vector<16xi32> -> vector<16xf32>
        %parallel_loop3A_1106 = arith.constant 16 : i32
        %parallel_loop3A_1107 = vector.broadcast %parallel_loop3A_1106 : i32 to vector<16xi32>
        %parallel_loop3A_1108 = arith.shli %parallel_loop3A_1097, %parallel_loop3A_1107 : vector<16xi32>
        %parallel_loop3A_1109 = tpu.bitcast %parallel_loop3A_1108 : vector<16xi32> -> vector<16xf32>
        %parallel_loop3A_1110 = arith.constant -65536 : i32
        %parallel_loop3A_1111 = vector.broadcast %parallel_loop3A_1110 : i32 to vector<16xi32>
        %parallel_loop3A_1112 = arith.andi %parallel_loop3A_1097, %parallel_loop3A_1111 : vector<16xi32>
        %parallel_loop3A_1113 = tpu.bitcast %parallel_loop3A_1112 : vector<16xi32> -> vector<16xf32>
        %parallel_loop3A_1114 = arith.constant 1 : i32
        %parallel_loop3A_1115 = arith.index_cast %parallel_loop3A_1114 : i32 to index
        %parallel_loop3A_1116 = arith.index_cast %parallel_loop3A_247 : i32 to index
        %parallel_loop3A_1117 = arith.constant 352 : index
        %parallel_loop3A_1118 = tpu.vector_load %arg10[%parallel_loop3A_1115, %parallel_loop3A_1116, %parallel_loop3A_1117] {strides = array<i32>} : memref<2x16x512xf32, #tpu.memory_space<vmem>>, vector<1x1x16xf32>,
        %parallel_loop3A_1119 = vector.shape_cast %parallel_loop3A_1118 : vector<1x1x16xf32> to vector<16xf32>
        %parallel_loop3A_1120 = arith.addf %parallel_loop3A_1119, %parallel_loop3A_1101 : vector<16xf32>
        %parallel_loop3A_1121 = arith.constant 1 : i32
        %parallel_loop3A_1122 = arith.index_cast %parallel_loop3A_1121 : i32 to index
        %parallel_loop3A_1123 = arith.index_cast %parallel_loop3A_247 : i32 to index
        %parallel_loop3A_1124 = arith.constant 352 : index
        %parallel_loop3A_1125 = tpu.vector_load %arg11[%parallel_loop3A_1122, %parallel_loop3A_1123, %parallel_loop3A_1124] {strides = array<i32>} : memref<2x16x512xf32, #tpu.memory_space<vmem>>, vector<1x1x16xf32>,
        %parallel_loop3A_1126 = vector.shape_cast %parallel_loop3A_1125 : vector<1x1x16xf32> to vector<16xf32>
        %parallel_loop3A_1127 = arith.mulf %get3A_22, %parallel_loop3A_1126 : vector<16xf32>
        %parallel_loop3A_1128 = arith.addf %parallel_loop3A_1109, %parallel_loop3A_1127 : vector<16xf32>
        %parallel_loop3A_1129 = arith.addf %parallel_loop3A_1120, %parallel_loop3A_1128 : vector<16xf32>
        %parallel_loop3A_1130 = arith.constant 1 : i32
        %parallel_loop3A_1131 = arith.index_cast %parallel_loop3A_1130 : i32 to index
        %parallel_loop3A_1132 = arith.index_cast %parallel_loop3A_247 : i32 to index
        %parallel_loop3A_1133 = arith.constant 352 : index
        %parallel_loop3A_1134 = tpu.vector_load %arg13[%parallel_loop3A_1131, %parallel_loop3A_1132, %parallel_loop3A_1133] {strides = array<i32>} : memref<2x16x512xf32, #tpu.memory_space<vmem>>, vector<1x1x16xf32>,
        %parallel_loop3A_1135 = vector.shape_cast %parallel_loop3A_1134 : vector<1x1x16xf32> to vector<16xf32>
        %parallel_loop3A_1136 = vector.shape_cast %parallel_loop3A_1129 : vector<16xf32> to vector<1x1x16xf32>
        tpu.vector_store %arg13[%parallel_loop3A_1131, %parallel_loop3A_1132, %parallel_loop3A_1133], %parallel_loop3A_1136 {strides = array<i32>} : memref<2x16x512xf32, #tpu.memory_space<vmem>>, vector<1x1x16xf32>,
        %parallel_loop3A_1137 = arith.constant 1 : i32
        %parallel_loop3A_1138 = arith.index_cast %parallel_loop3A_1137 : i32 to index
        %parallel_loop3A_1139 = arith.index_cast %parallel_loop3A_247 : i32 to index
        %parallel_loop3A_1140 = arith.constant 368 : index
        %parallel_loop3A_1141 = tpu.vector_load %arg10[%parallel_loop3A_1138, %parallel_loop3A_1139, %parallel_loop3A_1140] {strides = array<i32>} : memref<2x16x512xf32, #tpu.memory_space<vmem>>, vector<1x1x16xf32>,
        %parallel_loop3A_1142 = vector.shape_cast %parallel_loop3A_1141 : vector<1x1x16xf32> to vector<16xf32>
        %parallel_loop3A_1143 = arith.addf %parallel_loop3A_1142, %parallel_loop3A_1105 : vector<16xf32>
        %parallel_loop3A_1144 = arith.constant 1 : i32
        %parallel_loop3A_1145 = arith.index_cast %parallel_loop3A_1144 : i32 to index
        %parallel_loop3A_1146 = arith.index_cast %parallel_loop3A_247 : i32 to index
        %parallel_loop3A_1147 = arith.constant 368 : index
        %parallel_loop3A_1148 = tpu.vector_load %arg11[%parallel_loop3A_1145, %parallel_loop3A_1146, %parallel_loop3A_1147] {strides = array<i32>} : memref<2x16x512xf32, #tpu.memory_space<vmem>>, vector<1x1x16xf32>,
        %parallel_loop3A_1149 = vector.shape_cast %parallel_loop3A_1148 : vector<1x1x16xf32> to vector<16xf32>
        %parallel_loop3A_1150 = arith.mulf %get3A_22, %parallel_loop3A_1149 : vector<16xf32>
        %parallel_loop3A_1151 = arith.addf %parallel_loop3A_1113, %parallel_loop3A_1150 : vector<16xf32>
        %parallel_loop3A_1152 = arith.addf %parallel_loop3A_1143, %parallel_loop3A_1151 : vector<16xf32>
        %parallel_loop3A_1153 = arith.constant 1 : i32
        %parallel_loop3A_1154 = arith.index_cast %parallel_loop3A_1153 : i32 to index
        %parallel_loop3A_1155 = arith.index_cast %parallel_loop3A_247 : i32 to index
        %parallel_loop3A_1156 = arith.constant 368 : index
        %parallel_loop3A_1157 = tpu.vector_load %arg13[%parallel_loop3A_1154, %parallel_loop3A_1155, %parallel_loop3A_1156] {strides = array<i32>} : memref<2x16x512xf32, #tpu.memory_space<vmem>>, vector<1x1x16xf32>,
        %parallel_loop3A_1158 = vector.shape_cast %parallel_loop3A_1157 : vector<1x1x16xf32> to vector<16xf32>
        %parallel_loop3A_1159 = vector.shape_cast %parallel_loop3A_1152 : vector<16xf32> to vector<1x1x16xf32>
        tpu.vector_store %arg13[%parallel_loop3A_1154, %parallel_loop3A_1155, %parallel_loop3A_1156], %parallel_loop3A_1159 {strides = array<i32>} : memref<2x16x512xf32, #tpu.memory_space<vmem>>, vector<1x1x16xf32>,
        %parallel_loop3A_1160 = arith.constant 1 : i32
        %parallel_loop3A_1161 = arith.index_cast %parallel_loop3A_1160 : i32 to index
        %parallel_loop3A_1162 = arith.index_cast %parallel_loop3A_247 : i32 to index
        %parallel_loop3A_1163 = arith.constant 192 : index
        %parallel_loop3A_1164 = tpu.vector_load %arg12[%parallel_loop3A_1161, %parallel_loop3A_1162, %parallel_loop3A_1163] {strides = array<i32>} : memref<2x32x256xi32, #tpu.memory_space<vmem>>, vector<1x1x16xi32>,
        %parallel_loop3A_1165 = vector.shape_cast %parallel_loop3A_1164 : vector<1x1x16xi32> to vector<16xi32>
        %parallel_loop3A_1166 = arith.constant 16 : i32
        %parallel_loop3A_1167 = arith.addi %parallel_loop3A_1166, %parallel_loop3A_247 : i32
        %parallel_loop3A_1168 = arith.constant 1 : i32
        %parallel_loop3A_1169 = arith.index_cast %parallel_loop3A_1168 : i32 to index
        %parallel_loop3A_1170 = arith.index_cast %parallel_loop3A_1167 : i32 to index
        %parallel_loop3A_1171 = arith.constant 192 : index
        %parallel_loop3A_1172 = tpu.vector_load %arg12[%parallel_loop3A_1169, %parallel_loop3A_1170, %parallel_loop3A_1171] {strides = array<i32>} : memref<2x32x256xi32, #tpu.memory_space<vmem>>, vector<1x1x16xi32>,
        %parallel_loop3A_1173 = vector.shape_cast %parallel_loop3A_1172 : vector<1x1x16xi32> to vector<16xi32>
        %parallel_loop3A_1174 = arith.constant 16 : i32
        %parallel_loop3A_1175 = vector.broadcast %parallel_loop3A_1174 : i32 to vector<16xi32>
        %parallel_loop3A_1176 = arith.shli %parallel_loop3A_1165, %parallel_loop3A_1175 : vector<16xi32>
        %parallel_loop3A_1177 = tpu.bitcast %parallel_loop3A_1176 : vector<16xi32> -> vector<16xf32>
        %parallel_loop3A_1178 = arith.constant -65536 : i32
        %parallel_loop3A_1179 = vector.broadcast %parallel_loop3A_1178 : i32 to vector<16xi32>
        %parallel_loop3A_1180 = arith.andi %parallel_loop3A_1165, %parallel_loop3A_1179 : vector<16xi32>
        %parallel_loop3A_1181 = tpu.bitcast %parallel_loop3A_1180 : vector<16xi32> -> vector<16xf32>
        %parallel_loop3A_1182 = arith.constant 16 : i32
        %parallel_loop3A_1183 = vector.broadcast %parallel_loop3A_1182 : i32 to vector<16xi32>
        %parallel_loop3A_1184 = arith.shli %parallel_loop3A_1173, %parallel_loop3A_1183 : vector<16xi32>
        %parallel_loop3A_1185 = tpu.bitcast %parallel_loop3A_1184 : vector<16xi32> -> vector<16xf32>
        %parallel_loop3A_1186 = arith.constant -65536 : i32
        %parallel_loop3A_1187 = vector.broadcast %parallel_loop3A_1186 : i32 to vector<16xi32>
        %parallel_loop3A_1188 = arith.andi %parallel_loop3A_1173, %parallel_loop3A_1187 : vector<16xi32>
        %parallel_loop3A_1189 = tpu.bitcast %parallel_loop3A_1188 : vector<16xi32> -> vector<16xf32>
        %parallel_loop3A_1190 = arith.constant 1 : i32
        %parallel_loop3A_1191 = arith.index_cast %parallel_loop3A_1190 : i32 to index
        %parallel_loop3A_1192 = arith.index_cast %parallel_loop3A_247 : i32 to index
        %parallel_loop3A_1193 = arith.constant 384 : index
        %parallel_loop3A_1194 = tpu.vector_load %arg10[%parallel_loop3A_1191, %parallel_loop3A_1192, %parallel_loop3A_1193] {strides = array<i32>} : memref<2x16x512xf32, #tpu.memory_space<vmem>>, vector<1x1x16xf32>,
        %parallel_loop3A_1195 = vector.shape_cast %parallel_loop3A_1194 : vector<1x1x16xf32> to vector<16xf32>
        %parallel_loop3A_1196 = arith.addf %parallel_loop3A_1195, %parallel_loop3A_1177 : vector<16xf32>
        %parallel_loop3A_1197 = arith.constant 1 : i32
        %parallel_loop3A_1198 = arith.index_cast %parallel_loop3A_1197 : i32 to index
        %parallel_loop3A_1199 = arith.index_cast %parallel_loop3A_247 : i32 to index
        %parallel_loop3A_1200 = arith.constant 384 : index
        %parallel_loop3A_1201 = tpu.vector_load %arg11[%parallel_loop3A_1198, %parallel_loop3A_1199, %parallel_loop3A_1200] {strides = array<i32>} : memref<2x16x512xf32, #tpu.memory_space<vmem>>, vector<1x1x16xf32>,
        %parallel_loop3A_1202 = vector.shape_cast %parallel_loop3A_1201 : vector<1x1x16xf32> to vector<16xf32>
        %parallel_loop3A_1203 = arith.mulf %get3A_22, %parallel_loop3A_1202 : vector<16xf32>
        %parallel_loop3A_1204 = arith.addf %parallel_loop3A_1185, %parallel_loop3A_1203 : vector<16xf32>
        %parallel_loop3A_1205 = arith.addf %parallel_loop3A_1196, %parallel_loop3A_1204 : vector<16xf32>
        %parallel_loop3A_1206 = arith.constant 1 : i32
        %parallel_loop3A_1207 = arith.index_cast %parallel_loop3A_1206 : i32 to index
        %parallel_loop3A_1208 = arith.index_cast %parallel_loop3A_247 : i32 to index
        %parallel_loop3A_1209 = arith.constant 384 : index
        %parallel_loop3A_1210 = tpu.vector_load %arg13[%parallel_loop3A_1207, %parallel_loop3A_1208, %parallel_loop3A_1209] {strides = array<i32>} : memref<2x16x512xf32, #tpu.memory_space<vmem>>, vector<1x1x16xf32>,
        %parallel_loop3A_1211 = vector.shape_cast %parallel_loop3A_1210 : vector<1x1x16xf32> to vector<16xf32>
        %parallel_loop3A_1212 = vector.shape_cast %parallel_loop3A_1205 : vector<16xf32> to vector<1x1x16xf32>
        tpu.vector_store %arg13[%parallel_loop3A_1207, %parallel_loop3A_1208, %parallel_loop3A_1209], %parallel_loop3A_1212 {strides = array<i32>} : memref<2x16x512xf32, #tpu.memory_space<vmem>>, vector<1x1x16xf32>,
        %parallel_loop3A_1213 = arith.constant 1 : i32
        %parallel_loop3A_1214 = arith.index_cast %parallel_loop3A_1213 : i32 to index
        %parallel_loop3A_1215 = arith.index_cast %parallel_loop3A_247 : i32 to index
        %parallel_loop3A_1216 = arith.constant 400 : index
        %parallel_loop3A_1217 = tpu.vector_load %arg10[%parallel_loop3A_1214, %parallel_loop3A_1215, %parallel_loop3A_1216] {strides = array<i32>} : memref<2x16x512xf32, #tpu.memory_space<vmem>>, vector<1x1x16xf32>,
        %parallel_loop3A_1218 = vector.shape_cast %parallel_loop3A_1217 : vector<1x1x16xf32> to vector<16xf32>
        %parallel_loop3A_1219 = arith.addf %parallel_loop3A_1218, %parallel_loop3A_1181 : vector<16xf32>
        %parallel_loop3A_1220 = arith.constant 1 : i32
        %parallel_loop3A_1221 = arith.index_cast %parallel_loop3A_1220 : i32 to index
        %parallel_loop3A_1222 = arith.index_cast %parallel_loop3A_247 : i32 to index
        %parallel_loop3A_1223 = arith.constant 400 : index
        %parallel_loop3A_1224 = tpu.vector_load %arg11[%parallel_loop3A_1221, %parallel_loop3A_1222, %parallel_loop3A_1223] {strides = array<i32>} : memref<2x16x512xf32, #tpu.memory_space<vmem>>, vector<1x1x16xf32>,
        %parallel_loop3A_1225 = vector.shape_cast %parallel_loop3A_1224 : vector<1x1x16xf32> to vector<16xf32>
        %parallel_loop3A_1226 = arith.mulf %get3A_22, %parallel_loop3A_1225 : vector<16xf32>
        %parallel_loop3A_1227 = arith.addf %parallel_loop3A_1189, %parallel_loop3A_1226 : vector<16xf32>
        %parallel_loop3A_1228 = arith.addf %parallel_loop3A_1219, %parallel_loop3A_1227 : vector<16xf32>
        %parallel_loop3A_1229 = arith.constant 1 : i32
        %parallel_loop3A_1230 = arith.index_cast %parallel_loop3A_1229 : i32 to index
        %parallel_loop3A_1231 = arith.index_cast %parallel_loop3A_247 : i32 to index
        %parallel_loop3A_1232 = arith.constant 400 : index
        %parallel_loop3A_1233 = tpu.vector_load %arg13[%parallel_loop3A_1230, %parallel_loop3A_1231, %parallel_loop3A_1232] {strides = array<i32>} : memref<2x16x512xf32, #tpu.memory_space<vmem>>, vector<1x1x16xf32>,
        %parallel_loop3A_1234 = vector.shape_cast %parallel_loop3A_1233 : vector<1x1x16xf32> to vector<16xf32>
        %parallel_loop3A_1235 = vector.shape_cast %parallel_loop3A_1228 : vector<16xf32> to vector<1x1x16xf32>
        tpu.vector_store %arg13[%parallel_loop3A_1230, %parallel_loop3A_1231, %parallel_loop3A_1232], %parallel_loop3A_1235 {strides = array<i32>} : memref<2x16x512xf32, #tpu.memory_space<vmem>>, vector<1x1x16xf32>,
        %parallel_loop3A_1236 = arith.constant 1 : i32
        %parallel_loop3A_1237 = arith.index_cast %parallel_loop3A_1236 : i32 to index
        %parallel_loop3A_1238 = arith.index_cast %parallel_loop3A_247 : i32 to index
        %parallel_loop3A_1239 = arith.constant 208 : index
        %parallel_loop3A_1240 = tpu.vector_load %arg12[%parallel_loop3A_1237, %parallel_loop3A_1238, %parallel_loop3A_1239] {strides = array<i32>} : memref<2x32x256xi32, #tpu.memory_space<vmem>>, vector<1x1x16xi32>,
        %parallel_loop3A_1241 = vector.shape_cast %parallel_loop3A_1240 : vector<1x1x16xi32> to vector<16xi32>
        %parallel_loop3A_1242 = arith.constant 16 : i32
        %parallel_loop3A_1243 = arith.addi %parallel_loop3A_1242, %parallel_loop3A_247 : i32
        %parallel_loop3A_1244 = arith.constant 1 : i32
        %parallel_loop3A_1245 = arith.index_cast %parallel_loop3A_1244 : i32 to index
        %parallel_loop3A_1246 = arith.index_cast %parallel_loop3A_1243 : i32 to index
        %parallel_loop3A_1247 = arith.constant 208 : index
        %parallel_loop3A_1248 = tpu.vector_load %arg12[%parallel_loop3A_1245, %parallel_loop3A_1246, %parallel_loop3A_1247] {strides = array<i32>} : memref<2x32x256xi32, #tpu.memory_space<vmem>>, vector<1x1x16xi32>,
        %parallel_loop3A_1249 = vector.shape_cast %parallel_loop3A_1248 : vector<1x1x16xi32> to vector<16xi32>
        %parallel_loop3A_1250 = arith.constant 16 : i32
        %parallel_loop3A_1251 = vector.broadcast %parallel_loop3A_1250 : i32 to vector<16xi32>
        %parallel_loop3A_1252 = arith.shli %parallel_loop3A_1241, %parallel_loop3A_1251 : vector<16xi32>
        %parallel_loop3A_1253 = tpu.bitcast %parallel_loop3A_1252 : vector<16xi32> -> vector<16xf32>
        %parallel_loop3A_1254 = arith.constant -65536 : i32
        %parallel_loop3A_1255 = vector.broadcast %parallel_loop3A_1254 : i32 to vector<16xi32>
        %parallel_loop3A_1256 = arith.andi %parallel_loop3A_1241, %parallel_loop3A_1255 : vector<16xi32>
        %parallel_loop3A_1257 = tpu.bitcast %parallel_loop3A_1256 : vector<16xi32> -> vector<16xf32>
        %parallel_loop3A_1258 = arith.constant 16 : i32
        %parallel_loop3A_1259 = vector.broadcast %parallel_loop3A_1258 : i32 to vector<16xi32>
        %parallel_loop3A_1260 = arith.shli %parallel_loop3A_1249, %parallel_loop3A_1259 : vector<16xi32>
        %parallel_loop3A_1261 = tpu.bitcast %parallel_loop3A_1260 : vector<16xi32> -> vector<16xf32>
        %parallel_loop3A_1262 = arith.constant -65536 : i32
        %parallel_loop3A_1263 = vector.broadcast %parallel_loop3A_1262 : i32 to vector<16xi32>
        %parallel_loop3A_1264 = arith.andi %parallel_loop3A_1249, %parallel_loop3A_1263 : vector<16xi32>
        %parallel_loop3A_1265 = tpu.bitcast %parallel_loop3A_1264 : vector<16xi32> -> vector<16xf32>
        %parallel_loop3A_1266 = arith.constant 1 : i32
        %parallel_loop3A_1267 = arith.index_cast %parallel_loop3A_1266 : i32 to index
        %parallel_loop3A_1268 = arith.index_cast %parallel_loop3A_247 : i32 to index
        %parallel_loop3A_1269 = arith.constant 416 : index
        %parallel_loop3A_1270 = tpu.vector_load %arg10[%parallel_loop3A_1267, %parallel_loop3A_1268, %parallel_loop3A_1269] {strides = array<i32>} : memref<2x16x512xf32, #tpu.memory_space<vmem>>, vector<1x1x16xf32>,
        %parallel_loop3A_1271 = vector.shape_cast %parallel_loop3A_1270 : vector<1x1x16xf32> to vector<16xf32>
        %parallel_loop3A_1272 = arith.addf %parallel_loop3A_1271, %parallel_loop3A_1253 : vector<16xf32>
        %parallel_loop3A_1273 = arith.constant 1 : i32
        %parallel_loop3A_1274 = arith.index_cast %parallel_loop3A_1273 : i32 to index
        %parallel_loop3A_1275 = arith.index_cast %parallel_loop3A_247 : i32 to index
        %parallel_loop3A_1276 = arith.constant 416 : index
        %parallel_loop3A_1277 = tpu.vector_load %arg11[%parallel_loop3A_1274, %parallel_loop3A_1275, %parallel_loop3A_1276] {strides = array<i32>} : memref<2x16x512xf32, #tpu.memory_space<vmem>>, vector<1x1x16xf32>,
        %parallel_loop3A_1278 = vector.shape_cast %parallel_loop3A_1277 : vector<1x1x16xf32> to vector<16xf32>
        %parallel_loop3A_1279 = arith.mulf %get3A_22, %parallel_loop3A_1278 : vector<16xf32>
        %parallel_loop3A_1280 = arith.addf %parallel_loop3A_1261, %parallel_loop3A_1279 : vector<16xf32>
        %parallel_loop3A_1281 = arith.addf %parallel_loop3A_1272, %parallel_loop3A_1280 : vector<16xf32>
        %parallel_loop3A_1282 = arith.constant 1 : i32
        %parallel_loop3A_1283 = arith.index_cast %parallel_loop3A_1282 : i32 to index
        %parallel_loop3A_1284 = arith.index_cast %parallel_loop3A_247 : i32 to index
        %parallel_loop3A_1285 = arith.constant 416 : index
        %parallel_loop3A_1286 = tpu.vector_load %arg13[%parallel_loop3A_1283, %parallel_loop3A_1284, %parallel_loop3A_1285] {strides = array<i32>} : memref<2x16x512xf32, #tpu.memory_space<vmem>>, vector<1x1x16xf32>,
        %parallel_loop3A_1287 = vector.shape_cast %parallel_loop3A_1286 : vector<1x1x16xf32> to vector<16xf32>
        %parallel_loop3A_1288 = vector.shape_cast %parallel_loop3A_1281 : vector<16xf32> to vector<1x1x16xf32>
        tpu.vector_store %arg13[%parallel_loop3A_1283, %parallel_loop3A_1284, %parallel_loop3A_1285], %parallel_loop3A_1288 {strides = array<i32>} : memref<2x16x512xf32, #tpu.memory_space<vmem>>, vector<1x1x16xf32>,
        %parallel_loop3A_1289 = arith.constant 1 : i32
        %parallel_loop3A_1290 = arith.index_cast %parallel_loop3A_1289 : i32 to index
        %parallel_loop3A_1291 = arith.index_cast %parallel_loop3A_247 : i32 to index
        %parallel_loop3A_1292 = arith.constant 432 : index
        %parallel_loop3A_1293 = tpu.vector_load %arg10[%parallel_loop3A_1290, %parallel_loop3A_1291, %parallel_loop3A_1292] {strides = array<i32>} : memref<2x16x512xf32, #tpu.memory_space<vmem>>, vector<1x1x16xf32>,
        %parallel_loop3A_1294 = vector.shape_cast %parallel_loop3A_1293 : vector<1x1x16xf32> to vector<16xf32>
        %parallel_loop3A_1295 = arith.addf %parallel_loop3A_1294, %parallel_loop3A_1257 : vector<16xf32>
        %parallel_loop3A_1296 = arith.constant 1 : i32
        %parallel_loop3A_1297 = arith.index_cast %parallel_loop3A_1296 : i32 to index
        %parallel_loop3A_1298 = arith.index_cast %parallel_loop3A_247 : i32 to index
        %parallel_loop3A_1299 = arith.constant 432 : index
        %parallel_loop3A_1300 = tpu.vector_load %arg11[%parallel_loop3A_1297, %parallel_loop3A_1298, %parallel_loop3A_1299] {strides = array<i32>} : memref<2x16x512xf32, #tpu.memory_space<vmem>>, vector<1x1x16xf32>,
        %parallel_loop3A_1301 = vector.shape_cast %parallel_loop3A_1300 : vector<1x1x16xf32> to vector<16xf32>
        %parallel_loop3A_1302 = arith.mulf %get3A_22, %parallel_loop3A_1301 : vector<16xf32>
        %parallel_loop3A_1303 = arith.addf %parallel_loop3A_1265, %parallel_loop3A_1302 : vector<16xf32>
        %parallel_loop3A_1304 = arith.addf %parallel_loop3A_1295, %parallel_loop3A_1303 : vector<16xf32>
        %parallel_loop3A_1305 = arith.constant 1 : i32
        %parallel_loop3A_1306 = arith.index_cast %parallel_loop3A_1305 : i32 to index
        %parallel_loop3A_1307 = arith.index_cast %parallel_loop3A_247 : i32 to index
        %parallel_loop3A_1308 = arith.constant 432 : index
        %parallel_loop3A_1309 = tpu.vector_load %arg13[%parallel_loop3A_1306, %parallel_loop3A_1307, %parallel_loop3A_1308] {strides = array<i32>} : memref<2x16x512xf32, #tpu.memory_space<vmem>>, vector<1x1x16xf32>,
        %parallel_loop3A_1310 = vector.shape_cast %parallel_loop3A_1309 : vector<1x1x16xf32> to vector<16xf32>
        %parallel_loop3A_1311 = vector.shape_cast %parallel_loop3A_1304 : vector<16xf32> to vector<1x1x16xf32>
        tpu.vector_store %arg13[%parallel_loop3A_1306, %parallel_loop3A_1307, %parallel_loop3A_1308], %parallel_loop3A_1311 {strides = array<i32>} : memref<2x16x512xf32, #tpu.memory_space<vmem>>, vector<1x1x16xf32>,
        %parallel_loop3A_1312 = arith.constant 1 : i32
        %parallel_loop3A_1313 = arith.index_cast %parallel_loop3A_1312 : i32 to index
        %parallel_loop3A_1314 = arith.index_cast %parallel_loop3A_247 : i32 to index
        %parallel_loop3A_1315 = arith.constant 224 : index
        %parallel_loop3A_1316 = tpu.vector_load %arg12[%parallel_loop3A_1313, %parallel_loop3A_1314, %parallel_loop3A_1315] {strides = array<i32>} : memref<2x32x256xi32, #tpu.memory_space<vmem>>, vector<1x1x16xi32>,
        %parallel_loop3A_1317 = vector.shape_cast %parallel_loop3A_1316 : vector<1x1x16xi32> to vector<16xi32>
        %parallel_loop3A_1318 = arith.constant 16 : i32
        %parallel_loop3A_1319 = arith.addi %parallel_loop3A_1318, %parallel_loop3A_247 : i32
        %parallel_loop3A_1320 = arith.constant 1 : i32
        %parallel_loop3A_1321 = arith.index_cast %parallel_loop3A_1320 : i32 to index
        %parallel_loop3A_1322 = arith.index_cast %parallel_loop3A_1319 : i32 to index
        %parallel_loop3A_1323 = arith.constant 224 : index
        %parallel_loop3A_1324 = tpu.vector_load %arg12[%parallel_loop3A_1321, %parallel_loop3A_1322, %parallel_loop3A_1323] {strides = array<i32>} : memref<2x32x256xi32, #tpu.memory_space<vmem>>, vector<1x1x16xi32>,
        %parallel_loop3A_1325 = vector.shape_cast %parallel_loop3A_1324 : vector<1x1x16xi32> to vector<16xi32>
        %parallel_loop3A_1326 = arith.constant 16 : i32
        %parallel_loop3A_1327 = vector.broadcast %parallel_loop3A_1326 : i32 to vector<16xi32>
        %parallel_loop3A_1328 = arith.shli %parallel_loop3A_1317, %parallel_loop3A_1327 : vector<16xi32>
        %parallel_loop3A_1329 = tpu.bitcast %parallel_loop3A_1328 : vector<16xi32> -> vector<16xf32>
        %parallel_loop3A_1330 = arith.constant -65536 : i32
        %parallel_loop3A_1331 = vector.broadcast %parallel_loop3A_1330 : i32 to vector<16xi32>
        %parallel_loop3A_1332 = arith.andi %parallel_loop3A_1317, %parallel_loop3A_1331 : vector<16xi32>
        %parallel_loop3A_1333 = tpu.bitcast %parallel_loop3A_1332 : vector<16xi32> -> vector<16xf32>
        %parallel_loop3A_1334 = arith.constant 16 : i32
        %parallel_loop3A_1335 = vector.broadcast %parallel_loop3A_1334 : i32 to vector<16xi32>
        %parallel_loop3A_1336 = arith.shli %parallel_loop3A_1325, %parallel_loop3A_1335 : vector<16xi32>
        %parallel_loop3A_1337 = tpu.bitcast %parallel_loop3A_1336 : vector<16xi32> -> vector<16xf32>
        %parallel_loop3A_1338 = arith.constant -65536 : i32
        %parallel_loop3A_1339 = vector.broadcast %parallel_loop3A_1338 : i32 to vector<16xi32>
        %parallel_loop3A_1340 = arith.andi %parallel_loop3A_1325, %parallel_loop3A_1339 : vector<16xi32>
        %parallel_loop3A_1341 = tpu.bitcast %parallel_loop3A_1340 : vector<16xi32> -> vector<16xf32>
        %parallel_loop3A_1342 = arith.constant 1 : i32
        %parallel_loop3A_1343 = arith.index_cast %parallel_loop3A_1342 : i32 to index
        %parallel_loop3A_1344 = arith.index_cast %parallel_loop3A_247 : i32 to index
        %parallel_loop3A_1345 = arith.constant 448 : index
        %parallel_loop3A_1346 = tpu.vector_load %arg10[%parallel_loop3A_1343, %parallel_loop3A_1344, %parallel_loop3A_1345] {strides = array<i32>} : memref<2x16x512xf32, #tpu.memory_space<vmem>>, vector<1x1x16xf32>,
        %parallel_loop3A_1347 = vector.shape_cast %parallel_loop3A_1346 : vector<1x1x16xf32> to vector<16xf32>
        %parallel_loop3A_1348 = arith.addf %parallel_loop3A_1347, %parallel_loop3A_1329 : vector<16xf32>
        %parallel_loop3A_1349 = arith.constant 1 : i32
        %parallel_loop3A_1350 = arith.index_cast %parallel_loop3A_1349 : i32 to index
        %parallel_loop3A_1351 = arith.index_cast %parallel_loop3A_247 : i32 to index
        %parallel_loop3A_1352 = arith.constant 448 : index
        %parallel_loop3A_1353 = tpu.vector_load %arg11[%parallel_loop3A_1350, %parallel_loop3A_1351, %parallel_loop3A_1352] {strides = array<i32>} : memref<2x16x512xf32, #tpu.memory_space<vmem>>, vector<1x1x16xf32>,
        %parallel_loop3A_1354 = vector.shape_cast %parallel_loop3A_1353 : vector<1x1x16xf32> to vector<16xf32>
        %parallel_loop3A_1355 = arith.mulf %get3A_22, %parallel_loop3A_1354 : vector<16xf32>
        %parallel_loop3A_1356 = arith.addf %parallel_loop3A_1337, %parallel_loop3A_1355 : vector<16xf32>
        %parallel_loop3A_1357 = arith.addf %parallel_loop3A_1348, %parallel_loop3A_1356 : vector<16xf32>
        %parallel_loop3A_1358 = arith.constant 1 : i32
        %parallel_loop3A_1359 = arith.index_cast %parallel_loop3A_1358 : i32 to index
        %parallel_loop3A_1360 = arith.index_cast %parallel_loop3A_247 : i32 to index
        %parallel_loop3A_1361 = arith.constant 448 : index
        %parallel_loop3A_1362 = tpu.vector_load %arg13[%parallel_loop3A_1359, %parallel_loop3A_1360, %parallel_loop3A_1361] {strides = array<i32>} : memref<2x16x512xf32, #tpu.memory_space<vmem>>, vector<1x1x16xf32>,
        %parallel_loop3A_1363 = vector.shape_cast %parallel_loop3A_1362 : vector<1x1x16xf32> to vector<16xf32>
        %parallel_loop3A_1364 = vector.shape_cast %parallel_loop3A_1357 : vector<16xf32> to vector<1x1x16xf32>
        tpu.vector_store %arg13[%parallel_loop3A_1359, %parallel_loop3A_1360, %parallel_loop3A_1361], %parallel_loop3A_1364 {strides = array<i32>} : memref<2x16x512xf32, #tpu.memory_space<vmem>>, vector<1x1x16xf32>,
        %parallel_loop3A_1365 = arith.constant 1 : i32
        %parallel_loop3A_1366 = arith.index_cast %parallel_loop3A_1365 : i32 to index
        %parallel_loop3A_1367 = arith.index_cast %parallel_loop3A_247 : i32 to index
        %parallel_loop3A_1368 = arith.constant 464 : index
        %parallel_loop3A_1369 = tpu.vector_load %arg10[%parallel_loop3A_1366, %parallel_loop3A_1367, %parallel_loop3A_1368] {strides = array<i32>} : memref<2x16x512xf32, #tpu.memory_space<vmem>>, vector<1x1x16xf32>,
        %parallel_loop3A_1370 = vector.shape_cast %parallel_loop3A_1369 : vector<1x1x16xf32> to vector<16xf32>
        %parallel_loop3A_1371 = arith.addf %parallel_loop3A_1370, %parallel_loop3A_1333 : vector<16xf32>
        %parallel_loop3A_1372 = arith.constant 1 : i32
        %parallel_loop3A_1373 = arith.index_cast %parallel_loop3A_1372 : i32 to index
        %parallel_loop3A_1374 = arith.index_cast %parallel_loop3A_247 : i32 to index
        %parallel_loop3A_1375 = arith.constant 464 : index
        %parallel_loop3A_1376 = tpu.vector_load %arg11[%parallel_loop3A_1373, %parallel_loop3A_1374, %parallel_loop3A_1375] {strides = array<i32>} : memref<2x16x512xf32, #tpu.memory_space<vmem>>, vector<1x1x16xf32>,
        %parallel_loop3A_1377 = vector.shape_cast %parallel_loop3A_1376 : vector<1x1x16xf32> to vector<16xf32>
        %parallel_loop3A_1378 = arith.mulf %get3A_22, %parallel_loop3A_1377 : vector<16xf32>
        %parallel_loop3A_1379 = arith.addf %parallel_loop3A_1341, %parallel_loop3A_1378 : vector<16xf32>
        %parallel_loop3A_1380 = arith.addf %parallel_loop3A_1371, %parallel_loop3A_1379 : vector<16xf32>
        %parallel_loop3A_1381 = arith.constant 1 : i32
        %parallel_loop3A_1382 = arith.index_cast %parallel_loop3A_1381 : i32 to index
        %parallel_loop3A_1383 = arith.index_cast %parallel_loop3A_247 : i32 to index
        %parallel_loop3A_1384 = arith.constant 464 : index
        %parallel_loop3A_1385 = tpu.vector_load %arg13[%parallel_loop3A_1382, %parallel_loop3A_1383, %parallel_loop3A_1384] {strides = array<i32>} : memref<2x16x512xf32, #tpu.memory_space<vmem>>, vector<1x1x16xf32>,
        %parallel_loop3A_1386 = vector.shape_cast %parallel_loop3A_1385 : vector<1x1x16xf32> to vector<16xf32>
        %parallel_loop3A_1387 = vector.shape_cast %parallel_loop3A_1380 : vector<16xf32> to vector<1x1x16xf32>
        tpu.vector_store %arg13[%parallel_loop3A_1382, %parallel_loop3A_1383, %parallel_loop3A_1384], %parallel_loop3A_1387 {strides = array<i32>} : memref<2x16x512xf32, #tpu.memory_space<vmem>>, vector<1x1x16xf32>,
        %parallel_loop3A_1388 = arith.constant 1 : i32
        %parallel_loop3A_1389 = arith.index_cast %parallel_loop3A_1388 : i32 to index
        %parallel_loop3A_1390 = arith.index_cast %parallel_loop3A_247 : i32 to index
        %parallel_loop3A_1391 = arith.constant 240 : index
        %parallel_loop3A_1392 = tpu.vector_load %arg12[%parallel_loop3A_1389, %parallel_loop3A_1390, %parallel_loop3A_1391] {strides = array<i32>} : memref<2x32x256xi32, #tpu.memory_space<vmem>>, vector<1x1x16xi32>,
        %parallel_loop3A_1393 = vector.shape_cast %parallel_loop3A_1392 : vector<1x1x16xi32> to vector<16xi32>
        %parallel_loop3A_1394 = arith.constant 16 : i32
        %parallel_loop3A_1395 = arith.addi %parallel_loop3A_1394, %parallel_loop3A_247 : i32
        %parallel_loop3A_1396 = arith.constant 1 : i32
        %parallel_loop3A_1397 = arith.index_cast %parallel_loop3A_1396 : i32 to index
        %parallel_loop3A_1398 = arith.index_cast %parallel_loop3A_1395 : i32 to index
        %parallel_loop3A_1399 = arith.constant 240 : index
        %parallel_loop3A_1400 = tpu.vector_load %arg12[%parallel_loop3A_1397, %parallel_loop3A_1398, %parallel_loop3A_1399] {strides = array<i32>} : memref<2x32x256xi32, #tpu.memory_space<vmem>>, vector<1x1x16xi32>,
        %parallel_loop3A_1401 = vector.shape_cast %parallel_loop3A_1400 : vector<1x1x16xi32> to vector<16xi32>
        %parallel_loop3A_1402 = arith.constant 16 : i32
        %parallel_loop3A_1403 = vector.broadcast %parallel_loop3A_1402 : i32 to vector<16xi32>
        %parallel_loop3A_1404 = arith.shli %parallel_loop3A_1393, %parallel_loop3A_1403 : vector<16xi32>
        %parallel_loop3A_1405 = tpu.bitcast %parallel_loop3A_1404 : vector<16xi32> -> vector<16xf32>
        %parallel_loop3A_1406 = arith.constant -65536 : i32
        %parallel_loop3A_1407 = vector.broadcast %parallel_loop3A_1406 : i32 to vector<16xi32>
        %parallel_loop3A_1408 = arith.andi %parallel_loop3A_1393, %parallel_loop3A_1407 : vector<16xi32>
        %parallel_loop3A_1409 = tpu.bitcast %parallel_loop3A_1408 : vector<16xi32> -> vector<16xf32>
        %parallel_loop3A_1410 = arith.constant 16 : i32
        %parallel_loop3A_1411 = vector.broadcast %parallel_loop3A_1410 : i32 to vector<16xi32>
        %parallel_loop3A_1412 = arith.shli %parallel_loop3A_1401, %parallel_loop3A_1411 : vector<16xi32>
        %parallel_loop3A_1413 = tpu.bitcast %parallel_loop3A_1412 : vector<16xi32> -> vector<16xf32>
        %parallel_loop3A_1414 = arith.constant -65536 : i32
        %parallel_loop3A_1415 = vector.broadcast %parallel_loop3A_1414 : i32 to vector<16xi32>
        %parallel_loop3A_1416 = arith.andi %parallel_loop3A_1401, %parallel_loop3A_1415 : vector<16xi32>
        %parallel_loop3A_1417 = tpu.bitcast %parallel_loop3A_1416 : vector<16xi32> -> vector<16xf32>
        %parallel_loop3A_1418 = arith.constant 1 : i32
        %parallel_loop3A_1419 = arith.index_cast %parallel_loop3A_1418 : i32 to index
        %parallel_loop3A_1420 = arith.index_cast %parallel_loop3A_247 : i32 to index
        %parallel_loop3A_1421 = arith.constant 480 : index
        %parallel_loop3A_1422 = tpu.vector_load %arg10[%parallel_loop3A_1419, %parallel_loop3A_1420, %parallel_loop3A_1421] {strides = array<i32>} : memref<2x16x512xf32, #tpu.memory_space<vmem>>, vector<1x1x16xf32>,
        %parallel_loop3A_1423 = vector.shape_cast %parallel_loop3A_1422 : vector<1x1x16xf32> to vector<16xf32>
        %parallel_loop3A_1424 = arith.addf %parallel_loop3A_1423, %parallel_loop3A_1405 : vector<16xf32>
        %parallel_loop3A_1425 = arith.constant 1 : i32
        %parallel_loop3A_1426 = arith.index_cast %parallel_loop3A_1425 : i32 to index
        %parallel_loop3A_1427 = arith.index_cast %parallel_loop3A_247 : i32 to index
        %parallel_loop3A_1428 = arith.constant 480 : index
        %parallel_loop3A_1429 = tpu.vector_load %arg11[%parallel_loop3A_1426, %parallel_loop3A_1427, %parallel_loop3A_1428] {strides = array<i32>} : memref<2x16x512xf32, #tpu.memory_space<vmem>>, vector<1x1x16xf32>,
        %parallel_loop3A_1430 = vector.shape_cast %parallel_loop3A_1429 : vector<1x1x16xf32> to vector<16xf32>
        %parallel_loop3A_1431 = arith.mulf %get3A_22, %parallel_loop3A_1430 : vector<16xf32>
        %parallel_loop3A_1432 = arith.addf %parallel_loop3A_1413, %parallel_loop3A_1431 : vector<16xf32>
        %parallel_loop3A_1433 = arith.addf %parallel_loop3A_1424, %parallel_loop3A_1432 : vector<16xf32>
        %parallel_loop3A_1434 = arith.constant 1 : i32
        %parallel_loop3A_1435 = arith.index_cast %parallel_loop3A_1434 : i32 to index
        %parallel_loop3A_1436 = arith.index_cast %parallel_loop3A_247 : i32 to index
        %parallel_loop3A_1437 = arith.constant 480 : index
        %parallel_loop3A_1438 = tpu.vector_load %arg13[%parallel_loop3A_1435, %parallel_loop3A_1436, %parallel_loop3A_1437] {strides = array<i32>} : memref<2x16x512xf32, #tpu.memory_space<vmem>>, vector<1x1x16xf32>,
        %parallel_loop3A_1439 = vector.shape_cast %parallel_loop3A_1438 : vector<1x1x16xf32> to vector<16xf32>
        %parallel_loop3A_1440 = vector.shape_cast %parallel_loop3A_1433 : vector<16xf32> to vector<1x1x16xf32>
        tpu.vector_store %arg13[%parallel_loop3A_1435, %parallel_loop3A_1436, %parallel_loop3A_1437], %parallel_loop3A_1440 {strides = array<i32>} : memref<2x16x512xf32, #tpu.memory_space<vmem>>, vector<1x1x16xf32>,
        %parallel_loop3A_1441 = arith.constant 1 : i32
        %parallel_loop3A_1442 = arith.index_cast %parallel_loop3A_1441 : i32 to index
        %parallel_loop3A_1443 = arith.index_cast %parallel_loop3A_247 : i32 to index
        %parallel_loop3A_1444 = arith.constant 496 : index
        %parallel_loop3A_1445 = tpu.vector_load %arg10[%parallel_loop3A_1442, %parallel_loop3A_1443, %parallel_loop3A_1444] {strides = array<i32>} : memref<2x16x512xf32, #tpu.memory_space<vmem>>, vector<1x1x16xf32>,
        %parallel_loop3A_1446 = vector.shape_cast %parallel_loop3A_1445 : vector<1x1x16xf32> to vector<16xf32>
        %parallel_loop3A_1447 = arith.addf %parallel_loop3A_1446, %parallel_loop3A_1409 : vector<16xf32>
        %parallel_loop3A_1448 = arith.constant 1 : i32
        %parallel_loop3A_1449 = arith.index_cast %parallel_loop3A_1448 : i32 to index
        %parallel_loop3A_1450 = arith.index_cast %parallel_loop3A_247 : i32 to index
        %parallel_loop3A_1451 = arith.constant 496 : index
        %parallel_loop3A_1452 = tpu.vector_load %arg11[%parallel_loop3A_1449, %parallel_loop3A_1450, %parallel_loop3A_1451] {strides = array<i32>} : memref<2x16x512xf32, #tpu.memory_space<vmem>>, vector<1x1x16xf32>,
        %parallel_loop3A_1453 = vector.shape_cast %parallel_loop3A_1452 : vector<1x1x16xf32> to vector<16xf32>
        %parallel_loop3A_1454 = arith.mulf %get3A_22, %parallel_loop3A_1453 : vector<16xf32>
        %parallel_loop3A_1455 = arith.addf %parallel_loop3A_1417, %parallel_loop3A_1454 : vector<16xf32>
        %parallel_loop3A_1456 = arith.addf %parallel_loop3A_1447, %parallel_loop3A_1455 : vector<16xf32>
        %parallel_loop3A_1457 = arith.constant 1 : i32
        %parallel_loop3A_1458 = arith.index_cast %parallel_loop3A_1457 : i32 to index
        %parallel_loop3A_1459 = arith.index_cast %parallel_loop3A_247 : i32 to index
        %parallel_loop3A_1460 = arith.constant 496 : index
        %parallel_loop3A_1461 = tpu.vector_load %arg13[%parallel_loop3A_1458, %parallel_loop3A_1459, %parallel_loop3A_1460] {strides = array<i32>} : memref<2x16x512xf32, #tpu.memory_space<vmem>>, vector<1x1x16xf32>,
        %parallel_loop3A_1462 = vector.shape_cast %parallel_loop3A_1461 : vector<1x1x16xf32> to vector<16xf32>
        %parallel_loop3A_1463 = vector.shape_cast %parallel_loop3A_1456 : vector<16xf32> to vector<1x1x16xf32>
        tpu.vector_store %arg13[%parallel_loop3A_1458, %parallel_loop3A_1459, %parallel_loop3A_1460], %parallel_loop3A_1463 {strides = array<i32>} : memref<2x16x512xf32, #tpu.memory_space<vmem>>, vector<1x1x16xf32>,
      } {sc.loop_unroll_factor = 2 : i64, sc.parallel_access}
      %mul3A_231 = arith.constant 16 : i32
      %mul3A_232 = arith.muli %add3A_171, %mul3A_231 : i32
      %add3A_233 = arith.addi %mul3A_2, %mul3A_232 : i32
      %dma_start3A_234 = arith.constant 1 : i32
      %dma_start3A_235 = arith.constant 0 : i32
      %dma_start3A_236 = arith.constant 0 : i32
      %dma_start3A_237 = tpu.memref_slice %arg13[%dma_start3A_234, %dma_start3A_235, %dma_start3A_236] : memref<2x16x512xf32, #tpu.memory_space<vmem>> -> memref<1x16x512xf32, #tpu.memory_space<vmem>>
      %dma_start3A_238 = tpu.memref_squeeze %dma_start3A_237 : memref<1x16x512xf32, #tpu.memory_space<vmem>> -> memref<16x512xf32, #tpu.memory_space<vmem>>
      %dma_start3A_239 = arith.constant 0 : i32
      %dma_start3A_240 = tpu.memref_slice %arg7[%add3A_233, %dma_start3A_239] : memref<32768x512xf32, #tpu.memory_space<hbm>> -> memref<16x512xf32, #tpu.memory_space<hbm>>
      %dma_start3A_241 = arith.constant 0 : i32
      %dma_start3A_242 = tpu.memref_slice %arg7[%add3A_233, %dma_start3A_241] : memref<32768x512xf32, #tpu.memory_space<hbm>> -> memref<16x512xf32, #tpu.memory_space<hbm>>
      %dma_start3A_243 = arith.constant 0 : i32
      %dma_start3A_244 = arith.constant 0 : i32
      %dma_start3A_245 = tpu.memref_slice %arg13[%dma_start3A_234, %dma_start3A_243, %dma_start3A_244] : memref<2x16x512xf32, #tpu.memory_space<vmem>> -> memref<1x16x512xf32, #tpu.memory_space<vmem>>
      %dma_start3A_246 = tpu.memref_squeeze %dma_start3A_245 : memref<1x16x512xf32, #tpu.memory_space<vmem>> -> memref<16x512xf32, #tpu.memory_space<vmem>>
      tpu.enqueue_dma source(%dma_start3A_246 : memref<16x512xf32, #tpu.memory_space<vmem>>) target(%dma_start3A_242 : memref<16x512xf32, #tpu.memory_space<hbm>>) target_semaphore(%arg17 : memref<!tpu.dma_semaphore, #tpu.memory_space<semaphore_mem>>)
    }
    %scan3A_63 = arith.constant 32 : i32
    %add3A_64 = arith.constant 992 : i32
    %add3A_65 = arith.addi %mul3A_2, %add3A_64 : i32
    %dma_wait3A = arith.constant 0 : i32
    %dma_wait3A_66 = arith.constant 0 : i32
    %dma_wait3A_67 = arith.constant 0 : i32
    %dma_wait3A_68 = tpu.memref_slice %arg13[%dma_wait3A, %dma_wait3A_66, %dma_wait3A_67] : memref<2x16x512xf32, #tpu.memory_space<vmem>> -> memref<1x16x512xf32, #tpu.memory_space<vmem>>
    %dma_wait3A_69 = tpu.memref_squeeze %dma_wait3A_68 : memref<1x16x512xf32, #tpu.memory_space<vmem>> -> memref<16x512xf32, #tpu.memory_space<vmem>>
    %dma_wait3A_70 = arith.constant 0 : i32
    %dma_wait3A_71 = tpu.memref_slice %arg7[%add3A_65, %dma_wait3A_70] : memref<32768x512xf32, #tpu.memory_space<hbm>> -> memref<16x512xf32, #tpu.memory_space<hbm>>
    %dma_wait3A_72 = arith.constant 0 : i32
    %dma_wait3A_73 = tpu.memref_slice %arg7[%add3A_65, %dma_wait3A_72] : memref<32768x512xf32, #tpu.memory_space<hbm>> -> memref<16x512xf32, #tpu.memory_space<hbm>>
    %dma_wait3A_74 = arith.constant 0 : i32
    %dma_wait3A_75 = arith.constant 0 : i32
    %dma_wait3A_76 = tpu.memref_slice %arg13[%dma_wait3A, %dma_wait3A_74, %dma_wait3A_75] : memref<2x16x512xf32, #tpu.memory_space<vmem>> -> memref<1x16x512xf32, #tpu.memory_space<vmem>>
    %dma_wait3A_77 = tpu.memref_squeeze %dma_wait3A_76 : memref<1x16x512xf32, #tpu.memory_space<vmem>> -> memref<16x512xf32, #tpu.memory_space<vmem>>
    tpu.wait_dma2 semaphore(%arg16 : memref<!tpu.dma_semaphore, #tpu.memory_space<semaphore_mem>>) src(%dma_wait3A_77 : memref<16x512xf32, #tpu.memory_space<vmem>>) dst(%dma_wait3A_73 : memref<16x512xf32, #tpu.memory_space<hbm>>)
    %add3A_78 = arith.constant 1008 : i32
    %add3A_79 = arith.addi %mul3A_2, %add3A_78 : i32
    %dma_wait3A_80 = arith.constant 1 : i32
    %dma_wait3A_81 = arith.constant 0 : i32
    %dma_wait3A_82 = arith.constant 0 : i32
    %dma_wait3A_83 = tpu.memref_slice %arg13[%dma_wait3A_80, %dma_wait3A_81, %dma_wait3A_82] : memref<2x16x512xf32, #tpu.memory_space<vmem>> -> memref<1x16x512xf32, #tpu.memory_space<vmem>>
    %dma_wait3A_84 = tpu.memref_squeeze %dma_wait3A_83 : memref<1x16x512xf32, #tpu.memory_space<vmem>> -> memref<16x512xf32, #tpu.memory_space<vmem>>
    %dma_wait3A_85 = arith.constant 0 : i32
    %dma_wait3A_86 = tpu.memref_slice %arg7[%add3A_79, %dma_wait3A_85] : memref<32768x512xf32, #tpu.memory_space<hbm>> -> memref<16x512xf32, #tpu.memory_space<hbm>>
    %dma_wait3A_87 = arith.constant 0 : i32
    %dma_wait3A_88 = tpu.memref_slice %arg7[%add3A_79, %dma_wait3A_87] : memref<32768x512xf32, #tpu.memory_space<hbm>> -> memref<16x512xf32, #tpu.memory_space<hbm>>
    %dma_wait3A_89 = arith.constant 0 : i32
    %dma_wait3A_90 = arith.constant 0 : i32
    %dma_wait3A_91 = tpu.memref_slice %arg13[%dma_wait3A_80, %dma_wait3A_89, %dma_wait3A_90] : memref<2x16x512xf32, #tpu.memory_space<vmem>> -> memref<1x16x512xf32, #tpu.memory_space<vmem>>
    %dma_wait3A_92 = tpu.memref_squeeze %dma_wait3A_91 : memref<1x16x512xf32, #tpu.memory_space<vmem>> -> memref<16x512xf32, #tpu.memory_space<vmem>>
    tpu.wait_dma2 semaphore(%arg17 : memref<!tpu.dma_semaphore, #tpu.memory_space<semaphore_mem>>) src(%dma_wait3A_92 : memref<16x512xf32, #tpu.memory_space<vmem>>) dst(%dma_wait3A_88 : memref<16x512xf32, #tpu.memory_space<hbm>>)
    return
  }
}

module attributes {stable_mosaic.version = 14 : i64} {
  func.func @_tables_body(%arg0: memref<1000x512xf32, #tpu.memory_space<vmem>>, %arg1: memref<256x512xf32, #tpu.memory_space<vmem>>, %arg2: memref<512x512xf32, #tpu.memory_space<vmem>>, %arg3: memref<1x512xf32, #tpu.memory_space<vmem>>, %arg4: memref<1256x512xf32, #tpu.memory_space<vmem>>) attributes {dimension_semantics = [], scalar_prefetch = 0 : i64, scratch_operands = 0 : i64, tpu.core_type = #tpu.core_type<tc>} {
    %get3A = arith.constant 0 : index
    %get3A_0 = arith.constant 0 : index
    %get3A_1 = vector.load %arg2[%get3A, %get3A_0] : memref<512x512xf32, #tpu.memory_space<vmem>>, vector<512x512xf32>
    %get3A_2 = arith.constant 0 : index
    %get3A_3 = arith.constant 0 : index
    %get3A_4 = vector.load %arg0[%get3A_2, %get3A_3] : memref<1000x512xf32, #tpu.memory_space<vmem>>, vector<1000x512xf32>
    %dot_general3A = arith.constant dense<0.000000e+00> : vector<1000x512xf32>
    %dot_general3A_5 = tpu.matmul %get3A_4, %get3A_1, %dot_general3A {dimension_numbers = #tpu.dot_dimension_numbers<[1], [0], [0], [1], [0, 0, 1, 1], [], []>, transpose_lhs_hint = false} : vector<1000x512xf32>, vector<512x512xf32>, vector<1000x512xf32> -> vector<1000x512xf32>
    %get3A_6 = arith.constant 0 : index
    %get3A_7 = arith.constant 0 : index
    %get3A_8 = vector.load %arg3[%get3A_6, %get3A_7] : memref<1x512xf32, #tpu.memory_space<vmem>>, vector<1x512xf32>
    %add3A = vector.broadcast %get3A_8 : vector<1x512xf32> to vector<1000x512xf32>
    %add3A_9 = arith.addf %dot_general3A_5, %add3A : vector<1000x512xf32>
    %swap3A = arith.constant 0 : index
    %swap3A_10 = arith.constant 0 : index
    %swap3A_11 = vector.load %arg4[%swap3A, %swap3A_10] : memref<1256x512xf32, #tpu.memory_space<vmem>>, vector<1000x512xf32>
    tpu.vector_store %arg4[%swap3A, %swap3A_10], %add3A_9 {strides = array<i32>} : memref<1256x512xf32, #tpu.memory_space<vmem>>, vector<1000x512xf32>,
    %get3A_12 = arith.constant 0 : index
    %get3A_13 = arith.constant 0 : index
    %get3A_14 = vector.load %arg1[%get3A_12, %get3A_13] : memref<256x512xf32, #tpu.memory_space<vmem>>, vector<256x512xf32>
    %dot_general3A_15 = arith.constant dense<0.000000e+00> : vector<256x512xf32>
    %dot_general3A_16 = tpu.matmul %get3A_14, %get3A_1, %dot_general3A_15 {dimension_numbers = #tpu.dot_dimension_numbers<[1], [0], [0], [1], [0, 0, 1, 1], [], []>, transpose_lhs_hint = false} : vector<256x512xf32>, vector<512x512xf32>, vector<256x512xf32> -> vector<256x512xf32>
    %swap3A_17 = arith.constant 1000 : index
    %swap3A_18 = arith.constant 0 : index
    %swap3A_19 = vector.load %arg4[%swap3A_17, %swap3A_18] : memref<1256x512xf32, #tpu.memory_space<vmem>>, vector<256x512xf32>
    tpu.vector_store %arg4[%swap3A_17, %swap3A_18], %dot_general3A_16 {strides = array<i32>} : memref<1256x512xf32, #tpu.memory_space<vmem>>, vector<256x512xf32>,
    return
  }
}

</mosaic_0001>

<sc_bundles>
// kernel: kernel.4.cloned.1.call-start
scs
__scs_entry_jumppad:
0x0: {  	(pc) =	sbr.rel $0x88, $3  }
0x1: {  	(tag) =	ssettag $0x0;
	lr =	simm.s32 $0x1  }
0x2: {  	[smem:$0x3F98] =	sst lr;
	_ =	strace $0xD0000000  }
0x3: {  	_ = 	snop  }
0x4: {  	_ = 	snop  }
0x5: {  	_ = 	snop  }
0x6: {  	_ = 	snop  }
0x7: {  	_ = 	snop  }
__scs_overlays_trampoline_lowered:
0x8: {  	[smem:$0x3FA7] =	sst s0  }
0x9: {  	[smem:$0x3FA8] =	sst s1  }
0xa: {  	[smem:$0x3FA9] =	sst s2  }
0xb: {  	[smem:$0x3FAA] =	sst s3  }
0xc: {  	[smem:$0x3FAB] =	sst s4  }
0xd: {  	[smem:$0x3FAC] =	sst s5  }
0xe: {  	[smem:$0x3FAD] =	sst s6  }
0xf: {  	[smem:$0x3FAE] =	sst s7  }
0x10: {  	[smem:$0x3FAF] =	sst s8  }
0x11: {  	[smem:$0x3FB0] =	sst s9;
	s0 =	simm.s32 @!p0 $0x0  }
0x12: {  	s1 =	sld [smem:$0x3F96];
	s0 =	simm.s32 @p0 $0x1  }
0x13: {  	[smem:$0x3FB1] =	sst s0;
	s0 =	simm.s32 @!p1 $0x0  }
0x14: {  	s2 =	sld [smem:$0x3F95];
	s0 =	simm.s32 @p1 $0x1  }
0x15: {  	[smem:$0x3FB2] =	sst s0;
	s0 =	simm.s32 @!p2 $0x0  }
0x16: {  	s3 =	sld [smem:$0x3FDB];
	s0 =	simm.s32 @p2 $0x1  }
0x17: {  	s4 =	simm.s32 $0x1BF5;
	[smem:$0x3FB4] =	sst s0  }
0x18: {  	s0 =	sld [smem:$0x3F97];
	_ =	swait.ge [sflag:s4], $0x0  }
0x19: {  	s7 =	sld [smem:$0x3F98]  }
0x1a: {  	s8 =	sadd.s32 $0xFFFFE003, lr  }
0x1b: {  	s9 =	sadd.s32 $0xFFFFFEF7, lr;
	s5 =	simm.s32 $0xFFFFFFFF;
	p2 =	slt.u32 s8, $0xFFFFF086  }
0x1c: {  	p1 =	slt.u32 s9, $0xF7A;
	s5 =	simm.s32 @!p2 $0x0  }
0x1d: {  	s5 =	simm.s32 @p1 $0x1;
	p0 =	seq.s32 s7, s2  }
0x1e: {  	s7 =	smul.u32 @!p0 $0xF7A, s2;
	p2 =	seq.s32 @!p0 s5, $0x0  }
0x1f: {  	s9 =	smul.u32 $0xF7A, s1;
	s8 =	simm.s32 @!p0 $0x1BF5;
	p2 =	por !p2, p0  }
0x20: {  	[sflag:s8] =	ssyncset.s32 @!p0 $0xFFFFF086;
	s6 =	sadd.s32 @!p0 s3, s7;
	s7 =	simm.s32 @!p0 $0x108  }
0x21: {  	s3 =	sadd.s32 s3, s9;
	s6 =	sadd.s32 @!p0 $0x88, s6;
	s7 =	simm.s32 @p2 $0x1082  }
0x22: {  	[simem:s7], [sflag:s8] =	dma.local @!p0 [hbm:s6], $0xF7A  }
0x23: {  	s9 =	sor.u32 $0xD0000000, s2;
	s6 =	simm.s32 $0x108;
	_ =	swait.ge @!p0 [sflag:s8], $0x0  }
0x24: {  	s3 =	sadd.s32 $0x88, s3;
	s6 =	simm.s32 @!p1 $0x1082;
	[sflag:s4] =	ssyncset.s32 $0xFFFFF086  }
0x25: {  	[simem:s6], [sflag:s4] =	dma.local [hbm:s3], $0xF7A  }
0x26: {  	[smem:$0x3F98] =	sst s1;
	(tag) =	ssettag s2;
	_ =	strace s9  }
0x27: {  	s1 =	sld [smem:$0x3FA8]  }
0x28: {  	s2 =	sld [smem:$0x3FA9]  }
0x29: {  	s4 =	sld [smem:$0x3FAB]  }
0x2a: {  	p0 =	seq.s32 s5, $0x0;
	s5 =	sld [smem:$0x3FAC]  }
0x2b: {  	s6 =	sld [smem:$0x3FAD]  }
0x2c: {  	s7 =	sld [smem:$0x3FAE]  }
0x2d: {  	s3 =	simm.s32 $0x108;
	s8 =	sld [smem:$0x3FAF]  }
0x2e: {  	s3 =	simm.s32 @!p0 $0x1082;
	s9 =	sld [smem:$0x3FB0]  }
0x2f: {  	lr =	sadd.s32 s0, s3;
	s0 =	sld [smem:$0x3FA7]  }
0x30: {  	s3 =	sld [smem:$0x3FAA]  }
0x31: {  	[smem:$0x3FB3] =	sst s10  }
0x32: {  	s10 =	sld [smem:$0x3FB1];
	_ =	sdelay $0x3  }
0x33: {  	p0 =	seq.s32 s10, $0x1;
	s10 =	sld [smem:$0x3FB3];
	_ =	sdelay $0x3  }
0x34: {  	[smem:$0x3FB3] =	sst s10  }
0x35: {  	s10 =	sld [smem:$0x3FB2];
	_ =	sdelay $0x3  }
0x36: {  	p1 =	seq.s32 s10, $0x1;
	s10 =	sld [smem:$0x3FB3];
	_ =	sdelay $0x3  }
0x37: {  	[smem:$0x3FB3] =	sst s10  }
0x38: {  	s10 =	sld [smem:$0x3FB4]  }
0x39: {  	_ = 	snop;
	(pc) =	sbr.ind lr, $3  }
0x3a: {  	_ = 	snop  }
0x3b: {  	_ = 	snop  }
0x3c: {  	p2 =	seq.s32 s10, $0x1;
	s10 =	sld [smem:$0x3FB3]  }
0x3d: {  	_ =	shalt  }
0x3e: {  	_ =	shalt  }
0x3f: {  	_ =	shalt  }
0x40: {  	_ =	shalt  }
0x41: {  	_ =	shalt  }
0x42: {  	_ =	shalt  }
0x43: {  	_ =	shalt  }
0x44: {  	_ =	shalt  }
0x45: {  	_ =	shalt  }
0x46: {  	_ =	shalt  }
0x47: {  	_ =	shalt  }
0x48: {  	_ =	shalt  }
0x49: {  	_ =	shalt  }
0x4a: {  	_ =	shalt  }
0x4b: {  	_ =	shalt  }
0x4c: {  	_ =	shalt  }
0x4d: {  	_ =	shalt  }
0x4e: {  	_ =	shalt  }
0x4f: {  	_ =	shalt  }
0x50: {  	_ =	shalt  }
0x51: {  	_ =	shalt  }
0x52: {  	_ =	shalt  }
0x53: {  	_ =	shalt  }
0x54: {  	_ =	shalt  }
0x55: {  	_ =	shalt  }
0x56: {  	_ =	shalt  }
0x57: {  	_ =	shalt  }
0x58: {  	_ =	shalt  }
0x59: {  	_ =	shalt  }
0x5a: {  	_ =	shalt  }
0x5b: {  	_ =	shalt  }
0x5c: {  	_ =	shalt  }
0x5d: {  	_ =	shalt  }
0x5e: {  	_ =	shalt  }
0x5f: {  	_ =	shalt  }
0x60: {  	_ =	shalt  }
0x61: {  	_ =	shalt  }
0x62: {  	_ =	shalt  }
0x63: {  	_ =	shalt  }
0x64: {  	_ =	shalt  }
0x65: {  	_ =	shalt  }
0x66: {  	_ =	shalt  }
0x67: {  	_ =	shalt  }
0x68: {  	_ =	shalt  }
0x69: {  	_ =	shalt  }
0x6a: {  	_ =	shalt  }
0x6b: {  	_ =	shalt  }
0x6c: {  	_ =	shalt  }
0x6d: {  	_ =	shalt  }
0x6e: {  	_ =	shalt  }
0x6f: {  	_ =	shalt  }
0x70: {  	_ =	shalt  }
0x71: {  	_ =	shalt  }
0x72: {  	_ =	shalt  }
0x73: {  	_ =	shalt  }
0x74: {  	_ =	shalt  }
0x75: {  	_ =	shalt  }
0x76: {  	_ =	shalt  }
0x77: {  	_ =	shalt  }
0x78: {  	_ =	shalt  }
0x79: {  	_ =	shalt  }
0x7a: {  	_ =	shalt  }
0x7b: {  	_ =	shalt  }
0x7c: {  	_ =	shalt  }
0x7d: {  	_ =	shalt  }
0x7e: {  	_ =	shalt  }
0x7f: {  	_ =	shalt  }
0x80: {  	_ =	shalt  }
0x81: {  	_ =	shalt  }
0x82: {  	_ =	shalt  }
0x83: {  	_ =	shalt  }
0x84: {  	_ =	shalt  }
0x85: {  	_ =	shalt  }
0x86: {  	_ =	shalt  }
0x87: {  	_ =	shalt  }
.Lfunc_end0:
.L_simem_size_0:
called_computation_lowered:
.L_overlay_start_0:
0x88: {  	s2 =	sld [smem:$0x3FD9]  }
0x89: {  	s3 =	sld [smem:$0x3FFE];
	_ =	sdelay $0x1  }
0x8a: {  	s1 =	srdreg.scid  }
0x8b: {  	s0 =	sand.u32 $0x1, s1  }
0x8c: {  	s17 =	sshll.u32 s0, $0xA;
	s2 =	sadd.s32 s3, s2  }
0x8d: {  	s2 =	sadd.s32 s2, s17  }
0x8e: {  	[smem:$0x3FBF] =	sst s2  }
0x8f: {  	_ = 	snop  }
0x90: {  	s2 =	sld [smem:$0x3FC7]  }
0x91: {  	s18 =	sld [smem:$0x3FC6]  }
0x92: {  	s4 =	sld [smem:$0x3FD0];
	(tm) =	ssettm $0x1  }
0x93: {  	s5 =	sld [smem:$0x3FFB];
	_ =	sdelay $0x3  }
0x94: {  	_ =	strace s5  }
0x95: {  	s5 =	sld [smem:$0x3FFC];
	_ =	sdelay $0x3  }
0x96: {  	_ =	strace s5  }
0x97: {  	s5 =	sld [smem:$0x3FFD];
	_ =	sdelay $0x3  }
0x98: {  	_ =	strace s5  }
0x99: {  	_ =	strace $0x8FFFFFFF  }
0x9a: {  	s19 =	sld [smem:$0x3FDB];
	_ =	sdelay $0x1  }
0x9b: {  	s6 =	simm.s32 $_scs_section_size  }
0x9c: {  	s7 =	simm.s32 $_size__tile_overlayer_lowered;
	s8 =	simm.s32 $_tile_overlayer_lowered  }
0x9d: {  	s22 =	simm.s32 $0x1BFF;
	s21 =	sshll.u32 s8, $0x1;
	s5 =	sadd.s32 s6, s19  }
0x9e: {  	s9 =	simm.s32 $0x0;
	s20 =	sshll.u32 s7, $0x1;
	s7 =	sadd.s32 s21, s5  }
0x9f: {  	[timem:s9], [sflag:s22] =	dma.local [hbm:s7], s20  }
0xa0: {  	_ =	swait.ge [sflag:s22], s20  }
0xa1: {  	s6 =	ssub.s32 $0x0, s20;
	[sflag:s22] =	ssyncset.done $0x0  }
0xa2: {  	[sflag:s22] =	ssyncadd.s32 s6;
	_ =	sdelay $0x1  }
0xa3: {  	s23 =	simm.s32 $0x1B8B  }
0xa4: {  	_ =	swait.ge [sflag:s23], $0x1  }
0xa5: {  	[sflag:s23] =	ssyncset.done $0x0  }
0xa6: {  	s25 =	simm.s32 $0x1B8E;
	s24 =	sld [smem:$0x3FFE];
	[sflag:s23] =	ssyncadd.s32 $0xFFFFFFFF  }
0xa7: {  	s26 =	simm.s32 $execute0_lowered;
	[smem:$0x3FD2] =	sst s25  }
0xa8: {  	s7 =	sshll.u32 s26, $0x1;
	_ =	strace $0x80000046;
	[dreg:$0x1] =	wrdreg $0xFFFFFFFF  }
0xa9: {  	s28 =	simm.s32 $_size_execute0_lowered;
	s5 =	sadd.s32 s5, s7;
	[dreg:$0x0] =	wrdreg $0x0  }
0xaa: {  	s7 =	sshll.u32 s28, $0x1;
	[dreg:$0x2] =	wrdreg s5  }
0xab: {  	[dreg:$0x3] =	wrdreg s7  }
0xac: {  	[dreg:$0x4] =	wrdreg $0xC0  }
0xad: {  	_ =	task [dreg:s9], $0x5FFFF  }
0xae: {  	[dreg:$0x1] =	wrdreg $0xFFFFFFFF  }
0xaf: {  	[dreg:$0x0] =	wrdreg $0x60  }
0xb0: {  	[dreg:$0x2] =	wrdreg s24  }
0xb1: {  	[dreg:$0x3] =	wrdreg s2  }
0xb2: {  	[dreg:$0x4] =	wrdreg s18  }
0xb3: {  	[dreg:$0x5] =	wrdreg s4  }
0xb4: {  	[dreg:$0x6] =	wrdreg $0x9  }
0xb5: {  	_ =	task.clear_ibuf [dreg:s9], $0x7FFFF;
	_ =	strace $0x90000046  }
0xb6: {  	s29 =	simm.s32 $0x9;
	_ =	strace $0x80000048  }
0xb7: {  	_ =	swait.ge [sflag:s29], $0x1  }
0xb8: {  	[sflag:s29] =	ssyncadd.s32 $0xFFFFFFFF  }
0xb9: {  	_ =	strace $0x90000048  }
0xba: {  	_ =	sfence  }
0xbb: {  	s30 =	sld [smem:$0x0];
	_ =	sdelay $0x2  }
0xbc: {  	s31 =	sshll.u32 s1, $0xD;
	s1 =	sshrl.u32 s1, $0x2  }
0xbd: {  	s3 =	sand.u32 $0x4000, s31;
	s1 =	sadd.s32 s1, s30  }
0xbe: {  	s0 =	sor.u32 s3, s0;
	s1 =	sshll.u32 s1, $0x11  }
0xbf: {  	s0 =	sor.u32 s1, s0  }
0xc0: {  	s0 =	sadd.s32 $0x8F2B, s0  }
0xc1: {  	[sflag:s0] =	ssyncadd.remote.s32 $0x1  }
0xc2: {  	_ =	sfence.sel $0xFFFF  }
0xc3: {  	[dreg:$0x0] =	wrdreg $0xFFFFFFFF;
	(pc) =	sbr.abs _section_cstart, $3  }
0xc4: {  	[dreg:$0x1] =	wrdreg $0xFFFFFFFF  }
0xc5: {  	_ =	task.clear_ibuf [dreg:s9], $0x2FFFF;
	_ =	strace $0x9FFFFFFF  }
0xc6: {  	(tm) =	ssettm $0x7FFFFFFF  }
0xc7: {  	_ =	shalt  }
tec
execute0_lowered:
.L_overlay_start_1:
0x0: {  	(tag) =	ssettag $0x1  }
0x1: {  	s0 =	rddreg [dreg:$0x0]  }
0x2: {  	s13 =	rddreg [dreg:$0x1]  }
0x3: {  	s1 =	srdreg.scid;
	s25 =	rddreg [dreg:$0x2]  }
0x4: {  	s6 =	stileid.u32;
	s9 =	rddreg [dreg:$0x3]  }
0x5: {  	s5 =	simm.s32 $0x0;
	s3 =	simm.s32 $0x1;
	s1 =	sand.u32 $0x1, s1  }
0x6: {  	s2 =	sshll.u32 s6, $0x1;
	[smem:$0x7FF] =	sst s5;
	s7 =	sadd.s32 $0x2A00, s0  }
0x7: {  	s2 =	sor.u32 s1, s2;
	p1 =	seq.s32 s1, $0x1;
	_ =	strace $0x80000047  }
0x8: {  	s1 =	ssub.s32 $0x2, s1;
	p0 =	seq.s32 s2, $0x0;
	s4 =	sshll.u32 s2, $0x8  }
0x9: {  	s8 =	sshrl.u32 s1, $0x1;
	p0 =	por !p0, !p1;
	s4 =	sadd.s32 s4, s0  }
0xa: {  	s23 =	ssub.s32 s1, s8;
	s8 =	sshll.u32 s2, $0x10;
	p0 =	por !p0, !p0  }
0xb: {  	s24 =	sadd.s32 $0xA00, s4;
	[dreg:$0x5] =	wrdreg s8;
	s3 =	simm.s32 @!p0 $0x0  }
0xc: {  	s28 =	sadd.s32 s25, s8;
	[dreg:$0x6] =	wrdreg s24;
	s3 =	ssub.s32 s6, s3  }
0xd: {  	s29 =	sadd.s32 s13, s8;
	[dreg:$0x8] =	wrdreg s28;
	s3 =	sshll.u32 s3, $0x4  }
0xe: {  	v2 =	vlaneseq.u32;
	s30 =	sadd.s32 s9, s8;
	[dreg:$0x9] =	wrdreg s29;
	s3 =	sand.u32 $0x1FFFFFF0, s3  }
0xf: {  	v0 =	vand.u32 $0x7, v2;
	[dreg:$0xa] =	wrdreg s30;
	s3 =	sadd.s32 s3, s0;
	s0 =	smax.u32 s23, $0x1  }
0x10: {  	s31 =	simm.s32 $0x2;
	v1 =	vshrl.u32 v2, $0x3;
	[tilespmem:$0x1FFE0] =	vst v0;
	v0 =	vor.u32 $0x8, v2;
	s26 =	sadd.s32 $0xC800, s3;
	[dreg:$0xb] =	wrdreg s0  }
0x11: {  	vm0 =	vmmov $0xffff;
	v1 =	vmul.u32 $0x8, v1;
	[tilespmem:$0x1FFF0] =	vst v0;
	s2 =	simm.s32 $0x0;
	s6 =	simm.s32 $0x1;
	[dreg:$0x7] =	wrdreg s26  }
.LBB2_1:
0x12: {  	[dreg:$0xc] =	wrdreg s2  }
0x13: {  	s0 =	rddreg [dreg:$0x6];
	s1 =	simm.s32 $0x5  }
0x14: {  	[tilespmem:s5], [sflag:$0x5] =	stream.linear.gather [hbm4b:s0+s5], $0x800, $0x38;
	[tilespmem:$0x10880] =	vst v63  }
0x15: {  	_ =	swait.ge [sflag:s1], $0x800  }
0x16: {  	[sflag:s1] =	ssyncset.done $0x0  }
0x17: {  	s20 =	simm.s32 $0x800;
	s19 =	rddreg [dreg:$0x7];
	[sflag:s1] =	ssyncadd.s32 $0xFFFFF800  }
0x18: {  	[tilespmem:s20], [sflag:$0x5] =	stream.linear.gather [hbm4b:s19+s5], $0x80, $0x38;
	[tilespmem:$0x10880] =	vst v63  }
0x19: {  	_ =	swait.ge [sflag:s1], $0x80  }
0x1a: {  	[sflag:s1] =	ssyncset.done $0x0  }
0x1b: {  	[sflag:s1] =	ssyncadd.s32 $0xFFFFFF80  }
0x1c: {  	v3 =	vld [tilespmem:$0x0];
	_ =	sdelay $0x2  }
0x1d: {  	v0 =	vld [tilespmem:$0x1FFE0];
	_ =	sdelay $0x1  }
0x1e: {  	v2 =	vld [tilespmem:$0x1FFF0];
	v4 =	vshll.u32 v3, $0x1  }
0x1f: {  	v3 =	vand.u32 $0x7, v3;
	v4 =	vand.u32 $0xFFFFFFF0, v4  }
0x20: {  	v3 =	vor.u32 v3, v4  }
0x21: {  	v4 =	vperm.xlane v3, v0;
	_ =	sdelay $0x1  }
0x22: {  	v3 =	vperm.xlane v3, v2;
	v4 =	vadd.s32 v1, v4;
	_ =	sdelay $0x1  }
0x23: {  	v5 =	vadd.s32 v1, v3;
	_ =	sdelay $0x1  }
0x24: {  	s21 =	simm.s32 $0x8880  }
0x25: {  	v3 =	vld [tilespmem:$0x800];
	[tilespmem:s21], [sflag:$0x1] =	stream.indirect_vreg.gather [hbm4b:s7+s5], $0x80, v4, vm0, $0xb8  }
0x26: {  	s22 =	simm.s32 $0x9080  }
0x27: {  	[tilespmem:s22], [sflag:$0x1] =	stream.indirect_vreg.gather [hbm4b:s7+s5], $0x80, v5, vm0, $0xb8;
	[tilespmem:$0x10880] =	vst v63  }
0x28: {  	v4 =	vld [tilespmem:$0x10];
	_ =	sdelay $0x4  }
0x29: {  	v5 =	vshll.u32 v4, $0x1  }
0x2a: {  	v4 =	vand.u32 $0x7, v4;
	v5 =	vand.u32 $0xFFFFFFF0, v5  }
0x2b: {  	v4 =	vor.u32 v4, v5  }
0x2c: {  	v5 =	vperm.xlane v4, v0;
	_ =	sdelay $0x1  }
0x2d: {  	v4 =	vperm.xlane v4, v2;
	v5 =	vadd.s32 v1, v5;
	_ =	sdelay $0x1  }
0x2e: {  	v4 =	vadd.s32 v1, v4;
	_ =	sdelay $0x1  }
0x2f: {  	s23 =	simm.s32 $0x9880  }
0x30: {  	[tilespmem:s23], [sflag:$0x1] =	stream.indirect_vreg.gather [hbm4b:s7+s5], $0x80, v5, vm0, $0xb8;
	[tilespmem:$0x10880] =	vst v63  }
0x31: {  	s24 =	simm.s32 $0xA080  }
0x32: {  	[tilespmem:s24], [sflag:$0x1] =	stream.indirect_vreg.gather [hbm4b:s7+s5], $0x80, v4, vm0, $0xb8;
	[tilespmem:$0x10880] =	vst v63  }
0x33: {  	s28 =	simm.s32 $0x880;
	s26 =	rddreg [dreg:$0x8]  }
0x34: {  	[tilespmem:s28], [sflag:$0x1] =	stream.linear.gather [hbm4b:s26+s5], $0x2000, $0x38;
	[tilespmem:$0x10880] =	vst v63  }
0x35: {  	s30 =	simm.s32 $0x4880;
	s18 =	simm.s32 $0x0;
	s29 =	rddreg [dreg:$0x9]  }
0x36: {  	[tilespmem:s30], [sflag:$0x1] =	stream.linear.gather [hbm4b:s29+s5], $0x2000, $0x38;
	[tilespmem:$0x10880] =	vst v63  }
.LBB2_2:
0x37: {  	_ =	swait.ge [sflag:s6], $0x2000  }
0x38: {  	[sflag:s6] =	ssyncset.done $0x0  }
0x39: {  	[sflag:s6] =	ssyncadd.s32 $0xFFFFE000  }
0x3a: {  	_ =	swait.ge [sflag:s6], $0x2000  }
0x3b: {  	[sflag:s6] =	ssyncset.done $0x0  }
0x3c: {  	[sflag:s6] =	ssyncadd.s32 $0xFFFFE000  }
0x3d: {  	s0 =	sshllo.u32 s18, $0x1;
	_ =	swait.ge [sflag:s6], $0x2000  }
0x3e: {  	s1 =	sshll.u32 s0, $0x5;
	[sflag:s6] =	ssyncset.done $0x0  }
0x3f: {  	s1 =	sand.u32 $0x3FFFFFE0, s1;
	[sflag:s6] =	ssyncadd.s32 $0xFFFFE000  }
0x40: {  	v4 =	vld [tilespmem:s1+$0x0];
	_ =	sdelay $0x2  }
0x41: {  	v0 =	vld [tilespmem:$0x1FFE0];
	_ =	sdelay $0x1  }
0x42: {  	v2 =	vld [tilespmem:$0x1FFF0];
	v5 =	vshll.u32 v4, $0x1  }
0x43: {  	v4 =	vand.u32 $0x7, v4;
	v5 =	vand.u32 $0xFFFFFFF0, v5  }
0x44: {  	v4 =	vor.u32 v4, v5  }
0x45: {  	v5 =	vperm.xlane v4, v0;
	_ =	sdelay $0x1  }
0x46: {  	v4 =	vperm.xlane v4, v2;
	v5 =	vadd.s32 v1, v5;
	_ =	sdelay $0x1  }
0x47: {  	v4 =	vadd.s32 v1, v4;
	_ =	sdelay $0x1  }
0x48: {  	s2 =	simm.s32 $0xA880  }
0x49: {  	[tilespmem:s2], [sflag:$0x2] =	stream.indirect_vreg.gather [hbm4b:s7+s5], $0x80, v5, vm0, $0xb8;
	[tilespmem:$0x10880] =	vst v63  }
0x4a: {  	s19 =	simm.s32 $0xB080  }
0x4b: {  	[tilespmem:s19], [sflag:$0x2] =	stream.indirect_vreg.gather [hbm4b:s7+s5], $0x80, v4, vm0, $0xb8;
	[tilespmem:$0x10880] =	vst v63  }
0x4c: {  	v4 =	vld [tilespmem:s1+$0x10];
	_ =	sdelay $0x4  }
0x4d: {  	v5 =	vshll.u32 v4, $0x1  }
0x4e: {  	v4 =	vand.u32 $0x7, v4;
	v5 =	vand.u32 $0xFFFFFFF0, v5  }
0x4f: {  	v4 =	vor.u32 v4, v5  }
0x50: {  	v5 =	vperm.xlane v4, v0;
	_ =	sdelay $0x1  }
0x51: {  	v4 =	vperm.xlane v4, v2;
	v5 =	vadd.s32 v1, v5;
	_ =	sdelay $0x1  }
0x52: {  	v4 =	vadd.s32 v1, v4  }
0x53: {  	s20 =	simm.s32 $0xB880;
	s21 =	simm.s32 $0xC080;
	s22 =	simm.s32 $0x2880  }
0x54: {  	s24 =	simm.s32 $0x6880;
	p0 =	seq.s32 s18, $0x0;
	s0 =	sshll.u32 s0, $0xA  }
0x55: {  	[tilespmem:s20], [sflag:$0x2] =	stream.indirect_vreg.gather [hbm4b:s7+s5], $0x80, v5, vm0, $0xb8;
	[tilespmem:$0x10880] =	vst v63  }
0x56: {  	s26 =	simm.s32 $0x0;
	s28 =	simm.s32 $0x1100;
	s19 =	sadd.s32 s8, s0  }
0x57: {  	[tilespmem:s21], [sflag:$0x2] =	stream.indirect_vreg.gather [hbm4b:s7+s5], $0x80, v4, vm0, $0xb8;
	[tilespmem:$0x10880] =	vst v63  }
0x58: {  	s3 =	simm.s32 $0x0;
	s4 =	simm.s32 $0x880;
	s0 =	sadd.s32 s25, s19  }
0x59: {  	[tilespmem:s22], [sflag:$0x2] =	stream.linear.gather [hbm4b:s0+s5], $0x2000, $0x38;
	[tilespmem:$0x10880] =	vst v63  }
0x5a: {  	s9 =	simm.s32 $0x0;
	s23 =	sadd.s32 s13, s19;
	s0 =	simm.s32 @!p0 $0x3  }
0x5b: {  	[tilespmem:s24], [sflag:$0x2] =	stream.linear.gather [hbm4b:s23+s5], $0x2000, $0x38;
	[tilespmem:$0x10880] =	vst v63  }
0x5c: {  	s29 =	sand.u32 $0x300, s26;
	s10 =	sand.u32 $0x380, s4;
	_ =	swait.ge @!p0 [sflag:s0], $0x2000  }
0x5d: {  	s30 =	sand.u32 $0xFFFFF000, s9;
	s2 =	sand.u32 $0x1800, s28;
	[sflag:s0] =	ssyncset.done @!p0 $0x0  }
0x5e: {  	s11 =	sor.u32 $0x80, s29;
	s17 =	sor.u32 s10, s2;
	[sflag:s0] =	ssyncadd.s32 @!p0 $0xFFFFE000  }
0x5f: {  	s12 =	sand.u32 $0x3FFFF800, s3;
	s15 =	sor.u32 s30, s11;
	v4 =	vld [tilespmem:s17+$0x8880]  }
0x60: {  	s14 =	sadd.s32 $0x8880, s12;
	v5 =	vld [tilespmem:s15+$0x4880]  }
0x61: {  	s2 =	sadd.s32 s11, s14;
	v6 =	vld [tilespmem:s15+$0x4890]  }
0x62: {  	v7 =	vld [tilespmem:s2+$0x0]  }
0x63: {  	v8 =	vld [tilespmem:s15+$0x880]  }
0x64: {  	v9 =	vld [tilespmem:s15+$0x890];
	_ =	sdelay $0x1  }
0x65: {  	v10 =	vshll.u32 v4, $0x10;
	v5 =	vmul.f32 v5, v3  }
0x66: {  	v11 =	vshll.u32 v7, $0x10;
	v4 =	vand.u32 $0xFFFF0000, v4;
	v6 =	vmul.f32 v6, v3  }
0x67: {  	v7 =	vand.u32 $0xFFFF0000, v7;
	v8 =	vadd.f32 v11, v8;
	v5 =	vadd.f32 v10, v5  }
0x68: {  	v7 =	vadd.f32 v7, v9;
	v4 =	vadd.f32 v4, v6  }
0x69: {  	v5 =	vadd.f32 v5, v8  }
0x6a: {  	v4 =	vadd.f32 v4, v7  }
0x6b: {  	[tilespmem:s15+$0xC880] =	vst v5;
	v5 =	vld [tilespmem:s15+$0x48A0]  }
0x6c: {  	[tilespmem:s15+$0xC890] =	vst v4;
	v4 =	vld [tilespmem:s15+$0x48B0]  }
0x6d: {  	v6 =	vld [tilespmem:s2+$0x10]  }
0x6e: {  	v7 =	vld [tilespmem:s17+$0x8890]  }
0x6f: {  	v8 =	vld [tilespmem:s15+$0x8A0]  }
0x70: {  	v9 =	vld [tilespmem:s15+$0x8B0];
	_ =	sdelay $0x1  }
0x71: {  	v5 =	vmul.f32 v5, v3;
	v4 =	vmul.f32 v4, v3  }
0x72: {  	v10 =	vshll.u32 v6, $0x10;
	v6 =	vand.u32 $0xFFFF0000, v6;
	v11 =	vshll.u32 v7, $0x10  }
0x73: {  	v7 =	vand.u32 $0xFFFF0000, v7;
	v8 =	vadd.f32 v10, v8;
	v5 =	vadd.f32 v11, v5  }
0x74: {  	v6 =	vadd.f32 v6, v9;
	v4 =	vadd.f32 v7, v4  }
0x75: {  	v5 =	vadd.f32 v5, v8  }
0x76: {  	v4 =	vadd.f32 v4, v6  }
0x77: {  	[tilespmem:s15+$0xC8A0] =	vst v5;
	v5 =	vld [tilespmem:s15+$0x48C0]  }
0x78: {  	[tilespmem:s15+$0xC8B0] =	vst v4;
	v4 =	vld [tilespmem:s15+$0x48D0]  }
0x79: {  	v6 =	vld [tilespmem:s2+$0x20]  }
0x7a: {  	v7 =	vld [tilespmem:s17+$0x88A0]  }
0x7b: {  	v8 =	vld [tilespmem:s15+$0x8C0]  }
0x7c: {  	v9 =	vld [tilespmem:s15+$0x8D0];
	_ =	sdelay $0x1  }
0x7d: {  	v5 =	vmul.f32 v5, v3;
	v4 =	vmul.f32 v4, v3  }
0x7e: {  	v10 =	vshll.u32 v6, $0x10;
	v6 =	vand.u32 $0xFFFF0000, v6;
	v11 =	vshll.u32 v7, $0x10  }
0x7f: {  	v7 =	vand.u32 $0xFFFF0000, v7;
	v8 =	vadd.f32 v10, v8;
	v5 =	vadd.f32 v11, v5  }
0x80: {  	v6 =	vadd.f32 v6, v9;
	v4 =	vadd.f32 v7, v4  }
0x81: {  	v5 =	vadd.f32 v5, v8  }
0x82: {  	v4 =	vadd.f32 v4, v6  }
0x83: {  	[tilespmem:s15+$0xC8C0] =	vst v5;
	v5 =	vld [tilespmem:s15+$0x48E0]  }
0x84: {  	[tilespmem:s15+$0xC8D0] =	vst v4;
	v4 =	vld [tilespmem:s15+$0x48F0]  }
0x85: {  	v6 =	vld [tilespmem:s2+$0x30]  }
0x86: {  	v7 =	vld [tilespmem:s17+$0x88B0]  }
0x87: {  	v8 =	vld [tilespmem:s15+$0x8E0]  }
0x88: {  	v9 =	vld [tilespmem:s15+$0x8F0];
	_ =	sdelay $0x1  }
0x89: {  	s20 =	sor.u32 s29, s14;
	v5 =	vmul.f32 v5, v3;
	v4 =	vmul.f32 v4, v3  }
0x8a: {  	s16 =	sand.u32 $0x800, s26;
	s9 =	sor.u32 s29, s30;
	v14 =	vld [tilespmem:s20+$0x0];
	v12 =	vshll.u32 v6, $0x10;
	v6 =	vand.u32 $0xFFFF0000, v6;
	v13 =	vshll.u32 v7, $0x10  }
0x8b: {  	s21 =	sor.u32 s29, s16;
	v10 =	vld [tilespmem:s9+$0x4880];
	v7 =	vand.u32 $0xFFFF0000, v7;
	v8 =	vadd.f32 v12, v8;
	v5 =	vadd.f32 v13, v5  }
0x8c: {  	v12 =	vld [tilespmem:s21+$0x9880];
	v6 =	vadd.f32 v6, v9;
	v4 =	vadd.f32 v7, v4  }
0x8d: {  	v7 =	vld [tilespmem:s9+$0x880];
	v5 =	vadd.f32 v5, v8  }
0x8e: {  	v15 =	vld [tilespmem:s9+$0x48A0];
	v4 =	vadd.f32 v4, v6  }
0x8f: {  	[tilespmem:s15+$0xC8E0] =	vst v5;
	v5 =	vld [tilespmem:s15+$0x4C80]  }
0x90: {  	v6 =	vmul.f32 v10, v3;
	[tilespmem:s15+$0xC8F0] =	vst v4;
	v4 =	vld [tilespmem:s15+$0x4C90]  }
0x91: {  	v9 =	vshll.u32 v14, $0x10;
	v10 =	vshll.u32 v12, $0x10;
	v13 =	vld [tilespmem:s2+$0x40]  }
0x92: {  	v7 =	vadd.f32 v9, v7;
	v9 =	vld [tilespmem:s17+$0x88C0];
	v6 =	vadd.f32 v10, v6  }
0x93: {  	v10 =	vld [tilespmem:s15+$0xC80]  }
0x94: {  	v6 =	vadd.f32 v6, v7;
	v7 =	vld [tilespmem:s15+$0xC90]  }
0x95: {  	v18 =	vld [tilespmem:s9+$0x8A0]  }
0x96: {  	v11 =	vld [tilespmem:s9+$0x4890];
	v5 =	vmul.f32 v5, v3;
	v4 =	vmul.f32 v4, v3  }
0x97: {  	v21 =	vld [tilespmem:s9+$0x8D0];
	v16 =	vshll.u32 v13, $0x10;
	v13 =	vand.u32 $0xFFFF0000, v13;
	v17 =	vshll.u32 v9, $0x10  }
0x98: {  	v8 =	vld [tilespmem:s9+$0x890];
	v9 =	vand.u32 $0xFFFF0000, v9;
	v10 =	vadd.f32 v16, v10;
	v5 =	vadd.f32 v17, v5  }
0x99: {  	v22 =	vld [tilespmem:s9+$0x4C80];
	v4 =	vadd.f32 v9, v4;
	v7 =	vadd.f32 v13, v7  }
0x9a: {  	v23 =	vld [tilespmem:s9+$0x4CB0];
	v5 =	vadd.f32 v5, v10  }
0x9b: {  	[tilespmem:s9+$0xC880] =	vst v6;
	v6 =	vld [tilespmem:s9+$0x48B0];
	v10 =	vmul.f32 v11, v3;
	v4 =	vadd.f32 v4, v7  }
0x9c: {  	v12 =	vand.u32 $0xFFFF0000, v12;
	v7 =	vand.u32 $0xFFFF0000, v14;
	[tilespmem:s15+$0xCC80] =	vst v5;
	v5 =	vld [tilespmem:s15+$0x4CA0]  }
0x9d: {  	v10 =	vadd.f32 v12, v10;
	v7 =	vadd.f32 v7, v8;
	[tilespmem:s15+$0xCC90] =	vst v4;
	v4 =	vld [tilespmem:s15+$0x4CB0]  }
0x9e: {  	v8 =	vld [tilespmem:s2+$0x50]  }
0x9f: {  	v7 =	vadd.f32 v10, v7;
	v10 =	vld [tilespmem:s17+$0x88D0]  }
0xa0: {  	v12 =	vld [tilespmem:s15+$0xCA0]  }
0xa1: {  	[tilespmem:s9+$0xC890] =	vst v7;
	v7 =	vld [tilespmem:s15+$0xCB0]  }
0xa2: {  	v13 =	vld [tilespmem:s20+$0x10]  }
0xa3: {  	v5 =	vmul.f32 v5, v3;
	v14 =	vld [tilespmem:s21+$0x9890];
	v4 =	vmul.f32 v4, v3  }
0xa4: {  	v24 =	vld [tilespmem:s9+$0x4CC0];
	v19 =	vshll.u32 v8, $0x10;
	v8 =	vand.u32 $0xFFFF0000, v8;
	v20 =	vshll.u32 v10, $0x10  }
0xa5: {  	v16 =	vld [tilespmem:s9+$0x8B0];
	v10 =	vand.u32 $0xFFFF0000, v10;
	v12 =	vadd.f32 v19, v12;
	v5 =	vadd.f32 v20, v5  }
0xa6: {  	v25 =	vld [tilespmem:s9+$0xCC0];
	v15 =	vmul.f32 v15, v3;
	v4 =	vadd.f32 v10, v4;
	v7 =	vadd.f32 v8, v7  }
0xa7: {  	v9 =	vld [tilespmem:s9+$0x48C0];
	v6 =	vmul.f32 v6, v3;
	v8 =	vshll.u32 v13, $0x10;
	v5 =	vadd.f32 v5, v12  }
0xa8: {  	v11 =	vld [tilespmem:s9+$0x48D0];
	v12 =	vand.u32 $0xFFFF0000, v13;
	v13 =	vshll.u32 v14, $0x10;
	v4 =	vadd.f32 v4, v7  }
0xa9: {  	v7 =	vand.u32 $0xFFFF0000, v14;
	v8 =	vadd.f32 v8, v18;
	v13 =	vadd.f32 v13, v15;
	[tilespmem:s15+$0xCCA0] =	vst v5;
	v5 =	vld [tilespmem:s15+$0x4CC0]  }
0xaa: {  	v12 =	vadd.f32 v12, v16;
	v6 =	vadd.f32 v7, v6;
	[tilespmem:s15+$0xCCB0] =	vst v4;
	v4 =	vld [tilespmem:s15+$0x4CD0]  }
0xab: {  	v7 =	vadd.f32 v13, v8;
	v8 =	vld [tilespmem:s2+$0x60]  }
0xac: {  	v6 =	vadd.f32 v6, v12;
	v12 =	vld [tilespmem:s17+$0x88E0]  }
0xad: {  	[tilespmem:s9+$0xC8A0] =	vst v7;
	v7 =	vld [tilespmem:s15+$0xCC0]  }
0xae: {  	[tilespmem:s9+$0xC8B0] =	vst v6;
	v6 =	vld [tilespmem:s15+$0xCD0]  }
0xaf: {  	v13 =	vld [tilespmem:s20+$0x20]  }
0xb0: {  	v14 =	vld [tilespmem:s21+$0x98A0];
	v5 =	vmul.f32 v5, v3;
	v4 =	vmul.f32 v4, v3  }
0xb1: {  	v17 =	vld [tilespmem:s9+$0x8C0];
	v16 =	vshll.u32 v8, $0x10;
	v8 =	vand.u32 $0xFFFF0000, v8;
	v18 =	vshll.u32 v12, $0x10  }
0xb2: {  	v26 =	vld [tilespmem:s9+$0x4CE0];
	v12 =	vand.u32 $0xFFFF0000, v12;
	v7 =	vadd.f32 v16, v7;
	v5 =	vadd.f32 v18, v5  }
0xb3: {  	v27 =	vld [tilespmem:s9+$0x4CF0];
	v9 =	vmul.f32 v9, v3;
	v4 =	vadd.f32 v12, v4;
	v6 =	vadd.f32 v8, v6  }
0xb4: {  	v19 =	vld [tilespmem:s9+$0x48E0];
	v8 =	vmul.f32 v11, v3;
	v11 =	vshll.u32 v13, $0x10;
	v5 =	vadd.f32 v5, v7  }
0xb5: {  	v10 =	vld [tilespmem:s9+$0x48F0];
	v7 =	vand.u32 $0xFFFF0000, v13;
	v13 =	vshll.u32 v14, $0x10;
	v4 =	vadd.f32 v4, v6  }
0xb6: {  	v6 =	vand.u32 $0xFFFF0000, v14;
	v11 =	vadd.f32 v11, v17;
	v9 =	vadd.f32 v13, v9;
	[tilespmem:s15+$0xCCC0] =	vst v5;
	v5 =	vld [tilespmem:s15+$0x4CE0]  }
0xb7: {  	v7 =	vadd.f32 v7, v21;
	v6 =	vadd.f32 v6, v8;
	[tilespmem:s15+$0xCCD0] =	vst v4;
	v4 =	vld [tilespmem:s15+$0x4CF0]  }
0xb8: {  	v8 =	vadd.f32 v9, v11;
	v9 =	vld [tilespmem:s2+$0x70]  }
0xb9: {  	v6 =	vadd.f32 v6, v7;
	v7 =	vld [tilespmem:s17+$0x88F0]  }
0xba: {  	[tilespmem:s9+$0xC8C0] =	vst v8;
	v8 =	vld [tilespmem:s15+$0xCE0]  }
0xbb: {  	[tilespmem:s9+$0xC8D0] =	vst v6;
	v6 =	vld [tilespmem:s15+$0xCF0]  }
0xbc: {  	v11 =	vld [tilespmem:s20+$0x30]  }
0xbd: {  	v13 =	vld [tilespmem:s21+$0x98B0];
	v5 =	vmul.f32 v5, v3;
	v4 =	vmul.f32 v4, v3  }
0xbe: {  	v20 =	vld [tilespmem:s9+$0x8E0];
	v17 =	vshll.u32 v9, $0x10;
	v9 =	vand.u32 $0xFFFF0000, v9;
	v21 =	vshll.u32 v7, $0x10  }
0xbf: {  	v15 =	vld [tilespmem:s9+$0x8F0];
	v7 =	vand.u32 $0xFFFF0000, v7;
	v8 =	vadd.f32 v17, v8;
	v5 =	vadd.f32 v21, v5  }
0xc0: {  	v28 =	vld [tilespmem:s9+$0xCF0];
	v17 =	vmul.f32 v19, v3;
	v4 =	vadd.f32 v7, v4;
	v6 =	vadd.f32 v9, v6  }
0xc1: {  	v29 =	vld [tilespmem:s9+$0x5090];
	v7 =	vmul.f32 v10, v3;
	v9 =	vshll.u32 v11, $0x10;
	v5 =	vadd.f32 v5, v8  }
0xc2: {  	v16 =	vld [tilespmem:s9+$0x4C90];
	v8 =	vand.u32 $0xFFFF0000, v11;
	v11 =	vshll.u32 v13, $0x10;
	v4 =	vadd.f32 v4, v6  }
0xc3: {  	v6 =	vand.u32 $0xFFFF0000, v13;
	v9 =	vadd.f32 v9, v20;
	v11 =	vadd.f32 v11, v17;
	[tilespmem:s15+$0xCCE0] =	vst v5;
	v5 =	vld [tilespmem:s15+$0x5080]  }
0xc4: {  	v8 =	vadd.f32 v8, v15;
	v6 =	vadd.f32 v6, v7;
	[tilespmem:s15+$0xCCF0] =	vst v4;
	v4 =	vld [tilespmem:s15+$0x5090]  }
0xc5: {  	v7 =	vadd.f32 v11, v9;
	v9 =	vld [tilespmem:s2+$0x400]  }
0xc6: {  	v6 =	vadd.f32 v6, v8;
	v8 =	vld [tilespmem:s17+$0x8C80]  }
0xc7: {  	[tilespmem:s9+$0xC8E0] =	vst v7;
	v7 =	vld [tilespmem:s15+$0x1080]  }
0xc8: {  	[tilespmem:s9+$0xC8F0] =	vst v6;
	v6 =	vld [tilespmem:s15+$0x1090]  }
0xc9: {  	v11 =	vld [tilespmem:s20+$0x40]  }
0xca: {  	v13 =	vld [tilespmem:s21+$0x98C0];
	v5 =	vmul.f32 v5, v3;
	v4 =	vmul.f32 v4, v3  }
0xcb: {  	v12 =	vld [tilespmem:s9+$0xC80];
	v17 =	vshll.u32 v9, $0x10;
	v9 =	vand.u32 $0xFFFF0000, v9;
	v20 =	vshll.u32 v8, $0x10  }
0xcc: {  	v18 =	vld [tilespmem:s9+$0xC90];
	v8 =	vand.u32 $0xFFFF0000, v8;
	v7 =	vadd.f32 v17, v7;
	v5 =	vadd.f32 v20, v5  }
0xcd: {  	v14 =	vld [tilespmem:s9+$0x4CA0];
	v17 =	vmul.f32 v22, v3;
	v4 =	vadd.f32 v8, v4;
	v6 =	vadd.f32 v9, v6  }
0xce: {  	v19 =	vld [tilespmem:s9+$0xCA0];
	v8 =	vmul.f32 v16, v3;
	v9 =	vshll.u32 v11, $0x10;
	v5 =	vadd.f32 v5, v7  }
0xcf: {  	v10 =	vld [tilespmem:s9+$0xCB0];
	v7 =	vand.u32 $0xFFFF0000, v11;
	v11 =	vshll.u32 v13, $0x10;
	v4 =	vadd.f32 v4, v6  }
0xd0: {  	v6 =	vand.u32 $0xFFFF0000, v13;
	v9 =	vadd.f32 v9, v12;
	v11 =	vadd.f32 v11, v17;
	[tilespmem:s15+$0xD080] =	vst v5;
	v5 =	vld [tilespmem:s15+$0x50A0]  }
0xd1: {  	v7 =	vadd.f32 v7, v18;
	v6 =	vadd.f32 v6, v8;
	[tilespmem:s15+$0xD090] =	vst v4;
	v4 =	vld [tilespmem:s15+$0x50B0]  }
0xd2: {  	v8 =	vadd.f32 v11, v9;
	v9 =	vld [tilespmem:s2+$0x410]  }
0xd3: {  	v6 =	vadd.f32 v6, v7;
	v7 =	vld [tilespmem:s17+$0x8C90]  }
0xd4: {  	[tilespmem:s9+$0xCC80] =	vst v8;
	v8 =	vld [tilespmem:s15+$0x10A0]  }
0xd5: {  	[tilespmem:s9+$0xCC90] =	vst v6;
	v6 =	vld [tilespmem:s15+$0x10B0]  }
0xd6: {  	v11 =	vld [tilespmem:s20+$0x50]  }
0xd7: {  	v12 =	vld [tilespmem:s21+$0x98D0];
	v5 =	vmul.f32 v5, v3;
	v13 =	vmul.f32 v4, v3  }
0xd8: {  	v21 =	vld [tilespmem:s9+$0x10A0];
	v4 =	vshll.u32 v9, $0x10;
	v9 =	vand.u32 $0xFFFF0000, v9;
	v16 =	vshll.u32 v7, $0x10  }
0xd9: {  	v15 =	vld [tilespmem:s9+$0x4CD0];
	v7 =	vand.u32 $0xFFFF0000, v7;
	v8 =	vadd.f32 v4, v8;
	v5 =	vadd.f32 v16, v5  }
0xda: {  	v14 =	vmul.f32 v14, v3;
	v20 =	vld [tilespmem:s9+$0xCD0];
	v7 =	vadd.f32 v7, v13;
	v6 =	vadd.f32 v9, v6  }
0xdb: {  	v22 =	vld [tilespmem:s9+$0x50A0];
	v9 =	vmul.f32 v23, v3;
	v13 =	vshll.u32 v11, $0x10;
	v8 =	vadd.f32 v5, v8  }
0xdc: {  	v18 =	vld [tilespmem:s9+$0xCE0];
	v11 =	vand.u32 $0xFFFF0000, v11;
	v16 =	vshll.u32 v12, $0x10;
	v6 =	vadd.f32 v7, v6  }
0xdd: {  	v7 =	vand.u32 $0xFFFF0000, v12;
	v12 =	vadd.f32 v13, v19;
	v13 =	vadd.f32 v16, v14;
	[tilespmem:s15+$0xD0A0] =	vst v8;
	v8 =	vld [tilespmem:s15+$0x50C0]  }
0xde: {  	v10 =	vadd.f32 v11, v10;
	v7 =	vadd.f32 v7, v9;
	[tilespmem:s15+$0xD0B0] =	vst v6;
	v6 =	vld [tilespmem:s15+$0x50D0]  }
0xdf: {  	v9 =	vadd.f32 v13, v12;
	v11 =	vld [tilespmem:s2+$0x420]  }
0xe0: {  	v7 =	vadd.f32 v7, v10;
	v10 =	vld [tilespmem:s17+$0x8CA0]  }
0xe1: {  	[tilespmem:s9+$0xCCA0] =	vst v9;
	v9 =	vld [tilespmem:s15+$0x10C0]  }
0xe2: {  	[tilespmem:s9+$0xCCB0] =	vst v7;
	v7 =	vld [tilespmem:s15+$0x10D0]  }
0xe3: {  	v12 =	vld [tilespmem:s20+$0x60]  }
0xe4: {  	v13 =	vld [tilespmem:s21+$0x98E0];
	v8 =	vmul.f32 v8, v3  }
0xe5: {  	v4 =	vld [tilespmem:s9+$0x5080];
	v6 =	vmul.f32 v6, v3;
	v16 =	vshll.u32 v11, $0x10;
	v17 =	vshll.u32 v10, $0x10  }
0xe6: {  	v23 =	vld [tilespmem:s9+$0x50B0];
	v10 =	vand.u32 $0xFFFF0000, v10;
	v9 =	vadd.f32 v16, v9;
	v8 =	vadd.f32 v17, v8  }
0xe7: {  	v5 =	vld [tilespmem:s9+$0x1080];
	v11 =	vand.u32 $0xFFFF0000, v11;
	v6 =	vadd.f32 v10, v6  }
0xe8: {  	v14 =	vld [tilespmem:s9+$0x1090];
	v7 =	vadd.f32 v11, v7;
	v8 =	vadd.f32 v8, v9;
	v9 =	vmul.f32 v15, v3  }
0xe9: {  	v19 =	vld [tilespmem:s9+$0x10C0];
	v10 =	vshll.u32 v12, $0x10;
	v11 =	vand.u32 $0xFFFF0000, v12;
	v12 =	vshll.u32 v13, $0x10  }
0xea: {  	v17 =	vld [tilespmem:s9+$0x10B0];
	v13 =	vand.u32 $0xFFFF0000, v13;
	v6 =	vadd.f32 v6, v7;
	v7 =	vmul.f32 v24, v3  }
0xeb: {  	v11 =	vadd.f32 v11, v20;
	[tilespmem:s15+$0xD0C0] =	vst v8;
	v8 =	vld [tilespmem:s15+$0x50E0];
	v9 =	vadd.f32 v13, v9  }
0xec: {  	v10 =	vadd.f32 v10, v25;
	[tilespmem:s15+$0xD0D0] =	vst v6;
	v6 =	vld [tilespmem:s15+$0x50F0];
	v7 =	vadd.f32 v12, v7  }
0xed: {  	v12 =	vld [tilespmem:s2+$0x430];
	v9 =	vadd.f32 v9, v11  }
0xee: {  	v13 =	vld [tilespmem:s17+$0x8CB0];
	v7 =	vadd.f32 v7, v10  }
0xef: {  	s12 =	simm.s32 $0x100;
	s28 =	simm.s32 $0x400;
	v11 =	vld [tilespmem:s15+$0x10F0];
	[tilespmem:s9+$0xCCD0] =	vst v9  }
0xf0: {  	s14 =	sand.u32 $0xFFFFF000, s28;
	s23 =	sand.u32 $0x300, s12;
	s24 =	simm.s32 $0x200;
	v10 =	vld [tilespmem:s15+$0x10E0];
	[tilespmem:s9+$0xCCC0] =	vst v7  }
0xf1: {  	s22 =	simm.s32 $0x1300;
	s11 =	sor.u32 $0x80, s23;
	s3 =	sand.u32 $0x3FFFF800, s24;
	v7 =	vmul.f32 v8, v3;
	v8 =	vld [tilespmem:s20+$0x70]  }
0xf2: {  	s3 =	sadd.s32 $0x8880, s3;
	s0 =	sor.u32 s16, s26;
	s26 =	simm.s32 $0x980;
	v6 =	vmul.f32 v6, v3;
	v20 =	vld [tilespmem:s21+$0x98F0]  }
0xf3: {  	s4 =	sand.u32 $0x380, s26;
	s21 =	sor.u32 $0x1400, s0;
	s0 =	sand.u32 $0x1800, s22;
	v15 =	vshll.u32 v13, $0x10;
	v16 =	vand.u32 $0xFFFF0000, v13;
	v13 =	vld [tilespmem:s9+$0x50C0]  }
0xf4: {  	s10 =	sor.u32 s4, s0;
	s0 =	sor.u32 s14, s11;
	s11 =	sadd.s32 s11, s3;
	v6 =	vadd.f32 v16, v6;
	v16 =	vld [tilespmem:s9+$0x50D0]  }
0xf5: {  	v30 =	vld [tilespmem:s11+$0x0]  }
0xf6: {  	v34 =	vld [tilespmem:s0+$0x8A0]  }
0xf7: {  	v9 =	vshll.u32 v12, $0x10;
	s4 =	sor.u32 s23, s14;
	v42 =	vld [tilespmem:s0+$0x8B0]  }
0xf8: {  	v12 =	vand.u32 $0xFFFF0000, v12;
	v9 =	vadd.f32 v9, v10;
	v7 =	vadd.f32 v15, v7;
	v35 =	vld [tilespmem:s4+$0x4890]  }
0xf9: {  	v10 =	vadd.f32 v12, v11;
	v38 =	vld [tilespmem:s4+$0x48A0]  }
0xfa: {  	v44 =	vld [tilespmem:s4+$0x48B0];
	v7 =	vadd.f32 v7, v9  }
0xfb: {  	v45 =	vld [tilespmem:s4+$0x8A0];
	v6 =	vadd.f32 v6, v10  }
0xfc: {  	[tilespmem:s15+$0xD0E0] =	vst v7;
	v7 =	vld [tilespmem:s15+$0x5480]  }
0xfd: {  	[tilespmem:s15+$0xD0F0] =	vst v6;
	v6 =	vld [tilespmem:s15+$0x5490]  }
0xfe: {  	v9 =	vmul.f32 v26, v3;
	v10 =	vmul.f32 v27, v3;
	v11 =	vld [tilespmem:s2+$0x440]  }
0xff: {  	v12 =	vshll.u32 v8, $0x10;
	v8 =	vand.u32 $0xFFFF0000, v8;
	v15 =	vshll.u32 v20, $0x10;
	v24 =	vld [tilespmem:s17+$0x8CC0]  }
0x100: {  	v20 =	vand.u32 $0xFFFF0000, v20;
	v12 =	vadd.f32 v12, v18;
	v9 =	vadd.f32 v15, v9;
	v15 =	vld [tilespmem:s15+$0x1480]  }
0x101: {  	v8 =	vadd.f32 v8, v28;
	v10 =	vadd.f32 v20, v10;
	v18 =	vld [tilespmem:s15+$0x1490]  }
0x102: {  	v46 =	vld [tilespmem:s4+$0x8B0];
	v9 =	vadd.f32 v9, v12  }
0x103: {  	v47 =	vld [tilespmem:s0+$0x48C0];
	v8 =	vadd.f32 v10, v8;
	v7 =	vmul.f32 v7, v3;
	v6 =	vmul.f32 v6, v3  }
0x104: {  	v50 =	vld [tilespmem:s0+$0x48F0];
	[tilespmem:s9+$0xCCE0] =	vst v9;
	v9 =	vshll.u32 v11, $0x10;
	v10 =	vand.u32 $0xFFFF0000, v11;
	v11 =	vshll.u32 v24, $0x10  }
0x105: {  	v57 =	vld [tilespmem:s4+$0x8F0];
	[tilespmem:s9+$0xCCF0] =	vst v8;
	v8 =	vand.u32 $0xFFFF0000, v24;
	v9 =	vadd.f32 v9, v15;
	v7 =	vadd.f32 v11, v7  }
0x106: {  	v11 =	vld [tilespmem:s20+$0x400];
	v10 =	vadd.f32 v10, v18;
	v6 =	vadd.f32 v8, v6  }
0x107: {  	v8 =	vld [tilespmem:s21+$0x8880];
	v7 =	vadd.f32 v7, v9  }
0x108: {  	v58 =	vld [tilespmem:s4+$0x4C80];
	v6 =	vadd.f32 v6, v10  }
0x109: {  	[tilespmem:s15+$0xD480] =	vst v7;
	v7 =	vld [tilespmem:s15+$0x54A0]  }
0x10a: {  	[tilespmem:s15+$0xD490] =	vst v6;
	v6 =	vld [tilespmem:s15+$0x54B0]  }
0x10b: {  	v4 =	vmul.f32 v4, v3;
	v9 =	vmul.f32 v29, v3;
	v10 =	vld [tilespmem:s2+$0x450]  }
0x10c: {  	v18 =	vshll.u32 v11, $0x10;
	v11 =	vand.u32 $0xFFFF0000, v11;
	v24 =	vshll.u32 v8, $0x10;
	v25 =	vld [tilespmem:s17+$0x8CD0]  }
0x10d: {  	v8 =	vand.u32 $0xFFFF0000, v8;
	v5 =	vadd.f32 v18, v5;
	v4 =	vadd.f32 v24, v4;
	v24 =	vld [tilespmem:s15+$0x14A0]  }
0x10e: {  	v11 =	vadd.f32 v11, v14;
	v8 =	vadd.f32 v8, v9;
	v9 =	vld [tilespmem:s15+$0x14B0]  }
0x10f: {  	v59 =	vld [tilespmem:s4+$0xC80];
	v4 =	vadd.f32 v4, v5  }
0x110: {  	v60 =	vld [tilespmem:s4+$0xC90];
	v5 =	vadd.f32 v8, v11;
	v11 =	vmul.f32 v7, v3;
	v6 =	vmul.f32 v6, v3  }
0x111: {  	v40 =	vld [tilespmem:s0+$0x4C90];
	v26 =	vshll.u32 v10, $0x10;
	v10 =	vand.u32 $0xFFFF0000, v10;
	v27 =	vshll.u32 v25, $0x10  }
0x112: {  	v20 =	vld [tilespmem:s9+$0x10D0];
	v25 =	vand.u32 $0xFFFF0000, v25;
	v24 =	vadd.f32 v26, v24;
	v11 =	vadd.f32 v27, v11  }
0x113: {  	v12 =	vld [tilespmem:s9+$0x50E0];
	[tilespmem:s9+$0xD080] =	vst v4;
	v4 =	vadd.f32 v10, v9;
	v6 =	vadd.f32 v25, v6  }
0x114: {  	v63 =	vmul.f32 v16, v3;
	v16 =	vld [tilespmem:s9+$0x54C0];
	[tilespmem:s9+$0xD090] =	vst v5;
	v5 =	vadd.f32 v11, v24  }
0x115: {  	v62 =	vmul.f32 v13, v3;
	v13 =	vld [tilespmem:s9+$0x54D0];
	v4 =	vadd.f32 v6, v4  }
0x116: {  	[tilespmem:s15+$0xD4A0] =	vst v5;
	v5 =	vld [tilespmem:s15+$0x54C0]  }
0x117: {  	[tilespmem:s15+$0xD4B0] =	vst v4;
	v4 =	vld [tilespmem:s15+$0x54D0]  }
0x118: {  	v6 =	vld [tilespmem:s2+$0x460]  }
0x119: {  	v9 =	vld [tilespmem:s17+$0x8CE0]  }
0x11a: {  	v10 =	vld [tilespmem:s15+$0x14C0]  }
0x11b: {  	v11 =	vld [tilespmem:s15+$0x14D0]  }
0x11c: {  	v15 =	vld [tilespmem:s9+$0x50F0]  }
0x11d: {  	v25 =	vld [tilespmem:s10+$0x8880];
	v5 =	vmul.f32 v5, v3;
	v4 =	vmul.f32 v4, v3  }
0x11e: {  	v26 =	vld [tilespmem:s0+$0x4880];
	v28 =	vshll.u32 v6, $0x10;
	v6 =	vand.u32 $0xFFFF0000, v6;
	v29 =	vshll.u32 v9, $0x10  }
0x11f: {  	v27 =	vld [tilespmem:s0+$0x4890];
	v9 =	vand.u32 $0xFFFF0000, v9;
	v10 =	vadd.f32 v28, v10;
	v5 =	vadd.f32 v29, v5  }
0x120: {  	v28 =	vld [tilespmem:s0+$0x880];
	v6 =	vadd.f32 v6, v11;
	v4 =	vadd.f32 v9, v4  }
0x121: {  	v9 =	vld [tilespmem:s0+$0x890];
	v5 =	vadd.f32 v5, v10  }
0x122: {  	v18 =	vld [tilespmem:s9+$0x10E0];
	v6 =	vadd.f32 v4, v6  }
0x123: {  	v31 =	vshll.u32 v30, $0x10;
	v14 =	vld [tilespmem:s9+$0x10F0];
	v26 =	vmul.f32 v26, v3;
	[tilespmem:s15+$0xD4C0] =	vst v5  }
0x124: {  	v27 =	vmul.f32 v27, v3;
	v5 =	vshll.u32 v25, $0x10;
	[tilespmem:s15+$0xD4D0] =	vst v6;
	v6 =	vand.u32 $0xFFFF0000, v30;
	v30 =	vld [tilespmem:s0+$0x48B0]  }
0x125: {  	s29 =	simm.s32 $0x200;
	v25 =	vand.u32 $0xFFFF0000, v25;
	v28 =	vadd.f32 v31, v28;
	v26 =	vadd.f32 v5, v26;
	v5 =	vld [tilespmem:s2+$0x470]  }
0x126: {  	s14 =	sor.u32 s23, s3;
	v6 =	vadd.f32 v6, v9;
	s2 =	sand.u32 $0x800, s29;
	v9 =	vld [tilespmem:s4+$0x4880];
	v25 =	vadd.f32 v25, v27  }
0x127: {  	v27 =	vld [tilespmem:s14+$0x0];
	s16 =	sor.u32 s23, s2;
	v26 =	vadd.f32 v26, v28  }
0x128: {  	v28 =	vld [tilespmem:s16+$0x9880];
	v6 =	vadd.f32 v25, v6  }
0x129: {  	[tilespmem:s0+$0xC880] =	vst v26;
	v26 =	vld [tilespmem:s4+$0x880]  }
0x12a: {  	v25 =	vld [tilespmem:s0+$0x48A0];
	[tilespmem:s0+$0xC890] =	vst v6  }
0x12b: {  	v31 =	vld [tilespmem:s11+$0x10]  }
0x12c: {  	v6 =	vmul.f32 v9, v3;
	v32 =	vld [tilespmem:s10+$0x8890]  }
0x12d: {  	v8 =	vld [tilespmem:s9+$0x5490];
	v9 =	vshll.u32 v27, $0x10;
	v33 =	vshll.u32 v28, $0x10  }
0x12e: {  	v7 =	vld [tilespmem:s9+$0x5480];
	v9 =	vadd.f32 v9, v26;
	v26 =	vadd.f32 v33, v6  }
0x12f: {  	v24 =	vld [tilespmem:s20+$0x410]  }
0x130: {  	v29 =	vld [tilespmem:s21+$0x8890];
	v30 =	vmul.f32 v30, v3;
	v26 =	vadd.f32 v26, v9;
	v9 =	vmul.f32 v25, v3  }
0x131: {  	v11 =	vld [tilespmem:s9+$0x1480];
	v36 =	vshll.u32 v31, $0x10;
	v37 =	vshll.u32 v32, $0x10;
	v31 =	vand.u32 $0xFFFF0000, v31  }
0x132: {  	v10 =	vld [tilespmem:s9+$0x1490];
	v34 =	vadd.f32 v36, v34;
	v43 =	vadd.f32 v37, v9;
	[tilespmem:s4+$0xC880] =	vst v26;
	v26 =	vand.u32 $0xFFFF0000, v32  }
0x133: {  	v4 =	vld [tilespmem:s9+$0x54A0];
	v31 =	vadd.f32 v31, v42;
	v26 =	vadd.f32 v26, v30  }
0x134: {  	v6 =	vld [tilespmem:s9+$0x54B0];
	v30 =	vadd.f32 v43, v34  }
0x135: {  	v22 =	vmul.f32 v22, v3;
	v23 =	vmul.f32 v23, v3;
	v25 =	vld [tilespmem:s4+$0x890];
	v26 =	vadd.f32 v26, v31  }
0x136: {  	v36 =	vld [tilespmem:s4+$0xCE0];
	v31 =	vshll.u32 v29, $0x10;
	v29 =	vand.u32 $0xFFFF0000, v29;
	[tilespmem:s0+$0xC8A0] =	vst v30;
	v30 =	vshll.u32 v24, $0x10  }
0x137: {  	v9 =	vld [tilespmem:s9+$0x14A0];
	v24 =	vand.u32 $0xFFFF0000, v24;
	v22 =	vadd.f32 v31, v22;
	v21 =	vadd.f32 v30, v21  }
0x138: {  	v23 =	vadd.f32 v29, v23;
	[tilespmem:s0+$0xC8B0] =	vst v26;
	v17 =	vadd.f32 v24, v17;
	v24 =	vmul.f32 v35, v3;
	v26 =	vld [tilespmem:s0+$0x48D0]  }
0x139: {  	v21 =	vadd.f32 v22, v21;
	v22 =	vand.u32 $0xFFFF0000, v27;
	v27 =	vand.u32 $0xFFFF0000, v28;
	v28 =	vld [tilespmem:s11+$0x20]  }
0x13a: {  	v24 =	vadd.f32 v27, v24;
	v22 =	vadd.f32 v22, v25;
	v25 =	vld [tilespmem:s10+$0x88A0]  }
0x13b: {  	v17 =	vadd.f32 v23, v17;
	v23 =	vld [tilespmem:s0+$0x8C0]  }
0x13c: {  	[tilespmem:s9+$0xD0A0] =	vst v21;
	v21 =	vadd.f32 v24, v22;
	v22 =	vld [tilespmem:s0+$0x8D0]  }
0x13d: {  	v32 =	vld [tilespmem:s4+$0x8E0];
	[tilespmem:s9+$0xD0B0] =	vst v17  }
0x13e: {  	v30 =	vld [tilespmem:s4+$0x48C0];
	v17 =	vmul.f32 v47, v3;
	v26 =	vmul.f32 v26, v3;
	[tilespmem:s4+$0xC890] =	vst v21  }
0x13f: {  	v29 =	vshll.u32 v28, $0x10;
	v28 =	vand.u32 $0xFFFF0000, v28;
	v21 =	vld [tilespmem:s14+$0x10];
	v31 =	vshll.u32 v25, $0x10  }
0x140: {  	v48 =	vld [tilespmem:s16+$0x9890];
	v23 =	vadd.f32 v29, v23;
	v25 =	vand.u32 $0xFFFF0000, v25;
	v17 =	vadd.f32 v31, v17  }
0x141: {  	v47 =	vld [tilespmem:s4+$0xCA0];
	v25 =	vadd.f32 v25, v26;
	v22 =	vadd.f32 v28, v22  }
0x142: {  	v24 =	vld [tilespmem:s4+$0x48D0];
	v17 =	vadd.f32 v17, v23  }
0x143: {  	v27 =	vld [tilespmem:s20+$0x420];
	v22 =	vadd.f32 v25, v22  }
0x144: {  	v53 =	vld [tilespmem:s21+$0x88A0];
	v31 =	vmul.f32 v44, v3;
	[tilespmem:s0+$0xC8C0] =	vst v17;
	v17 =	vmul.f32 v38, v3  }
0x145: {  	v29 =	vld [tilespmem:s4+$0x8C0];
	v49 =	vshll.u32 v48, $0x10;
	v35 =	vand.u32 $0xFFFF0000, v48;
	[tilespmem:s0+$0xC8D0] =	vst v22;
	v22 =	vshll.u32 v21, $0x10  }
0x146: {  	v25 =	vld [tilespmem:s0+$0x48E0];
	v21 =	vand.u32 $0xFFFF0000, v21;
	v22 =	vadd.f32 v22, v45;
	v17 =	vadd.f32 v49, v17  }
0x147: {  	v31 =	vadd.f32 v35, v31;
	v51 =	vld [tilespmem:s11+$0x30];
	v21 =	vadd.f32 v21, v46  }
0x148: {  	v52 =	vld [tilespmem:s10+$0x88B0];
	v17 =	vadd.f32 v17, v22  }
0x149: {  	v21 =	vadd.f32 v31, v21;
	v31 =	vld [tilespmem:s0+$0x8F0]  }
0x14a: {  	v22 =	vld [tilespmem:s0+$0x8E0];
	[tilespmem:s4+$0xC8A0] =	vst v17  }
0x14b: {  	v26 =	vld [tilespmem:s4+$0x48F0];
	[tilespmem:s4+$0xC8B0] =	vst v21  }
0x14c: {  	v54 =	vmul.f32 v50, v3;
	v21 =	vmul.f32 v25, v3;
	v25 =	vld [tilespmem:s14+$0x20]  }
0x14d: {  	v55 =	vshll.u32 v51, $0x10;
	v39 =	vld [tilespmem:s16+$0x98A0];
	v33 =	vand.u32 $0xFFFF0000, v51;
	v34 =	vand.u32 $0xFFFF0000, v52  }
0x14e: {  	v28 =	vld [tilespmem:s4+$0x8D0];
	v56 =	vshll.u32 v52, $0x10;
	v34 =	vadd.f32 v34, v54;
	v31 =	vadd.f32 v33, v31  }
0x14f: {  	v23 =	vld [tilespmem:s4+$0x48E0];
	v21 =	vadd.f32 v56, v21;
	v22 =	vadd.f32 v55, v22  }
0x150: {  	v46 =	vld [tilespmem:s4+$0x4CB0];
	v31 =	vadd.f32 v34, v31  }
0x151: {  	v30 =	vmul.f32 v30, v3;
	v24 =	vmul.f32 v24, v3;
	v17 =	vld [tilespmem:s9+$0x14B0];
	v21 =	vadd.f32 v21, v22  }
0x152: {  	v51 =	vld [tilespmem:s4+$0x4CD0];
	v61 =	vshll.u32 v39, $0x10;
	v39 =	vand.u32 $0xFFFF0000, v39;
	[tilespmem:s0+$0xC8F0] =	vst v31;
	v31 =	vshll.u32 v25, $0x10  }
0x153: {  	[tilespmem:s0+$0xC8E0] =	vst v21;
	v21 =	vld [tilespmem:s0+$0x4C80];
	v25 =	vand.u32 $0xFFFF0000, v25;
	v30 =	vadd.f32 v61, v30;
	v29 =	vadd.f32 v31, v29  }
0x154: {  	v24 =	vadd.f32 v39, v24;
	v31 =	vld [tilespmem:s11+$0x40];
	v25 =	vadd.f32 v25, v28  }
0x155: {  	v28 =	vld [tilespmem:s10+$0x88C0];
	v29 =	vadd.f32 v30, v29  }
0x156: {  	v22 =	vld [tilespmem:s4+$0x4C90];
	v24 =	vadd.f32 v24, v25  }
0x157: {  	v25 =	vld [tilespmem:s0+$0xC90];
	[tilespmem:s4+$0xC8C0] =	vst v29  }
0x158: {  	v30 =	vld [tilespmem:s0+$0xC80];
	v29 =	vshll.u32 v27, $0x10;
	v27 =	vand.u32 $0xFFFF0000, v27;
	[tilespmem:s4+$0xC8D0] =	vst v24  }
0x159: {  	v21 =	vmul.f32 v21, v3;
	v24 =	vmul.f32 v40, v3;
	v41 =	vld [tilespmem:s14+$0x30];
	v45 =	vshll.u32 v31, $0x10  }
0x15a: {  	v42 =	vshll.u32 v28, $0x10;
	v43 =	vld [tilespmem:s16+$0x98B0];
	v31 =	vand.u32 $0xFFFF0000, v31;
	v19 =	vadd.f32 v29, v19  }
0x15b: {  	v29 =	vld [tilespmem:s4+$0x4CA0];
	v28 =	vand.u32 $0xFFFF0000, v28;
	v20 =	vadd.f32 v27, v20;
	v21 =	vadd.f32 v42, v21  }
0x15c: {  	v24 =	vadd.f32 v28, v24;
	v28 =	vand.u32 $0xFFFF0000, v53;
	v42 =	vld [tilespmem:s4+$0xCD0];
	v25 =	vadd.f32 v31, v25  }
0x15d: {  	v30 =	vadd.f32 v45, v30;
	v27 =	vadd.f32 v28, v63;
	v28 =	vld [tilespmem:s4+$0xCB0]  }
0x15e: {  	v31 =	vshll.u32 v53, $0x10;
	v25 =	vadd.f32 v24, v25;
	v24 =	vld [tilespmem:s4+$0x4CC0]  }
0x15f: {  	v21 =	vadd.f32 v21, v30;
	v30 =	vadd.f32 v31, v62;
	v31 =	vld [tilespmem:s0+$0x4CB0]  }
0x160: {  	v62 =	vld [tilespmem:s0+$0xCE0]  }
0x161: {  	v26 =	vmul.f32 v26, v3;
	v23 =	vmul.f32 v23, v3;
	v20 =	vadd.f32 v27, v20;
	[tilespmem:s0+$0xCC80] =	vst v21;
	v21 =	vld [tilespmem:s0+$0x4CA0]  }
0x162: {  	v27 =	vand.u32 $0xFFFF0000, v41;
	v48 =	vand.u32 $0xFFFF0000, v43;
	[tilespmem:s0+$0xCC90] =	vst v25;
	v25 =	vshll.u32 v41, $0x10;
	v41 =	vld [tilespmem:s4+$0xCC0]  }
0x163: {  	v19 =	vadd.f32 v30, v19;
	v30 =	vshll.u32 v43, $0x10;
	v27 =	vadd.f32 v27, v57;
	v43 =	vld [tilespmem:s4+$0xCF0]  }
0x164: {  	v26 =	vadd.f32 v48, v26;
	v23 =	vadd.f32 v30, v23;
	v30 =	vld [tilespmem:s11+$0x50]  }
0x165: {  	v49 =	vld [tilespmem:s10+$0x88D0]  }
0x166: {  	[tilespmem:s9+$0xD0D0] =	vst v20;
	v25 =	vadd.f32 v25, v32;
	v20 =	vadd.f32 v26, v27;
	v26 =	vld [tilespmem:s0+$0xCB0]  }
0x167: {  	[tilespmem:s9+$0xD0C0] =	vst v19;
	v19 =	vld [tilespmem:s17+$0x8CF0]  }
0x168: {  	v23 =	vadd.f32 v23, v25;
	v25 =	vld [tilespmem:s0+$0xCA0]  }
0x169: {  	v38 =	vld [tilespmem:s20+$0x430];
	[tilespmem:s4+$0xC8F0] =	vst v20  }
0x16a: {  	v33 =	vld [tilespmem:s21+$0x88B0];
	[tilespmem:s4+$0xC8E0] =	vst v23  }
0x16b: {  	v20 =	vmul.f32 v21, v3;
	v23 =	vmul.f32 v31, v3;
	v50 =	vld [tilespmem:s16+$0x98C0]  }
0x16c: {  	v21 =	vld [tilespmem:s14+$0x40];
	v27 =	vshll.u32 v30, $0x10;
	v31 =	vshll.u32 v49, $0x10;
	v30 =	vand.u32 $0xFFFF0000, v30  }
0x16d: {  	v20 =	vadd.f32 v31, v20;
	v31 =	vld [tilespmem:s0+$0x4CD0];
	v25 =	vadd.f32 v27, v25;
	v27 =	vand.u32 $0xFFFF0000, v49  }
0x16e: {  	v26 =	vadd.f32 v30, v26;
	v49 =	vmul.f32 v12, v3;
	v12 =	vld [tilespmem:s4+$0x50B0];
	v27 =	vadd.f32 v27, v23  }
0x16f: {  	v15 =	vmul.f32 v15, v3;
	v22 =	vmul.f32 v22, v3;
	v23 =	vld [tilespmem:s4+$0x4CE0];
	v20 =	vadd.f32 v20, v25  }
0x170: {  	v25 =	vld [tilespmem:s4+$0x4CF0];
	v26 =	vadd.f32 v27, v26;
	v30 =	vshll.u32 v50, $0x10;
	v52 =	vand.u32 $0xFFFF0000, v50  }
0x171: {  	v27 =	vld [tilespmem:s0+$0x4CC0];
	v50 =	vshll.u32 v33, $0x10;
	v33 =	vand.u32 $0xFFFF0000, v33;
	[tilespmem:s0+$0xCCA0] =	vst v20;
	v20 =	vmul.f32 v58, v3  }
0x172: {  	v22 =	vadd.f32 v52, v22;
	v52 =	vld [tilespmem:s0+$0x5080];
	v33 =	vadd.f32 v33, v15;
	[tilespmem:s0+$0xCCB0] =	vst v26;
	v26 =	vshll.u32 v21, $0x10  }
0x173: {  	v15 =	vld [tilespmem:s9+$0x54F0];
	v21 =	vand.u32 $0xFFFF0000, v21;
	v26 =	vadd.f32 v26, v59;
	v20 =	vadd.f32 v30, v20  }
0x174: {  	v30 =	vld [tilespmem:s11+$0x60];
	v21 =	vadd.f32 v21, v60  }
0x175: {  	v53 =	vld [tilespmem:s10+$0x88E0];
	v20 =	vadd.f32 v20, v26  }
0x176: {  	v26 =	vld [tilespmem:s0+$0xCC0];
	v21 =	vadd.f32 v22, v21  }
0x177: {  	v22 =	vld [tilespmem:s0+$0xCD0];
	[tilespmem:s4+$0xCC80] =	vst v20  }
0x178: {  	v59 =	vld [tilespmem:s0+$0x4CF0];
	[tilespmem:s4+$0xCC90] =	vst v21  }
0x179: {  	v21 =	vmul.f32 v27, v3;
	v27 =	vmul.f32 v31, v3;
	v54 =	vld [tilespmem:s14+$0x50]  }
0x17a: {  	v31 =	vshll.u32 v30, $0x10;
	v55 =	vshll.u32 v53, $0x10;
	v56 =	vld [tilespmem:s16+$0x98D0];
	v30 =	vand.u32 $0xFFFF0000, v30  }
0x17b: {  	v20 =	vld [tilespmem:s9+$0x14C0];
	v21 =	vadd.f32 v55, v21;
	v26 =	vadd.f32 v31, v26;
	v31 =	vand.u32 $0xFFFF0000, v53  }
0x17c: {  	v22 =	vadd.f32 v30, v22;
	v30 =	vadd.f32 v31, v27;
	v27 =	vld [tilespmem:s4+$0x5080]  }
0x17d: {  	v31 =	vld [tilespmem:s4+$0x5090];
	v21 =	vadd.f32 v21, v26  }
0x17e: {  	v26 =	vld [tilespmem:s4+$0x1080];
	v22 =	vadd.f32 v30, v22  }
0x17f: {  	v30 =	vld [tilespmem:s0+$0x4CE0];
	v57 =	vand.u32 $0xFFFF0000, v54;
	v58 =	vshll.u32 v56, $0x10;
	v37 =	vand.u32 $0xFFFF0000, v56;
	[tilespmem:s0+$0xCCC0] =	vst v21  }
0x180: {  	v56 =	vld [tilespmem:s0+$0x5090];
	v21 =	vmul.f32 v29, v3;
	v29 =	vmul.f32 v46, v3;
	[tilespmem:s0+$0xCCD0] =	vst v22;
	v22 =	vshll.u32 v54, $0x10  }
0x181: {  	v28 =	vadd.f32 v57, v28;
	v46 =	vld [tilespmem:s0+$0x50B0];
	v22 =	vadd.f32 v22, v47  }
0x182: {  	v21 =	vadd.f32 v58, v21;
	v60 =	vld [tilespmem:s11+$0x70];
	v29 =	vadd.f32 v37, v29  }
0x183: {  	v61 =	vld [tilespmem:s10+$0x88F0]  }
0x184: {  	v21 =	vadd.f32 v21, v22;
	v28 =	vadd.f32 v29, v28;
	v29 =	vld [tilespmem:s0+$0xCF0]  }
0x185: {  	v37 =	vld [tilespmem:s4+$0x1090]  }
0x186: {  	v22 =	vld [tilespmem:s9+$0x14D0];
	[tilespmem:s4+$0xCCA0] =	vst v21  }
0x187: {  	v21 =	vld [tilespmem:s9+$0x54E0];
	[tilespmem:s4+$0xCCB0] =	vst v28;
	v28 =	vmul.f32 v30, v3;
	v30 =	vmul.f32 v59, v3;
	v63 =	vshll.u32 v60, $0x10  }
0x188: {  	v45 =	vld [tilespmem:s16+$0x98E0];
	v34 =	vand.u32 $0xFFFF0000, v60;
	v32 =	vand.u32 $0xFFFF0000, v61;
	v35 =	vadd.f32 v63, v62  }
0x189: {  	v44 =	vld [tilespmem:s14+$0x60];
	v48 =	vshll.u32 v61, $0x10;
	v32 =	vadd.f32 v32, v30;
	v34 =	vadd.f32 v34, v29  }
0x18a: {  	v59 =	vld [tilespmem:s0+$0x1080];
	v28 =	vadd.f32 v48, v28;
	v30 =	vshll.u32 v38, $0x10;
	v38 =	vand.u32 $0xFFFF0000, v38  }
0x18b: {  	v51 =	vmul.f32 v51, v3;
	v29 =	vld [tilespmem:s4+$0x50A0];
	v14 =	vadd.f32 v38, v14;
	v32 =	vadd.f32 v32, v34  }
0x18c: {  	v24 =	vmul.f32 v24, v3;
	v18 =	vadd.f32 v30, v18;
	v30 =	vld [tilespmem:s4+$0x10A0];
	v28 =	vadd.f32 v28, v35  }
0x18d: {  	v14 =	vadd.f32 v33, v14;
	v55 =	vshll.u32 v45, $0x10;
	v45 =	vand.u32 $0xFFFF0000, v45;
	[tilespmem:s0+$0xCCF0] =	vst v32;
	v32 =	vld [tilespmem:s4+$0x10B0]  }
0x18e: {  	[tilespmem:s0+$0xCCE0] =	vst v28;
	v28 =	vadd.f32 v50, v49;
	v53 =	vshll.u32 v44, $0x10;
	v34 =	vadd.f32 v45, v51;
	v51 =	vld [tilespmem:s0+$0x10A0]  }
0x18f: {  	v39 =	vadd.f32 v53, v41;
	v24 =	vadd.f32 v55, v24;
	v53 =	vld [tilespmem:s0+$0x10B0]  }
0x190: {  	v54 =	vand.u32 $0xFFFF0000, v44;
	v57 =	vld [tilespmem:s11+$0x400];
	v18 =	vadd.f32 v28, v18  }
0x191: {  	v40 =	vadd.f32 v54, v42;
	[tilespmem:s9+$0xD0F0] =	vst v14;
	v58 =	vld [tilespmem:s10+$0x8C80];
	v24 =	vadd.f32 v24, v39  }
0x192: {  	v28 =	vld [tilespmem:s0+$0x1090];
	[tilespmem:s9+$0xD0E0] =	vst v18  }
0x193: {  	v34 =	vadd.f32 v34, v40;
	[tilespmem:s4+$0xCCC0] =	vst v24;
	v24 =	vld [tilespmem:s15+$0x54E0]  }
0x194: {  	v63 =	vld [tilespmem:s20+$0x440]  }
0x195: {  	[tilespmem:s4+$0xCCD0] =	vst v34;
	v39 =	vld [tilespmem:s21+$0x88C0]  }
0x196: {  	v14 =	vmul.f32 v56, v3;
	v18 =	vmul.f32 v52, v3;
	v60 =	vld [tilespmem:s16+$0x98F0]  }
0x197: {  	v48 =	vld [tilespmem:s14+$0x70];
	v61 =	vshll.u32 v57, $0x10;
	v62 =	vshll.u32 v58, $0x10;
	v47 =	vand.u32 $0xFFFF0000, v57  }
0x198: {  	v38 =	vand.u32 $0xFFFF0000, v58;
	v33 =	vadd.f32 v61, v59;
	v34 =	vadd.f32 v62, v18;
	v18 =	vld [tilespmem:s9+$0x14E0]  }
0x199: {  	v28 =	vadd.f32 v47, v28;
	v14 =	vadd.f32 v38, v14;
	v59 =	vmul.f32 v8, v3;
	v8 =	vld [tilespmem:s4+$0x50F0]  }
0x19a: {  	v7 =	vmul.f32 v7, v3;
	v34 =	vadd.f32 v34, v33;
	v33 =	vld [tilespmem:s4+$0x50C0]  }
0x19b: {  	v14 =	vadd.f32 v14, v28;
	v28 =	vld [tilespmem:s0+$0x50A0];
	v61 =	vand.u32 $0xFFFF0000, v63;
	v62 =	vshll.u32 v39, $0x10  }
0x19c: {  	v52 =	vshll.u32 v60, $0x10;
	v40 =	vand.u32 $0xFFFF0000, v60;
	v60 =	vshll.u32 v63, $0x10;
	v63 =	vld [tilespmem:s0+$0x50C0]  }
0x19d: {  	v50 =	vshll.u32 v48, $0x10;
	v35 =	vand.u32 $0xFFFF0000, v48;
	v48 =	vadd.f32 v62, v7;
	v7 =	vld [tilespmem:s4+$0x10E0]  }
0x19e: {  	v23 =	vmul.f32 v23, v3;
	[tilespmem:s0+$0xD080] =	vst v34;
	v34 =	vld [tilespmem:s4+$0x50D0]  }
0x19f: {  	v25 =	vmul.f32 v25, v3;
	v42 =	vadd.f32 v50, v36;
	v36 =	vld [tilespmem:s4+$0x10C0]  }
0x1a0: {  	[tilespmem:s0+$0xD090] =	vst v14;
	v23 =	vadd.f32 v52, v23;
	v43 =	vadd.f32 v35, v43;
	v35 =	vld [tilespmem:s4+$0x10D0]  }
0x1a1: {  	v25 =	vadd.f32 v40, v25;
	v14 =	vld [tilespmem:s11+$0x410]  }
0x1a2: {  	v49 =	vld [tilespmem:s10+$0x8C90];
	v23 =	vadd.f32 v23, v42  }
0x1a3: {  	v55 =	vadd.f32 v25, v43;
	v25 =	vld [tilespmem:s4+$0x50E0]  }
0x1a4: {  	s30 =	sor.u32 s2, s12;
	v11 =	vadd.f32 v60, v11;
	[tilespmem:s4+$0xCCE0] =	vst v23;
	v23 =	vld [tilespmem:s9+$0x14F0]  }
0x1a5: {  	s17 =	sor.u32 $0x1400, s30;
	[tilespmem:s4+$0xCCF0] =	vst v55;
	v55 =	vld [tilespmem:s0+$0x10C0]  }
0x1a6: {  	v57 =	vmul.f32 v46, v3;
	v11 =	vadd.f32 v48, v11;
	v28 =	vmul.f32 v28, v3;
	v58 =	vld [tilespmem:s17+$0x8880]  }
0x1a7: {  	v42 =	vld [tilespmem:s14+$0x400];
	v54 =	vshll.u32 v14, $0x10;
	v56 =	vshll.u32 v49, $0x10;
	v14 =	vand.u32 $0xFFFF0000, v14  }
0x1a8: {  	[tilespmem:s9+$0xD480] =	vst v11;
	v11 =	vld [tilespmem:s4+$0x5490];
	v38 =	vand.u32 $0xFFFF0000, v49;
	v40 =	vadd.f32 v54, v51;
	v43 =	vadd.f32 v56, v28  }
0x1a9: {  	v27 =	vmul.f32 v27, v3;
	v49 =	vld [tilespmem:s0+$0x50D0];
	v14 =	vadd.f32 v14, v53;
	v38 =	vadd.f32 v38, v57  }
0x1aa: {  	v31 =	vmul.f32 v31, v3;
	v39 =	vand.u32 $0xFFFF0000, v39;
	v28 =	vld [tilespmem:s15+$0x14E0];
	v40 =	vadd.f32 v43, v40  }
0x1ab: {  	v10 =	vadd.f32 v61, v10;
	v57 =	vld [tilespmem:s0+$0x10D0];
	v14 =	vadd.f32 v38, v14;
	v43 =	vand.u32 $0xFFFF0000, v58  }
0x1ac: {  	v51 =	vshll.u32 v42, $0x10;
	v52 =	vand.u32 $0xFFFF0000, v42;
	[tilespmem:s0+$0xD0A0] =	vst v40;
	v56 =	vadd.f32 v43, v31;
	v31 =	vld [tilespmem:s4+$0x10F0]  }
0x1ad: {  	v53 =	vshll.u32 v58, $0x10;
	[tilespmem:s0+$0xD0B0] =	vst v14;
	v14 =	vadd.f32 v39, v59;
	v37 =	vadd.f32 v52, v37;
	v52 =	vld [tilespmem:s0+$0x10E0]  }
0x1ae: {  	v26 =	vadd.f32 v51, v26;
	v27 =	vadd.f32 v53, v27;
	v50 =	vld [tilespmem:s11+$0x420]  }
0x1af: {  	v54 =	vld [tilespmem:s10+$0x8CA0];
	v14 =	vadd.f32 v14, v10  }
0x1b0: {  	v10 =	vld [tilespmem:s4+$0x5480];
	v26 =	vadd.f32 v27, v26  }
0x1b1: {  	v27 =	vadd.f32 v56, v37;
	v56 =	vld [tilespmem:s0+$0x10F0];
	[tilespmem:s9+$0xD490] =	vst v14  }
0x1b2: {  	v14 =	vmul.f32 v49, v3;
	[tilespmem:s4+$0xD080] =	vst v26;
	v49 =	vld [tilespmem:s0+$0x50E0]  }
0x1b3: {  	v58 =	vmul.f32 v63, v3;
	[tilespmem:s4+$0xD090] =	vst v27;
	v43 =	vld [tilespmem:s20+$0x450]  }
0x1b4: {  	v63 =	vld [tilespmem:s14+$0x410];
	v59 =	vshll.u32 v50, $0x10;
	v60 =	vshll.u32 v54, $0x10;
	v26 =	vand.u32 $0xFFFF0000, v50  }
0x1b5: {  	v48 =	vld [tilespmem:s17+$0x8890];
	v27 =	vand.u32 $0xFFFF0000, v54;
	v61 =	vadd.f32 v59, v55;
	v37 =	vadd.f32 v60, v58  }
0x1b6: {  	v39 =	vld [tilespmem:s21+$0x88D0];
	v62 =	vadd.f32 v26, v57;
	v14 =	vadd.f32 v27, v14  }
0x1b7: {  	v54 =	vld [tilespmem:s0+$0x50F0];
	v27 =	vadd.f32 v37, v61  }
0x1b8: {  	v4 =	vmul.f32 v4, v3;
	v12 =	vmul.f32 v12, v3;
	v26 =	vld [tilespmem:s4+$0x1480];
	v14 =	vadd.f32 v14, v62  }
0x1b9: {  	v29 =	vmul.f32 v29, v3;
	v38 =	vmul.f32 v49, v3;
	v61 =	vld [tilespmem:s15+$0x54F0];
	[tilespmem:s0+$0xD0C0] =	vst v27  }
0x1ba: {  	v51 =	vshll.u32 v63, $0x10;
	v53 =	vshll.u32 v48, $0x10;
	v37 =	vand.u32 $0xFFFF0000, v48;
	v48 =	vld [tilespmem:s15+$0x14F0];
	[tilespmem:s0+$0xD0D0] =	vst v14  }
0x1bb: {  	v42 =	vadd.f32 v51, v30;
	v30 =	vand.u32 $0xFFFF0000, v63;
	v55 =	vadd.f32 v53, v29;
	v14 =	vld [tilespmem:s11+$0x430]  }
0x1bc: {  	v49 =	vshll.u32 v39, $0x10;
	v12 =	vadd.f32 v37, v12;
	v50 =	vld [tilespmem:s10+$0x8CB0];
	v32 =	vadd.f32 v30, v32  }
0x1bd: {  	v27 =	vld [tilespmem:s4+$0x1490];
	v63 =	vshll.u32 v43, $0x10;
	v4 =	vadd.f32 v49, v4;
	v57 =	vadd.f32 v55, v42  }
0x1be: {  	v6 =	vmul.f32 v6, v3;
	v29 =	vld [tilespmem:s4+$0x54B0];
	v9 =	vadd.f32 v63, v9;
	v32 =	vadd.f32 v12, v32  }
0x1bf: {  	v24 =	vmul.f32 v24, v3;
	v34 =	vmul.f32 v34, v3;
	v39 =	vand.u32 $0xFFFF0000, v39;
	v53 =	vld [tilespmem:s0+$0x5480];
	[tilespmem:s4+$0xD0A0] =	vst v57  }
0x1c0: {  	v62 =	vmul.f32 v54, v3;
	v6 =	vadd.f32 v39, v6;
	v30 =	vld [tilespmem:s4+$0x54A0];
	v4 =	vadd.f32 v4, v9;
	[tilespmem:s4+$0xD0B0] =	vst v32  }
0x1c1: {  	v58 =	vshll.u32 v14, $0x10;
	v59 =	vshll.u32 v50, $0x10;
	v40 =	vand.u32 $0xFFFF0000, v50;
	v50 =	vld [tilespmem:s14+$0x420]  }
0x1c2: {  	v14 =	vand.u32 $0xFFFF0000, v14;
	v51 =	vld [tilespmem:s17+$0x88A0];
	v41 =	vadd.f32 v58, v52;
	v60 =	vadd.f32 v59, v38  }
0x1c3: {  	v55 =	vld [tilespmem:s0+$0x5490];
	v14 =	vadd.f32 v14, v56;
	v40 =	vadd.f32 v40, v62;
	v52 =	vand.u32 $0xFFFF0000, v43  }
0x1c4: {  	v12 =	vld [tilespmem:s4+$0x14A0];
	[tilespmem:s9+$0xD4A0] =	vst v4;
	v4 =	vmul.f32 v61, v3;
	v17 =	vadd.f32 v52, v17;
	v37 =	vadd.f32 v60, v41  }
0x1c5: {  	v9 =	vld [tilespmem:s4+$0x54C0];
	v61 =	vand.u32 $0xFFFF0000, v19;
	v19 =	vshll.u32 v19, $0x10;
	v40 =	vadd.f32 v40, v14  }
0x1c6: {  	v19 =	vadd.f32 v19, v24;
	v24 =	vld [tilespmem:s0+$0x54E0];
	v6 =	vadd.f32 v6, v17;
	v17 =	vmul.f32 v33, v3;
	[tilespmem:s0+$0xD0E0] =	vst v37  }
0x1c7: {  	v59 =	vld [tilespmem:s0+$0x1480];
	[tilespmem:s0+$0xD0F0] =	vst v40;
	v54 =	vshll.u32 v50, $0x10;
	v56 =	vshll.u32 v51, $0x10;
	v41 =	vand.u32 $0xFFFF0000, v50  }
0x1c8: {  	v32 =	vand.u32 $0xFFFF0000, v51;
	v33 =	vadd.f32 v54, v36;
	v57 =	vld [tilespmem:s11+$0x440];
	v17 =	vadd.f32 v56, v17  }
0x1c9: {  	v58 =	vld [tilespmem:s10+$0x8CC0];
	v35 =	vadd.f32 v41, v35;
	v32 =	vadd.f32 v32, v34  }
0x1ca: {  	v16 =	vmul.f32 v16, v3;
	v60 =	vld [tilespmem:s0+$0x1490];
	[tilespmem:s9+$0xD4B0] =	vst v6;
	v6 =	vand.u32 $0xFFFF0000, v5;
	v17 =	vadd.f32 v17, v33  }
0x1cb: {  	v13 =	vmul.f32 v13, v3;
	v63 =	vadd.f32 v6, v48;
	v6 =	vld [tilespmem:s20+$0x460];
	v32 =	vadd.f32 v32, v35  }
0x1cc: {  	v62 =	vld [tilespmem:s4+$0x54D0];
	v38 =	vadd.f32 v61, v4;
	v4 =	vmul.f32 v53, v3;
	v48 =	vshll.u32 v5, $0x10;
	[tilespmem:s4+$0xD0C0] =	vst v17  }
0x1cd: {  	v43 =	vmul.f32 v55, v3;
	v28 =	vadd.f32 v48, v28;
	v17 =	vld [tilespmem:s21+$0x88E0];
	[tilespmem:s4+$0xD0D0] =	vst v32;
	v44 =	vshll.u32 v57, $0x10  }
0x1ce: {  	v45 =	vld [tilespmem:s14+$0x430];
	v36 =	vand.u32 $0xFFFF0000, v57;
	v46 =	vshll.u32 v58, $0x10;
	v34 =	vadd.f32 v44, v59  }
0x1cf: {  	v47 =	vld [tilespmem:s17+$0x88B0];
	v37 =	vadd.f32 v46, v4;
	v33 =	vadd.f32 v36, v60;
	v4 =	vand.u32 $0xFFFF0000, v58  }
0x1d0: {  	v55 =	vld [tilespmem:s0+$0x54B0];
	v49 =	vshll.u32 v6, $0x10;
	v6 =	vand.u32 $0xFFFF0000, v6;
	v32 =	vadd.f32 v4, v43  }
0x1d1: {  	v8 =	vmul.f32 v8, v3;
	v52 =	vld [tilespmem:s0+$0x54A0];
	v20 =	vadd.f32 v49, v20;
	v22 =	vadd.f32 v6, v22  }
0x1d2: {  	v25 =	vmul.f32 v25, v3;
	v14 =	vld [tilespmem:s4+$0x14B0];
	v34 =	vadd.f32 v37, v34;
	v32 =	vadd.f32 v32, v33  }
0x1d3: {  	v50 =	vld [tilespmem:s4+$0x54E0];
	v51 =	vshll.u32 v17, $0x10;
	v17 =	vand.u32 $0xFFFF0000, v17;
	v53 =	vshll.u32 v45, $0x10  }
0x1d4: {  	v54 =	vld [tilespmem:s4+$0x54F0];
	[tilespmem:s0+$0xD480] =	vst v34;
	v6 =	vshll.u32 v47, $0x10;
	v39 =	vand.u32 $0xFFFF0000, v45;
	v13 =	vadd.f32 v17, v13  }
0x1d5: {  	v36 =	vand.u32 $0xFFFF0000, v47;
	v17 =	vld [tilespmem:s0+$0x14A0];
	[tilespmem:s0+$0xD490] =	vst v32;
	v7 =	vadd.f32 v53, v7;
	v6 =	vadd.f32 v6, v25  }
0x1d6: {  	v31 =	vadd.f32 v39, v31;
	v8 =	vadd.f32 v36, v8;
	v25 =	vld [tilespmem:s11+$0x450]  }
0x1d7: {  	v16 =	vadd.f32 v51, v16;
	v56 =	vld [tilespmem:s10+$0x8CD0];
	v7 =	vadd.f32 v6, v7  }
0x1d8: {  	v5 =	vld [tilespmem:s4+$0x14D0];
	v28 =	vadd.f32 v19, v28;
	v57 =	vmul.f32 v21, v3;
	v8 =	vadd.f32 v8, v31  }
0x1d9: {  	v6 =	vmul.f32 v15, v3;
	v15 =	vld [tilespmem:s0+$0x14B0];
	v31 =	vmul.f32 v10, v3;
	v10 =	vadd.f32 v16, v20;
	[tilespmem:s4+$0xD0E0] =	vst v7  }
0x1da: {  	v19 =	vld [tilespmem:s0+$0x54C0];
	v20 =	vmul.f32 v11, v3;
	v7 =	vadd.f32 v13, v22;
	[tilespmem:s4+$0xD0F0] =	vst v8;
	v8 =	vmul.f32 v52, v3  }
0x1db: {  	[tilespmem:s9+$0xD4C0] =	vst v10;
	v10 =	vmul.f32 v55, v3;
	v22 =	vmul.f32 v54, v3;
	v16 =	vld [tilespmem:s14+$0x440];
	v11 =	vshll.u32 v25, $0x10  }
0x1dc: {  	v58 =	vld [tilespmem:s17+$0x88C0];
	v13 =	vshll.u32 v56, $0x10;
	[tilespmem:s9+$0xD4D0] =	vst v7;
	v7 =	vand.u32 $0xFFFF0000, v25;
	v11 =	vadd.f32 v11, v17  }
0x1dd: {  	[tilespmem:s15+$0xD4E0] =	vst v28;
	v28 =	vld [tilespmem:s0+$0x14C0];
	v8 =	vadd.f32 v13, v8;
	v13 =	vmul.f32 v30, v3;
	v17 =	vand.u32 $0xFFFF0000, v56  }
0x1de: {  	v4 =	vld [tilespmem:s4+$0x14C0];
	v30 =	vadd.f32 v7, v15;
	v15 =	vmul.f32 v29, v3;
	v29 =	vadd.f32 v17, v10  }
0x1df: {  	v21 =	vadd.f32 v38, v63;
	v25 =	vld [tilespmem:s20+$0x470];
	v7 =	vmul.f32 v50, v3;
	v10 =	vmul.f32 v62, v3  }
0x1e0: {  	v59 =	vld [tilespmem:s21+$0x88F0];
	v60 =	vadd.f32 v8, v11;
	v11 =	vmul.f32 v9, v3;
	v29 =	vadd.f32 v29, v30  }
0x1e1: {  	v17 =	vld [tilespmem:s0+$0x14E0];
	v30 =	vshll.u32 v16, $0x10;
	v61 =	vand.u32 $0xFFFF0000, v16;
	v16 =	vshll.u32 v58, $0x10  }
0x1e2: {  	v8 =	vld [tilespmem:s4+$0x14E0];
	v62 =	vand.u32 $0xFFFF0000, v58;
	[tilespmem:s0+$0xD4A0] =	vst v60;
	v30 =	vadd.f32 v30, v26;
	v31 =	vadd.f32 v16, v31  }
0x1e3: {  	v16 =	vmul.f32 v24, v3;
	v24 =	vadd.f32 v61, v27;
	v20 =	vadd.f32 v62, v20;
	v26 =	vld [tilespmem:s0+$0x54D0];
	[tilespmem:s0+$0xD4B0] =	vst v29  }
0x1e4: {  	v27 =	vshll.u32 v25, $0x10;
	v63 =	vand.u32 $0xFFFF0000, v25;
	v30 =	vadd.f32 v31, v30;
	v25 =	vld [tilespmem:s11+$0x460]  }
0x1e5: {  	[tilespmem:s15+$0xD4F0] =	vst v21;
	v31 =	vshll.u32 v59, $0x10;
	v29 =	vadd.f32 v20, v24;
	v21 =	vld [tilespmem:s10+$0x8CE0];
	v18 =	vadd.f32 v27, v18  }
0x1e6: {  	s15 =	sshll.u32 s18, $0x1;
	s20 =	simm.s32 $0x2;
	s21 =	simm.s32 $0x400;
	v9 =	vld [tilespmem:s4+$0x14F0];
	v27 =	vand.u32 $0xFFFF0000, v59;
	v20 =	vadd.f32 v63, v23;
	v24 =	vadd.f32 v31, v57;
	[tilespmem:s4+$0xD480] =	vst v30  }
.LBB2_3:
0x1e7: {  	s20 =	sadd.s32 $0x2, s20;
	s1 =	sadd.s32 $0x1100, s21;
	[tilespmem:s4+$0xD490] =	vst v29;
	v23 =	vld [tilespmem:s0+$0x14D0];
	s12 =	sadd.s32 $0x100, s12;
	v27 =	vadd.f32 v27, v6;
	v6 =	vmov v22  }
0x1e8: {  	s2 =	sand.u32 $0x300, s12;
	s3 =	sshll.u32 s20, $0x8;
	s16 =	sadd.s32 $0x880, s12;
	v22 =	vld [tilespmem:s14+$0x450];
	v18 =	vadd.f32 v24, v18  }
0x1e9: {  	v19 =	vmul.f32 v19, v3;
	s22 =	sshll.u32 s20, $0x9;
	s1 =	sand.u32 $0x1800, s1;
	v26 =	vmul.f32 v26, v3;
	s16 =	sand.u32 $0x380, s16;
	v24 =	vld [tilespmem:s17+$0x88D0];
	v20 =	vadd.f32 v27, v20  }
0x1ea: {  	s22 =	sand.u32 $0xFFFFF000, s22;
	s23 =	sor.u32 $0x80, s2;
	v27 =	vshll.u32 v25, $0x10;
	v25 =	vand.u32 $0xFFFF0000, v25;
	s16 =	sor.u32 s16, s1;
	v29 =	vshll.u32 v21, $0x10;
	v30 =	vld [tilespmem:s0+$0x54F0];
	[tilespmem:s9+$0xD4E0] =	vst v18  }
0x1eb: {  	s3 =	sand.u32 $0x3FFFF800, s3;
	s24 =	sor.u32 s2, s22;
	s1 =	sor.u32 s22, s23;
	v21 =	vand.u32 $0xFFFF0000, v21;
	v18 =	vld [tilespmem:s16+$0x8880];
	v27 =	vadd.f32 v27, v28;
	v19 =	vadd.f32 v29, v19;
	[tilespmem:s9+$0xD4F0] =	vst v20  }
0x1ec: {  	p0 =	slt.u32 s20, $0xE;
	s3 =	sadd.s32 $0x8880, s3;
	s9 =	sand.u32 $0x800, s21;
	v21 =	vadd.f32 v21, v26;
	v20 =	vld [tilespmem:s1+$0x4880];
	v23 =	vadd.f32 v25, v23  }
0x1ed: {  	s22 =	sor.u32 s2, s3;
	s3 =	sadd.s32 s23, s3;
	s2 =	sor.u32 s2, s9;
	v25 =	vld [tilespmem:s1+$0x4890];
	v26 =	vshll.u32 v22, $0x10;
	v22 =	vand.u32 $0xFFFF0000, v22;
	v19 =	vadd.f32 v19, v27  }
0x1ee: {  	s23 =	sor.u32 s9, s12;
	s9 =	smov.u32 s4;
	s4 =	smov.u32 s24;
	v27 =	vld [tilespmem:s3+$0x0];
	v28 =	vshll.u32 v24, $0x10;
	v24 =	vand.u32 $0xFFFF0000, v24;
	v21 =	vadd.f32 v21, v23  }
0x1ef: {  	s23 =	sor.u32 $0x1400, s23;
	v12 =	vadd.f32 v26, v12;
	v23 =	vld [tilespmem:s1+$0x880];
	v13 =	vadd.f32 v28, v13;
	[tilespmem:s0+$0xD4C0] =	vst v19  }
0x1f0: {  	v14 =	vadd.f32 v22, v14;
	v15 =	vadd.f32 v24, v15;
	v19 =	vld [tilespmem:s1+$0x890];
	[tilespmem:s0+$0xD4D0] =	vst v21  }
0x1f1: {  	v12 =	vadd.f32 v13, v12;
	v13 =	vld [tilespmem:s11+$0x470];
	s11 =	smov.u32 s3  }
0x1f2: {  	v21 =	vshll.u32 v18, $0x10;
	v20 =	vmul.f32 v20, v3;
	v14 =	vadd.f32 v15, v14;
	v15 =	vld [tilespmem:s10+$0x8CF0];
	s10 =	smov.u32 s16  }
0x1f3: {  	v18 =	vand.u32 $0xFFFF0000, v18;
	v24 =	vmul.f32 v25, v3;
	v22 =	vshll.u32 v27, $0x10;
	[tilespmem:s9+$0xD4A0] =	vst v12;
	v12 =	vld [tilespmem:s0+$0x14F0]  }
0x1f4: {  	v26 =	vand.u32 $0xFFFF0000, v27;
	v20 =	vadd.f32 v21, v20;
	v25 =	vld [tilespmem:s4+$0x4880];
	v22 =	vadd.f32 v22, v23;
	[tilespmem:s9+$0xD4B0] =	vst v14  }
0x1f5: {  	v18 =	vadd.f32 v18, v24;
	v14 =	vld [tilespmem:s4+$0x4890];
	v19 =	vadd.f32 v26, v19  }
0x1f6: {  	v23 =	vmul.f32 v30, v3;
	v21 =	vld [tilespmem:s22+$0x0];
	v20 =	vadd.f32 v20, v22;
	v22 =	vshll.u32 v13, $0x10  }
0x1f7: {  	v13 =	vand.u32 $0xFFFF0000, v13;
	v24 =	vld [tilespmem:s2+$0x9880];
	v18 =	vadd.f32 v18, v19;
	v19 =	vand.u32 $0xFFFF0000, v15  }
0x1f8: {  	v15 =	vshll.u32 v15, $0x10;
	v26 =	vld [tilespmem:s4+$0x880];
	v12 =	vadd.f32 v13, v12;
	v13 =	vadd.f32 v19, v23  }
0x1f9: {  	v17 =	vadd.f32 v22, v17;
	v15 =	vadd.f32 v15, v16;
	v19 =	vmul.f32 v25, v3;
	[tilespmem:s1+$0xC880] =	vst v20;
	v20 =	vld [tilespmem:s1+$0x48A0]  }
0x1fa: {  	v14 =	vmul.f32 v14, v3;
	[tilespmem:s1+$0xC890] =	vst v18;
	v16 =	vld [tilespmem:s1+$0x48B0];
	v12 =	vadd.f32 v13, v12  }
0x1fb: {  	v15 =	vadd.f32 v15, v17;
	v13 =	vshll.u32 v21, $0x10;
	v18 =	vand.u32 $0xFFFF0000, v21;
	v21 =	vld [tilespmem:s11+$0x10]  }
0x1fc: {  	v17 =	vshll.u32 v24, $0x10;
	v22 =	vand.u32 $0xFFFF0000, v24;
	v23 =	vld [tilespmem:s10+$0x8890];
	[tilespmem:s0+$0xD4F0] =	vst v12  }
0x1fd: {  	v12 =	vadd.f32 v13, v26;
	v13 =	vadd.f32 v17, v19;
	v17 =	vld [tilespmem:s1+$0x8A0];
	[tilespmem:s0+$0xD4E0] =	vst v15;
	s0 =	smov.u32 s1  }
0x1fe: {  	v14 =	vadd.f32 v22, v14;
	v15 =	vld [tilespmem:s0+$0x8B0]  }
0x1ff: {  	v12 =	vadd.f32 v13, v12;
	v13 =	vld [tilespmem:s4+$0x890]  }
0x200: {  	v20 =	vmul.f32 v20, v3;
	v16 =	vmul.f32 v16, v3;
	v19 =	vld [tilespmem:s4+$0x48A0]  }
0x201: {  	v22 =	vshll.u32 v21, $0x10;
	v21 =	vand.u32 $0xFFFF0000, v21;
	[tilespmem:s4+$0xC880] =	vst v12;
	v12 =	vld [tilespmem:s4+$0x48B0];
	v24 =	vshll.u32 v23, $0x10  }
0x202: {  	v23 =	vand.u32 $0xFFFF0000, v23;
	v25 =	vld [tilespmem:s4+$0x8A0];
	v17 =	vadd.f32 v22, v17;
	v20 =	vadd.f32 v24, v20  }
0x203: {  	v16 =	vadd.f32 v23, v16;
	v22 =	vld [tilespmem:s4+$0x8B0];
	v15 =	vadd.f32 v21, v15  }
0x204: {  	v13 =	vadd.f32 v18, v13;
	v18 =	vld [tilespmem:s4+$0x48C0];
	v17 =	vadd.f32 v20, v17  }
0x205: {  	v19 =	vmul.f32 v19, v3;
	v20 =	vld [tilespmem:s4+$0x48D0];
	v15 =	vadd.f32 v16, v15  }
0x206: {  	v13 =	vadd.f32 v14, v13;
	v12 =	vmul.f32 v12, v3;
	[tilespmem:s0+$0xC8A0] =	vst v17;
	v14 =	vld [tilespmem:s0+$0x48C0]  }
0x207: {  	[tilespmem:s0+$0xC8B0] =	vst v15;
	v15 =	vld [tilespmem:s0+$0x48D0]  }
0x208: {  	[tilespmem:s4+$0xC890] =	vst v13;
	v13 =	vld [tilespmem:s11+$0x20]  }
0x209: {  	v16 =	vmul.f32 v18, v3;
	v17 =	vld [tilespmem:s10+$0x88A0]  }
0x20a: {  	v18 =	vmul.f32 v20, v3;
	v20 =	vld [tilespmem:s0+$0x8C0]  }
0x20b: {  	v21 =	vld [tilespmem:s0+$0x8D0]  }
0x20c: {  	v23 =	vld [tilespmem:s22+$0x10]  }
0x20d: {  	v14 =	vmul.f32 v14, v3;
	v15 =	vmul.f32 v15, v3;
	v24 =	vld [tilespmem:s2+$0x9890]  }
0x20e: {  	v27 =	vshll.u32 v13, $0x10;
	v13 =	vand.u32 $0xFFFF0000, v13;
	v26 =	vld [tilespmem:s4+$0x8C0];
	v28 =	vshll.u32 v17, $0x10  }
0x20f: {  	v17 =	vand.u32 $0xFFFF0000, v17;
	v29 =	vld [tilespmem:s4+$0x8D0];
	v20 =	vadd.f32 v27, v20;
	v14 =	vadd.f32 v28, v14  }
0x210: {  	v15 =	vadd.f32 v17, v15;
	v27 =	vld [tilespmem:s4+$0x48E0];
	v13 =	vadd.f32 v13, v21  }
0x211: {  	v17 =	vshll.u32 v23, $0x10;
	v21 =	vand.u32 $0xFFFF0000, v23;
	v23 =	vld [tilespmem:s4+$0x48F0];
	v14 =	vadd.f32 v14, v20  }
0x212: {  	v20 =	vshll.u32 v24, $0x10;
	v24 =	vand.u32 $0xFFFF0000, v24;
	v28 =	vld [tilespmem:s4+$0x8E0];
	v13 =	vadd.f32 v15, v13  }
0x213: {  	v15 =	vadd.f32 v17, v25;
	v17 =	vadd.f32 v20, v19;
	[tilespmem:s0+$0xC8C0] =	vst v14;
	v14 =	vld [tilespmem:s0+$0x48E0]  }
0x214: {  	v19 =	vadd.f32 v21, v22;
	v12 =	vadd.f32 v24, v12;
	[tilespmem:s0+$0xC8D0] =	vst v13;
	v13 =	vld [tilespmem:s0+$0x48F0]  }
0x215: {  	v15 =	vadd.f32 v17, v15;
	v17 =	vmul.f32 v27, v3;
	v20 =	vld [tilespmem:s11+$0x30]  }
0x216: {  	v12 =	vadd.f32 v12, v19;
	v19 =	vmul.f32 v23, v3;
	v21 =	vld [tilespmem:s10+$0x88B0]  }
0x217: {  	[tilespmem:s4+$0xC8A0] =	vst v15;
	v15 =	vld [tilespmem:s0+$0x8E0]  }
0x218: {  	[tilespmem:s4+$0xC8B0] =	vst v12;
	v12 =	vld [tilespmem:s0+$0x8F0]  }
0x219: {  	v22 =	vld [tilespmem:s22+$0x20]  }
0x21a: {  	v14 =	vmul.f32 v14, v3;
	v13 =	vmul.f32 v13, v3;
	v23 =	vld [tilespmem:s2+$0x98A0]  }
0x21b: {  	v25 =	vshll.u32 v20, $0x10;
	v20 =	vand.u32 $0xFFFF0000, v20;
	v24 =	vld [tilespmem:s4+$0x8F0];
	v27 =	vshll.u32 v21, $0x10  }
0x21c: {  	v21 =	vand.u32 $0xFFFF0000, v21;
	v30 =	vld [tilespmem:s4+$0x4C80];
	v15 =	vadd.f32 v25, v15;
	v14 =	vadd.f32 v27, v14  }
0x21d: {  	v13 =	vadd.f32 v21, v13;
	v25 =	vld [tilespmem:s4+$0x4C90];
	v12 =	vadd.f32 v20, v12  }
0x21e: {  	v20 =	vshll.u32 v22, $0x10;
	v21 =	vand.u32 $0xFFFF0000, v22;
	v22 =	vld [tilespmem:s4+$0xC80];
	v14 =	vadd.f32 v14, v15  }
0x21f: {  	v15 =	vshll.u32 v23, $0x10;
	v23 =	vand.u32 $0xFFFF0000, v23;
	v27 =	vld [tilespmem:s4+$0xC90];
	v12 =	vadd.f32 v13, v12  }
0x220: {  	v13 =	vadd.f32 v20, v26;
	v15 =	vadd.f32 v15, v16;
	[tilespmem:s0+$0xC8E0] =	vst v14;
	v14 =	vld [tilespmem:s0+$0x4C80]  }
0x221: {  	v16 =	vadd.f32 v21, v29;
	v18 =	vadd.f32 v23, v18;
	v20 =	vmul.f32 v30, v3;
	[tilespmem:s0+$0xC8F0] =	vst v12;
	v12 =	vld [tilespmem:s0+$0x4C90]  }
0x222: {  	v13 =	vadd.f32 v15, v13;
	v21 =	vmul.f32 v25, v3;
	v15 =	vld [tilespmem:s11+$0x40]  }
0x223: {  	v16 =	vadd.f32 v18, v16;
	v18 =	vld [tilespmem:s10+$0x88C0]  }
0x224: {  	[tilespmem:s4+$0xC8C0] =	vst v13;
	v13 =	vld [tilespmem:s0+$0xC80]  }
0x225: {  	[tilespmem:s4+$0xC8D0] =	vst v16;
	v16 =	vld [tilespmem:s0+$0xC90]  }
0x226: {  	v23 =	vld [tilespmem:s22+$0x30]  }
0x227: {  	v14 =	vmul.f32 v14, v3;
	v12 =	vmul.f32 v12, v3;
	v25 =	vld [tilespmem:s2+$0x98B0]  }
0x228: {  	v29 =	vshll.u32 v15, $0x10;
	v15 =	vand.u32 $0xFFFF0000, v15;
	v26 =	vld [tilespmem:s4+$0x4CA0];
	v30 =	vshll.u32 v18, $0x10  }
0x229: {  	v18 =	vand.u32 $0xFFFF0000, v18;
	v31 =	vld [tilespmem:s4+$0x4CB0];
	v13 =	vadd.f32 v29, v13;
	v14 =	vadd.f32 v30, v14  }
0x22a: {  	v12 =	vadd.f32 v18, v12;
	v29 =	vld [tilespmem:s4+$0xCA0];
	v15 =	vadd.f32 v15, v16  }
0x22b: {  	v16 =	vshll.u32 v23, $0x10;
	v18 =	vand.u32 $0xFFFF0000, v23;
	v23 =	vld [tilespmem:s4+$0xCB0];
	v13 =	vadd.f32 v14, v13  }
0x22c: {  	v14 =	vshll.u32 v25, $0x10;
	v25 =	vand.u32 $0xFFFF0000, v25;
	v30 =	vld [tilespmem:s4+$0x4CC0];
	v12 =	vadd.f32 v12, v15  }
0x22d: {  	v15 =	vadd.f32 v16, v28;
	v14 =	vadd.f32 v14, v17;
	v26 =	vmul.f32 v26, v3;
	[tilespmem:s0+$0xCC80] =	vst v13;
	v13 =	vld [tilespmem:s0+$0x4CA0]  }
0x22e: {  	v16 =	vadd.f32 v18, v24;
	v17 =	vadd.f32 v25, v19;
	v18 =	vmul.f32 v31, v3;
	[tilespmem:s0+$0xCC90] =	vst v12;
	v12 =	vld [tilespmem:s0+$0x4CB0]  }
0x22f: {  	v14 =	vadd.f32 v14, v15;
	v19 =	vld [tilespmem:s11+$0x50]  }
0x230: {  	v16 =	vadd.f32 v17, v16;
	v17 =	vld [tilespmem:s10+$0x88D0]  }
0x231: {  	[tilespmem:s4+$0xC8E0] =	vst v14;
	v15 =	vmul.f32 v30, v3;
	v14 =	vld [tilespmem:s0+$0xCA0]  }
0x232: {  	[tilespmem:s4+$0xC8F0] =	vst v16;
	v16 =	vld [tilespmem:s0+$0xCB0]  }
0x233: {  	v24 =	vld [tilespmem:s22+$0x40]  }
0x234: {  	v13 =	vmul.f32 v13, v3;
	v12 =	vmul.f32 v12, v3;
	v25 =	vld [tilespmem:s2+$0x98C0]  }
0x235: {  	v30 =	vshll.u32 v19, $0x10;
	v19 =	vand.u32 $0xFFFF0000, v19;
	v28 =	vld [tilespmem:s4+$0x4CD0];
	v31 =	vshll.u32 v17, $0x10  }
0x236: {  	v17 =	vand.u32 $0xFFFF0000, v17;
	v32 =	vld [tilespmem:s4+$0xCC0];
	v14 =	vadd.f32 v30, v14;
	v13 =	vadd.f32 v31, v13  }
0x237: {  	v12 =	vadd.f32 v17, v12;
	v30 =	vld [tilespmem:s4+$0xCD0];
	v16 =	vadd.f32 v19, v16  }
0x238: {  	v17 =	vshll.u32 v24, $0x10;
	v19 =	vand.u32 $0xFFFF0000, v24;
	v24 =	vld [tilespmem:s4+$0x4CE0];
	v13 =	vadd.f32 v13, v14  }
0x239: {  	v14 =	vshll.u32 v25, $0x10;
	v25 =	vand.u32 $0xFFFF0000, v25;
	v31 =	vld [tilespmem:s4+$0x4CF0];
	v12 =	vadd.f32 v12, v16  }
0x23a: {  	v16 =	vadd.f32 v17, v22;
	v14 =	vadd.f32 v14, v20;
	v28 =	vmul.f32 v28, v3;
	[tilespmem:s0+$0xCCA0] =	vst v13;
	v13 =	vld [tilespmem:s0+$0x4CC0]  }
0x23b: {  	v17 =	vadd.f32 v19, v27;
	v19 =	vadd.f32 v25, v21;
	[tilespmem:s0+$0xCCB0] =	vst v12;
	v12 =	vld [tilespmem:s0+$0x4CD0]  }
0x23c: {  	v14 =	vadd.f32 v14, v16;
	v20 =	vld [tilespmem:s11+$0x60]  }
0x23d: {  	v19 =	vadd.f32 v19, v17;
	v17 =	vmul.f32 v24, v3;
	v24 =	vld [tilespmem:s10+$0x88E0]  }
0x23e: {  	[tilespmem:s4+$0xCC80] =	vst v14;
	v16 =	vmul.f32 v31, v3;
	v14 =	vld [tilespmem:s0+$0xCC0]  }
0x23f: {  	[tilespmem:s4+$0xCC90] =	vst v19;
	v19 =	vld [tilespmem:s0+$0xCD0]  }
0x240: {  	v25 =	vld [tilespmem:s22+$0x50]  }
0x241: {  	v13 =	vmul.f32 v13, v3;
	v12 =	vmul.f32 v12, v3;
	v27 =	vld [tilespmem:s2+$0x98D0]  }
0x242: {  	v31 =	vshll.u32 v20, $0x10;
	v20 =	vand.u32 $0xFFFF0000, v20;
	v22 =	vld [tilespmem:s4+$0xCE0];
	v33 =	vshll.u32 v24, $0x10  }
0x243: {  	v24 =	vand.u32 $0xFFFF0000, v24;
	v21 =	vld [tilespmem:s4+$0xCF0];
	v14 =	vadd.f32 v31, v14;
	v13 =	vadd.f32 v33, v13  }
0x244: {  	v31 =	vld [tilespmem:s4+$0x5080];
	v19 =	vadd.f32 v20, v19;
	v20 =	vadd.f32 v24, v12  }
0x245: {  	v24 =	vshll.u32 v25, $0x10;
	v25 =	vand.u32 $0xFFFF0000, v25;
	v33 =	vld [tilespmem:s4+$0x5090];
	v13 =	vadd.f32 v13, v14  }
0x246: {  	v14 =	vshll.u32 v27, $0x10;
	v27 =	vand.u32 $0xFFFF0000, v27;
	v12 =	vld [tilespmem:s4+$0x1080];
	v19 =	vadd.f32 v20, v19  }
0x247: {  	v20 =	vadd.f32 v24, v29;
	v14 =	vadd.f32 v14, v26;
	[tilespmem:s0+$0xCCC0] =	vst v13;
	v13 =	vld [tilespmem:s0+$0x4CE0]  }
0x248: {  	v23 =	vadd.f32 v25, v23;
	v18 =	vadd.f32 v27, v18;
	[tilespmem:s0+$0xCCD0] =	vst v19;
	v24 =	vld [tilespmem:s0+$0x4CF0]  }
0x249: {  	v14 =	vadd.f32 v14, v20;
	v19 =	vmul.f32 v31, v3;
	v25 =	vld [tilespmem:s11+$0x70]  }
0x24a: {  	v20 =	vadd.f32 v18, v23;
	v18 =	vmul.f32 v33, v3;
	v23 =	vld [tilespmem:s10+$0x88F0]  }
0x24b: {  	[tilespmem:s4+$0xCCA0] =	vst v14;
	v14 =	vld [tilespmem:s0+$0xCE0]  }
0x24c: {  	[tilespmem:s4+$0xCCB0] =	vst v20;
	v26 =	vld [tilespmem:s0+$0xCF0]  }
0x24d: {  	v27 =	vld [tilespmem:s22+$0x60]  }
0x24e: {  	v13 =	vmul.f32 v13, v3;
	v24 =	vmul.f32 v24, v3;
	v29 =	vld [tilespmem:s2+$0x98E0]  }
0x24f: {  	v31 =	vshll.u32 v25, $0x10;
	v25 =	vand.u32 $0xFFFF0000, v25;
	v20 =	vld [tilespmem:s4+$0x1090];
	v33 =	vshll.u32 v23, $0x10  }
0x250: {  	v23 =	vand.u32 $0xFFFF0000, v23;
	v34 =	vld [tilespmem:s4+$0x50A0];
	v14 =	vadd.f32 v31, v14;
	v31 =	vadd.f32 v33, v13  }
0x251: {  	v23 =	vadd.f32 v23, v24;
	v33 =	vld [tilespmem:s4+$0x50B0];
	v25 =	vadd.f32 v25, v26  }
0x252: {  	v24 =	vshll.u32 v27, $0x10;
	v26 =	vand.u32 $0xFFFF0000, v27;
	v13 =	vld [tilespmem:s4+$0x10A0];
	v27 =	vadd.f32 v31, v14  }
0x253: {  	v31 =	vshll.u32 v29, $0x10;
	v29 =	vand.u32 $0xFFFF0000, v29;
	v14 =	vld [tilespmem:s4+$0x10B0];
	v23 =	vadd.f32 v23, v25  }
0x254: {  	v24 =	vadd.f32 v24, v32;
	v25 =	vadd.f32 v31, v15;
	[tilespmem:s0+$0xCCE0] =	vst v27;
	v27 =	vld [tilespmem:s0+$0x5080]  }
0x255: {  	v26 =	vadd.f32 v26, v30;
	v29 =	vadd.f32 v29, v28;
	v15 =	vmul.f32 v34, v3;
	[tilespmem:s0+$0xCCF0] =	vst v23;
	v23 =	vld [tilespmem:s0+$0x5090]  }
0x256: {  	v24 =	vadd.f32 v25, v24;
	v28 =	vmul.f32 v33, v3;
	v25 =	vld [tilespmem:s11+$0x400]  }
0x257: {  	v26 =	vadd.f32 v29, v26;
	v29 =	vld [tilespmem:s10+$0x8C80]  }
0x258: {  	[tilespmem:s4+$0xCCC0] =	vst v24;
	v24 =	vld [tilespmem:s0+$0x1080]  }
0x259: {  	[tilespmem:s4+$0xCCD0] =	vst v26;
	v26 =	vld [tilespmem:s0+$0x1090]  }
0x25a: {  	v30 =	vld [tilespmem:s22+$0x70]  }
0x25b: {  	v27 =	vmul.f32 v27, v3;
	v23 =	vmul.f32 v23, v3;
	v31 =	vld [tilespmem:s2+$0x98F0]  }
0x25c: {  	v33 =	vshll.u32 v25, $0x10;
	v25 =	vand.u32 $0xFFFF0000, v25;
	v32 =	vld [tilespmem:s4+$0x50C0];
	v34 =	vshll.u32 v29, $0x10  }
0x25d: {  	v29 =	vand.u32 $0xFFFF0000, v29;
	v35 =	vld [tilespmem:s4+$0x50D0];
	v33 =	vadd.f32 v33, v24;
	v27 =	vadd.f32 v34, v27  }
0x25e: {  	v23 =	vadd.f32 v29, v23;
	v24 =	vld [tilespmem:s4+$0x10C0];
	v26 =	vadd.f32 v25, v26  }
0x25f: {  	v29 =	vshll.u32 v30, $0x10;
	v30 =	vand.u32 $0xFFFF0000, v30;
	v25 =	vld [tilespmem:s4+$0x10D0];
	v27 =	vadd.f32 v27, v33  }
0x260: {  	v33 =	vshll.u32 v31, $0x10;
	v31 =	vand.u32 $0xFFFF0000, v31;
	v34 =	vld [tilespmem:s4+$0x50E0];
	v23 =	vadd.f32 v23, v26  }
0x261: {  	v22 =	vadd.f32 v29, v22;
	v17 =	vadd.f32 v33, v17;
	v26 =	vmul.f32 v32, v3;
	[tilespmem:s0+$0xD080] =	vst v27;
	v29 =	vld [tilespmem:s0+$0x50A0]  }
0x262: {  	v21 =	vadd.f32 v30, v21;
	v16 =	vadd.f32 v31, v16;
	v27 =	vmul.f32 v35, v3;
	[tilespmem:s0+$0xD090] =	vst v23;
	v23 =	vld [tilespmem:s0+$0x50B0]  }
0x263: {  	v17 =	vadd.f32 v17, v22;
	v22 =	vld [tilespmem:s11+$0x410]  }
0x264: {  	v21 =	vadd.f32 v16, v21;
	v30 =	vld [tilespmem:s10+$0x8C90]  }
0x265: {  	[tilespmem:s4+$0xCCE0] =	vst v17;
	v16 =	vmul.f32 v34, v3;
	v31 =	vld [tilespmem:s0+$0x10A0]  }
0x266: {  	[tilespmem:s4+$0xCCF0] =	vst v21;
	v21 =	vld [tilespmem:s0+$0x10B0]  }
0x267: {  	v32 =	vld [tilespmem:s22+$0x400]  }
0x268: {  	v29 =	vmul.f32 v29, v3;
	v23 =	vmul.f32 v23, v3;
	v33 =	vld [tilespmem:s23+$0x8880]  }
0x269: {  	v35 =	vshll.u32 v22, $0x10;
	v36 =	vand.u32 $0xFFFF0000, v22;
	v34 =	vld [tilespmem:s4+$0x50F0];
	v22 =	vshll.u32 v30, $0x10  }
0x26a: {  	v30 =	vand.u32 $0xFFFF0000, v30;
	v17 =	vld [tilespmem:s4+$0x10E0];
	v31 =	vadd.f32 v35, v31;
	v29 =	vadd.f32 v22, v29  }
0x26b: {  	v23 =	vadd.f32 v30, v23;
	v22 =	vld [tilespmem:s4+$0x10F0];
	v21 =	vadd.f32 v36, v21  }
0x26c: {  	v30 =	vshll.u32 v32, $0x10;
	v32 =	vand.u32 $0xFFFF0000, v32;
	v35 =	vld [tilespmem:s4+$0x5480];
	v29 =	vadd.f32 v29, v31  }
0x26d: {  	v31 =	vshll.u32 v33, $0x10;
	v33 =	vand.u32 $0xFFFF0000, v33;
	v36 =	vld [tilespmem:s4+$0x5490];
	v21 =	vadd.f32 v23, v21  }
0x26e: {  	v12 =	vadd.f32 v30, v12;
	v19 =	vadd.f32 v31, v19;
	v23 =	vmul.f32 v34, v3;
	[tilespmem:s0+$0xD0A0] =	vst v29;
	v29 =	vld [tilespmem:s0+$0x50C0]  }
0x26f: {  	v20 =	vadd.f32 v32, v20;
	v18 =	vadd.f32 v33, v18;
	[tilespmem:s0+$0xD0B0] =	vst v21;
	v21 =	vld [tilespmem:s0+$0x50D0]  }
0x270: {  	v12 =	vadd.f32 v19, v12;
	v30 =	vld [tilespmem:s11+$0x420]  }
0x271: {  	v20 =	vadd.f32 v18, v20;
	v19 =	vmul.f32 v35, v3;
	v31 =	vld [tilespmem:s10+$0x8CA0]  }
0x272: {  	[tilespmem:s4+$0xD080] =	vst v12;
	v18 =	vmul.f32 v36, v3;
	v12 =	vld [tilespmem:s0+$0x10C0]  }
0x273: {  	[tilespmem:s4+$0xD090] =	vst v20;
	v32 =	vld [tilespmem:s0+$0x10D0]  }
0x274: {  	v33 =	vld [tilespmem:s22+$0x410]  }
0x275: {  	v29 =	vmul.f32 v29, v3;
	v35 =	vmul.f32 v21, v3;
	v34 =	vld [tilespmem:s23+$0x8890]  }
0x276: {  	v36 =	vshll.u32 v30, $0x10;
	v30 =	vand.u32 $0xFFFF0000, v30;
	v21 =	vld [tilespmem:s4+$0x1480];
	v37 =	vshll.u32 v31, $0x10  }
0x277: {  	v31 =	vand.u32 $0xFFFF0000, v31;
	v20 =	vld [tilespmem:s4+$0x1490];
	v12 =	vadd.f32 v36, v12;
	v29 =	vadd.f32 v37, v29  }
0x278: {  	v31 =	vadd.f32 v31, v35;
	v36 =	vld [tilespmem:s4+$0x54A0];
	v30 =	vadd.f32 v30, v32  }
0x279: {  	v32 =	vshll.u32 v33, $0x10;
	v33 =	vand.u32 $0xFFFF0000, v33;
	v35 =	vld [tilespmem:s4+$0x54B0];
	v29 =	vadd.f32 v29, v12  }
0x27a: {  	v37 =	vshll.u32 v34, $0x10;
	v34 =	vand.u32 $0xFFFF0000, v34;
	v12 =	vld [tilespmem:s4+$0x14A0];
	v30 =	vadd.f32 v31, v30  }
0x27b: {  	v13 =	vadd.f32 v32, v13;
	v15 =	vadd.f32 v37, v15;
	[tilespmem:s0+$0xD0C0] =	vst v29;
	v29 =	vld [tilespmem:s0+$0x50E0]  }
0x27c: {  	v14 =	vadd.f32 v33, v14;
	v28 =	vadd.f32 v34, v28;
	[tilespmem:s0+$0xD0D0] =	vst v30;
	v30 =	vld [tilespmem:s0+$0x50F0]  }
0x27d: {  	v31 =	vadd.f32 v15, v13;
	v13 =	vmul.f32 v36, v3;
	v32 =	vld [tilespmem:s11+$0x430]  }
0x27e: {  	v14 =	vadd.f32 v28, v14;
	v15 =	vmul.f32 v35, v3;
	v28 =	vld [tilespmem:s10+$0x8CB0]  }
0x27f: {  	[tilespmem:s4+$0xD0A0] =	vst v31;
	v31 =	vld [tilespmem:s0+$0x10E0]  }
0x280: {  	[tilespmem:s4+$0xD0B0] =	vst v14;
	v33 =	vld [tilespmem:s0+$0x10F0]  }
0x281: {  	v34 =	vld [tilespmem:s22+$0x420]  }
0x282: {  	v29 =	vmul.f32 v29, v3;
	v30 =	vmul.f32 v30, v3;
	v35 =	vld [tilespmem:s23+$0x88A0]  }
0x283: {  	v36 =	vshll.u32 v32, $0x10;
	v32 =	vand.u32 $0xFFFF0000, v32;
	v14 =	vld [tilespmem:s4+$0x14B0];
	v37 =	vshll.u32 v28, $0x10  }
0x284: {  	v28 =	vand.u32 $0xFFFF0000, v28;
	v38 =	vld [tilespmem:s4+$0x54C0];
	v31 =	vadd.f32 v36, v31;
	v29 =	vadd.f32 v37, v29  }
0x285: {  	v28 =	vadd.f32 v28, v30;
	v36 =	vld [tilespmem:s4+$0x54D0];
	v32 =	vadd.f32 v32, v33  }
0x286: {  	v30 =	vshll.u32 v34, $0x10;
	v33 =	vand.u32 $0xFFFF0000, v34;
	v29 =	vadd.f32 v29, v31;
	v31 =	vld [tilespmem:s14+$0x460]  }
0x287: {  	v34 =	vshll.u32 v35, $0x10;
	v35 =	vand.u32 $0xFFFF0000, v35;
	v28 =	vadd.f32 v28, v32;
	v32 =	vld [tilespmem:s17+$0x88E0]  }
0x288: {  	v24 =	vadd.f32 v30, v24;
	v26 =	vadd.f32 v34, v26;
	[tilespmem:s0+$0xD0E0] =	vst v29;
	v29 =	vld [tilespmem:s0+$0x5480]  }
0x289: {  	v25 =	vadd.f32 v33, v25;
	v27 =	vadd.f32 v35, v27;
	v30 =	vmul.f32 v38, v3;
	[tilespmem:s0+$0xD0F0] =	vst v28;
	v28 =	vld [tilespmem:s0+$0x5490]  }
0x28a: {  	v24 =	vadd.f32 v26, v24;
	v26 =	vmul.f32 v36, v3;
	v33 =	vld [tilespmem:s11+$0x440]  }
0x28b: {  	v25 =	vadd.f32 v27, v25;
	v27 =	vld [tilespmem:s10+$0x8CC0];
	v34 =	vshll.u32 v31, $0x10;
	v31 =	vand.u32 $0xFFFF0000, v31  }
0x28c: {  	[tilespmem:s4+$0xD0C0] =	vst v24;
	v24 =	vld [tilespmem:s0+$0x1480];
	v35 =	vshll.u32 v32, $0x10;
	v32 =	vand.u32 $0xFFFF0000, v32;
	v4 =	vadd.f32 v34, v4  }
0x28d: {  	v31 =	vadd.f32 v31, v5;
	[tilespmem:s4+$0xD0D0] =	vst v25;
	v25 =	vld [tilespmem:s0+$0x1490];
	v34 =	vadd.f32 v35, v11;
	v11 =	vmov v30  }
0x28e: {  	v32 =	vadd.f32 v32, v10;
	v10 =	vmov v26;
	v30 =	vld [tilespmem:s22+$0x430]  }
0x28f: {  	v29 =	vmul.f32 v29, v3;
	v28 =	vmul.f32 v28, v3;
	v26 =	vld [tilespmem:s23+$0x88B0];
	v34 =	vadd.f32 v34, v4  }
0x290: {  	v35 =	vshll.u32 v33, $0x10;
	v33 =	vand.u32 $0xFFFF0000, v33;
	v4 =	vld [tilespmem:s4+$0x14C0];
	v36 =	vshll.u32 v27, $0x10  }
0x291: {  	v27 =	vand.u32 $0xFFFF0000, v27;
	v5 =	vld [tilespmem:s4+$0x14D0];
	v24 =	vadd.f32 v35, v24;
	v29 =	vadd.f32 v36, v29;
	[tilespmem:s9+$0xD4C0] =	vst v34  }
0x292: {  	v27 =	vadd.f32 v27, v28;
	v34 =	vld [tilespmem:s4+$0x54E0];
	v25 =	vadd.f32 v33, v25  }
0x293: {  	v28 =	vshll.u32 v30, $0x10;
	v30 =	vand.u32 $0xFFFF0000, v30;
	v33 =	vld [tilespmem:s4+$0x54F0];
	v24 =	vadd.f32 v29, v24  }
0x294: {  	v29 =	vshll.u32 v26, $0x10;
	v26 =	vand.u32 $0xFFFF0000, v26;
	v25 =	vadd.f32 v27, v25;
	v27 =	vld [tilespmem:s0+$0x54E0]  }
0x295: {  	v17 =	vadd.f32 v28, v17;
	v16 =	vadd.f32 v29, v16;
	[tilespmem:s0+$0xD480] =	vst v24;
	v24 =	vld [tilespmem:s0+$0x54A0]  }
0x296: {  	v22 =	vadd.f32 v30, v22;
	v23 =	vadd.f32 v26, v23;
	[tilespmem:s0+$0xD490] =	vst v25;
	v25 =	vld [tilespmem:s0+$0x54B0]  }
0x297: {  	v26 =	vadd.f32 v32, v31;
	v16 =	vadd.f32 v16, v17;
	v30 =	vmul.f32 v34, v3;
	v17 =	vld [tilespmem:s11+$0x450]  }
0x298: {  	v23 =	vadd.f32 v23, v22;
	v22 =	vmul.f32 v33, v3;
	v28 =	vld [tilespmem:s10+$0x8CD0]  }
0x299: {  	[tilespmem:s4+$0xD0E0] =	vst v16;
	v29 =	vld [tilespmem:s0+$0x14A0];
	v16 =	vmul.f32 v27, v3  }
0x29a: {  	[tilespmem:s4+$0xD0F0] =	vst v23;
	v23 =	vld [tilespmem:s0+$0x14B0]  }
0x29b: {  	v27 =	vld [tilespmem:s22+$0x440];
	[tilespmem:s9+$0xD4D0] =	vst v26  }
0x29c: {  	v24 =	vmul.f32 v24, v3;
	v25 =	vmul.f32 v25, v3;
	v26 =	vld [tilespmem:s23+$0x88C0]  }
0x29d: {  	v31 =	vshll.u32 v17, $0x10;
	v17 =	vand.u32 $0xFFFF0000, v17;
	v32 =	vshll.u32 v28, $0x10;
	v33 =	vld [tilespmem:s14+$0x470];
	s14 =	smov.u32 s22  }
0x29e: {  	v28 =	vand.u32 $0xFFFF0000, v28;
	v29 =	vadd.f32 v31, v29;
	v24 =	vadd.f32 v32, v24;
	v31 =	vld [tilespmem:s17+$0x88F0];
	s17 =	smov.u32 s23  }
0x29f: {  	v32 =	vld [tilespmem:s4+$0x14E0];
	v17 =	vadd.f32 v17, v23;
	v23 =	vadd.f32 v28, v25  }
0x2a0: {  	v25 =	vshll.u32 v27, $0x10;
	v27 =	vand.u32 $0xFFFF0000, v27;
	v34 =	vld [tilespmem:s4+$0x14F0];
	v24 =	vadd.f32 v24, v29  }
0x2a1: {  	v28 =	vshll.u32 v26, $0x10;
	v26 =	vand.u32 $0xFFFF0000, v26;
	v23 =	vadd.f32 v23, v17;
	v17 =	vld [tilespmem:s0+$0x14E0]  }
.Ltmp0:
0x2a2: {  	v21 =	vadd.f32 v25, v21;
	v25 =	vadd.f32 v28, v19;
	[tilespmem:s0+$0xD4A0] =	vst v24;
	v19 =	vld [tilespmem:s0+$0x54C0];
	v24 =	vshll.u32 v33, $0x10;
	(pc) =	sbr.rel @p0 .LBB2_3-.Ltmp0, $4  }
0x2a3: {  	v20 =	vadd.f32 v27, v20;
	v18 =	vadd.f32 v26, v18;
	[tilespmem:s0+$0xD4B0] =	vst v23;
	v26 =	vld [tilespmem:s0+$0x54D0];
	v23 =	vand.u32 $0xFFFF0000, v33  }
0x2a4: {  	v33 =	vshll.u32 v31, $0x10;
	v27 =	vand.u32 $0xFFFF0000, v31;
	v28 =	vadd.f32 v25, v21;
	v25 =	vld [tilespmem:s11+$0x460]  }
0x2a5: {  	v29 =	vadd.f32 v18, v20;
	v18 =	vadd.f32 v24, v8;
	v8 =	vmov v32;
	v21 =	vld [tilespmem:s10+$0x8CE0]  }
0x2a6: {  	s21 =	sadd.s32 $0x200, s21;
	v24 =	vadd.f32 v33, v7;
	v20 =	vadd.f32 v23, v9;
	v7 =	vmovc v30;
	v9 =	vmov v34;
	[tilespmem:s4+$0xD480] =	vst v28;
	v28 =	vld [tilespmem:s0+$0x14C0]  }
0x2a7: {  	[tilespmem:s4+$0xD490] =	vst v29  }
0x2a8: {  	v23 =	vld [tilespmem:s14+$0x450]  }
0x2a9: {  	v29 =	vld [tilespmem:s17+$0x88D0];
	_ =	sdelay $0x3  }
0x2aa: {  	v30 =	vshll.u32 v23, $0x10  }
0x2ab: {  	v12 =	vadd.f32 v30, v12;
	v30 =	vshll.u32 v29, $0x10  }
0x2ac: {  	v23 =	vand.u32 $0xFFFF0000, v23;
	v29 =	vand.u32 $0xFFFF0000, v29;
	v13 =	vadd.f32 v30, v13  }
0x2ad: {  	v14 =	vadd.f32 v23, v14;
	v15 =	vadd.f32 v29, v15  }
0x2ae: {  	v12 =	vadd.f32 v13, v12  }
0x2af: {  	v13 =	vadd.f32 v15, v14  }
0x2b0: {  	v14 =	vld [tilespmem:s0+$0x14D0];
	[tilespmem:s4+$0xD4A0] =	vst v12  }
0x2b1: {  	[tilespmem:s4+$0xD4B0] =	vst v13  }
0x2b2: {  	v23 =	vand.u32 $0xFFFF0000, v25;
	v12 =	vmul.f32 v19, v3;
	v15 =	vld [tilespmem:s14+$0x460]  }
0x2b3: {  	v13 =	vmul.f32 v26, v3;
	v19 =	vshll.u32 v25, $0x10;
	v25 =	vshll.u32 v21, $0x10;
	v26 =	vld [tilespmem:s17+$0x88E0]  }
0x2b4: {  	v21 =	vand.u32 $0xFFFF0000, v21;
	v19 =	vadd.f32 v19, v28;
	v12 =	vadd.f32 v25, v12  }
0x2b5: {  	v13 =	vadd.f32 v21, v13;
	v14 =	vadd.f32 v23, v14  }
0x2b6: {  	v12 =	vadd.f32 v12, v19  }
0x2b7: {  	v13 =	vadd.f32 v13, v14  }
0x2b8: {  	[tilespmem:s0+$0xD4C0] =	vst v12;
	v12 =	vshll.u32 v15, $0x10;
	v14 =	vand.u32 $0xFFFF0000, v15;
	v15 =	vshll.u32 v26, $0x10  }
0x2b9: {  	v19 =	vld [tilespmem:s0+$0x54F0];
	[tilespmem:s0+$0xD4D0] =	vst v13;
	v13 =	vand.u32 $0xFFFF0000, v26;
	v4 =	vadd.f32 v12, v4;
	v11 =	vadd.f32 v15, v11  }
0x2ba: {  	v5 =	vadd.f32 v14, v5;
	v12 =	vld [tilespmem:s11+$0x470];
	v10 =	vadd.f32 v13, v10  }
0x2bb: {  	v13 =	vld [tilespmem:s10+$0x8CF0];
	v4 =	vadd.f32 v11, v4  }
0x2bc: {  	v11 =	vld [tilespmem:s0+$0x14F0];
	v5 =	vadd.f32 v10, v5  }
0x2bd: {  	[tilespmem:s4+$0xD4C0] =	vst v4  }
0x2be: {  	[tilespmem:s4+$0xD4D0] =	vst v5  }
0x2bf: {  	v4 =	vadd.f32 v27, v6;
	v5 =	vmul.f32 v19, v3;
	v6 =	vld [tilespmem:s14+$0x470]  }
0x2c0: {  	v10 =	vshll.u32 v12, $0x10;
	v12 =	vand.u32 $0xFFFF0000, v12;
	v14 =	vand.u32 $0xFFFF0000, v13;
	v15 =	vld [tilespmem:s17+$0x88F0]  }
0x2c1: {  	v13 =	vshll.u32 v13, $0x10;
	v11 =	vadd.f32 v12, v11;
	v5 =	vadd.f32 v14, v5  }
0x2c2: {  	v10 =	vadd.f32 v10, v17;
	v12 =	vadd.f32 v13, v16  }
0x2c3: {  	v4 =	vadd.f32 v4, v20;
	v13 =	vadd.f32 v24, v18  }
0x2c4: {  	v5 =	vadd.f32 v5, v11;
	v10 =	vadd.f32 v12, v10  }
0x2c5: {  	v11 =	vshll.u32 v6, $0x10;
	v6 =	vand.u32 $0xFFFF0000, v6;
	v12 =	vshll.u32 v15, $0x10  }
0x2c6: {  	[tilespmem:s9+$0xD4E0] =	vst v13;
	v13 =	vand.u32 $0xFFFF0000, v15;
	v8 =	vadd.f32 v11, v8;
	v7 =	vadd.f32 v12, v7  }
0x2c7: {  	[tilespmem:s9+$0xD4F0] =	vst v4;
	v4 =	vadd.f32 v6, v9;
	v6 =	vadd.f32 v13, v22  }
0x2c8: {  	[tilespmem:s0+$0xD4F0] =	vst v5;
	v5 =	vadd.f32 v7, v8  }
0x2c9: {  	[tilespmem:s0+$0xD4E0] =	vst v10;
	v4 =	vadd.f32 v6, v4  }
0x2ca: {  	[tilespmem:s4+$0xD4E0] =	vst v5  }
0x2cb: {  	[tilespmem:s4+$0xD4F0] =	vst v4  }
0x2cc: {  	s16 =	sshll.u32 s18, $0xB;
	s1 =	rddreg [dreg:$0xa]  }
0x2cd: {  	s17 =	simm.s32 $0xC880;
	s0 =	sadd.s32 s16, s1  }
0x2ce: {  	[hbm4b:s0+s5] =	stream.linear.scatter [tilespmem:s17], [sflag:$0x3], $0x2000, $0x38;
	[tilespmem:$0x10880] =	vst v63  }
0x2cf: {  	_ =	swait.ge [sflag:s31], $0x2000  }
0x2d0: {  	[sflag:s31] =	ssyncset.done $0x0  }
0x2d1: {  	[sflag:s31] =	ssyncadd.s32 $0xFFFFE000  }
0x2d2: {  	_ =	swait.ge [sflag:s31], $0x2000  }
0x2d3: {  	[sflag:s31] =	ssyncset.done $0x0  }
0x2d4: {  	p0 =	seq.s32 s18, $0x1F;
	[sflag:s31] =	ssyncadd.s32 $0xFFFFE000  }
0x2d5: {  	s0 =	sadd.s32 @!p0 $0x2, s15;
	_ =	swait.ge [sflag:s31], $0x2000  }
0x2d6: {  	s1 =	sshll.u32 @!p0 s0, $0x5;
	[sflag:s31] =	ssyncset.done $0x0  }
0x2d7: {  	s1 =	sand.u32 @!p0 $0x3FFFFFE0, s1;
	[sflag:s31] =	ssyncadd.s32 $0xFFFFE000  }
0x2d8: {  	v4 =	vld @!p0 [tilespmem:s1+$0x0];
	_ =	sdelay $0x4  }
0x2d9: {  	v5 =	vshll.u32 @!p0 v4, $0x1  }
0x2da: {  	v6 =	vlaneseq.u32 @!p0;
	v4 =	vand.u32 @!p0 $0x7, v4;
	v5 =	vand.u32 @!p0 $0xFFFFFFF0, v5  }
0x2db: {  	v7 =	vshrl.u32 @!p0 v6, $0x3;
	v4 =	vor.u32 @!p0 v4, v5;
	v5 =	vand.u32 @!p0 $0x7, v6  }
0x2dc: {  	v7 =	vmul.u32 @!p0 $0x8, v7;
	v8 =	vperm.xlane @!p0 v4, v5  }
0x2dd: {  	v6 =	vor.u32 @!p0 $0x8, v6  }
0x2de: {  	v4 =	vperm.xlane @!p0 v4, v6;
	v8 =	vadd.s32 @!p0 v7, v8;
	_ =	sdelay $0x1  }
0x2df: {  	v4 =	vadd.s32 @!p0 v7, v4;
	_ =	sdelay $0x1  }
0x2e0: {  	vm1 =	vmmov @!p0 $0xffff;
	s2 =	simm.s32 @!p0 $0x0;
	s3 =	simm.s32 @!p0 $0x8880  }
0x2e1: {  	[tilespmem:s3], [sflag:$0x1] =	stream.indirect_vreg.gather @!p0 [hbm4b:s7+s2], $0x80, v8, vm1, $0xb8;
	[tilespmem:$0x10880] =	vst v63  }
0x2e2: {  	s3 =	simm.s32 @!p0 $0x9080  }
0x2e3: {  	[tilespmem:s3], [sflag:$0x1] =	stream.indirect_vreg.gather @!p0 [hbm4b:s7+s2], $0x80, v4, vm1, $0xb8;
	[tilespmem:$0x10880] =	vst v63  }
0x2e4: {  	v4 =	vld @!p0 [tilespmem:s1+$0x10];
	_ =	sdelay $0x4  }
0x2e5: {  	v8 =	vshll.u32 @!p0 v4, $0x1  }
0x2e6: {  	v4 =	vand.u32 @!p0 $0x7, v4;
	v8 =	vand.u32 @!p0 $0xFFFFFFF0, v8  }
0x2e7: {  	v4 =	vor.u32 @!p0 v4, v8  }
0x2e8: {  	v5 =	vperm.xlane @!p0 v4, v5;
	_ =	sdelay $0x1  }
0x2e9: {  	v4 =	vperm.xlane @!p0 v4, v6;
	v5 =	vadd.s32 @!p0 v7, v5;
	_ =	sdelay $0x1  }
0x2ea: {  	v4 =	vadd.s32 @!p0 v7, v4;
	_ =	sdelay $0x1  }
0x2eb: {  	s0 =	sshll.u32 @!p0 s0, $0xA;
	s1 =	simm.s32 @!p0 $0x9880  }
0x2ec: {  	[tilespmem:s1], [sflag:$0x1] =	stream.indirect_vreg.gather @!p0 [hbm4b:s7+s2], $0x80, v5, vm1, $0xb8;
	[tilespmem:$0x10880] =	vst v63  }
0x2ed: {  	s0 =	sadd.s32 @!p0 s8, s0;
	s1 =	simm.s32 @!p0 $0xA080  }
0x2ee: {  	[tilespmem:s1], [sflag:$0x1] =	stream.indirect_vreg.gather @!p0 [hbm4b:s7+s2], $0x80, v4, vm1, $0xb8;
	[tilespmem:$0x10880] =	vst v63  }
0x2ef: {  	s3 =	simm.s32 @!p0 $0x880;
	s1 =	sadd.s32 @!p0 s25, s0  }
0x2f0: {  	[tilespmem:s3], [sflag:$0x1] =	stream.linear.gather @!p0 [hbm4b:s1+s2], $0x2000, $0x38;
	[tilespmem:$0x10880] =	vst v63  }
0x2f1: {  	p1 =	seq.s32 @!p0 s18, $0x0;
	s0 =	sadd.s32 @!p0 s13, s0;
	s1 =	simm.s32 @!p0 $0x4880  }
0x2f2: {  	[tilespmem:s1], [sflag:$0x1] =	stream.linear.gather @!p0 [hbm4b:s0+s2], $0x2000, $0x38;
	[tilespmem:$0x10880] =	vst v63  }
0x2f3: {  	p0 =	por p0, !p1  }
0x2f4: {  	s0 =	simm.s32 @p0 $0x4  }
0x2f5: {  	s9 =	simm.s32 $0x0;
	_ =	swait.ge @p0 [sflag:s0], $0x2000  }
0x2f6: {  	s20 =	sand.u32 $0x300, s9;
	s10 =	sand.u32 $0x800, s9;
	[sflag:s0] =	ssyncset.done @p0 $0x0  }
0x2f7: {  	s22 =	simm.s32 $0x0;
	s21 =	sor.u32 s20, s10;
	[sflag:s0] =	ssyncadd.s32 @p0 $0xFFFFE000  }
0x2f8: {  	s2 =	sor.u32 s20, s22;
	v4 =	vld [tilespmem:s21+$0xB880]  }
0x2f9: {  	s23 =	simm.s32 $0x8880;
	v5 =	vld [tilespmem:s2+$0x6880]  }
0x2fa: {  	s12 =	sor.u32 s20, s23;
	v6 =	vld [tilespmem:s2+$0x6890]  }
0x2fb: {  	v7 =	vld [tilespmem:s12+$0x2000]  }
0x2fc: {  	v8 =	vld [tilespmem:s2+$0x2880]  }
0x2fd: {  	v9 =	vld [tilespmem:s2+$0x2890];
	_ =	sdelay $0x1  }
0x2fe: {  	v10 =	vshll.u32 v4, $0x10;
	v5 =	vmul.f32 v5, v3  }
0x2ff: {  	v11 =	vshll.u32 v7, $0x10;
	v4 =	vand.u32 $0xFFFF0000, v4;
	v6 =	vmul.f32 v6, v3  }
0x300: {  	v7 =	vand.u32 $0xFFFF0000, v7;
	v8 =	vadd.f32 v11, v8;
	v5 =	vadd.f32 v10, v5  }
0x301: {  	v7 =	vadd.f32 v7, v9;
	v4 =	vadd.f32 v4, v6  }
0x302: {  	v5 =	vadd.f32 v5, v8  }
0x303: {  	v4 =	vadd.f32 v4, v7  }
0x304: {  	[tilespmem:s2+$0xE880] =	vst v5;
	v5 =	vld [tilespmem:s2+$0x68A0]  }
0x305: {  	[tilespmem:s2+$0xE890] =	vst v4;
	v4 =	vld [tilespmem:s2+$0x68B0]  }
0x306: {  	v6 =	vld [tilespmem:s12+$0x2010]  }
0x307: {  	v7 =	vld [tilespmem:s21+$0xB890]  }
0x308: {  	v8 =	vld [tilespmem:s2+$0x28A0]  }
0x309: {  	v9 =	vld [tilespmem:s2+$0x28B0];
	_ =	sdelay $0x1  }
0x30a: {  	s0 =	sor.u32 $0x80, s20;
	v5 =	vmul.f32 v5, v3;
	v4 =	vmul.f32 v4, v3  }
0x30b: {  	s24 =	simm.s32 $0x1100;
	s25 =	simm.s32 $0x880;
	s20 =	sor.u32 s22, s0;
	v10 =	vshll.u32 v6, $0x10;
	v6 =	vand.u32 $0xFFFF0000, v6;
	v11 =	vshll.u32 v7, $0x10  }
0x30c: {  	s26 =	sand.u32 $0x1800, s24;
	s28 =	sand.u32 $0x380, s25;
	s14 =	sadd.s32 $0x8880, s0;
	v12 =	vld [tilespmem:s20+$0x6880];
	v7 =	vand.u32 $0xFFFF0000, v7;
	v8 =	vadd.f32 v10, v8;
	v5 =	vadd.f32 v11, v5  }
0x30d: {  	s0 =	sor.u32 s28, s26;
	v10 =	vld [tilespmem:s14+$0x2000];
	v6 =	vadd.f32 v6, v9;
	v4 =	vadd.f32 v7, v4  }
0x30e: {  	v7 =	vld [tilespmem:s0+$0xA880];
	v5 =	vadd.f32 v5, v8  }
0x30f: {  	v4 =	vadd.f32 v4, v6;
	v6 =	vld [tilespmem:s20+$0x2880]  }
0x310: {  	[tilespmem:s2+$0xE8A0] =	vst v5;
	v5 =	vld [tilespmem:s2+$0x68C0]  }
0x311: {  	[tilespmem:s2+$0xE8B0] =	vst v4;
	v4 =	vld [tilespmem:s2+$0x68D0]  }
0x312: {  	v8 =	vld [tilespmem:s12+$0x2020]  }
0x313: {  	v9 =	vmul.f32 v12, v3;
	v11 =	vld [tilespmem:s21+$0xB8A0]  }
0x314: {  	v14 =	vld [tilespmem:s2+$0x28C0];
	v12 =	vshll.u32 v10, $0x10;
	v13 =	vshll.u32 v7, $0x10  }
0x315: {  	v9 =	vadd.f32 v13, v9;
	v6 =	vadd.f32 v12, v6;
	v12 =	vld [tilespmem:s2+$0x28D0];
	_ =	sdelay $0x1  }
0x316: {  	v5 =	vmul.f32 v5, v3;
	v4 =	vmul.f32 v4, v3;
	v6 =	vadd.f32 v9, v6  }
0x317: {  	v13 =	vld [tilespmem:s20+$0x6890];
	v15 =	vshll.u32 v8, $0x10;
	v8 =	vand.u32 $0xFFFF0000, v8;
	v16 =	vshll.u32 v11, $0x10  }
0x318: {  	v11 =	vand.u32 $0xFFFF0000, v11;
	v14 =	vadd.f32 v15, v14;
	v5 =	vadd.f32 v16, v5  }
0x319: {  	v9 =	vld [tilespmem:s20+$0x2890];
	[tilespmem:s20+$0xE880] =	vst v6;
	v4 =	vadd.f32 v11, v4;
	v6 =	vadd.f32 v8, v12  }
0x31a: {  	v5 =	vadd.f32 v5, v14  }
0x31b: {  	v4 =	vadd.f32 v4, v6  }
0x31c: {  	v6 =	vmul.f32 v13, v3;
	[tilespmem:s2+$0xE8C0] =	vst v5;
	v5 =	vld [tilespmem:s2+$0x68E0]  }
0x31d: {  	v10 =	vand.u32 $0xFFFF0000, v10;
	v7 =	vand.u32 $0xFFFF0000, v7;
	[tilespmem:s2+$0xE8D0] =	vst v4;
	v4 =	vld [tilespmem:s2+$0x68F0]  }
0x31e: {  	v6 =	vadd.f32 v7, v6;
	v7 =	vadd.f32 v10, v9;
	v10 =	vld [tilespmem:s2+$0x28E0]  }
0x31f: {  	v12 =	vld [tilespmem:s12+$0x2030]  }
0x320: {  	v9 =	vld [tilespmem:s21+$0xB8B0]  }
0x321: {  	v17 =	vld [tilespmem:s20+$0x68A0];
	v6 =	vadd.f32 v6, v7  }
0x322: {  	v7 =	vld [tilespmem:s2+$0x28F0]  }
0x323: {  	v8 =	vld [tilespmem:s20+$0x68B0];
	[tilespmem:s20+$0xE890] =	vst v6  }
0x324: {  	v5 =	vmul.f32 v5, v3;
	v15 =	vld [tilespmem:s14+$0x2010];
	v6 =	vshll.u32 v12, $0x10  }
0x325: {  	v4 =	vmul.f32 v4, v3;
	v14 =	vshll.u32 v9, $0x10;
	v6 =	vadd.f32 v6, v10;
	v10 =	vld [tilespmem:s0+$0xA890]  }
0x326: {  	v11 =	vld [tilespmem:s20+$0x28A0];
	v12 =	vand.u32 $0xFFFF0000, v12;
	v9 =	vand.u32 $0xFFFF0000, v9;
	v5 =	vadd.f32 v14, v5  }
0x327: {  	v13 =	vld [tilespmem:s20+$0x28B0];
	v7 =	vadd.f32 v12, v7;
	v4 =	vadd.f32 v9, v4  }
0x328: {  	v5 =	vadd.f32 v5, v6  }
0x329: {  	s29 =	simm.s32 $0x0;
	v8 =	vmul.f32 v8, v3;
	v4 =	vadd.f32 v4, v7;
	v7 =	vmul.f32 v17, v3  }
0x32a: {  	s1 =	sand.u32 $0xFFFFF000, s29;
	v9 =	vshll.u32 v15, $0x10;
	v12 =	vand.u32 $0xFFFF0000, v15;
	[tilespmem:s2+$0xE8E0] =	vst v5;
	v14 =	vshll.u32 v10, $0x10  }
0x32b: {  	s4 =	sadd.s32 $0x0, s1;
	v6 =	vld [tilespmem:s20+$0x68C0];
	[tilespmem:s2+$0xE8F0] =	vst v4;
	v9 =	vadd.f32 v9, v11;
	v10 =	vand.u32 $0xFFFF0000, v10;
	v7 =	vadd.f32 v14, v7  }
0x32c: {  	s1 =	sor.u32 $0x2400, s4;
	v12 =	vadd.f32 v12, v13;
	v15 =	vld [tilespmem:s12+$0x2040];
	v8 =	vadd.f32 v10, v8  }
0x32d: {  	v11 =	vld [tilespmem:s1+$0x4880];
	v7 =	vadd.f32 v7, v9  }
0x32e: {  	v10 =	vld [tilespmem:s21+$0xB8C0];
	v8 =	vadd.f32 v8, v12  }
0x32f: {  	v12 =	vld [tilespmem:s1+$0x880];
	[tilespmem:s20+$0xE8A0] =	vst v7  }
0x330: {  	v5 =	vld [tilespmem:s20+$0x68D0];
	[tilespmem:s20+$0xE8B0] =	vst v8  }
0x331: {  	v7 =	vld [tilespmem:s14+$0x2020]  }
0x332: {  	v8 =	vmul.f32 v11, v3;
	v11 =	vld [tilespmem:s0+$0xA8A0]  }
0x333: {  	v4 =	vld [tilespmem:s20+$0x28C0];
	v13 =	vshll.u32 v15, $0x10;
	v14 =	vshll.u32 v10, $0x10  }
0x334: {  	v9 =	vld [tilespmem:s20+$0x28D0];
	v8 =	vadd.f32 v14, v8;
	v12 =	vadd.f32 v13, v12;
	_ =	sdelay $0x1  }
0x335: {  	v6 =	vmul.f32 v6, v3;
	v5 =	vmul.f32 v5, v3;
	v8 =	vadd.f32 v8, v12  }
0x336: {  	v14 =	vshll.u32 v7, $0x10;
	v7 =	vand.u32 $0xFFFF0000, v7;
	v16 =	vshll.u32 v11, $0x10  }
0x337: {  	v11 =	vand.u32 $0xFFFF0000, v11;
	v4 =	vadd.f32 v14, v4;
	v6 =	vadd.f32 v16, v6  }
0x338: {  	s30 =	sor.u32 $0x2410, s4;
	[tilespmem:s1+$0xC880] =	vst v8;
	v7 =	vadd.f32 v7, v9;
	v5 =	vadd.f32 v11, v5  }
0x339: {  	v9 =	vld [tilespmem:s30+$0x4880];
	v4 =	vadd.f32 v6, v4  }
0x33a: {  	v13 =	vld [tilespmem:s20+$0x68E0];
	v5 =	vadd.f32 v5, v7  }
0x33b: {  	v7 =	vld [tilespmem:s30+$0x880];
	[tilespmem:s20+$0xE8C0] =	vst v4  }
0x33c: {  	v12 =	vld [tilespmem:s20+$0x68F0];
	[tilespmem:s20+$0xE8D0] =	vst v5  }
0x33d: {  	v4 =	vld [tilespmem:s14+$0x2030]  }
0x33e: {  	v5 =	vmul.f32 v9, v3;
	v9 =	vld [tilespmem:s0+$0xA8B0]  }
0x33f: {  	v17 =	vld [tilespmem:s20+$0x28E0];
	v10 =	vand.u32 $0xFFFF0000, v10;
	v11 =	vand.u32 $0xFFFF0000, v15  }
0x340: {  	v8 =	vld [tilespmem:s20+$0x28F0];
	v7 =	vadd.f32 v11, v7;
	v5 =	vadd.f32 v10, v5;
	_ =	sdelay $0x1  }
0x341: {  	v10 =	vmul.f32 v13, v3;
	v5 =	vadd.f32 v5, v7;
	v7 =	vmul.f32 v12, v3  }
0x342: {  	v13 =	vshll.u32 v4, $0x10;
	v4 =	vand.u32 $0xFFFF0000, v4;
	v14 =	vshll.u32 v9, $0x10  }
0x343: {  	v6 =	vld [tilespmem:s20+$0x6C80];
	v13 =	vadd.f32 v13, v17;
	v9 =	vand.u32 $0xFFFF0000, v9;
	v10 =	vadd.f32 v14, v10  }
0x344: {  	v11 =	vld [tilespmem:s20+$0x6C90];
	v4 =	vadd.f32 v4, v8;
	[tilespmem:s30+$0xC880] =	vst v5;
	v7 =	vadd.f32 v9, v7  }
0x345: {  	s3 =	sor.u32 $0x2420, s4;
	v14 =	vld [tilespmem:s12+$0x2050];
	v9 =	vadd.f32 v10, v13  }
0x346: {  	v8 =	vld [tilespmem:s3+$0x4880];
	v4 =	vadd.f32 v7, v4  }
0x347: {  	v13 =	vld [tilespmem:s21+$0xB8D0];
	[tilespmem:s20+$0xE8E0] =	vst v9  }
0x348: {  	v9 =	vld [tilespmem:s3+$0x880];
	[tilespmem:s20+$0xE8F0] =	vst v4  }
0x349: {  	v15 =	vld [tilespmem:s0+$0xA8C0]  }
0x34a: {  	v4 =	vld [tilespmem:s14+$0x2040]  }
0x34b: {  	v12 =	vld [tilespmem:s20+$0x2C80];
	v8 =	vmul.f32 v8, v3  }
0x34c: {  	v5 =	vld [tilespmem:s20+$0x2C90];
	v16 =	vshll.u32 v14, $0x10;
	v17 =	vshll.u32 v13, $0x10  }
0x34d: {  	v8 =	vadd.f32 v17, v8;
	v9 =	vadd.f32 v16, v9  }
0x34e: {  	v6 =	vmul.f32 v6, v3;
	v11 =	vmul.f32 v11, v3;
	v17 =	vshll.u32 v15, $0x10  }
0x34f: {  	v15 =	vand.u32 $0xFFFF0000, v15;
	v8 =	vadd.f32 v8, v9;
	v9 =	vshll.u32 v4, $0x10  }
0x350: {  	v4 =	vand.u32 $0xFFFF0000, v4;
	v6 =	vadd.f32 v17, v6;
	v9 =	vadd.f32 v9, v12  }
0x351: {  	s8 =	sor.u32 $0x2430, s4;
	v4 =	vadd.f32 v4, v5;
	[tilespmem:s3+$0xC880] =	vst v8;
	v8 =	vadd.f32 v15, v11  }
0x352: {  	v6 =	vadd.f32 v6, v9;
	v9 =	vld [tilespmem:s8+$0x4880]  }
0x353: {  	v10 =	vld [tilespmem:s20+$0x6CA0];
	v4 =	vadd.f32 v8, v4  }
0x354: {  	v11 =	vld [tilespmem:s8+$0x880];
	[tilespmem:s20+$0xEC80] =	vst v6  }
0x355: {  	v7 =	vld [tilespmem:s20+$0x6CB0];
	[tilespmem:s20+$0xEC90] =	vst v4  }
0x356: {  	v4 =	vld [tilespmem:s14+$0x2050]  }
0x357: {  	v8 =	vmul.f32 v9, v3;
	v9 =	vld [tilespmem:s0+$0xA8D0]  }
0x358: {  	v14 =	vand.u32 $0xFFFF0000, v14;
	v13 =	vand.u32 $0xFFFF0000, v13;
	v16 =	vld [tilespmem:s20+$0x2CA0]  }
0x359: {  	v18 =	vld [tilespmem:s20+$0x2CB0];
	v11 =	vadd.f32 v14, v11;
	v8 =	vadd.f32 v13, v8;
	_ =	sdelay $0x1  }
0x35a: {  	v10 =	vmul.f32 v10, v3;
	v8 =	vadd.f32 v8, v11  }
0x35b: {  	v7 =	vmul.f32 v7, v3;
	v15 =	vshll.u32 v4, $0x10;
	v17 =	vshll.u32 v9, $0x10  }
0x35c: {  	v4 =	vand.u32 $0xFFFF0000, v4;
	v15 =	vadd.f32 v15, v16;
	[tilespmem:s8+$0xC880] =	vst v8;
	v10 =	vadd.f32 v17, v10  }
0x35d: {  	s13 =	sor.u32 $0x2440, s4;
	v9 =	vand.u32 $0xFFFF0000, v9;
	v4 =	vadd.f32 v4, v18;
	v16 =	vld [tilespmem:s12+$0x2060]  }
0x35e: {  	v7 =	vadd.f32 v9, v7;
	v9 =	vadd.f32 v10, v15;
	v10 =	vld [tilespmem:s13+$0x4880]  }
0x35f: {  	v17 =	vld [tilespmem:s21+$0xB8E0]  }
0x360: {  	v15 =	vld [tilespmem:s13+$0x880];
	v4 =	vadd.f32 v7, v4  }
0x361: {  	v12 =	vld [tilespmem:s20+$0x6CC0];
	[tilespmem:s20+$0xECA0] =	vst v9  }
0x362: {  	v5 =	vld [tilespmem:s20+$0x6CD0];
	[tilespmem:s20+$0xECB0] =	vst v4  }
0x363: {  	v4 =	vld [tilespmem:s14+$0x2060];
	v9 =	vmul.f32 v10, v3  }
0x364: {  	v18 =	vshll.u32 v16, $0x10;
	v19 =	vshll.u32 v17, $0x10;
	v10 =	vld [tilespmem:s0+$0xA8E0]  }
0x365: {  	v6 =	vld [tilespmem:s20+$0x2CC0];
	v15 =	vadd.f32 v18, v15;
	v9 =	vadd.f32 v19, v9  }
0x366: {  	v13 =	vld [tilespmem:s20+$0x2CD0]  }
0x367: {  	v9 =	vadd.f32 v9, v15  }
0x368: {  	v20 =	vld [tilespmem:s20+$0x7080];
	v12 =	vmul.f32 v12, v3;
	v5 =	vmul.f32 v5, v3  }
0x369: {  	s15 =	sor.u32 $0x2450, s4;
	v23 =	vld [tilespmem:s20+$0x3080];
	v19 =	vshll.u32 v4, $0x10;
	v4 =	vand.u32 $0xFFFF0000, v4;
	v21 =	vshll.u32 v10, $0x10;
	[tilespmem:s13+$0xC880] =	vst v9  }
0x36a: {  	v6 =	vadd.f32 v19, v6;
	v10 =	vand.u32 $0xFFFF0000, v10;
	v12 =	vadd.f32 v21, v12;
	v19 =	vld [tilespmem:s15+$0x4880]  }
0x36b: {  	v24 =	vld [tilespmem:s20+$0x70A0];
	v4 =	vadd.f32 v4, v13;
	v5 =	vadd.f32 v10, v5  }
0x36c: {  	v6 =	vadd.f32 v12, v6;
	v12 =	vld [tilespmem:s15+$0x880]  }
0x36d: {  	v25 =	vld [tilespmem:s20+$0x30B0];
	v4 =	vadd.f32 v5, v4  }
0x36e: {  	v14 =	vld [tilespmem:s20+$0x6CF0];
	[tilespmem:s20+$0xECC0] =	vst v6  }
0x36f: {  	v11 =	vld [tilespmem:s20+$0x6CE0];
	[tilespmem:s20+$0xECD0] =	vst v4;
	v4 =	vmul.f32 v19, v3  }
0x370: {  	v5 =	vand.u32 $0xFFFF0000, v16;
	v6 =	vand.u32 $0xFFFF0000, v17;
	v13 =	vld [tilespmem:s14+$0x2070]  }
0x371: {  	v5 =	vadd.f32 v5, v12;
	v4 =	vadd.f32 v6, v4;
	v6 =	vld [tilespmem:s0+$0xA8F0]  }
0x372: {  	v8 =	vld [tilespmem:s20+$0x2CE0]  }
0x373: {  	v7 =	vld [tilespmem:s20+$0x2CF0];
	v5 =	vadd.f32 v4, v5  }
0x374: {  	v26 =	vld [tilespmem:s20+$0x70C0]  }
0x375: {  	v27 =	vld [tilespmem:s20+$0x70D0];
	v11 =	vmul.f32 v11, v3;
	v12 =	vmul.f32 v14, v3;
	[tilespmem:s15+$0xC880] =	vst v5  }
0x376: {  	s16 =	sor.u32 $0x2460, s4;
	v14 =	vshll.u32 v13, $0x10;
	v13 =	vand.u32 $0xFFFF0000, v13;
	v30 =	vld [tilespmem:s12+$0x2070];
	v16 =	vshll.u32 v6, $0x10  }
0x377: {  	v8 =	vadd.f32 v14, v8;
	v14 =	vld [tilespmem:s16+$0x4880];
	v6 =	vand.u32 $0xFFFF0000, v6;
	v11 =	vadd.f32 v16, v11  }
0x378: {  	v7 =	vadd.f32 v13, v7;
	v13 =	vld [tilespmem:s21+$0xB8F0];
	v6 =	vadd.f32 v6, v12  }
0x379: {  	v12 =	vld [tilespmem:s16+$0x880];
	v8 =	vadd.f32 v11, v8  }
0x37a: {  	v28 =	vld [tilespmem:s20+$0x30C0];
	v7 =	vadd.f32 v6, v7  }
0x37b: {  	v29 =	vld [tilespmem:s20+$0x30D0];
	[tilespmem:s20+$0xECE0] =	vst v8  }
0x37c: {  	v18 =	vld [tilespmem:s20+$0x7090];
	v8 =	vmul.f32 v14, v3;
	[tilespmem:s20+$0xECF0] =	vst v7  }
0x37d: {  	v7 =	vshll.u32 v30, $0x10;
	v11 =	vshll.u32 v13, $0x10;
	v14 =	vld [tilespmem:s14+$0x2400]  }
0x37e: {  	v7 =	vadd.f32 v7, v12;
	v8 =	vadd.f32 v11, v8;
	v11 =	vld [tilespmem:s0+$0xAC80]  }
0x37f: {  	v22 =	vld [tilespmem:s20+$0x30E0]  }
0x380: {  	v15 =	vld [tilespmem:s20+$0x3090];
	v7 =	vadd.f32 v8, v7  }
0x381: {  	v9 =	vld [tilespmem:s20+$0x70B0]  }
0x382: {  	s17 =	sor.u32 $0x2470, s4;
	v10 =	vld [tilespmem:s20+$0x30A0];
	v8 =	vmul.f32 v20, v3;
	[tilespmem:s16+$0xC880] =	vst v7;
	v7 =	vmul.f32 v18, v3  }
0x383: {  	v12 =	vshll.u32 v14, $0x10;
	v14 =	vand.u32 $0xFFFF0000, v14;
	v31 =	vld [tilespmem:s17+$0x4880];
	v16 =	vshll.u32 v11, $0x10  }
0x384: {  	v21 =	vld [tilespmem:s20+$0x7480];
	v12 =	vadd.f32 v12, v23;
	v11 =	vand.u32 $0xFFFF0000, v11;
	v8 =	vadd.f32 v16, v8  }
0x385: {  	v14 =	vadd.f32 v14, v15;
	v15 =	vld [tilespmem:s17+$0x880];
	v7 =	vadd.f32 v11, v7  }
0x386: {  	v17 =	vld [tilespmem:s20+$0x74B0];
	v8 =	vadd.f32 v8, v12  }
0x387: {  	v19 =	vld [tilespmem:s20+$0x7490];
	v7 =	vadd.f32 v7, v14  }
0x388: {  	v4 =	vld [tilespmem:s20+$0x70E0];
	[tilespmem:s20+$0xF080] =	vst v8;
	v11 =	vmul.f32 v31, v3  }
0x389: {  	v5 =	vld [tilespmem:s20+$0x70F0];
	v12 =	vand.u32 $0xFFFF0000, v13;
	[tilespmem:s20+$0xF090] =	vst v7;
	v7 =	vand.u32 $0xFFFF0000, v30  }
0x38a: {  	v23 =	vld [tilespmem:s14+$0x2410];
	v13 =	vadd.f32 v7, v15;
	v11 =	vadd.f32 v12, v11  }
0x38b: {  	v15 =	vld [tilespmem:s0+$0xAC90]  }
0x38c: {  	s21 =	simm.s32 $0x0;
	v6 =	vld [tilespmem:s20+$0x30F0];
	v11 =	vadd.f32 v11, v13  }
0x38d: {  	s3 =	sor.u32 s21, s9;
	v20 =	vld [tilespmem:s20+$0x3480]  }
0x38e: {  	s22 =	sor.u32 s10, s9;
	v18 =	vld [tilespmem:s20+$0x3490];
	s16 =	sor.u32 $0x2400, s3;
	[tilespmem:s17+$0xC880] =	vst v11  }
0x38f: {  	s10 =	sor.u32 $0x3400, s22;
	v24 =	vmul.f32 v24, v3;
	v9 =	vmul.f32 v9, v3;
	v11 =	vld [tilespmem:s16+$0x8880]  }
0x390: {  	v30 =	vshll.u32 v23, $0x10;
	v23 =	vand.u32 $0xFFFF0000, v23;
	v31 =	vshll.u32 v15, $0x10;
	v32 =	vld [tilespmem:s10+$0x8880]  }
0x391: {  	v15 =	vand.u32 $0xFFFF0000, v15;
	v10 =	vadd.f32 v30, v10;
	v24 =	vadd.f32 v31, v24;
	v30 =	vld [tilespmem:s2+$0x7080]  }
0x392: {  	v23 =	vadd.f32 v23, v25;
	v9 =	vadd.f32 v15, v9;
	v15 =	vld [tilespmem:s2+$0x7090]  }
0x393: {  	v10 =	vadd.f32 v24, v10;
	v24 =	vld [tilespmem:s2+$0x3080]  }
0x394: {  	v9 =	vadd.f32 v9, v23;
	v23 =	vld [tilespmem:s2+$0x3090]  }
0x395: {  	v16 =	vld [tilespmem:s20+$0x74A0];
	[tilespmem:s20+$0xF0A0] =	vst v10  }
0x396: {  	v14 =	vld [tilespmem:s20+$0x74C0];
	[tilespmem:s20+$0xF0B0] =	vst v9;
	v9 =	vshll.u32 v11, $0x10;
	v10 =	vmul.f32 v30, v3  }
0x397: {  	v25 =	vld [tilespmem:s14+$0x2420];
	v11 =	vand.u32 $0xFFFF0000, v11;
	v30 =	vshll.u32 v32, $0x10;
	v15 =	vmul.f32 v15, v3  }
0x398: {  	v31 =	vld [tilespmem:s0+$0xACA0];
	v32 =	vand.u32 $0xFFFF0000, v32;
	v9 =	vadd.f32 v9, v24;
	v10 =	vadd.f32 v30, v10  }
0x399: {  	v8 =	vld [tilespmem:s20+$0x34A0];
	v23 =	vadd.f32 v11, v23;
	v24 =	vadd.f32 v32, v15  }
0x39a: {  	v7 =	vld [tilespmem:s20+$0x34B0];
	v9 =	vadd.f32 v10, v9  }
0x39b: {  	v12 =	vld [tilespmem:s20+$0x74D0];
	v23 =	vadd.f32 v24, v23  }
0x39c: {  	v26 =	vmul.f32 v26, v3;
	v27 =	vmul.f32 v27, v3;
	[tilespmem:s2+$0xF080] =	vst v9;
	v9 =	vld [tilespmem:s2+$0x70A0]  }
0x39d: {  	v24 =	vshll.u32 v25, $0x10;
	v25 =	vand.u32 $0xFFFF0000, v25;
	v30 =	vshll.u32 v31, $0x10;
	[tilespmem:s2+$0xF090] =	vst v23;
	v23 =	vld [tilespmem:s2+$0x70B0]  }
0x39e: {  	v31 =	vand.u32 $0xFFFF0000, v31;
	v24 =	vadd.f32 v24, v28;
	v26 =	vadd.f32 v30, v26;
	v28 =	vld [tilespmem:s16+$0x8890]  }
0x39f: {  	v25 =	vadd.f32 v25, v29;
	v27 =	vadd.f32 v31, v27;
	v29 =	vld [tilespmem:s10+$0x8890]  }
0x3a0: {  	v24 =	vadd.f32 v26, v24;
	v26 =	vld [tilespmem:s2+$0x30A0]  }
0x3a1: {  	v25 =	vadd.f32 v27, v25;
	v27 =	vld [tilespmem:s2+$0x30B0]  }
0x3a2: {  	v13 =	vld [tilespmem:s20+$0x34C0];
	[tilespmem:s20+$0xF0C0] =	vst v24  }
0x3a3: {  	v15 =	vld [tilespmem:s20+$0x34D0];
	[tilespmem:s20+$0xF0D0] =	vst v25;
	v9 =	vmul.f32 v9, v3;
	v25 =	vmul.f32 v23, v3  }
0x3a4: {  	v23 =	vld [tilespmem:s14+$0x2430];
	v30 =	vshll.u32 v28, $0x10;
	v28 =	vand.u32 $0xFFFF0000, v28;
	v31 =	vshll.u32 v29, $0x10  }
0x3a5: {  	v24 =	vld [tilespmem:s0+$0xACB0];
	v29 =	vand.u32 $0xFFFF0000, v29;
	v26 =	vadd.f32 v30, v26;
	v9 =	vadd.f32 v31, v9  }
0x3a6: {  	v11 =	vld [tilespmem:s20+$0x74E0];
	v27 =	vadd.f32 v28, v27;
	v25 =	vadd.f32 v29, v25  }
0x3a7: {  	v10 =	vld [tilespmem:s20+$0x74F0];
	v26 =	vadd.f32 v9, v26  }
0x3a8: {  	v29 =	vld [tilespmem:s2+$0x30D0];
	v25 =	vadd.f32 v25, v27  }
0x3a9: {  	v4 =	vmul.f32 v4, v3;
	[tilespmem:s2+$0xF0A0] =	vst v26;
	v26 =	vld [tilespmem:s2+$0x70C0]  }
0x3aa: {  	v27 =	vshll.u32 v23, $0x10;
	v28 =	vshll.u32 v24, $0x10;
	[tilespmem:s2+$0xF0B0] =	vst v25;
	v25 =	vld [tilespmem:s2+$0x70D0]  }
0x3ab: {  	v22 =	vadd.f32 v27, v22;
	v4 =	vadd.f32 v28, v4;
	v27 =	vld [tilespmem:s16+$0x88A0]  }
0x3ac: {  	v28 =	vld [tilespmem:s10+$0x88A0]  }
0x3ad: {  	s11 =	simm.s32 $0x100;
	s23 =	simm.s32 $0x200;
	v4 =	vadd.f32 v4, v22;
	v22 =	vld [tilespmem:s2+$0x30C0]  }
0x3ae: {  	s24 =	sand.u32 $0x300, s11;
	s15 =	sand.u32 $0x800, s23;
	v9 =	vld [tilespmem:s20+$0x34E0]  }
0x3af: {  	s25 =	simm.s32 $0x0;
	s17 =	sor.u32 s24, s15;
	[tilespmem:s20+$0xF0E0] =	vst v4;
	v4 =	vld [tilespmem:s20+$0x34F0]  }
0x3b0: {  	s12 =	sor.u32 s24, s25;
	v30 =	vld [tilespmem:s17+$0xB880];
	v26 =	vmul.f32 v26, v3;
	v25 =	vmul.f32 v25, v3  }
0x3b1: {  	v31 =	vld [tilespmem:s12+$0x2880];
	v40 =	vshll.u32 v27, $0x10;
	v27 =	vand.u32 $0xFFFF0000, v27;
	v33 =	vshll.u32 v28, $0x10  }
0x3b2: {  	s26 =	simm.s32 $0x8880;
	v34 =	vld [tilespmem:s12+$0x6880];
	v28 =	vand.u32 $0xFFFF0000, v28;
	v22 =	vadd.f32 v40, v22;
	v26 =	vadd.f32 v33, v26  }
0x3b3: {  	s23 =	sor.u32 s24, s26;
	v41 =	vld [tilespmem:s12+$0x6890];
	v27 =	vadd.f32 v27, v29;
	v25 =	vadd.f32 v28, v25  }
0x3b4: {  	v28 =	vld [tilespmem:s23+$0x2000];
	v22 =	vadd.f32 v26, v22  }
0x3b5: {  	v26 =	vld [tilespmem:s12+$0x2890];
	v25 =	vadd.f32 v25, v27  }
0x3b6: {  	[tilespmem:s2+$0xF0C0] =	vst v22;
	v22 =	vld [tilespmem:s2+$0x70E0]  }
0x3b7: {  	[tilespmem:s2+$0xF0D0] =	vst v25;
	v25 =	vld [tilespmem:s2+$0x70F0]  }
0x3b8: {  	v27 =	vshll.u32 v30, $0x10;
	v29 =	vmul.f32 v34, v3;
	v42 =	vld [tilespmem:s16+$0x88B0]  }
0x3b9: {  	v30 =	vand.u32 $0xFFFF0000, v30;
	v32 =	vmul.f32 v41, v3;
	v43 =	vshll.u32 v28, $0x10;
	v35 =	vld [tilespmem:s10+$0x88B0]  }
0x3ba: {  	v28 =	vand.u32 $0xFFFF0000, v28;
	v27 =	vadd.f32 v27, v29;
	v29 =	vld [tilespmem:s2+$0x30E0];
	v31 =	vadd.f32 v43, v31  }
0x3bb: {  	s3 =	sor.u32 $0x80, s24;
	v26 =	vadd.f32 v28, v26;
	v28 =	vadd.f32 v30, v32;
	v30 =	vld [tilespmem:s2+$0x30F0]  }
0x3bc: {  	s21 =	sor.u32 s25, s3;
	v27 =	vadd.f32 v27, v31  }
0x3bd: {  	v31 =	vld [tilespmem:s21+$0x6880];
	v26 =	vadd.f32 v28, v26;
	v22 =	vmul.f32 v22, v3;
	v25 =	vmul.f32 v25, v3  }
0x3be: {  	[tilespmem:s12+$0xE880] =	vst v27;
	v27 =	vld [tilespmem:s12+$0x68A0];
	v44 =	vshll.u32 v42, $0x10;
	v33 =	vand.u32 $0xFFFF0000, v42;
	v45 =	vshll.u32 v35, $0x10  }
0x3bf: {  	v35 =	vand.u32 $0xFFFF0000, v35;
	[tilespmem:s12+$0xE890] =	vst v26;
	v26 =	vld [tilespmem:s12+$0x68B0];
	v29 =	vadd.f32 v44, v29;
	v22 =	vadd.f32 v45, v22  }
0x3c0: {  	v25 =	vadd.f32 v35, v25;
	v46 =	vld [tilespmem:s23+$0x2010];
	v30 =	vadd.f32 v33, v30  }
0x3c1: {  	v47 =	vld [tilespmem:s17+$0xB890];
	v22 =	vadd.f32 v22, v29  }
0x3c2: {  	v29 =	vld [tilespmem:s12+$0x28A0];
	v25 =	vadd.f32 v25, v30  }
0x3c3: {  	s22 =	sadd.s32 $0x8880, s3;
	v30 =	vld [tilespmem:s12+$0x28B0];
	[tilespmem:s2+$0xF0E0] =	vst v22  }
0x3c4: {  	v22 =	vld [tilespmem:s22+$0x2000];
	[tilespmem:s2+$0xF0F0] =	vst v25  }
0x3c5: {  	s28 =	sor.u32 $0x2C00, s4;
	v25 =	vmul.f32 v27, v3;
	v26 =	vmul.f32 v26, v3;
	v27 =	vld [tilespmem:s16+$0x88C0]  }
0x3c6: {  	s29 =	simm.s32 $0x1300;
	s30 =	simm.s32 $0x980;
	v48 =	vshll.u32 v46, $0x10;
	v32 =	vand.u32 $0xFFFF0000, v46;
	v49 =	vshll.u32 v47, $0x10;
	v36 =	vld [tilespmem:s28+$0x4880]  }
0x3c7: {  	s3 =	sand.u32 $0x380, s30;
	s2 =	sand.u32 $0x1800, s29;
	v33 =	vand.u32 $0xFFFF0000, v47;
	v50 =	vld [tilespmem:s10+$0x88C0];
	v29 =	vadd.f32 v48, v29;
	v25 =	vadd.f32 v49, v25  }
0x3c8: {  	s9 =	sor.u32 s3, s2;
	v51 =	vld [tilespmem:s28+$0x880];
	v26 =	vadd.f32 v33, v26;
	v30 =	vadd.f32 v32, v30  }
0x3c9: {  	v25 =	vadd.f32 v25, v29;
	v29 =	vld [tilespmem:s9+$0xA880]  }
0x3ca: {  	v26 =	vadd.f32 v26, v30;
	v30 =	vld [tilespmem:s21+$0x2880]  }
0x3cb: {  	[tilespmem:s12+$0xE8A0] =	vst v25;
	v25 =	vld [tilespmem:s12+$0x68C0];
	v52 =	vmul.f32 v36, v3  }
0x3cc: {  	v53 =	vshll.u32 v27, $0x10;
	v54 =	vshll.u32 v50, $0x10;
	[tilespmem:s12+$0xE8B0] =	vst v26;
	v26 =	vld [tilespmem:s12+$0x68D0]  }
0x3cd: {  	v32 =	vadd.f32 v53, v51;
	v37 =	vld [tilespmem:s23+$0x2020];
	v33 =	vadd.f32 v54, v52  }
0x3ce: {  	v31 =	vmul.f32 v31, v3;
	v55 =	vld [tilespmem:s17+$0xB8A0]  }
0x3cf: {  	v39 =	vld [tilespmem:s12+$0x28C0];
	v56 =	vshll.u32 v22, $0x10;
	v38 =	vshll.u32 v29, $0x10;
	v32 =	vadd.f32 v33, v32  }
0x3d0: {  	v57 =	vld [tilespmem:s12+$0x28D0];
	v30 =	vadd.f32 v56, v30;
	v31 =	vadd.f32 v38, v31;
	_ =	sdelay $0x1  }
0x3d1: {  	s8 =	sor.u32 $0x2C10, s4;
	v58 =	vld [tilespmem:s21+$0x2890];
	v25 =	vmul.f32 v25, v3;
	[tilespmem:s28+$0xC880] =	vst v32;
	v26 =	vmul.f32 v26, v3;
	v30 =	vadd.f32 v31, v30  }
0x3d2: {  	v31 =	vld [tilespmem:s8+$0x4880];
	v59 =	vshll.u32 v37, $0x10;
	v37 =	vand.u32 $0xFFFF0000, v37;
	v60 =	vshll.u32 v55, $0x10  }
0x3d3: {  	v28 =	vld [tilespmem:s21+$0x6890];
	v35 =	vand.u32 $0xFFFF0000, v55;
	v32 =	vadd.f32 v59, v39;
	v25 =	vadd.f32 v60, v25  }
0x3d4: {  	[tilespmem:s21+$0xE880] =	vst v30;
	v30 =	vld [tilespmem:s8+$0x880];
	v33 =	vadd.f32 v37, v57;
	v26 =	vadd.f32 v35, v26  }
0x3d5: {  	v61 =	vld [tilespmem:s21+$0x68B0];
	v25 =	vadd.f32 v25, v32  }
0x3d6: {  	v62 =	vld [tilespmem:s21+$0x28A0];
	v26 =	vadd.f32 v26, v33  }
0x3d7: {  	v31 =	vmul.f32 v31, v3;
	[tilespmem:s12+$0xE8C0] =	vst v25;
	v25 =	vld [tilespmem:s12+$0x68E0]  }
0x3d8: {  	v28 =	vmul.f32 v28, v3;
	v27 =	vand.u32 $0xFFFF0000, v27;
	v34 =	vand.u32 $0xFFFF0000, v50;
	[tilespmem:s12+$0xE8D0] =	vst v26;
	v26 =	vld [tilespmem:s12+$0x68F0]  }
0x3d9: {  	v22 =	vand.u32 $0xFFFF0000, v22;
	v27 =	vadd.f32 v27, v30;
	v43 =	vld [tilespmem:s17+$0xB8B0];
	v30 =	vadd.f32 v34, v31  }
0x3da: {  	v22 =	vadd.f32 v22, v58;
	v29 =	vand.u32 $0xFFFF0000, v29;
	v31 =	vld [tilespmem:s23+$0x2030]  }
0x3db: {  	v28 =	vadd.f32 v29, v28;
	v29 =	vld [tilespmem:s12+$0x28F0];
	v27 =	vadd.f32 v30, v27  }
0x3dc: {  	v30 =	vld [tilespmem:s12+$0x28E0]  }
0x3dd: {  	v40 =	vld [tilespmem:s21+$0x68A0];
	v22 =	vadd.f32 v28, v22;
	[tilespmem:s8+$0xC880] =	vst v27  }
0x3de: {  	s13 =	sor.u32 $0x2C20, s4;
	v25 =	vmul.f32 v25, v3;
	v26 =	vmul.f32 v26, v3;
	v27 =	vld [tilespmem:s16+$0x88D0]  }
0x3df: {  	[tilespmem:s21+$0xE890] =	vst v22;
	v45 =	vshll.u32 v43, $0x10;
	v22 =	vand.u32 $0xFFFF0000, v43;
	v28 =	vld [tilespmem:s13+$0x4880];
	v44 =	vshll.u32 v31, $0x10  }
0x3e0: {  	v31 =	vand.u32 $0xFFFF0000, v31;
	v46 =	vld [tilespmem:s10+$0x88D0];
	v25 =	vadd.f32 v45, v25;
	v22 =	vadd.f32 v22, v26  }
0x3e1: {  	v47 =	vld [tilespmem:s13+$0x880];
	v29 =	vadd.f32 v31, v29;
	v30 =	vadd.f32 v44, v30  }
0x3e2: {  	v26 =	vld [tilespmem:s22+$0x2010]  }
0x3e3: {  	v22 =	vadd.f32 v22, v29;
	v25 =	vadd.f32 v25, v30;
	v30 =	vld [tilespmem:s9+$0xA890]  }
0x3e4: {  	s24 =	simm.s32 $0x400  }
0x3e5: {  	v63 =	vld [tilespmem:s21+$0x28B0];
	s2 =	sand.u32 $0xFFFFF000, s24;
	v49 =	vmul.f32 v40, v3;
	v28 =	vmul.f32 v28, v3;
	[tilespmem:s12+$0xE8F0] =	vst v22  }
0x3e6: {  	s24 =	sadd.s32 $0x100, s2;
	v35 =	vmul.f32 v61, v3;
	v31 =	vshll.u32 v27, $0x10;
	v48 =	vshll.u32 v46, $0x10;
	[tilespmem:s12+$0xE8E0] =	vst v25  }
0x3e7: {  	s2 =	sor.u32 $0x2400, s24;
	v51 =	vshll.u32 v26, $0x10;
	v31 =	vadd.f32 v31, v47;
	v28 =	vadd.f32 v48, v28;
	v50 =	vld [tilespmem:s23+$0x2040]  }
0x3e8: {  	v26 =	vand.u32 $0xFFFF0000, v26;
	v32 =	vadd.f32 v51, v62;
	v52 =	vld [tilespmem:s2+$0x4880];
	v53 =	vshll.u32 v30, $0x10  }
0x3e9: {  	v28 =	vadd.f32 v28, v31;
	v30 =	vand.u32 $0xFFFF0000, v30;
	v31 =	vld [tilespmem:s17+$0xB8C0];
	v34 =	vadd.f32 v53, v49  }
0x3ea: {  	v26 =	vadd.f32 v26, v63;
	v54 =	vld [tilespmem:s2+$0x880];
	v30 =	vadd.f32 v30, v35  }
0x3eb: {  	s25 =	sor.u32 $0x2C30, s4;
	v29 =	vld [tilespmem:s21+$0x68C0];
	[tilespmem:s13+$0xC880] =	vst v28;
	v28 =	vadd.f32 v34, v32  }
0x3ec: {  	v55 =	vld [tilespmem:s25+$0x4880];
	v26 =	vadd.f32 v30, v26  }
0x3ed: {  	v25 =	vld [tilespmem:s21+$0x68D0];
	[tilespmem:s21+$0xE8A0] =	vst v28;
	v28 =	vmul.f32 v52, v3  }
0x3ee: {  	v56 =	vld [tilespmem:s25+$0x880];
	[tilespmem:s21+$0xE8B0] =	vst v26;
	v26 =	vshll.u32 v50, $0x10;
	v57 =	vshll.u32 v31, $0x10  }
0x3ef: {  	v58 =	vld [tilespmem:s22+$0x2020];
	v26 =	vadd.f32 v26, v54;
	v28 =	vadd.f32 v57, v28  }
0x3f0: {  	v59 =	vld [tilespmem:s9+$0xA8A0]  }
0x3f1: {  	v22 =	vld [tilespmem:s21+$0x28C0];
	v32 =	vmul.f32 v55, v3;
	v26 =	vadd.f32 v28, v26  }
0x3f2: {  	v27 =	vand.u32 $0xFFFF0000, v27;
	v30 =	vld [tilespmem:s21+$0x28D0];
	v28 =	vand.u32 $0xFFFF0000, v46  }
0x3f3: {  	s26 =	sor.u32 $0x2410, s24;
	v27 =	vadd.f32 v27, v56;
	v28 =	vadd.f32 v28, v32;
	[tilespmem:s2+$0xC880] =	vst v26  }
0x3f4: {  	v29 =	vmul.f32 v29, v3;
	v25 =	vmul.f32 v25, v3;
	v26 =	vshll.u32 v58, $0x10;
	v62 =	vld [tilespmem:s26+$0x4880]  }
0x3f5: {  	v35 =	vand.u32 $0xFFFF0000, v58;
	v27 =	vadd.f32 v28, v27;
	v28 =	vshll.u32 v59, $0x10  }
0x3f6: {  	v34 =	vand.u32 $0xFFFF0000, v59;
	v22 =	vadd.f32 v26, v22;
	v26 =	vadd.f32 v28, v29;
	v28 =	vld [tilespmem:s26+$0x880]  }
0x3f7: {  	v25 =	vadd.f32 v34, v25;
	v29 =	vadd.f32 v35, v30  }
0x3f8: {  	v22 =	vadd.f32 v26, v22  }
0x3f9: {  	v60 =	vld [tilespmem:s21+$0x68E0];
	v25 =	vadd.f32 v25, v29;
	v29 =	vmul.f32 v62, v3  }
0x3fa: {  	v61 =	vld [tilespmem:s21+$0x68F0];
	v44 =	vand.u32 $0xFFFF0000, v50;
	v31 =	vand.u32 $0xFFFF0000, v31;
	[tilespmem:s21+$0xE8C0] =	vst v22  }
0x3fb: {  	v63 =	vld [tilespmem:s21+$0x28E0];
	[tilespmem:s21+$0xE8D0] =	vst v25;
	v25 =	vadd.f32 v44, v28;
	v28 =	vadd.f32 v31, v29  }
0x3fc: {  	v29 =	vld [tilespmem:s22+$0x2030]  }
0x3fd: {  	v31 =	vld [tilespmem:s9+$0xA8B0];
	v25 =	vadd.f32 v28, v25  }
0x3fe: {  	v30 =	vld [tilespmem:s21+$0x28F0]  }
0x3ff: {  	v26 =	vld [tilespmem:s21+$0x6C80];
	[tilespmem:s26+$0xC880] =	vst v25  }
0x400: {  	s29 =	sor.u32 $0x2420, s24;
	v47 =	vld [tilespmem:s23+$0x2050]  }
0x401: {  	v32 =	vmul.f32 v61, v3;
	v25 =	vmul.f32 v60, v3;
	v48 =	vld [tilespmem:s29+$0x4880]  }
0x402: {  	v49 =	vshll.u32 v29, $0x10;
	v50 =	vshll.u32 v31, $0x10;
	v29 =	vand.u32 $0xFFFF0000, v29;
	v51 =	vld [tilespmem:s17+$0xB8D0]  }
0x403: {  	[tilespmem:s25+$0xC880] =	vst v27;
	v31 =	vand.u32 $0xFFFF0000, v31;
	v52 =	vld [tilespmem:s29+$0x880];
	v37 =	vadd.f32 v49, v63;
	v25 =	vadd.f32 v50, v25  }
0x404: {  	s28 =	sor.u32 $0x2C40, s4;
	v27 =	vld [tilespmem:s16+$0x88E0];
	v29 =	vadd.f32 v29, v30;
	v31 =	vadd.f32 v31, v32  }
0x405: {  	v22 =	vld [tilespmem:s28+$0x4880];
	v25 =	vadd.f32 v25, v37  }
0x406: {  	v45 =	vld [tilespmem:s10+$0x88E0];
	v29 =	vadd.f32 v31, v29;
	v36 =	vmul.f32 v48, v3  }
0x407: {  	v54 =	vld [tilespmem:s28+$0x880];
	[tilespmem:s21+$0xE8E0] =	vst v25;
	v25 =	vshll.u32 v47, $0x10;
	v31 =	vshll.u32 v51, $0x10  }
0x408: {  	v28 =	vld [tilespmem:s21+$0x6C90];
	[tilespmem:s21+$0xE8F0] =	vst v29;
	v25 =	vadd.f32 v25, v52;
	v31 =	vadd.f32 v31, v36  }
0x409: {  	v29 =	vld [tilespmem:s22+$0x2040]  }
0x40a: {  	v22 =	vmul.f32 v22, v3;
	v25 =	vadd.f32 v31, v25;
	v31 =	vld [tilespmem:s9+$0xA8C0]  }
0x40b: {  	v46 =	vld [tilespmem:s21+$0x2C80];
	v56 =	vshll.u32 v27, $0x10;
	v57 =	vshll.u32 v45, $0x10  }
0x40c: {  	s30 =	sor.u32 $0x2430, s24;
	v22 =	vadd.f32 v57, v22;
	v30 =	vld [tilespmem:s21+$0x2C90];
	v36 =	vadd.f32 v56, v54;
	[tilespmem:s29+$0xC880] =	vst v25  }
0x40d: {  	v25 =	vld [tilespmem:s30+$0x4880]  }
0x40e: {  	v26 =	vmul.f32 v26, v3;
	v28 =	vmul.f32 v28, v3;
	v22 =	vadd.f32 v22, v36  }
0x40f: {  	v58 =	vshll.u32 v29, $0x10;
	v29 =	vand.u32 $0xFFFF0000, v29;
	v59 =	vld [tilespmem:s30+$0x880];
	v60 =	vshll.u32 v31, $0x10  }
0x410: {  	v34 =	vadd.f32 v58, v46;
	v31 =	vand.u32 $0xFFFF0000, v31;
	v26 =	vadd.f32 v60, v26  }
0x411: {  	v29 =	vadd.f32 v29, v30;
	v28 =	vadd.f32 v31, v28  }
0x412: {  	v26 =	vadd.f32 v26, v34;
	v25 =	vmul.f32 v25, v3  }
0x413: {  	v41 =	vld [tilespmem:s21+$0x2CA0];
	s3 =	sor.u32 $0x2C50, s4;
	[tilespmem:s28+$0xC880] =	vst v22;
	v22 =	vadd.f32 v28, v29;
	v28 =	vand.u32 $0xFFFF0000, v47;
	v29 =	vand.u32 $0xFFFF0000, v51  }
0x414: {  	v31 =	vld [tilespmem:s3+$0x4880];
	[tilespmem:s21+$0xEC80] =	vst v26;
	v26 =	vadd.f32 v28, v59;
	v25 =	vadd.f32 v29, v25  }
0x415: {  	v40 =	vld [tilespmem:s21+$0x30A0]  }
0x416: {  	v29 =	vld [tilespmem:s3+$0x880];
	[tilespmem:s21+$0xEC90] =	vst v22;
	v22 =	vadd.f32 v25, v26  }
0x417: {  	v55 =	vld [tilespmem:s21+$0x6CB0]  }
0x418: {  	v25 =	vld [tilespmem:s22+$0x2050];
	[tilespmem:s30+$0xC880] =	vst v22  }
0x419: {  	s8 =	sor.u32 $0x2440, s24;
	v22 =	vmul.f32 v31, v3;
	v31 =	vld [tilespmem:s23+$0x2060]  }
0x41a: {  	v27 =	vand.u32 $0xFFFF0000, v27;
	v33 =	vand.u32 $0xFFFF0000, v45;
	v45 =	vld [tilespmem:s8+$0x4880]  }
0x41b: {  	v27 =	vadd.f32 v27, v29;
	v29 =	vld [tilespmem:s17+$0xB8E0]  }
0x41c: {  	v46 =	vld [tilespmem:s8+$0x880]  }
0x41d: {  	v26 =	vld [tilespmem:s9+$0xA8D0]  }
0x41e: {  	v38 =	vld [tilespmem:s21+$0x70E0]  }
0x41f: {  	v61 =	vld [tilespmem:s21+$0x2CB0];
	v35 =	vmul.f32 v45, v3  }
0x420: {  	v53 =	vld [tilespmem:s21+$0x6CA0];
	v22 =	vadd.f32 v33, v22;
	v49 =	vshll.u32 v31, $0x10;
	v50 =	vshll.u32 v29, $0x10  }
0x421: {  	v39 =	vld [tilespmem:s21+$0x30E0];
	v47 =	vmul.f32 v55, v3;
	v33 =	vadd.f32 v49, v46;
	v35 =	vadd.f32 v50, v35  }
0x422: {  	v43 =	vld [tilespmem:s21+$0x70D0];
	v48 =	vshll.u32 v25, $0x10;
	v51 =	vshll.u32 v26, $0x10;
	v22 =	vadd.f32 v22, v27  }
0x423: {  	v62 =	vld [tilespmem:s21+$0x6CD0];
	v25 =	vand.u32 $0xFFFF0000, v25;
	v26 =	vand.u32 $0xFFFF0000, v26;
	v33 =	vadd.f32 v35, v33  }
0x424: {  	v44 =	vld [tilespmem:s21+$0x70C0];
	v25 =	vadd.f32 v25, v61;
	v26 =	vadd.f32 v26, v47;
	[tilespmem:s3+$0xC880] =	vst v22  }
0x425: {  	v27 =	vmul.f32 v53, v3;
	v22 =	vld [tilespmem:s16+$0x88F0];
	s16 =	sor.u32 $0x2450, s24;
	[tilespmem:s8+$0xC880] =	vst v33  }
0x426: {  	v25 =	vadd.f32 v26, v25;
	v26 =	vld [tilespmem:s16+$0x4880]  }
0x427: {  	v63 =	vld [tilespmem:s21+$0x2CF0];
	v37 =	vadd.f32 v48, v41;
	v27 =	vadd.f32 v51, v27  }
0x428: {  	[tilespmem:s21+$0xECB0] =	vst v25;
	v25 =	vld [tilespmem:s16+$0x880]  }
0x429: {  	v52 =	vld [tilespmem:s21+$0x2CD0];
	v27 =	vadd.f32 v27, v37  }
0x42a: {  	v54 =	vld [tilespmem:s21+$0x6CF0]  }
0x42b: {  	v30 =	vld [tilespmem:s21+$0x6CC0];
	[tilespmem:s21+$0xECA0] =	vst v27;
	v26 =	vmul.f32 v26, v3  }
0x42c: {  	v31 =	vand.u32 $0xFFFF0000, v31;
	v29 =	vand.u32 $0xFFFF0000, v29;
	v27 =	vld [tilespmem:s22+$0x2060]  }
0x42d: {  	v57 =	vld [tilespmem:s9+$0xA8E0];
	v25 =	vadd.f32 v31, v25;
	v26 =	vadd.f32 v29, v26  }
0x42e: {  	v28 =	vld [tilespmem:s21+$0x2CC0]  }
0x42f: {  	v56 =	vld [tilespmem:s21+$0x7080];
	v25 =	vadd.f32 v26, v25  }
0x430: {  	v36 =	vld [tilespmem:s21+$0x30F0]  }
0x431: {  	v55 =	vld [tilespmem:s21+$0x2CE0];
	v29 =	vshll.u32 v27, $0x10;
	v26 =	vmul.f32 v30, v3;
	[tilespmem:s16+$0xC880] =	vst v25  }
0x432: {  	v27 =	vand.u32 $0xFFFF0000, v27;
	v30 =	vshll.u32 v57, $0x10;
	v25 =	vmul.f32 v62, v3;
	v50 =	vld [tilespmem:s23+$0x2070];
	s23 =	sor.u32 $0x2460, s24  }
0x433: {  	v28 =	vadd.f32 v29, v28;
	v26 =	vadd.f32 v30, v26;
	v30 =	vand.u32 $0xFFFF0000, v57;
	v29 =	vld [tilespmem:s23+$0x4880]  }
0x434: {  	v53 =	vld [tilespmem:s21+$0x6CE0];
	v58 =	vadd.f32 v27, v52;
	v25 =	vadd.f32 v30, v25  }
0x435: {  	v26 =	vadd.f32 v26, v28;
	v28 =	vld [tilespmem:s23+$0x880]  }
0x436: {  	s13 =	sor.u32 $0x2C60, s4;
	v59 =	vld [tilespmem:s17+$0xB8F0];
	v25 =	vadd.f32 v25, v58  }
0x437: {  	v42 =	vld [tilespmem:s13+$0x4880];
	[tilespmem:s21+$0xECC0] =	vst v26  }
0x438: {  	[tilespmem:s21+$0xECD0] =	vst v25;
	v26 =	vmul.f32 v29, v3;
	v29 =	vld [tilespmem:s13+$0x880]  }
0x439: {  	v25 =	vshll.u32 v50, $0x10;
	v60 =	vld [tilespmem:s22+$0x2070]  }
0x43a: {  	v25 =	vadd.f32 v25, v28;
	v28 =	vld [tilespmem:s9+$0xA8F0]  }
0x43b: {  	v27 =	vld [tilespmem:s10+$0x88F0];
	v30 =	vshll.u32 v59, $0x10  }
0x43c: {  	v47 =	vld [tilespmem:s21+$0x70B0];
	v26 =	vadd.f32 v30, v26  }
0x43d: {  	v48 =	vld [tilespmem:s21+$0x30B0];
	v35 =	vmul.f32 v54, v3;
	v30 =	vshll.u32 v22, $0x10  }
0x43e: {  	v41 =	vld [tilespmem:s21+$0x30C0];
	v25 =	vadd.f32 v26, v25;
	v26 =	vmul.f32 v42, v3;
	v29 =	vadd.f32 v30, v29  }
0x43f: {  	v45 =	vld [tilespmem:s21+$0x7090];
	v30 =	vmul.f32 v53, v3;
	v61 =	vshll.u32 v60, $0x10;
	v62 =	vshll.u32 v28, $0x10  }
0x440: {  	s25 =	sor.u32 $0x2470, s24;
	v49 =	vld [tilespmem:s21+$0x3080];
	v34 =	vand.u32 $0xFFFF0000, v60;
	[tilespmem:s23+$0xC880] =	vst v25;
	v25 =	vshll.u32 v27, $0x10;
	v32 =	vadd.f32 v61, v55  }
0x441: {  	v51 =	vld [tilespmem:s25+$0x4880];
	v30 =	vadd.f32 v62, v30;
	v25 =	vadd.f32 v25, v26;
	v26 =	vand.u32 $0xFFFF0000, v28  }
0x442: {  	v46 =	vld [tilespmem:s21+$0x70A0];
	v28 =	vadd.f32 v34, v63;
	v26 =	vadd.f32 v26, v35  }
0x443: {  	v52 =	vld [tilespmem:s25+$0x880];
	v30 =	vadd.f32 v30, v32  }
0x444: {  	v31 =	vld [tilespmem:s21+$0x3090];
	v26 =	vadd.f32 v26, v28  }
0x445: {  	v42 =	vld [tilespmem:s21+$0x30D0];
	[tilespmem:s21+$0xECE0] =	vst v30  }
0x446: {  	v34 =	vld [tilespmem:s21+$0x70F0];
	v25 =	vadd.f32 v25, v29;
	v29 =	vmul.f32 v51, v3;
	[tilespmem:s21+$0xECF0] =	vst v26  }
0x447: {  	v28 =	vand.u32 $0xFFFF0000, v50;
	v30 =	vand.u32 $0xFFFF0000, v59;
	v33 =	vld [tilespmem:s22+$0x2400]  }
0x448: {  	s26 =	sor.u32 $0x2C70, s4;
	v32 =	vld [tilespmem:s21+$0x7490];
	[tilespmem:s13+$0xC880] =	vst v25;
	v25 =	vadd.f32 v28, v52;
	v29 =	vadd.f32 v30, v29  }
0x449: {  	v35 =	vld [tilespmem:s26+$0x4880]  }
0x44a: {  	v5 =	vmul.f32 v5, v3;
	s28 =	simm.s32 $0x0;
	v28 =	vld [tilespmem:s21+$0x7480];
	v25 =	vadd.f32 v29, v25  }
0x44b: {  	v24 =	vand.u32 $0xFFFF0000, v24;
	s1 =	sor.u32 s28, s11;
	v50 =	vld [tilespmem:s9+$0xAC80]  }
0x44c: {  	v5 =	vadd.f32 v24, v5;
	s29 =	sor.u32 s15, s11;
	s28 =	sor.u32 $0x2400, s1;
	[tilespmem:s25+$0xC880] =	vst v25;
	v58 =	vshll.u32 v33, $0x10;
	v24 =	vand.u32 $0xFFFF0000, v33;
	v33 =	vld [tilespmem:s21+$0x74C0]  }
0x44d: {  	s16 =	sor.u32 $0x3400, s29;
	v25 =	vld [tilespmem:s28+$0x8880]  }
0x44e: {  	v26 =	vld [tilespmem:s16+$0x8880]  }
0x44f: {  	v29 =	vld [tilespmem:s12+$0x7080]  }
0x450: {  	v30 =	vmul.f32 v56, v3;
	v63 =	vld [tilespmem:s12+$0x7090]  }
0x451: {  	v59 =	vshll.u32 v50, $0x10;
	v60 =	vld [tilespmem:s12+$0x3080]  }
0x452: {  	v49 =	vadd.f32 v58, v49;
	v51 =	vadd.f32 v59, v30;
	v53 =	vld [tilespmem:s12+$0x3090]  }
0x453: {  	v30 =	vld [tilespmem:s21+$0x3480]  }
0x454: {  	v59 =	vld [tilespmem:s12+$0x70A0];
	v49 =	vadd.f32 v51, v49;
	v61 =	vshll.u32 v25, $0x10;
	v54 =	vmul.f32 v29, v3  }
0x455: {  	v29 =	vld [tilespmem:s21+$0x3490];
	v55 =	vand.u32 $0xFFFF0000, v25;
	v56 =	vshll.u32 v26, $0x10;
	v37 =	vmul.f32 v63, v3  }
0x456: {  	v25 =	vld [tilespmem:s21+$0x74A0];
	v57 =	vand.u32 $0xFFFF0000, v26;
	v51 =	vadd.f32 v61, v60;
	v62 =	vadd.f32 v56, v54  }
0x457: {  	v45 =	vmul.f32 v45, v3;
	v26 =	vld [tilespmem:s21+$0x74B0];
	v53 =	vadd.f32 v55, v53;
	v63 =	vadd.f32 v57, v37  }
0x458: {  	v24 =	vadd.f32 v24, v31;
	v60 =	vand.u32 $0xFFFF0000, v50;
	v61 =	vld [tilespmem:s12+$0x70B0];
	v56 =	vadd.f32 v62, v51  }
0x459: {  	v37 =	vld [tilespmem:s26+$0x880];
	v31 =	vadd.f32 v60, v45;
	v58 =	vadd.f32 v63, v53  }
0x45a: {  	v57 =	vand.u32 $0xFFFF0000, v23;
	v23 =	vld [tilespmem:s21+$0x34A0];
	[tilespmem:s12+$0xF080] =	vst v56  }
0x45b: {  	v6 =	vadd.f32 v57, v6;
	v24 =	vadd.f32 v31, v24;
	v31 =	vld [tilespmem:s12+$0x30A0];
	[tilespmem:s12+$0xF090] =	vst v58  }
0x45c: {  	v62 =	vld [tilespmem:s28+$0x8890]  }
0x45d: {  	v5 =	vadd.f32 v5, v6;
	v6 =	vld [tilespmem:s16+$0x8890]  }
0x45e: {  	[tilespmem:s21+$0xF090] =	vst v24;
	v24 =	vld [tilespmem:s21+$0x34B0]  }
0x45f: {  	[tilespmem:s20+$0xF0F0] =	vst v5;
	v5 =	vld [tilespmem:s12+$0x30B0]  }
0x460: {  	[tilespmem:s21+$0xF080] =	vst v49;
	v50 =	vmul.f32 v61, v3;
	v61 =	vld [tilespmem:s12+$0x70C0]  }
0x461: {  	v49 =	vmul.f32 v59, v3;
	v63 =	vld [tilespmem:s22+$0x2410]  }
0x462: {  	v56 =	vld [tilespmem:s12+$0x30C0];
	v57 =	vshll.u32 v62, $0x10;
	v58 =	vand.u32 $0xFFFF0000, v62;
	v59 =	vshll.u32 v6, $0x10  }
0x463: {  	v60 =	vld [tilespmem:s9+$0xAC90];
	v6 =	vand.u32 $0xFFFF0000, v6;
	v52 =	vadd.f32 v57, v31;
	v49 =	vadd.f32 v59, v49  }
0x464: {  	s4 =	simm.s32 $0x200;
	s17 =	simm.s32 $0x400;
	v45 =	vld [tilespmem:s14+$0x2440];
	v53 =	vadd.f32 v58, v5;
	v6 =	vadd.f32 v6, v50  }
0x465: {  	s30 =	sand.u32 $0x300, s4;
	s2 =	sand.u32 $0x800, s17;
	v31 =	vld [tilespmem:s21+$0x74D0];
	v49 =	vadd.f32 v49, v52  }
0x466: {  	s25 =	sor.u32 s30, s2;
	v51 =	vand.u32 $0xFFFF0000, v63;
	v5 =	vld [tilespmem:s21+$0x34C0];
	v6 =	vadd.f32 v6, v53  }
0x467: {  	v48 =	vadd.f32 v51, v48;
	v51 =	vld [tilespmem:s25+$0xB880];
	[tilespmem:s12+$0xF0A0] =	vst v49  }
0x468: {  	[tilespmem:s12+$0xF0B0] =	vst v6;
	v6 =	vld [tilespmem:s12+$0x70D0]  }
0x469: {  	v47 =	vmul.f32 v47, v3;
	v46 =	vmul.f32 v46, v3;
	s8 =	simm.s32 $0x0;
	v62 =	vshll.u32 v63, $0x10;
	v50 =	vld [tilespmem:s28+$0x88A0]  }
0x46a: {  	s15 =	sor.u32 s30, s8;
	v63 =	vshll.u32 v60, $0x10;
	v54 =	vand.u32 $0xFFFF0000, v60;
	v40 =	vadd.f32 v62, v40;
	v52 =	vld [tilespmem:s16+$0x88A0]  }
0x46b: {  	s11 =	simm.s32 $0x8880;
	v46 =	vadd.f32 v63, v46;
	v47 =	vadd.f32 v54, v47;
	v54 =	vld [tilespmem:s15+$0x6880]  }
0x46c: {  	s29 =	sor.u32 s30, s11;
	v53 =	vld [tilespmem:s12+$0x30D0]  }
0x46d: {  	v57 =	vld [tilespmem:s29+$0x2000];
	v40 =	vadd.f32 v46, v40  }
0x46e: {  	v61 =	vmul.f32 v61, v3;
	v58 =	vld [tilespmem:s15+$0x2880];
	v60 =	vadd.f32 v47, v48;
	v6 =	vmul.f32 v6, v3  }
0x46f: {  	v48 =	vld [tilespmem:s0+$0xACC0];
	[tilespmem:s21+$0xF0A0] =	vst v40;
	v62 =	vshll.u32 v50, $0x10;
	v50 =	vand.u32 $0xFFFF0000, v50;
	v63 =	vshll.u32 v52, $0x10  }
0x470: {  	v49 =	vld [tilespmem:s15+$0x6890];
	[tilespmem:s21+$0xF0B0] =	vst v60;
	v52 =	vand.u32 $0xFFFF0000, v52;
	v56 =	vadd.f32 v62, v56;
	v47 =	vadd.f32 v63, v61  }
0x471: {  	v46 =	vld [tilespmem:s22+$0x2420];
	v59 =	vadd.f32 v50, v53;
	v6 =	vadd.f32 v52, v6  }
0x472: {  	v60 =	vmul.f32 v54, v3;
	v50 =	vld [tilespmem:s15+$0x2890];
	v47 =	vadd.f32 v47, v56  }
0x473: {  	v61 =	vld [tilespmem:s12+$0x70E0];
	v62 =	vshll.u32 v51, $0x10;
	v6 =	vadd.f32 v6, v59  }
0x474: {  	v40 =	vadd.f32 v62, v60;
	v60 =	vld [tilespmem:s15+$0x68B0];
	[tilespmem:s12+$0xF0C0] =	vst v47  }
0x475: {  	v49 =	vmul.f32 v49, v3;
	v63 =	vshll.u32 v57, $0x10;
	[tilespmem:s12+$0xF0D0] =	vst v6;
	v6 =	vld [tilespmem:s12+$0x70F0]  }
0x476: {  	v57 =	vand.u32 $0xFFFF0000, v57;
	v53 =	vadd.f32 v63, v58;
	v62 =	vand.u32 $0xFFFF0000, v51;
	v59 =	vld [tilespmem:s28+$0x88B0]  }
0x477: {  	v47 =	vadd.f32 v62, v49;
	v50 =	vadd.f32 v57, v50;
	v51 =	vld [tilespmem:s16+$0x88B0]  }
0x478: {  	v40 =	vadd.f32 v40, v53;
	v49 =	vld [tilespmem:s12+$0x30E0]  }
0x479: {  	v53 =	vld [tilespmem:s12+$0x30F0];
	v50 =	vadd.f32 v47, v50  }
0x47a: {  	[tilespmem:s15+$0xE880] =	vst v40;
	v40 =	vld [tilespmem:s15+$0x68A0]  }
0x47b: {  	v63 =	vmul.f32 v61, v3;
	v47 =	vld [tilespmem:s9+$0xACA0];
	[tilespmem:s15+$0xE890] =	vst v50;
	v6 =	vmul.f32 v6, v3  }
0x47c: {  	v61 =	vshll.u32 v59, $0x10;
	v55 =	vand.u32 $0xFFFF0000, v59;
	v62 =	vshll.u32 v51, $0x10;
	v57 =	vld [tilespmem:s29+$0x2010]  }
0x47d: {  	v51 =	vand.u32 $0xFFFF0000, v51;
	v54 =	vld [tilespmem:s25+$0xB890];
	v49 =	vadd.f32 v61, v49;
	v50 =	vadd.f32 v62, v63  }
0x47e: {  	v53 =	vadd.f32 v55, v53;
	v51 =	vadd.f32 v51, v6;
	v63 =	vld [tilespmem:s15+$0x28A0]  }
0x47f: {  	s1 =	sor.u32 $0x80, s30;
	v6 =	vld [tilespmem:s21+$0x34D0];
	v49 =	vadd.f32 v50, v49  }
0x480: {  	s10 =	sor.u32 s8, s1;
	v50 =	vld [tilespmem:s15+$0x28B0];
	v51 =	vadd.f32 v51, v53  }
0x481: {  	s11 =	sadd.s32 $0x8880, s1;
	v53 =	vld [tilespmem:s10+$0x6880];
	[tilespmem:s12+$0xF0E0] =	vst v49  }
0x482: {  	v49 =	vld [tilespmem:s11+$0x2000];
	[tilespmem:s12+$0xF0F0] =	vst v51  }
0x483: {  	s23 =	simm.s32 $0x1500;
	s13 =	sor.u32 $0x2C00, s24;
	s30 =	simm.s32 $0xA80;
	v40 =	vmul.f32 v40, v3;
	v61 =	vshll.u32 v57, $0x10;
	v58 =	vld [tilespmem:s28+$0x88C0]  }
0x484: {  	s3 =	sand.u32 $0x1800, s23;
	v60 =	vmul.f32 v60, v3;
	v62 =	vshll.u32 v54, $0x10;
	s12 =	sand.u32 $0x380, s30;
	v52 =	vadd.f32 v61, v63;
	v63 =	vld [tilespmem:s13+$0x4880]  }
0x485: {  	v57 =	vand.u32 $0xFFFF0000, v57;
	v54 =	vand.u32 $0xFFFF0000, v54;
	v40 =	vadd.f32 v62, v40;
	v56 =	vld [tilespmem:s16+$0x88C0];
	s12 =	sor.u32 s12, s3  }
0x486: {  	v51 =	vadd.f32 v54, v60;
	v54 =	vld [tilespmem:s12+$0xA880];
	v50 =	vadd.f32 v57, v50  }
0x487: {  	v40 =	vadd.f32 v40, v52;
	v52 =	vld [tilespmem:s13+$0x880]  }
0x488: {  	v50 =	vadd.f32 v51, v50;
	v51 =	vld [tilespmem:s15+$0x68C0]  }
0x489: {  	[tilespmem:s15+$0xE8A0] =	vst v40;
	v40 =	vld [tilespmem:s10+$0x2880]  }
0x48a: {  	v55 =	vmul.f32 v63, v3;
	v63 =	vld [tilespmem:s15+$0x28D0]  }
0x48b: {  	[tilespmem:s15+$0xE8B0] =	vst v50;
	v50 =	vld [tilespmem:s15+$0x68D0]  }
0x48c: {  	v59 =	vshll.u32 v58, $0x10;
	v60 =	vshll.u32 v56, $0x10;
	v57 =	vld [tilespmem:s29+$0x2020]  }
0x48d: {  	v53 =	vmul.f32 v53, v3;
	v61 =	vld [tilespmem:s25+$0xB8A0];
	v52 =	vadd.f32 v59, v52;
	v55 =	vadd.f32 v60, v55  }
0x48e: {  	v59 =	vld [tilespmem:s15+$0x28C0];
	v60 =	vshll.u32 v54, $0x10  }
0x48f: {  	v62 =	vshll.u32 v49, $0x10;
	v53 =	vadd.f32 v60, v53;
	v60 =	vld [tilespmem:s10+$0x2890];
	v52 =	vadd.f32 v55, v52  }
0x490: {  	v62 =	vadd.f32 v62, v40;
	v40 =	vld [tilespmem:s21+$0x74E0]  }
0x491: {  	s8 =	sor.u32 $0x2C10, s24;
	v55 =	vld [tilespmem:s10+$0x6890];
	[tilespmem:s13+$0xC880] =	vst v52  }
0x492: {  	v51 =	vmul.f32 v51, v3;
	v52 =	vadd.f32 v53, v62;
	v53 =	vshll.u32 v57, $0x10;
	v0 =	vld [tilespmem:s8+$0x4880]  }
0x493: {  	v50 =	vmul.f32 v50, v3;
	v62 =	vshll.u32 v61, $0x10;
	v53 =	vadd.f32 v53, v59;
	v59 =	vld [tilespmem:s10+$0x68A0]  }
0x494: {  	v57 =	vand.u32 $0xFFFF0000, v57;
	v61 =	vand.u32 $0xFFFF0000, v61;
	v51 =	vadd.f32 v62, v51;
	[tilespmem:s10+$0xE880] =	vst v52;
	v52 =	vld [tilespmem:s8+$0x880]  }
0x495: {  	v57 =	vadd.f32 v57, v63;
	v50 =	vadd.f32 v61, v50;
	v61 =	vld [tilespmem:s10+$0x28A0]  }
0x496: {  	v62 =	vld [tilespmem:s15+$0x28E0];
	v51 =	vadd.f32 v51, v53  }
0x497: {  	v53 =	vld [tilespmem:s10+$0x68B0];
	v50 =	vadd.f32 v50, v57  }
0x498: {  	v49 =	vand.u32 $0xFFFF0000, v49;
	[tilespmem:s15+$0xE8C0] =	vst v51;
	v0 =	vmul.f32 v0, v3;
	v51 =	vld [tilespmem:s15+$0x68E0]  }
0x499: {  	v58 =	vand.u32 $0xFFFF0000, v58;
	v56 =	vand.u32 $0xFFFF0000, v56;
	v55 =	vmul.f32 v55, v3;
	[tilespmem:s15+$0xE8D0] =	vst v50;
	v50 =	vld [tilespmem:s15+$0x68F0]  }
0x49a: {  	v54 =	vand.u32 $0xFFFF0000, v54;
	v52 =	vadd.f32 v58, v52;
	v58 =	vld [tilespmem:s25+$0xB8B0];
	v0 =	vadd.f32 v56, v0  }
0x49b: {  	v21 =	vmul.f32 v21, v3;
	v49 =	vadd.f32 v49, v60;
	v54 =	vadd.f32 v54, v55;
	v56 =	vld [tilespmem:s29+$0x2030]  }
0x49c: {  	v43 =	vmul.f32 v43, v3;
	v63 =	vshll.u32 v48, $0x10;
	v57 =	vld [tilespmem:s10+$0x28B0];
	v0 =	vadd.f32 v0, v52  }
0x49d: {  	v55 =	vld [tilespmem:s15+$0x28F0];
	v49 =	vadd.f32 v54, v49;
	v52 =	vshll.u32 v45, $0x10;
	v45 =	vand.u32 $0xFFFF0000, v45  }
0x49e: {  	v51 =	vmul.f32 v51, v3;
	v50 =	vmul.f32 v50, v3;
	v18 =	vadd.f32 v45, v18;
	v45 =	vld [tilespmem:s10+$0x68D0];
	[tilespmem:s8+$0xC880] =	vst v0  }
0x49f: {  	s13 =	sor.u32 $0x2C20, s24;
	v0 =	vmul.f32 v19, v3;
	v19 =	vadd.f32 v52, v20;
	v20 =	vadd.f32 v63, v21;
	v21 =	vld [tilespmem:s28+$0x88D0]  }
0x4a0: {  	[tilespmem:s10+$0xE890] =	vst v49;
	v60 =	vshll.u32 v58, $0x10;
	v49 =	vand.u32 $0xFFFF0000, v58;
	v52 =	vld [tilespmem:s13+$0x4880];
	v54 =	vshll.u32 v56, $0x10  }
0x4a1: {  	v56 =	vand.u32 $0xFFFF0000, v56;
	v51 =	vadd.f32 v60, v51;
	v58 =	vld [tilespmem:s13+$0x880];
	v54 =	vadd.f32 v54, v62  }
0x4a2: {  	v48 =	vand.u32 $0xFFFF0000, v48;
	v49 =	vadd.f32 v49, v50;
	v50 =	vld [tilespmem:s11+$0x2010];
	v55 =	vadd.f32 v56, v55  }
0x4a3: {  	v53 =	vmul.f32 v53, v3;
	v63 =	vld [tilespmem:s16+$0x88D0];
	v0 =	vadd.f32 v48, v0;
	v56 =	vadd.f32 v51, v54  }
0x4a4: {  	s30 =	simm.s32 $0x800;
	v19 =	vadd.f32 v20, v19;
	v48 =	vld [tilespmem:s10+$0x28C0];
	v60 =	vadd.f32 v49, v55;
	v54 =	vmul.f32 v59, v3  }
0x4a5: {  	s1 =	sand.u32 $0xFFFFF000, s30;
	v51 =	vld [tilespmem:s12+$0xA890];
	v0 =	vadd.f32 v0, v18;
	v18 =	vshll.u32 v46, $0x10;
	v46 =	vand.u32 $0xFFFF0000, v46;
	[tilespmem:s15+$0xE8E0] =	vst v56  }
0x4a6: {  	s23 =	sadd.s32 $0x200, s1;
	v49 =	vld [tilespmem:s10+$0x68C0];
	v42 =	vadd.f32 v46, v42;
	v52 =	vmul.f32 v52, v3;
	v20 =	vshll.u32 v21, $0x10;
	[tilespmem:s15+$0xE8F0] =	vst v60  }
0x4a7: {  	s1 =	sor.u32 $0x2400, s23;
	v60 =	vshll.u32 v50, $0x10;
	v50 =	vand.u32 $0xFFFF0000, v50;
	v20 =	vadd.f32 v20, v58;
	v55 =	vld [tilespmem:s29+$0x2040]  }
0x4a8: {  	[tilespmem:s20+$0xF480] =	vst v19;
	v62 =	vshll.u32 v63, $0x10;
	v58 =	vld [tilespmem:s1+$0x4880];
	v56 =	vadd.f32 v60, v61;
	v50 =	vadd.f32 v50, v57  }
0x4a9: {  	[tilespmem:s20+$0xF490] =	vst v0;
	v59 =	vld [tilespmem:s1+$0x880];
	v61 =	vshll.u32 v47, $0x10;
	v47 =	vand.u32 $0xFFFF0000, v47;
	v52 =	vadd.f32 v62, v52  }
0x4aa: {  	v46 =	vld [tilespmem:s14+$0x2450];
	v43 =	vadd.f32 v47, v43;
	v62 =	vshll.u32 v51, $0x10;
	v51 =	vand.u32 $0xFFFF0000, v51  }
0x4ab: {  	v47 =	vld [tilespmem:s10+$0x2C80];
	v54 =	vadd.f32 v62, v54;
	v51 =	vadd.f32 v51, v53  }
0x4ac: {  	v44 =	vmul.f32 v44, v3;
	v20 =	vadd.f32 v52, v20;
	v52 =	vld [tilespmem:s25+$0xB8C0]  }
0x4ad: {  	v53 =	vadd.f32 v54, v56;
	v50 =	vadd.f32 v51, v50;
	v51 =	vld [tilespmem:s10+$0x28D0]  }
0x4ae: {  	s8 =	sor.u32 $0x2C30, s24;
	v18 =	vadd.f32 v18, v41;
	v62 =	vadd.f32 v61, v44;
	[tilespmem:s13+$0xC880] =	vst v20;
	v20 =	vld [tilespmem:s21+$0x74F0]  }
0x4af: {  	v60 =	vld [tilespmem:s8+$0x4880];
	[tilespmem:s10+$0xE8A0] =	vst v53  }
0x4b0: {  	v18 =	vadd.f32 v62, v18;
	v53 =	vld [tilespmem:s8+$0x880];
	[tilespmem:s10+$0xE8B0] =	vst v50  }
0x4b1: {  	v0 =	vadd.f32 v43, v42;
	v56 =	vmul.f32 v58, v3;
	v19 =	vld [tilespmem:s11+$0x2020]  }
0x4b2: {  	v57 =	vshll.u32 v55, $0x10;
	[tilespmem:s21+$0xF0C0] =	vst v18;
	v58 =	vld [tilespmem:s12+$0xA8A0];
	v18 =	vshll.u32 v52, $0x10  }
0x4b3: {  	[tilespmem:s21+$0xF0D0] =	vst v0;
	v54 =	vld [tilespmem:s10+$0x6C90];
	v42 =	vadd.f32 v57, v59;
	v0 =	vadd.f32 v18, v56  }
0x4b4: {  	v21 =	vand.u32 $0xFFFF0000, v21;
	v49 =	vmul.f32 v49, v3;
	v50 =	vld [tilespmem:s0+$0xACD0];
	v59 =	vmul.f32 v60, v3  }
0x4b5: {  	v61 =	vmul.f32 v45, v3;
	v18 =	vld [tilespmem:s22+$0x2430];
	v60 =	vand.u32 $0xFFFF0000, v63;
	v0 =	vadd.f32 v0, v42  }
0x4b6: {  	v56 =	vld [tilespmem:s10+$0x68E0];
	v21 =	vadd.f32 v21, v53;
	v41 =	vadd.f32 v60, v59;
	v62 =	vshll.u32 v19, $0x10  }
0x4b7: {  	v63 =	vld [tilespmem:s10+$0x68F0];
	v19 =	vand.u32 $0xFFFF0000, v19;
	v43 =	vand.u32 $0xFFFF0000, v58;
	v42 =	vadd.f32 v62, v48  }
0x4b8: {  	v53 =	vld [tilespmem:s10+$0x28E0];
	v57 =	vshll.u32 v58, $0x10;
	v19 =	vadd.f32 v19, v51;
	v43 =	vadd.f32 v43, v61  }
0x4b9: {  	s13 =	sor.u32 $0x2410, s23;
	[tilespmem:s1+$0xC880] =	vst v0;
	v0 =	vld [tilespmem:s10+$0x28F0];
	v21 =	vadd.f32 v41, v21;
	v41 =	vadd.f32 v57, v49  }
0x4ba: {  	v58 =	vld [tilespmem:s13+$0x4880];
	v62 =	vshll.u32 v46, $0x10;
	v46 =	vand.u32 $0xFFFF0000, v46;
	v19 =	vadd.f32 v43, v19  }
0x4bb: {  	v7 =	vadd.f32 v46, v7;
	v46 =	vld [tilespmem:s10+$0x6CA0];
	v41 =	vadd.f32 v41, v42;
	[tilespmem:s8+$0xC880] =	vst v21  }
0x4bc: {  	v21 =	vld [tilespmem:s13+$0x880];
	[tilespmem:s10+$0xE8D0] =	vst v19  }
0x4bd: {  	v61 =	vand.u32 $0xFFFF0000, v52;
	v52 =	vld [tilespmem:s16+$0x88E0];
	[tilespmem:s10+$0xE8C0] =	vst v41  }
0x4be: {  	v19 =	vld [tilespmem:s11+$0x2030]  }
0x4bf: {  	v59 =	vmul.f32 v58, v3;
	v44 =	vld [tilespmem:s12+$0xA8B0]  }
0x4c0: {  	v17 =	vmul.f32 v17, v3;
	s30 =	sor.u32 $0x2C40, s24;
	v60 =	vand.u32 $0xFFFF0000, v55;
	v42 =	vld [tilespmem:s10+$0x6C80]  }
0x4c1: {  	v16 =	vmul.f32 v16, v3;
	v48 =	vld [tilespmem:s30+$0x4880];
	v43 =	vadd.f32 v61, v59;
	v21 =	vadd.f32 v60, v21  }
0x4c2: {  	v45 =	vmul.f32 v56, v3;
	v63 =	vmul.f32 v63, v3;
	v51 =	vld [tilespmem:s30+$0x880]  }
0x4c3: {  	v41 =	vld [tilespmem:s28+$0x88E0];
	v56 =	vshll.u32 v52, $0x10;
	v55 =	vand.u32 $0xFFFF0000, v52;
	v21 =	vadd.f32 v43, v21  }
0x4c4: {  	v52 =	vld [tilespmem:s10+$0x6CE0];
	v60 =	vshll.u32 v19, $0x10;
	v61 =	vshll.u32 v44, $0x10;
	v19 =	vand.u32 $0xFFFF0000, v19  }
0x4c5: {  	v44 =	vand.u32 $0xFFFF0000, v44;
	[tilespmem:s13+$0xC880] =	vst v21;
	v21 =	vld [tilespmem:s10+$0x2C90];
	v53 =	vadd.f32 v60, v53;
	v45 =	vadd.f32 v61, v45  }
0x4c6: {  	v0 =	vadd.f32 v19, v0;
	v19 =	vshll.u32 v50, $0x10;
	v43 =	vadd.f32 v44, v63;
	v44 =	vld [tilespmem:s10+$0x6CB0]  }
0x4c7: {  	v8 =	vadd.f32 v62, v8;
	s8 =	sor.u32 $0x2420, s23;
	v49 =	vld [tilespmem:s29+$0x2050];
	v16 =	vadd.f32 v19, v16;
	v19 =	vmul.f32 v48, v3  }
0x4c8: {  	v62 =	vld [tilespmem:s8+$0x4880];
	v63 =	vadd.f32 v45, v53;
	v53 =	vand.u32 $0xFFFF0000, v50;
	v0 =	vadd.f32 v43, v0  }
0x4c9: {  	v45 =	vld [tilespmem:s25+$0xB8D0];
	v17 =	vadd.f32 v53, v17;
	v8 =	vadd.f32 v16, v8;
	v16 =	vshll.u32 v41, $0x10  }
0x4ca: {  	v57 =	vld [tilespmem:s8+$0x880];
	v19 =	vadd.f32 v56, v19;
	[tilespmem:s10+$0xE8E0] =	vst v63;
	v16 =	vadd.f32 v16, v51  }
0x4cb: {  	[tilespmem:s10+$0xE8F0] =	vst v0;
	v51 =	vld [tilespmem:s10+$0x2CA0];
	v0 =	vadd.f32 v17, v7  }
0x4cc: {  	v7 =	vld [tilespmem:s11+$0x2040];
	[tilespmem:s20+$0xF4A0] =	vst v8;
	v8 =	vadd.f32 v19, v16  }
0x4cd: {  	v19 =	vld [tilespmem:s12+$0xA8C0];
	[tilespmem:s20+$0xF4B0] =	vst v0;
	v0 =	vmul.f32 v62, v3  }
0x4ce: {  	v63 =	vld [tilespmem:s10+$0x2CB0];
	v58 =	vshll.u32 v45, $0x10;
	[tilespmem:s30+$0xC880] =	vst v8;
	v8 =	vshll.u32 v49, $0x10  }
0x4cf: {  	s13 =	sor.u32 $0x2C50, s24;
	v16 =	vld [tilespmem:s9+$0xACB0];
	v8 =	vadd.f32 v8, v57;
	v0 =	vadd.f32 v58, v0  }
0x4d0: {  	v59 =	vld [tilespmem:s13+$0x4880]  }
0x4d1: {  	v42 =	vmul.f32 v42, v3;
	v60 =	vmul.f32 v54, v3;
	v17 =	vld [tilespmem:s14+$0x2460];
	v0 =	vadd.f32 v0, v8  }
0x4d2: {  	v61 =	vld [tilespmem:s13+$0x880];
	v8 =	vshll.u32 v7, $0x10;
	v62 =	vshll.u32 v19, $0x10;
	v7 =	vand.u32 $0xFFFF0000, v7  }
0x4d3: {  	v19 =	vand.u32 $0xFFFF0000, v19;
	v8 =	vadd.f32 v8, v47;
	v42 =	vadd.f32 v62, v42;
	v47 =	vld [tilespmem:s10+$0x6CC0]  }
0x4d4: {  	s30 =	sor.u32 $0x2430, s23;
	v7 =	vadd.f32 v7, v21;
	v19 =	vadd.f32 v19, v60;
	[tilespmem:s8+$0xC880] =	vst v0;
	v0 =	vld [tilespmem:s10+$0x6CD0]  }
0x4d5: {  	v8 =	vadd.f32 v42, v8;
	v21 =	vmul.f32 v59, v3;
	v53 =	vld [tilespmem:s30+$0x4880]  }
0x4d6: {  	v41 =	vand.u32 $0xFFFF0000, v41;
	v56 =	vld [tilespmem:s30+$0x880];
	v7 =	vadd.f32 v19, v7  }
0x4d7: {  	v19 =	vld [tilespmem:s0+$0xACE0];
	[tilespmem:s10+$0xEC80] =	vst v8;
	v8 =	vadd.f32 v41, v61;
	v21 =	vadd.f32 v55, v21  }
0x4d8: {  	v41 =	vld [tilespmem:s10+$0x2CC0]  }
0x4d9: {  	[tilespmem:s10+$0xEC90] =	vst v7;
	v7 =	vld [tilespmem:s21+$0x34E0];
	v8 =	vadd.f32 v21, v8  }
0x4da: {  	v57 =	vld [tilespmem:s11+$0x2050];
	v42 =	vmul.f32 v53, v3  }
0x4db: {  	v45 =	vand.u32 $0xFFFF0000, v45;
	v58 =	vld [tilespmem:s12+$0xA8D0];
	[tilespmem:s13+$0xC880] =	vst v8;
	v8 =	vand.u32 $0xFFFF0000, v49  }
0x4dc: {  	v55 =	vld [tilespmem:s10+$0x2CF0];
	v8 =	vadd.f32 v8, v56;
	v42 =	vadd.f32 v45, v42  }
0x4dd: {  	v53 =	vld [tilespmem:s10+$0x6CF0]  }
0x4de: {  	v49 =	vld [tilespmem:s10+$0x70B0];
	v8 =	vadd.f32 v42, v8  }
0x4df: {  	v46 =	vmul.f32 v46, v3;
	v59 =	vmul.f32 v44, v3;
	v21 =	vld [tilespmem:s28+$0x88F0]  }
0x4e0: {  	v45 =	vld [tilespmem:s10+$0x2CD0];
	v60 =	vshll.u32 v57, $0x10;
	v61 =	vshll.u32 v58, $0x10;
	v43 =	vand.u32 $0xFFFF0000, v57;
	[tilespmem:s30+$0xC880] =	vst v8  }
0x4e1: {  	s1 =	sor.u32 $0x2440, s23;
	v48 =	vand.u32 $0xFFFF0000, v58;
	v44 =	vadd.f32 v60, v51;
	v46 =	vadd.f32 v61, v46;
	v51 =	vld [tilespmem:s29+$0x2060]  }
0x4e2: {  	v43 =	vadd.f32 v43, v63;
	v42 =	vadd.f32 v48, v59;
	v62 =	vld [tilespmem:s1+$0x4880]  }
0x4e3: {  	v44 =	vadd.f32 v46, v44;
	v54 =	vld [tilespmem:s25+$0xB8E0]  }
0x4e4: {  	s8 =	sor.u32 $0x2C60, s24;
	v42 =	vadd.f32 v42, v43;
	v63 =	vld [tilespmem:s1+$0x880]  }
0x4e5: {  	v56 =	vld [tilespmem:s8+$0x4880];
	[tilespmem:s10+$0xECA0] =	vst v44  }
0x4e6: {  	v57 =	vld [tilespmem:s10+$0x7080];
	[tilespmem:s10+$0xECB0] =	vst v42  }
0x4e7: {  	v43 =	vld [tilespmem:s11+$0x2060];
	v58 =	vmul.f32 v62, v3  }
0x4e8: {  	v50 =	vld [tilespmem:s12+$0xA8E0];
	v59 =	vshll.u32 v51, $0x10;
	v60 =	vshll.u32 v54, $0x10  }
0x4e9: {  	v48 =	vld [tilespmem:s8+$0x880];
	v44 =	vadd.f32 v59, v63;
	v42 =	vadd.f32 v60, v58  }
0x4ea: {  	v8 =	vld [tilespmem:s10+$0x2CE0]  }
0x4eb: {  	v46 =	vld [tilespmem:s10+$0x70A0];
	v42 =	vadd.f32 v42, v44  }
0x4ec: {  	v0 =	vmul.f32 v0, v3;
	v59 =	vld [tilespmem:s10+$0x3080];
	v61 =	vshll.u32 v43, $0x10;
	v43 =	vand.u32 $0xFFFF0000, v43  }
0x4ed: {  	s13 =	sor.u32 $0x2450, s23;
	v58 =	vld [tilespmem:s10+$0x7090];
	v41 =	vadd.f32 v61, v41;
	v61 =	vand.u32 $0xFFFF0000, v50;
	v44 =	vmul.f32 v47, v3;
	[tilespmem:s1+$0xC880] =	vst v42  }
0x4ee: {  	v62 =	vshll.u32 v50, $0x10;
	v43 =	vadd.f32 v43, v45;
	v0 =	vadd.f32 v61, v0;
	v63 =	vld [tilespmem:s13+$0x4880]  }
0x4ef: {  	v60 =	vld [tilespmem:s10+$0x3090];
	v42 =	vadd.f32 v62, v44  }
0x4f0: {  	v0 =	vadd.f32 v0, v43;
	v62 =	vld [tilespmem:s13+$0x880]  }
0x4f1: {  	v50 =	vld [tilespmem:s10+$0x30A0];
	v41 =	vadd.f32 v42, v41  }
0x4f2: {  	v38 =	vmul.f32 v38, v3;
	v45 =	vld [tilespmem:s10+$0x70D0];
	[tilespmem:s10+$0xECD0] =	vst v0  }
0x4f3: {  	v22 =	vand.u32 $0xFFFF0000, v22;
	v27 =	vand.u32 $0xFFFF0000, v27;
	v47 =	vld [tilespmem:s10+$0x30B0];
	[tilespmem:s10+$0xECC0] =	vst v41;
	v63 =	vmul.f32 v63, v3  }
0x4f4: {  	v34 =	vmul.f32 v34, v3;
	v54 =	vand.u32 $0xFFFF0000, v54;
	v0 =	vand.u32 $0xFFFF0000, v51;
	v51 =	vld [tilespmem:s11+$0x2070]  }
0x4f5: {  	v43 =	vld [tilespmem:s10+$0x70C0];
	v44 =	vshll.u32 v18, $0x10;
	v0 =	vadd.f32 v0, v62;
	v41 =	vadd.f32 v54, v63  }
0x4f6: {  	v35 =	vmul.f32 v35, v3;
	v52 =	vmul.f32 v52, v3;
	v39 =	vadd.f32 v44, v39;
	v44 =	vld [tilespmem:s10+$0x30C0]  }
0x4f7: {  	v18 =	vand.u32 $0xFFFF0000, v18;
	v61 =	vld [tilespmem:s12+$0xA8F0];
	v54 =	vshll.u32 v16, $0x10;
	v0 =	vadd.f32 v41, v0  }
0x4f8: {  	v18 =	vadd.f32 v18, v36;
	v42 =	vld [tilespmem:s16+$0x88F0];
	v16 =	vand.u32 $0xFFFF0000, v16;
	v38 =	vadd.f32 v54, v38  }
0x4f9: {  	v16 =	vadd.f32 v16, v34;
	v34 =	vld [tilespmem:s10+$0x7480];
	v62 =	vshll.u32 v51, $0x10;
	v51 =	vand.u32 $0xFFFF0000, v51;
	[tilespmem:s13+$0xC880] =	vst v0  }
0x4fa: {  	v53 =	vmul.f32 v53, v3;
	s16 =	sor.u32 $0x2460, s23;
	v8 =	vadd.f32 v62, v8;
	v55 =	vadd.f32 v51, v55;
	v54 =	vld [tilespmem:s29+$0x2070]  }
0x4fb: {  	v16 =	vadd.f32 v16, v18;
	v0 =	vadd.f32 v38, v39;
	v39 =	vshll.u32 v21, $0x10;
	v63 =	vld [tilespmem:s16+$0x4880]  }
0x4fc: {  	v38 =	vmul.f32 v56, v3;
	v39 =	vadd.f32 v39, v48;
	v48 =	vshll.u32 v61, $0x10;
	v62 =	vld [tilespmem:s25+$0xB8F0]  }
0x4fd: {  	v18 =	vadd.f32 v22, v37;
	v56 =	vshll.u32 v42, $0x10;
	v2 =	vld [tilespmem:s16+$0x880];
	v52 =	vadd.f32 v48, v52  }
0x4fe: {  	v41 =	vld [tilespmem:s10+$0x30D0];
	v22 =	vadd.f32 v27, v35;
	v61 =	vand.u32 $0xFFFF0000, v61;
	v38 =	vadd.f32 v56, v38  }
0x4ff: {  	v51 =	vld [tilespmem:s10+$0x70F0];
	[tilespmem:s21+$0xF0F0] =	vst v16;
	v53 =	vadd.f32 v61, v53;
	v52 =	vadd.f32 v52, v8  }
0x500: {  	v27 =	vld [tilespmem:s10+$0x7490];
	v16 =	vmul.f32 v57, v3;
	v57 =	vmul.f32 v12, v3;
	[tilespmem:s21+$0xF0E0] =	vst v0;
	v0 =	vadd.f32 v38, v39  }
0x501: {  	v12 =	vld [tilespmem:s10+$0x34A0];
	v53 =	vadd.f32 v53, v55;
	[tilespmem:s10+$0xECE0] =	vst v52;
	v63 =	vmul.f32 v63, v3;
	v61 =	vshll.u32 v54, $0x10  }
0x502: {  	v48 =	vld [tilespmem:s10+$0x70E0];
	[tilespmem:s8+$0xC880] =	vst v0;
	v0 =	vadd.f32 v61, v2;
	v2 =	vshll.u32 v62, $0x10  }
0x503: {  	v56 =	vmul.f32 v14, v3;
	v14 =	vld [tilespmem:s10+$0x3490];
	[tilespmem:s10+$0xECF0] =	vst v53;
	v2 =	vadd.f32 v2, v63  }
0x504: {  	v63 =	vld [tilespmem:s11+$0x2400]  }
0x505: {  	v0 =	vadd.f32 v2, v0;
	v2 =	vld [tilespmem:s12+$0xAC80]  }
0x506: {  	v35 =	vadd.f32 v22, v18;
	v18 =	vld [tilespmem:s22+$0x2440]  }
0x507: {  	s29 =	sor.u32 $0x2470, s23;
	v38 =	vld [tilespmem:s10+$0x30E0];
	[tilespmem:s16+$0xC880] =	vst v0  }
0x508: {  	v11 =	vmul.f32 v11, v3;
	v46 =	vmul.f32 v46, v3;
	v0 =	vld [tilespmem:s29+$0x4880]  }
0x509: {  	v37 =	vmul.f32 v58, v3;
	v8 =	vld [tilespmem:s21+$0x34F0];
	v55 =	vmul.f32 v25, v3;
	v54 =	vand.u32 $0xFFFF0000, v54  }
0x50a: {  	v61 =	vld [tilespmem:s29+$0x880];
	v36 =	vand.u32 $0xFFFF0000, v63;
	v58 =	vshll.u32 v2, $0x10;
	v2 =	vand.u32 $0xFFFF0000, v2  }
0x50b: {  	v39 =	vld [tilespmem:s10+$0x30F0];
	v22 =	vshll.u32 v63, $0x10;
	v63 =	vadd.f32 v36, v60;
	v2 =	vadd.f32 v2, v37  }
0x50c: {  	s28 =	sor.u32 $0x2C70, s24;
	v25 =	vld [tilespmem:s10+$0x34C0];
	v22 =	vadd.f32 v22, v59;
	v60 =	vand.u32 $0xFFFF0000, v62;
	v53 =	vadd.f32 v58, v16  }
0x50d: {  	v52 =	vld [tilespmem:s28+$0x4880];
	v37 =	vshll.u32 v17, $0x10;
	v0 =	vmul.f32 v0, v3;
	v2 =	vadd.f32 v2, v63  }
0x50e: {  	v62 =	vshll.u32 v19, $0x10;
	v13 =	vadd.f32 v37, v13;
	v53 =	vadd.f32 v53, v22;
	v63 =	vld [tilespmem:s9+$0xACC0]  }
0x50f: {  	v36 =	vld [tilespmem:s10+$0x74A0];
	v61 =	vadd.f32 v54, v61;
	v0 =	vadd.f32 v60, v0;
	[tilespmem:s10+$0xF090] =	vst v2;
	v2 =	vand.u32 $0xFFFF0000, v17  }
0x510: {  	v16 =	vld [tilespmem:s10+$0x3480];
	v54 =	vadd.f32 v62, v56;
	v17 =	vand.u32 $0xFFFF0000, v19;
	v2 =	vadd.f32 v2, v15  }
0x511: {  	s30 =	simm.s32 $0x0;
	v22 =	vld [tilespmem:s10+$0x74B0];
	[tilespmem:s10+$0xF080] =	vst v53;
	v15 =	vmul.f32 v28, v3;
	v17 =	vadd.f32 v17, v57;
	v0 =	vadd.f32 v0, v61  }
0x512: {  	s16 =	sor.u32 s30, s4;
	v19 =	vld [tilespmem:s11+$0x2410];
	v28 =	vmul.f32 v32, v3;
	v32 =	vadd.f32 v54, v13;
	v13 =	vshll.u32 v18, $0x10  }
0x513: {  	s25 =	sor.u32 $0x2400, s16;
	v18 =	vand.u32 $0xFFFF0000, v18;
	v2 =	vadd.f32 v17, v2;
	v17 =	vshll.u32 v63, $0x10;
	[tilespmem:s29+$0xC880] =	vst v0;
	v0 =	vld [tilespmem:s12+$0xAC90]  }
0x514: {  	s2 =	sor.u32 s2, s4;
	v13 =	vadd.f32 v13, v30;
	v59 =	vand.u32 $0xFFFF0000, v63;
	v15 =	vadd.f32 v17, v15;
	v30 =	vld [tilespmem:s25+$0x8880]  }
0x515: {  	s24 =	sor.u32 $0x3400, s2;
	v48 =	vmul.f32 v48, v3;
	v17 =	vadd.f32 v18, v29;
	v18 =	vadd.f32 v59, v28;
	v28 =	vld [tilespmem:s15+$0x7080]  }
0x516: {  	v56 =	vmul.f32 v26, v3;
	v57 =	vand.u32 $0xFFFF0000, v42;
	v29 =	vmul.f32 v49, v3;
	v60 =	vld [tilespmem:s24+$0x8880]  }
0x517: {  	v63 =	vld [tilespmem:s15+$0x7090];
	v13 =	vadd.f32 v15, v13;
	v15 =	vshll.u32 v19, $0x10;
	v18 =	vadd.f32 v18, v17  }
0x518: {  	v61 =	vld [tilespmem:s15+$0x3080];
	v15 =	vadd.f32 v15, v50;
	v62 =	vshll.u32 v0, $0x10;
	v0 =	vand.u32 $0xFFFF0000, v0  }
0x519: {  	v19 =	vand.u32 $0xFFFF0000, v19;
	v46 =	vadd.f32 v62, v46;
	v0 =	vadd.f32 v0, v29;
	v29 =	vld [tilespmem:s15+$0x3090]  }
0x51a: {  	v58 =	vld [tilespmem:s28+$0x880];
	v22 =	vmul.f32 v22, v3;
	v19 =	vadd.f32 v19, v47;
	[tilespmem:s21+$0xF480] =	vst v13;
	v28 =	vmul.f32 v28, v3  }
0x51b: {  	v53 =	vld [tilespmem:s10+$0x74E0];
	[tilespmem:s21+$0xF490] =	vst v18;
	v13 =	vshll.u32 v60, $0x10;
	v46 =	vadd.f32 v46, v15;
	v15 =	vshll.u32 v30, $0x10  }
0x51c: {  	[tilespmem:s20+$0xF4D0] =	vst v2;
	v59 =	vld [tilespmem:s9+$0xACD0];
	v0 =	vadd.f32 v0, v19;
	v28 =	vadd.f32 v13, v28;
	v13 =	vmul.f32 v63, v3  }
0x51d: {  	v2 =	vld [tilespmem:s10+$0x74F0];
	v37 =	vadd.f32 v15, v61;
	v15 =	vmul.f32 v10, v3;
	v10 =	vand.u32 $0xFFFF0000, v30;
	[tilespmem:s10+$0xF0A0] =	vst v46  }
0x51e: {  	v49 =	vmul.f32 v51, v3;
	v26 =	vand.u32 $0xFFFF0000, v60;
	[tilespmem:s10+$0xF0B0] =	vst v0;
	v0 =	vadd.f32 v10, v29;
	v29 =	vld [tilespmem:s22+$0x2450]  }
0x51f: {  	v19 =	vmul.f32 v31, v3;
	v31 =	vmul.f32 v52, v3;
	v26 =	vadd.f32 v26, v13;
	v30 =	vld [tilespmem:s11+$0x2420]  }
0x520: {  	v13 =	vmul.f32 v20, v3;
	v20 =	vand.u32 $0xFFFF0000, v21;
	v21 =	vadd.f32 v28, v37;
	v28 =	vld [tilespmem:s12+$0xACA0]  }
0x521: {  	v17 =	vld [tilespmem:s10+$0x34B0];
	v18 =	vmul.f32 v33, v3;
	v31 =	vadd.f32 v57, v31;
	v42 =	vand.u32 $0xFFFF0000, v59  }
0x522: {  	v47 =	vld [tilespmem:s10+$0x74C0];
	v10 =	vmul.f32 v40, v3;
	v37 =	vadd.f32 v20, v58;
	v0 =	vadd.f32 v26, v0  }
0x523: {  	v50 =	vld [tilespmem:s10+$0x74D0];
	v20 =	vmul.f32 v43, v3;
	v58 =	vmul.f32 v45, v3;
	v45 =	vshll.u32 v59, $0x10;
	[tilespmem:s15+$0xF080] =	vst v21  }
0x524: {  	v60 =	vld [tilespmem:s15+$0x70A0];
	v21 =	vmul.f32 v34, v3;
	[tilespmem:s15+$0xF090] =	vst v0;
	v61 =	vshll.u32 v29, $0x10;
	v0 =	vshll.u32 v30, $0x10  }
0x525: {  	v62 =	vld [tilespmem:s15+$0x70B0];
	v30 =	vand.u32 $0xFFFF0000, v30;
	v34 =	vadd.f32 v61, v23;
	v23 =	vshll.u32 v28, $0x10  }
0x526: {  	v51 =	vld [tilespmem:s24+$0x8890];
	v0 =	vadd.f32 v0, v44;
	v28 =	vand.u32 $0xFFFF0000, v28;
	v20 =	vadd.f32 v23, v20  }
0x527: {  	v63 =	vld [tilespmem:s25+$0x8890];
	v30 =	vadd.f32 v30, v41;
	v28 =	vadd.f32 v28, v58;
	v23 =	vmul.f32 v27, v3  }
0x528: {  	v52 =	vld [tilespmem:s15+$0x30A0];
	v27 =	vand.u32 $0xFFFF0000, v29;
	v29 =	vadd.f32 v45, v55;
	v0 =	vadd.f32 v20, v0  }
0x529: {  	[tilespmem:s20+$0xF4C0] =	vst v32;
	v33 =	vmul.f32 v60, v3;
	v24 =	vadd.f32 v27, v24;
	v27 =	vld [tilespmem:s15+$0x30B0];
	v28 =	vadd.f32 v28, v30  }
0x52a: {  	v54 =	vmul.f32 v62, v3;
	v60 =	vadd.f32 v31, v37;
	v30 =	vadd.f32 v42, v56;
	v56 =	vld [tilespmem:s0+$0xACF0];
	[tilespmem:s10+$0xF0C0] =	vst v0  }
0x52b: {  	v20 =	vmul.f32 v36, v3;
	v29 =	vadd.f32 v29, v34;
	v55 =	vshll.u32 v51, $0x10;
	v0 =	vld [tilespmem:s14+$0x2470];
	[tilespmem:s10+$0xF0D0] =	vst v28  }
0x52c: {  	v40 =	vand.u32 $0xFFFF0000, v51;
	v24 =	vadd.f32 v30, v24;
	v30 =	vshll.u32 v63, $0x10;
	v57 =	vld [tilespmem:s11+$0x2430]  }
0x52d: {  	v28 =	vand.u32 $0xFFFF0000, v63;
	v33 =	vadd.f32 v55, v33;
	[tilespmem:s21+$0xF4A0] =	vst v29;
	v30 =	vadd.f32 v30, v52;
	v59 =	vld [tilespmem:s12+$0xACB0]  }
0x52e: {  	v43 =	vld [tilespmem:s15+$0x70C0];
	v29 =	vmul.f32 v47, v3;
	v34 =	vadd.f32 v40, v54;
	v58 =	vadd.f32 v28, v27;
	[tilespmem:s21+$0xF4B0] =	vst v24  }
0x52f: {  	v28 =	vmul.f32 v50, v3;
	v27 =	vmul.f32 v53, v3;
	v30 =	vadd.f32 v33, v30;
	v61 =	vld [tilespmem:s22+$0x2460]  }
0x530: {  	v24 =	vmul.f32 v2, v3;
	v40 =	vld [tilespmem:s9+$0xACE0];
	v33 =	vshll.u32 v56, $0x10;
	v62 =	vadd.f32 v34, v58  }
0x531: {  	v34 =	vld [tilespmem:s10+$0x34E0];
	v2 =	vshll.u32 v0, $0x10;
	[tilespmem:s15+$0xF0A0] =	vst v30;
	v30 =	vand.u32 $0xFFFF0000, v0;
	v0 =	vshll.u32 v57, $0x10  }
0x532: {  	v26 =	vld [tilespmem:s10+$0x34D0];
	v36 =	vand.u32 $0xFFFF0000, v57;
	v32 =	vadd.f32 v2, v9;
	v2 =	vshll.u32 v59, $0x10  }
0x533: {  	v44 =	vld [tilespmem:s15+$0x70D0];
	[tilespmem:s15+$0xF0B0] =	vst v62;
	v63 =	vand.u32 $0xFFFF0000, v59;
	v41 =	vadd.f32 v0, v38;
	v42 =	vadd.f32 v2, v48  }
0x534: {  	[tilespmem:s26+$0xC880] =	vst v35;
	v31 =	vand.u32 $0xFFFF0000, v56;
	v45 =	vld [tilespmem:s25+$0x88A0];
	v37 =	vadd.f32 v36, v39;
	v38 =	vadd.f32 v63, v49  }
0x535: {  	[tilespmem:s28+$0xC880] =	vst v60;
	s0 =	simm.s32 $0x4;
	s14 =	simm.s32 $0x4;
	v39 =	vld [tilespmem:s24+$0x88A0];
	v9 =	vshll.u32 v61, $0x10;
	v35 =	vand.u32 $0xFFFF0000, v61;
	v36 =	vshll.u32 v40, $0x10  }
.LBB2_5:
0x536: {  	s0 =	sadd.s32 $0x2, s0;
	v0 =	vld [tilespmem:s15+$0x30C0];
	v2 =	vadd.f32 v42, v41;
	s17 =	sadd.s32 $0x200, s17;
	s4 =	sadd.s32 $0x100, s4;
	v40 =	vand.u32 $0xFFFF0000, v40;
	v41 =	vadd.f32 v9, v5;
	v5 =	vmovc v25;
	v9 =	vmovc v34  }
0x537: {  	v36 =	vadd.f32 v36, v18;
	v18 =	vmov v29;
	s3 =	sshrl.u32 s0, $0x3;
	s16 =	sand.u32 $0x300, s4;
	s29 =	sand.u32 $0x800, s17;
	v25 =	vld [tilespmem:s15+$0x30D0];
	v34 =	vadd.f32 v38, v37  }
0x538: {  	v29 =	vadd.f32 v35, v6;
	v6 =	vmovc v26;
	v35 =	vadd.f32 v40, v19;
	v19 =	vmov v28;
	s2 =	sor.u32 s16, s29;
	s26 =	sshll.u32 s3, $0xC;
	s28 =	sor.u32 $0x80, s16;
	[tilespmem:s10+$0xF0E0] =	vst v2;
	v2 =	vld [tilespmem:s10+$0x34F0]  }
0x539: {  	s13 =	sadd.s32 $0x1100, s17;
	s8 =	sadd.s32 $0x880, s4;
	v28 =	vmul.f32 v43, v3;
	v37 =	vmul.f32 v44, v3;
	v26 =	vld [tilespmem:s2+$0xB880];
	s1 =	sor.u32 s16, s26;
	[tilespmem:s10+$0xF0F0] =	vst v34;
	v34 =	vadd.f32 v36, v41  }
0x53a: {  	s30 =	sshll.u32 s3, $0xB;
	s13 =	sand.u32 $0x1800, s13;
	s3 =	sor.u32 s26, s28;
	v38 =	vshll.u32 v45, $0x10;
	v40 =	vand.u32 $0xFFFF0000, v45;
	v36 =	vld [tilespmem:s1+$0x2880];
	v41 =	vshll.u32 v39, $0x10  }
0x53b: {  	p0 =	slt.u32 s0, $0xE;
	s8 =	sand.u32 $0x380, s8;
	s26 =	sadd.s32 $0x8880, s30;
	v39 =	vand.u32 $0xFFFF0000, v39;
	v42 =	vld [tilespmem:s1+$0x6880];
	v0 =	vadd.f32 v38, v0;
	v28 =	vadd.f32 v41, v28;
	[tilespmem:s21+$0xF4C0] =	vst v34  }
0x53c: {  	s16 =	sor.u32 s16, s26;
	s28 =	sadd.s32 s28, s26;
	s26 =	sor.u32 s8, s13;
	v37 =	vadd.f32 v39, v37;
	v34 =	vld [tilespmem:s1+$0x6890];
	v25 =	vadd.f32 v40, v25  }
0x53d: {  	v38 =	vld [tilespmem:s16+$0x2000];
	v0 =	vadd.f32 v28, v0;
	v28 =	vadd.f32 v35, v29  }
0x53e: {  	v33 =	vadd.f32 v33, v11;
	v11 =	vmovc v10;
	v10 =	vmov v27;
	v29 =	vld [tilespmem:s1+$0x2890];
	v25 =	vadd.f32 v37, v25  }
0x53f: {  	v27 =	vadd.f32 v30, v4;
	v30 =	vadd.f32 v31, v15;
	v4 =	vmovc v8;
	v8 =	vmov v2;
	[tilespmem:s15+$0xF0C0] =	vst v0;
	v0 =	vld [tilespmem:s15+$0x70E0]  }
0x540: {  	v15 =	vmov v13;
	v13 =	vmov v24;
	[tilespmem:s15+$0xF0D0] =	vst v25;
	v2 =	vld [tilespmem:s15+$0x70F0];
	v25 =	vadd.f32 v33, v32  }
0x541: {  	v27 =	vadd.f32 v30, v27;
	v24 =	vshll.u32 v26, $0x10;
	v31 =	vmul.f32 v42, v3;
	v32 =	vld [tilespmem:s25+$0x88B0];
	[tilespmem:s21+$0xF4D0] =	vst v28  }
0x542: {  	v26 =	vand.u32 $0xFFFF0000, v26;
	v30 =	vmul.f32 v34, v3;
	v28 =	vshll.u32 v38, $0x10;
	v33 =	vld [tilespmem:s24+$0x88B0];
	[tilespmem:s20+$0xF4E0] =	vst v25  }
0x543: {  	v25 =	vand.u32 $0xFFFF0000, v38;
	v24 =	vadd.f32 v24, v31;
	v28 =	vadd.f32 v28, v36;
	v31 =	vld [tilespmem:s15+$0x30E0];
	[tilespmem:s20+$0xF4F0] =	vst v27;
	s20 =	smov.u32 s21;
	s21 =	smov.u32 s10;
	s10 =	smov.u32 s3  }
0x544: {  	v25 =	vadd.f32 v25, v29;
	v26 =	vadd.f32 v26, v30;
	v27 =	vld [tilespmem:s15+$0x30F0]  }
0x545: {  	v24 =	vadd.f32 v24, v28;
	v28 =	vld [tilespmem:s10+$0x6880]  }
0x546: {  	v0 =	vmul.f32 v0, v3;
	v25 =	vadd.f32 v26, v25;
	v2 =	vmul.f32 v2, v3;
	v26 =	vld [tilespmem:s10+$0x6890]  }
0x547: {  	v29 =	vshll.u32 v32, $0x10;
	v30 =	vand.u32 $0xFFFF0000, v32;
	[tilespmem:s1+$0xE880] =	vst v24;
	v24 =	vld [tilespmem:s1+$0x68A0];
	v32 =	vshll.u32 v33, $0x10  }
0x548: {  	v33 =	vand.u32 $0xFFFF0000, v33;
	[tilespmem:s1+$0xE890] =	vst v25;
	v25 =	vld [tilespmem:s1+$0x68B0];
	v29 =	vadd.f32 v29, v31;
	v0 =	vadd.f32 v32, v0  }
0x549: {  	v2 =	vadd.f32 v33, v2;
	v31 =	vld [tilespmem:s16+$0x2010];
	v27 =	vadd.f32 v30, v27  }
0x54a: {  	v30 =	vld [tilespmem:s2+$0xB890];
	v28 =	vmul.f32 v28, v3;
	v0 =	vadd.f32 v0, v29  }
0x54b: {  	v29 =	vld [tilespmem:s1+$0x28A0];
	v26 =	vmul.f32 v26, v3;
	v2 =	vadd.f32 v2, v27  }
0x54c: {  	v27 =	vld [tilespmem:s1+$0x28B0];
	[tilespmem:s15+$0xF0E0] =	vst v0  }
0x54d: {  	v0 =	vld [tilespmem:s28+$0x2000];
	[tilespmem:s15+$0xF0F0] =	vst v2;
	s15 =	smov.u32 s1  }
0x54e: {  	v2 =	vmul.f32 v24, v3;
	v24 =	vmul.f32 v25, v3;
	s1 =	sor.u32 $0x2C00, s23;
	v25 =	vld [tilespmem:s25+$0x88C0]  }
0x54f: {  	v32 =	vshll.u32 v31, $0x10;
	v31 =	vand.u32 $0xFFFF0000, v31;
	v33 =	vshll.u32 v30, $0x10;
	v34 =	vld [tilespmem:s1+$0x4880]  }
0x550: {  	v30 =	vand.u32 $0xFFFF0000, v30;
	v29 =	vadd.f32 v32, v29;
	v2 =	vadd.f32 v33, v2;
	v32 =	vld [tilespmem:s24+$0x88C0]  }
0x551: {  	v24 =	vadd.f32 v30, v24;
	v27 =	vadd.f32 v31, v27;
	v30 =	vld [tilespmem:s1+$0x880]  }
0x552: {  	v2 =	vadd.f32 v2, v29;
	v29 =	vld [tilespmem:s26+$0xA880];
	v31 =	vshll.u32 v0, $0x10;
	v0 =	vand.u32 $0xFFFF0000, v0  }
0x553: {  	v24 =	vadd.f32 v24, v27;
	v27 =	vld [tilespmem:s10+$0x2880]  }
0x554: {  	[tilespmem:s15+$0xE8A0] =	vst v2;
	v2 =	vld [tilespmem:s15+$0x68C0];
	v33 =	vmul.f32 v34, v3  }
0x555: {  	v34 =	vshll.u32 v25, $0x10;
	[tilespmem:s15+$0xE8B0] =	vst v24;
	v24 =	vld [tilespmem:s15+$0x68D0];
	v35 =	vshll.u32 v32, $0x10  }
0x556: {  	v36 =	vld [tilespmem:s16+$0x2020];
	v30 =	vadd.f32 v34, v30;
	v33 =	vadd.f32 v35, v33  }
0x557: {  	v34 =	vld [tilespmem:s2+$0xB8A0];
	v35 =	vshll.u32 v29, $0x10;
	v29 =	vand.u32 $0xFFFF0000, v29  }
0x558: {  	v37 =	vld [tilespmem:s15+$0x28C0];
	v27 =	vadd.f32 v31, v27;
	v30 =	vadd.f32 v33, v30  }
0x559: {  	v28 =	vadd.f32 v35, v28;
	v26 =	vadd.f32 v29, v26;
	v31 =	vld [tilespmem:s15+$0x28D0]  }
0x55a: {  	v29 =	vld [tilespmem:s10+$0x2890];
	[tilespmem:s1+$0xC880] =	vst v30;
	s1 =	sor.u32 $0x2C10, s23  }
0x55b: {  	v2 =	vmul.f32 v2, v3;
	v24 =	vmul.f32 v24, v3;
	v27 =	vadd.f32 v28, v27;
	v28 =	vld [tilespmem:s1+$0x4880]  }
0x55c: {  	v30 =	vshll.u32 v36, $0x10;
	v33 =	vand.u32 $0xFFFF0000, v36;
	v35 =	vshll.u32 v34, $0x10;
	v36 =	vld [tilespmem:s10+$0x68A0]  }
0x55d: {  	v34 =	vand.u32 $0xFFFF0000, v34;
	v30 =	vadd.f32 v30, v37;
	v2 =	vadd.f32 v35, v2;
	[tilespmem:s10+$0xE880] =	vst v27;
	v27 =	vld [tilespmem:s1+$0x880]  }
0x55e: {  	v24 =	vadd.f32 v34, v24;
	v31 =	vadd.f32 v33, v31;
	v33 =	vld [tilespmem:s10+$0x68B0]  }
0x55f: {  	v2 =	vadd.f32 v2, v30;
	v0 =	vadd.f32 v0, v29;
	v29 =	vld [tilespmem:s10+$0x28A0]  }
0x560: {  	v24 =	vadd.f32 v24, v31;
	v30 =	vld [tilespmem:s10+$0x28B0];
	v28 =	vmul.f32 v28, v3  }
0x561: {  	v25 =	vand.u32 $0xFFFF0000, v25;
	[tilespmem:s15+$0xE8C0] =	vst v2;
	v2 =	vld [tilespmem:s15+$0x68E0];
	v0 =	vadd.f32 v26, v0;
	v26 =	vand.u32 $0xFFFF0000, v32  }
0x562: {  	v31 =	vmul.f32 v36, v3;
	[tilespmem:s15+$0xE8D0] =	vst v24;
	v24 =	vld [tilespmem:s15+$0x68F0];
	v25 =	vadd.f32 v25, v27;
	v26 =	vadd.f32 v26, v28  }
0x563: {  	v27 =	vld [tilespmem:s16+$0x2030];
	[tilespmem:s10+$0xE890] =	vst v0;
	v0 =	vmul.f32 v33, v3  }
0x564: {  	v28 =	vld [tilespmem:s2+$0xB8B0];
	v25 =	vadd.f32 v26, v25  }
0x565: {  	v26 =	vld [tilespmem:s15+$0x28E0]  }
0x566: {  	v32 =	vld [tilespmem:s15+$0x28F0];
	[tilespmem:s1+$0xC880] =	vst v25  }
0x567: {  	s3 =	sor.u32 $0x2C20, s23;
	v25 =	vld [tilespmem:s25+$0x88D0]  }
0x568: {  	v2 =	vmul.f32 v2, v3;
	v24 =	vmul.f32 v24, v3;
	v33 =	vld [tilespmem:s3+$0x4880]  }
0x569: {  	v34 =	vshll.u32 v27, $0x10;
	v27 =	vand.u32 $0xFFFF0000, v27;
	v35 =	vshll.u32 v28, $0x10;
	v36 =	vld [tilespmem:s24+$0x88D0]  }
0x56a: {  	v28 =	vand.u32 $0xFFFF0000, v28;
	v26 =	vadd.f32 v34, v26;
	v2 =	vadd.f32 v35, v2;
	v34 =	vld [tilespmem:s3+$0x880]  }
0x56b: {  	v24 =	vadd.f32 v28, v24;
	v27 =	vadd.f32 v27, v32;
	v28 =	vld [tilespmem:s28+$0x2010]  }
0x56c: {  	s14 =	sadd.s32 $0x2, s14;
	v2 =	vadd.f32 v2, v26;
	v26 =	vld [tilespmem:s26+$0xA890]  }
0x56d: {  	s1 =	sshll.u32 s14, $0x9;
	v24 =	vadd.f32 v24, v27;
	v27 =	vld [tilespmem:s10+$0x68C0];
	v32 =	vmul.f32 v33, v3  }
0x56e: {  	s1 =	sand.u32 $0xFFFFF000, s1;
	v33 =	vshll.u32 v25, $0x10;
	[tilespmem:s15+$0xE8E0] =	vst v2;
	v2 =	vld [tilespmem:s10+$0x68D0];
	v35 =	vshll.u32 v36, $0x10  }
0x56f: {  	s1 =	sadd.s32 s1, s4;
	[tilespmem:s15+$0xE8F0] =	vst v24;
	v24 =	vld [tilespmem:s10+$0x28C0];
	v33 =	vadd.f32 v33, v34;
	v32 =	vadd.f32 v35, v32  }
0x570: {  	s8 =	sor.u32 $0x2400, s1;
	v34 =	vld [tilespmem:s16+$0x2040];
	v35 =	vshll.u32 v28, $0x10;
	v28 =	vand.u32 $0xFFFF0000, v28  }
0x571: {  	v37 =	vld [tilespmem:s8+$0x4880];
	v38 =	vshll.u32 v26, $0x10;
	v26 =	vand.u32 $0xFFFF0000, v26;
	v32 =	vadd.f32 v32, v33  }
0x572: {  	v29 =	vadd.f32 v35, v29;
	v33 =	vld [tilespmem:s2+$0xB8C0];
	v31 =	vadd.f32 v38, v31;
	v27 =	vmul.f32 v27, v3  }
0x573: {  	v28 =	vadd.f32 v28, v30;
	v0 =	vadd.f32 v26, v0;
	v35 =	vld [tilespmem:s8+$0x880];
	v2 =	vmul.f32 v2, v3;
	[tilespmem:s3+$0xC880] =	vst v32;
	s3 =	sor.u32 $0x2C30, s23  }
0x574: {  	v26 =	vadd.f32 v31, v29;
	v29 =	vld [tilespmem:s3+$0x4880]  }
0x575: {  	v0 =	vadd.f32 v0, v28;
	v28 =	vld [tilespmem:s10+$0x28D0]  }
0x576: {  	v30 =	vmul.f32 v37, v3;
	[tilespmem:s10+$0xE8A0] =	vst v26;
	v26 =	vld [tilespmem:s3+$0x880]  }
0x577: {  	v31 =	vshll.u32 v34, $0x10;
	v32 =	vshll.u32 v33, $0x10;
	[tilespmem:s10+$0xE8B0] =	vst v0;
	v0 =	vld [tilespmem:s10+$0x68E0]  }
0x578: {  	v31 =	vadd.f32 v31, v35;
	v30 =	vadd.f32 v32, v30;
	v32 =	vld [tilespmem:s28+$0x2020]  }
0x579: {  	v35 =	vld [tilespmem:s26+$0xA8A0];
	v29 =	vmul.f32 v29, v3  }
0x57a: {  	v25 =	vand.u32 $0xFFFF0000, v25;
	v36 =	vand.u32 $0xFFFF0000, v36;
	v30 =	vadd.f32 v30, v31;
	v31 =	vld [tilespmem:s10+$0x68F0]  }
0x57b: {  	v37 =	vld [tilespmem:s10+$0x28E0];
	v25 =	vadd.f32 v25, v26;
	v26 =	vadd.f32 v36, v29  }
0x57c: {  	[tilespmem:s8+$0xC880] =	vst v30;
	s8 =	sor.u32 $0x2410, s1;
	v0 =	vmul.f32 v0, v3;
	v29 =	vld [tilespmem:s10+$0x28F0]  }
0x57d: {  	v30 =	vld [tilespmem:s8+$0x4880];
	v36 =	vshll.u32 v32, $0x10;
	v32 =	vand.u32 $0xFFFF0000, v32;
	v25 =	vadd.f32 v26, v25  }
0x57e: {  	v26 =	vshll.u32 v35, $0x10;
	v35 =	vand.u32 $0xFFFF0000, v35;
	v24 =	vadd.f32 v36, v24;
	v36 =	vld [tilespmem:s10+$0x6C80]  }
0x57f: {  	v38 =	vld [tilespmem:s8+$0x880];
	v26 =	vadd.f32 v26, v27;
	v27 =	vadd.f32 v32, v28;
	v28 =	vmul.f32 v31, v3;
	[tilespmem:s3+$0xC880] =	vst v25  }
0x580: {  	v2 =	vadd.f32 v35, v2;
	s3 =	sor.u32 $0x2C40, s23;
	v25 =	vld [tilespmem:s25+$0x88E0]  }
0x581: {  	v24 =	vadd.f32 v26, v24;
	v26 =	vld [tilespmem:s3+$0x4880]  }
0x582: {  	v2 =	vadd.f32 v2, v27;
	v30 =	vmul.f32 v30, v3;
	v27 =	vld [tilespmem:s24+$0x88E0]  }
0x583: {  	v31 =	vand.u32 $0xFFFF0000, v34;
	v32 =	vand.u32 $0xFFFF0000, v33;
	[tilespmem:s10+$0xE8C0] =	vst v24;
	v24 =	vmul.f32 v36, v3;
	v33 =	vld [tilespmem:s3+$0x880]  }
0x584: {  	v31 =	vadd.f32 v31, v38;
	v30 =	vadd.f32 v32, v30;
	[tilespmem:s10+$0xE8D0] =	vst v2;
	v2 =	vld [tilespmem:s10+$0x6C90]  }
0x585: {  	v32 =	vld [tilespmem:s28+$0x2030]  }
0x586: {  	v30 =	vadd.f32 v30, v31;
	v31 =	vld [tilespmem:s26+$0xA8B0];
	v26 =	vmul.f32 v26, v3  }
0x587: {  	v35 =	vshll.u32 v25, $0x10;
	v34 =	vld [tilespmem:s10+$0x2C80];
	v36 =	vshll.u32 v27, $0x10  }
0x588: {  	[tilespmem:s8+$0xC880] =	vst v30;
	v30 =	vld [tilespmem:s10+$0x2C90];
	v33 =	vadd.f32 v35, v33;
	v26 =	vadd.f32 v36, v26  }
0x589: {  	s8 =	sor.u32 $0x2420, s1;
	v35 =	vld [tilespmem:s16+$0x2050];
	v2 =	vmul.f32 v2, v3  }
0x58a: {  	v36 =	vld [tilespmem:s8+$0x4880];
	v38 =	vshll.u32 v32, $0x10;
	v32 =	vand.u32 $0xFFFF0000, v32;
	v26 =	vadd.f32 v26, v33  }
0x58b: {  	v33 =	vld [tilespmem:s2+$0xB8D0];
	v39 =	vshll.u32 v31, $0x10;
	v31 =	vand.u32 $0xFFFF0000, v31;
	v37 =	vadd.f32 v38, v37  }
0x58c: {  	v29 =	vadd.f32 v32, v29;
	v38 =	vld [tilespmem:s8+$0x880];
	v0 =	vadd.f32 v39, v0;
	[tilespmem:s3+$0xC880] =	vst v26;
	s3 =	sor.u32 $0x2C50, s23  }
0x58d: {  	v26 =	vadd.f32 v31, v28;
	v28 =	vld [tilespmem:s3+$0x4880]  }
0x58e: {  	v0 =	vadd.f32 v0, v37;
	v31 =	vld [tilespmem:s10+$0x6CA0]  }
0x58f: {  	v26 =	vadd.f32 v26, v29;
	v32 =	vmul.f32 v36, v3;
	v29 =	vld [tilespmem:s3+$0x880]  }
0x590: {  	v36 =	vshll.u32 v35, $0x10;
	v37 =	vshll.u32 v33, $0x10;
	[tilespmem:s10+$0xE8E0] =	vst v0;
	v0 =	vld [tilespmem:s10+$0x6CB0]  }
0x591: {  	v36 =	vadd.f32 v36, v38;
	v32 =	vadd.f32 v37, v32;
	[tilespmem:s10+$0xE8F0] =	vst v26;
	v26 =	vld [tilespmem:s10+$0x2CA0]  }
0x592: {  	v37 =	vld [tilespmem:s28+$0x2040];
	v28 =	vmul.f32 v28, v3  }
0x593: {  	v25 =	vand.u32 $0xFFFF0000, v25;
	v27 =	vand.u32 $0xFFFF0000, v27;
	v32 =	vadd.f32 v32, v36;
	v36 =	vld [tilespmem:s26+$0xA8C0]  }
0x594: {  	v31 =	vmul.f32 v31, v3;
	v38 =	vld [tilespmem:s10+$0x2CB0];
	v25 =	vadd.f32 v25, v29;
	v27 =	vadd.f32 v27, v28  }
0x595: {  	v0 =	vmul.f32 v0, v3;
	v28 =	vld [tilespmem:s10+$0x6CC0]  }
0x596: {  	[tilespmem:s8+$0xC880] =	vst v32;
	s8 =	sor.u32 $0x2430, s1;
	v29 =	vld [tilespmem:s10+$0x6CD0];
	v25 =	vadd.f32 v27, v25  }
0x597: {  	v27 =	vld [tilespmem:s8+$0x4880];
	v32 =	vshll.u32 v37, $0x10;
	v37 =	vand.u32 $0xFFFF0000, v37  }
0x598: {  	v39 =	vld [tilespmem:s8+$0x880];
	v40 =	vshll.u32 v36, $0x10;
	v36 =	vand.u32 $0xFFFF0000, v36;
	v32 =	vadd.f32 v32, v34;
	[tilespmem:s3+$0xC880] =	vst v25  }
0x599: {  	v25 =	vadd.f32 v37, v30;
	s3 =	sor.u32 $0x2C60, s23;
	v24 =	vadd.f32 v40, v24;
	v30 =	vld [tilespmem:s25+$0x88F0]  }
0x59a: {  	v2 =	vadd.f32 v36, v2;
	v28 =	vmul.f32 v28, v3;
	v34 =	vld [tilespmem:s3+$0x4880]  }
0x59b: {  	v24 =	vadd.f32 v24, v32;
	v29 =	vmul.f32 v29, v3;
	v32 =	vld [tilespmem:s24+$0x88F0]  }
0x59c: {  	v2 =	vadd.f32 v2, v25;
	v27 =	vmul.f32 v27, v3;
	v25 =	vld [tilespmem:s3+$0x880]  }
0x59d: {  	v35 =	vand.u32 $0xFFFF0000, v35;
	v33 =	vand.u32 $0xFFFF0000, v33;
	[tilespmem:s10+$0xEC80] =	vst v24;
	v24 =	vld [tilespmem:s10+$0x2CC0]  }
0x59e: {  	v35 =	vadd.f32 v35, v39;
	v27 =	vadd.f32 v33, v27;
	[tilespmem:s10+$0xEC90] =	vst v2;
	v2 =	vld [tilespmem:s10+$0x2CD0]  }
0x59f: {  	v33 =	vld [tilespmem:s28+$0x2050];
	v34 =	vmul.f32 v34, v3  }
0x5a0: {  	v36 =	vshll.u32 v30, $0x10;
	v27 =	vadd.f32 v27, v35;
	v35 =	vld [tilespmem:s26+$0xA8D0];
	v37 =	vshll.u32 v32, $0x10  }
0x5a1: {  	v39 =	vld [tilespmem:s10+$0x6CE0];
	v25 =	vadd.f32 v36, v25;
	v34 =	vadd.f32 v37, v34  }
0x5a2: {  	v36 =	vld [tilespmem:s10+$0x6CF0]  }
0x5a3: {  	[tilespmem:s8+$0xC880] =	vst v27;
	v37 =	vld [tilespmem:s10+$0x2CE0];
	v25 =	vadd.f32 v34, v25  }
0x5a4: {  	v27 =	vld [tilespmem:s16+$0x2060];
	v34 =	vshll.u32 v33, $0x10;
	v33 =	vand.u32 $0xFFFF0000, v33  }
0x5a5: {  	v40 =	vld [tilespmem:s2+$0xB8E0];
	v41 =	vshll.u32 v35, $0x10;
	v35 =	vand.u32 $0xFFFF0000, v35;
	v26 =	vadd.f32 v34, v26;
	[tilespmem:s3+$0xC880] =	vst v25;
	s3 =	sor.u32 $0x2C70, s23;
	s23 =	smov.u32 s1  }
0x5a6: {  	s1 =	sor.u32 $0x2440, s23;
	v25 =	vadd.f32 v41, v31;
	v31 =	vadd.f32 v33, v38;
	v33 =	vmul.f32 v39, v3;
	v34 =	vld [tilespmem:s3+$0x4880]  }
0x5a7: {  	v0 =	vadd.f32 v35, v0;
	v38 =	vld [tilespmem:s1+$0x4880];
	v35 =	vmul.f32 v36, v3  }
0x5a8: {  	v25 =	vadd.f32 v25, v26;
	v26 =	vld [tilespmem:s3+$0x880]  }
0x5a9: {  	v0 =	vadd.f32 v0, v31;
	v36 =	vld [tilespmem:s1+$0x880]  }
0x5aa: {  	[tilespmem:s10+$0xECA0] =	vst v25;
	v25 =	vld [tilespmem:s10+$0x2CF0]  }
0x5ab: {  	v31 =	vshll.u32 v27, $0x10;
	[tilespmem:s10+$0xECB0] =	vst v0;
	v0 =	vld [tilespmem:s10+$0x7080];
	v34 =	vmul.f32 v34, v3  }
0x5ac: {  	v30 =	vand.u32 $0xFFFF0000, v30;
	v32 =	vand.u32 $0xFFFF0000, v32;
	v38 =	vmul.f32 v38, v3;
	v39 =	vld [tilespmem:s28+$0x2060]  }
0x5ad: {  	v41 =	vshll.u32 v40, $0x10;
	v42 =	vld [tilespmem:s26+$0xA8E0];
	v26 =	vadd.f32 v30, v26;
	v30 =	vadd.f32 v32, v34  }
0x5ae: {  	v31 =	vadd.f32 v31, v36;
	v32 =	vadd.f32 v41, v38;
	v34 =	vld [tilespmem:s10+$0x7090]  }
0x5af: {  	v41 =	vld [tilespmem:s10+$0x3080];
	v26 =	vadd.f32 v30, v26  }
0x5b0: {  	v30 =	vadd.f32 v32, v31;
	v0 =	vmul.f32 v0, v3;
	v43 =	vld [tilespmem:s10+$0x3090]  }
0x5b1: {  	v31 =	vshll.u32 v39, $0x10;
	v32 =	vand.u32 $0xFFFF0000, v39;
	v36 =	vld [tilespmem:s10+$0x70A0];
	[tilespmem:s3+$0xC880] =	vst v26  }
0x5b2: {  	[tilespmem:s1+$0xC880] =	vst v30;
	s1 =	sor.u32 $0x2450, s23;
	v26 =	vshll.u32 v42, $0x10;
	v30 =	vand.u32 $0xFFFF0000, v42;
	v24 =	vadd.f32 v31, v24;
	v31 =	vld [tilespmem:s10+$0x70B0]  }
0x5b3: {  	v2 =	vadd.f32 v32, v2;
	v38 =	vld [tilespmem:s1+$0x4880];
	v28 =	vadd.f32 v26, v28;
	v34 =	vmul.f32 v34, v3  }
0x5b4: {  	v29 =	vadd.f32 v30, v29;
	v26 =	vld [tilespmem:s10+$0x30A0]  }
0x5b5: {  	v30 =	vld [tilespmem:s1+$0x880];
	v24 =	vadd.f32 v28, v24  }
0x5b6: {  	v2 =	vadd.f32 v29, v2;
	v29 =	vmul.f32 v36, v3;
	v32 =	vld [tilespmem:s10+$0x30B0]  }
0x5b7: {  	[tilespmem:s10+$0xECC0] =	vst v24;
	v28 =	vmul.f32 v31, v3;
	v24 =	vld [tilespmem:s10+$0x70C0]  }
0x5b8: {  	v31 =	vmul.f32 v38, v3;
	[tilespmem:s10+$0xECD0] =	vst v2;
	v2 =	vld [tilespmem:s10+$0x70D0]  }
0x5b9: {  	v27 =	vand.u32 $0xFFFF0000, v27;
	v36 =	vand.u32 $0xFFFF0000, v40;
	v38 =	vld [tilespmem:s28+$0x2070]  }
0x5ba: {  	v30 =	vadd.f32 v27, v30;
	v31 =	vadd.f32 v36, v31;
	v36 =	vld [tilespmem:s26+$0xA8F0]  }
0x5bb: {  	v27 =	vld [tilespmem:s10+$0x30C0]  }
0x5bc: {  	v39 =	vadd.f32 v31, v30;
	v30 =	vmul.f32 v24, v3;
	v31 =	vld [tilespmem:s10+$0x30D0]  }
0x5bd: {  	v24 =	vmul.f32 v2, v3;
	v2 =	vld [tilespmem:s10+$0x70E0]  }
0x5be: {  	[tilespmem:s1+$0xC880] =	vst v39;
	v39 =	vshll.u32 v38, $0x10;
	v38 =	vand.u32 $0xFFFF0000, v38;
	v40 =	vld [tilespmem:s10+$0x70F0]  }
0x5bf: {  	s1 =	sor.u32 $0x2460, s23;
	v42 =	vld [tilespmem:s16+$0x2070];
	v44 =	vshll.u32 v36, $0x10;
	v36 =	vand.u32 $0xFFFF0000, v36;
	v37 =	vadd.f32 v39, v37  }
0x5c0: {  	v25 =	vadd.f32 v38, v25;
	v39 =	vld [tilespmem:s1+$0x4880];
	v33 =	vadd.f32 v44, v33  }
0x5c1: {  	v35 =	vadd.f32 v36, v35;
	v44 =	vld [tilespmem:s2+$0xB8F0]  }
0x5c2: {  	v45 =	vld [tilespmem:s1+$0x880];
	v33 =	vadd.f32 v33, v37;
	v36 =	vmul.f32 v2, v3  }
0x5c3: {  	v2 =	vadd.f32 v35, v25;
	v37 =	vld [tilespmem:s10+$0x30E0];
	v35 =	vmul.f32 v40, v3  }
0x5c4: {  	[tilespmem:s10+$0xECE0] =	vst v33;
	v38 =	vld [tilespmem:s10+$0x30F0]  }
0x5c5: {  	v25 =	vmul.f32 v39, v3;
	[tilespmem:s10+$0xECF0] =	vst v2;
	v2 =	vld [tilespmem:s10+$0x7480]  }
0x5c6: {  	v33 =	vshll.u32 v42, $0x10;
	v39 =	vshll.u32 v44, $0x10;
	v40 =	vld [tilespmem:s28+$0x2400]  }
0x5c7: {  	v33 =	vadd.f32 v33, v45;
	v25 =	vadd.f32 v39, v25;
	v39 =	vld [tilespmem:s26+$0xAC80]  }
0x5c8: {  	v45 =	vld [tilespmem:s10+$0x7490]  }
0x5c9: {  	v25 =	vadd.f32 v25, v33;
	v33 =	vld [tilespmem:s11+$0x2440]  }
0x5ca: {  	v2 =	vmul.f32 v2, v3;
	v46 =	vld [tilespmem:s12+$0xACC0]  }
0x5cb: {  	[tilespmem:s1+$0xC880] =	vst v25;
	s1 =	sor.u32 $0x2470, s23;
	v25 =	vshll.u32 v40, $0x10;
	v40 =	vand.u32 $0xFFFF0000, v40;
	v47 =	vld [tilespmem:s10+$0x3480]  }
0x5cc: {  	v48 =	vld [tilespmem:s1+$0x4880];
	v49 =	vshll.u32 v39, $0x10;
	v39 =	vand.u32 $0xFFFF0000, v39;
	v25 =	vadd.f32 v25, v41  }
0x5cd: {  	v40 =	vadd.f32 v40, v43;
	v0 =	vadd.f32 v49, v0;
	v41 =	vld [tilespmem:s10+$0x3490];
	v43 =	vmul.f32 v45, v3  }
0x5ce: {  	v34 =	vadd.f32 v39, v34;
	v45 =	vld [tilespmem:s1+$0x880];
	v39 =	vshll.u32 v33, $0x10;
	v33 =	vand.u32 $0xFFFF0000, v33  }
0x5cf: {  	v0 =	vadd.f32 v0, v25;
	v25 =	vld [tilespmem:s10+$0x74A0];
	v49 =	vshll.u32 v46, $0x10;
	v46 =	vand.u32 $0xFFFF0000, v46  }
0x5d0: {  	v34 =	vadd.f32 v34, v40;
	v39 =	vadd.f32 v39, v16;
	v40 =	vld [tilespmem:s10+$0x74B0];
	v16 =	vmov v47  }
0x5d1: {  	v33 =	vadd.f32 v33, v14;
	v47 =	vmul.f32 v48, v3;
	[tilespmem:s10+$0xF080] =	vst v0;
	v0 =	vld [tilespmem:s10+$0x34A0];
	v48 =	vadd.f32 v49, v21  }
0x5d2: {  	v42 =	vand.u32 $0xFFFF0000, v42;
	v44 =	vand.u32 $0xFFFF0000, v44;
	v46 =	vadd.f32 v46, v23;
	v21 =	vmovc v2;
	[tilespmem:s10+$0xF090] =	vst v34;
	v34 =	vld [tilespmem:s10+$0x34B0];
	v14 =	vmovc v41  }
0x5d3: {  	v23 =	vmov v43;
	v2 =	vadd.f32 v42, v45;
	v41 =	vadd.f32 v44, v47;
	v42 =	vld [tilespmem:s28+$0x2410]  }
0x5d4: {  	v33 =	vadd.f32 v46, v33;
	v43 =	vld [tilespmem:s26+$0xAC90];
	v44 =	vmul.f32 v25, v3;
	v25 =	vadd.f32 v48, v39  }
0x5d5: {  	v2 =	vadd.f32 v41, v2;
	v39 =	vmul.f32 v40, v3;
	v40 =	vld [tilespmem:s10+$0x74C0]  }
0x5d6: {  	s2 =	sor.u32 s30, s4;
	v41 =	vld [tilespmem:s10+$0x74D0];
	[tilespmem:s21+$0xF480] =	vst v25  }
0x5d7: {  	s25 =	sor.u32 $0x2400, s2;
	[tilespmem:s1+$0xC880] =	vst v2;
	s1 =	sor.u32 s29, s4;
	v25 =	vld [tilespmem:s10+$0x34C0]  }
0x5d8: {  	v2 =	vld [tilespmem:s25+$0x8880];
	s24 =	sor.u32 $0x3400, s1;
	v45 =	vshll.u32 v42, $0x10;
	v42 =	vand.u32 $0xFFFF0000, v42;
	[tilespmem:s21+$0xF490] =	vst v33  }
0x5d9: {  	v33 =	vld [tilespmem:s24+$0x8880];
	v46 =	vshll.u32 v43, $0x10;
	v43 =	vand.u32 $0xFFFF0000, v43;
	v26 =	vadd.f32 v45, v26  }
0x5da: {  	v32 =	vadd.f32 v42, v32;
	v45 =	vld [tilespmem:s15+$0x7080];
	v46 =	vadd.f32 v46, v29;
	v29 =	vmul.f32 v40, v3  }
0x5db: {  	v42 =	vadd.f32 v43, v28;
	v40 =	vld [tilespmem:s15+$0x7090];
	v28 =	vmul.f32 v41, v3  }
0x5dc: {  	v41 =	vld [tilespmem:s15+$0x3080];
	v26 =	vadd.f32 v46, v26  }
0x5dd: {  	v32 =	vadd.f32 v42, v32;
	v43 =	vld [tilespmem:s15+$0x3090]  }
0x5de: {  	[tilespmem:s10+$0xF0A0] =	vst v26;
	v42 =	vld [tilespmem:s11+$0x2450]  }
0x5df: {  	v26 =	vshll.u32 v2, $0x10;
	v45 =	vmul.f32 v45, v3;
	[tilespmem:s10+$0xF0B0] =	vst v32;
	v32 =	vld [tilespmem:s12+$0xACD0]  }
0x5e0: {  	v2 =	vand.u32 $0xFFFF0000, v2;
	v46 =	vshll.u32 v33, $0x10;
	v40 =	vmul.f32 v40, v3;
	v47 =	vld [tilespmem:s28+$0x2420]  }
0x5e1: {  	v33 =	vand.u32 $0xFFFF0000, v33;
	v41 =	vadd.f32 v26, v41;
	v45 =	vadd.f32 v46, v45;
	v46 =	vld [tilespmem:s26+$0xACA0]  }
0x5e2: {  	v2 =	vadd.f32 v2, v43;
	v33 =	vadd.f32 v33, v40;
	v26 =	vld [tilespmem:s10+$0x34D0]  }
0x5e3: {  	v40 =	vadd.f32 v45, v41;
	v41 =	vld [tilespmem:s10+$0x74E0];
	v43 =	vshll.u32 v42, $0x10;
	v42 =	vand.u32 $0xFFFF0000, v42  }
0x5e4: {  	v2 =	vadd.f32 v33, v2;
	v33 =	vld [tilespmem:s10+$0x74F0];
	v45 =	vshll.u32 v32, $0x10;
	v32 =	vand.u32 $0xFFFF0000, v32  }
0x5e5: {  	v43 =	vadd.f32 v43, v12;
	v12 =	vmovc v0;
	[tilespmem:s15+$0xF080] =	vst v40;
	v40 =	vld [tilespmem:s15+$0x70A0];
	v48 =	vshll.u32 v47, $0x10;
	v47 =	vand.u32 $0xFFFF0000, v47  }
0x5e6: {  	[tilespmem:s15+$0xF090] =	vst v2;
	v0 =	vld [tilespmem:s15+$0x70B0];
	v2 =	vshll.u32 v46, $0x10;
	v46 =	vand.u32 $0xFFFF0000, v46;
	v48 =	vadd.f32 v48, v27  }
0x5e7: {  	v49 =	vld [tilespmem:s25+$0x8890];
	v2 =	vadd.f32 v2, v30;
	v30 =	vadd.f32 v47, v31  }
0x5e8: {  	v46 =	vadd.f32 v46, v24;
	v31 =	vld [tilespmem:s24+$0x8890];
	v27 =	vmul.f32 v41, v3;
	v41 =	vadd.f32 v45, v20;
	v20 =	vmovc v44  }
0x5e9: {  	v44 =	vld [tilespmem:s15+$0x30A0];
	v2 =	vadd.f32 v2, v48;
	v24 =	vmul.f32 v33, v3;
	v33 =	vadd.f32 v42, v17;
	v17 =	vmovc v34  }
0x5ea: {  	v32 =	vadd.f32 v32, v22;
	v22 =	vmov v39;
	v30 =	vadd.f32 v46, v30;
	v34 =	vld [tilespmem:s15+$0x30B0]  }
0x5eb: {  	[tilespmem:s10+$0xF0C0] =	vst v2;
	v2 =	vadd.f32 v41, v43;
	v39 =	vld [tilespmem:s22+$0x2470];
	s22 =	smov.u32 s11;
	s11 =	smov.u32 s28  }
0x5ec: {  	v40 =	vmul.f32 v40, v3;
	v0 =	vmul.f32 v0, v3;
	[tilespmem:s10+$0xF0D0] =	vst v30;
	v30 =	vadd.f32 v32, v33;
	v32 =	vld [tilespmem:s9+$0xACF0];
	s9 =	smov.u32 s12;
	s12 =	smov.u32 s26  }
0x5ed: {  	v33 =	vshll.u32 v49, $0x10;
	v41 =	vand.u32 $0xFFFF0000, v49;
	v42 =	vshll.u32 v31, $0x10;
	v45 =	vld [tilespmem:s11+$0x2430];
	[tilespmem:s21+$0xF4A0] =	vst v2  }
0x5ee: {  	v2 =	vand.u32 $0xFFFF0000, v31;
	v31 =	vadd.f32 v33, v44;
	v33 =	vadd.f32 v42, v40;
	v42 =	vld [tilespmem:s12+$0xACB0];
	[tilespmem:s21+$0xF4B0] =	vst v30  }
0x5ef: {  	v0 =	vadd.f32 v2, v0;
	v34 =	vadd.f32 v41, v34;
	v2 =	vld [tilespmem:s22+$0x2460]  }
0x5f0: {  	v41 =	vadd.f32 v33, v31;
	v40 =	vld [tilespmem:s9+$0xACE0];
	v44 =	vshll.u32 v39, $0x10;
	v30 =	vand.u32 $0xFFFF0000, v39  }
.Ltmp1:
0x5f1: {  	v0 =	vadd.f32 v0, v34;
	v34 =	vld [tilespmem:s10+$0x34E0];
	v33 =	vshll.u32 v32, $0x10;
	v31 =	vand.u32 $0xFFFF0000, v32;
	(pc) =	sbr.rel @p0 .LBB2_5-.Ltmp1, $4  }
0x5f2: {  	v32 =	vadd.f32 v44, v7;
	v7 =	vmovc v9;
	[tilespmem:s15+$0xF0A0] =	vst v41;
	v43 =	vld [tilespmem:s15+$0x70C0];
	v39 =	vshll.u32 v45, $0x10;
	v46 =	vand.u32 $0xFFFF0000, v45  }
0x5f3: {  	[tilespmem:s15+$0xF0B0] =	vst v0;
	v44 =	vld [tilespmem:s15+$0x70D0];
	v0 =	vshll.u32 v42, $0x10;
	v47 =	vand.u32 $0xFFFF0000, v42;
	v41 =	vadd.f32 v39, v37  }
0x5f4: {  	v37 =	vadd.f32 v46, v38;
	v45 =	vld [tilespmem:s25+$0x88A0];
	v42 =	vadd.f32 v0, v36;
	v9 =	vshll.u32 v2, $0x10  }
0x5f5: {  	v38 =	vadd.f32 v47, v35;
	v35 =	vand.u32 $0xFFFF0000, v2;
	v39 =	vld [tilespmem:s24+$0x88A0];
	v36 =	vshll.u32 v40, $0x10  }
0x5f6: {  	v0 =	vld [tilespmem:s15+$0x30C0]  }
0x5f7: {  	v2 =	vld [tilespmem:s15+$0x30D0];
	_ =	sdelay $0x1  }
0x5f8: {  	v43 =	vmul.f32 v43, v3;
	v44 =	vmul.f32 v44, v3  }
0x5f9: {  	v46 =	vshll.u32 v45, $0x10;
	v57 =	vand.u32 $0xFFFF0000, v45;
	v56 =	vshll.u32 v39, $0x10  }
0x5fa: {  	v58 =	vand.u32 $0xFFFF0000, v39;
	v0 =	vadd.f32 v46, v0;
	v43 =	vadd.f32 v56, v43  }
0x5fb: {  	v2 =	vadd.f32 v57, v2;
	v39 =	vadd.f32 v58, v44  }
0x5fc: {  	v0 =	vadd.f32 v43, v0  }
0x5fd: {  	v2 =	vadd.f32 v39, v2  }
0x5fe: {  	[tilespmem:s15+$0xF0C0] =	vst v0;
	v0 =	vld [tilespmem:s15+$0x70E0]  }
0x5ff: {  	[tilespmem:s15+$0xF0D0] =	vst v2;
	v2 =	vld [tilespmem:s15+$0x70F0]  }
0x600: {  	v59 =	vld [tilespmem:s25+$0x88B0]  }
0x601: {  	v60 =	vld [tilespmem:s24+$0x88B0]  }
0x602: {  	v61 =	vld [tilespmem:s15+$0x30E0]  }
0x603: {  	v62 =	vld [tilespmem:s15+$0x30F0];
	_ =	sdelay $0x1  }
0x604: {  	v0 =	vmul.f32 v0, v3;
	v2 =	vmul.f32 v2, v3  }
0x605: {  	v63 =	vshll.u32 v59, $0x10;
	v48 =	vshll.u32 v60, $0x10;
	v39 =	vand.u32 $0xFFFF0000, v59  }
0x606: {  	v43 =	vand.u32 $0xFFFF0000, v60;
	v44 =	vadd.f32 v63, v61;
	v0 =	vadd.f32 v48, v0  }
0x607: {  	v39 =	vadd.f32 v39, v62;
	v2 =	vadd.f32 v43, v2  }
0x608: {  	v0 =	vadd.f32 v0, v44  }
0x609: {  	v2 =	vadd.f32 v2, v39  }
0x60a: {  	[tilespmem:s15+$0xF0E0] =	vst v0  }
0x60b: {  	[tilespmem:s15+$0xF0F0] =	vst v2  }
0x60c: {  	s0 =	sor.u32 $0x2C00, s23;
	v0 =	vld [tilespmem:s25+$0x88C0]  }
0x60d: {  	v2 =	vld [tilespmem:s0+$0x4880]  }
0x60e: {  	v49 =	vld [tilespmem:s24+$0x88C0]  }
0x60f: {  	v50 =	vld [tilespmem:s0+$0x880];
	_ =	sdelay $0x2  }
0x610: {  	v2 =	vmul.f32 v2, v3  }
0x611: {  	v51 =	vshll.u32 v0, $0x10;
	v52 =	vshll.u32 v49, $0x10  }
0x612: {  	v43 =	vadd.f32 v51, v50;
	v2 =	vadd.f32 v52, v2;
	_ =	sdelay $0x1  }
0x613: {  	v2 =	vadd.f32 v2, v43;
	_ =	sdelay $0x1  }
0x614: {  	s14 =	sor.u32 $0x2C10, s23;
	[tilespmem:s0+$0xC880] =	vst v2  }
0x615: {  	v2 =	vld [tilespmem:s14+$0x4880];
	_ =	sdelay $0x1  }
0x616: {  	v53 =	vld [tilespmem:s14+$0x880];
	_ =	sdelay $0x2  }
0x617: {  	v2 =	vmul.f32 v2, v3  }
0x618: {  	v0 =	vand.u32 $0xFFFF0000, v0;
	v39 =	vand.u32 $0xFFFF0000, v49  }
0x619: {  	v0 =	vadd.f32 v0, v53;
	v2 =	vadd.f32 v39, v2;
	_ =	sdelay $0x1  }
0x61a: {  	v0 =	vadd.f32 v2, v0;
	_ =	sdelay $0x1  }
0x61b: {  	[tilespmem:s14+$0xC880] =	vst v0  }
0x61c: {  	s15 =	sor.u32 $0x2C20, s23;
	v0 =	vld [tilespmem:s25+$0x88D0]  }
0x61d: {  	v2 =	vld [tilespmem:s15+$0x4880]  }
0x61e: {  	v54 =	vld [tilespmem:s24+$0x88D0]  }
0x61f: {  	v55 =	vld [tilespmem:s15+$0x880];
	_ =	sdelay $0x2  }
0x620: {  	v2 =	vmul.f32 v2, v3  }
0x621: {  	v56 =	vshll.u32 v0, $0x10;
	v57 =	vshll.u32 v54, $0x10  }
0x622: {  	v43 =	vadd.f32 v56, v55;
	v2 =	vadd.f32 v57, v2;
	_ =	sdelay $0x1  }
0x623: {  	v2 =	vadd.f32 v2, v43;
	_ =	sdelay $0x1  }
0x624: {  	s16 =	sor.u32 $0x2C30, s23;
	[tilespmem:s15+$0xC880] =	vst v2  }
0x625: {  	v2 =	vld [tilespmem:s16+$0x4880];
	_ =	sdelay $0x1  }
0x626: {  	v58 =	vld [tilespmem:s16+$0x880];
	_ =	sdelay $0x2  }
0x627: {  	v2 =	vmul.f32 v2, v3  }
0x628: {  	v0 =	vand.u32 $0xFFFF0000, v0;
	v39 =	vand.u32 $0xFFFF0000, v54  }
0x629: {  	v0 =	vadd.f32 v0, v58;
	v2 =	vadd.f32 v39, v2;
	_ =	sdelay $0x1  }
0x62a: {  	v0 =	vadd.f32 v2, v0;
	_ =	sdelay $0x1  }
0x62b: {  	[tilespmem:s16+$0xC880] =	vst v0  }
0x62c: {  	s17 =	sor.u32 $0x2C40, s23;
	v0 =	vld [tilespmem:s25+$0x88E0]  }
0x62d: {  	v2 =	vadd.f32 v42, v41;
	v59 =	vld [tilespmem:s17+$0x4880]  }
0x62e: {  	v37 =	vadd.f32 v38, v37;
	v60 =	vld [tilespmem:s24+$0x88E0]  }
0x62f: {  	[tilespmem:s10+$0xF0E0] =	vst v2;
	v2 =	vld [tilespmem:s17+$0x880]  }
0x630: {  	[tilespmem:s10+$0xF0F0] =	vst v37  }
0x631: {  	v62 =	vld [tilespmem:s11+$0x2440]  }
0x632: {  	v49 =	vld [tilespmem:s12+$0xACC0];
	v61 =	vmul.f32 v59, v3  }
0x633: {  	v63 =	vshll.u32 v0, $0x10;
	v48 =	vshll.u32 v60, $0x10  }
0x634: {  	v2 =	vadd.f32 v63, v2;
	v37 =	vadd.f32 v48, v61;
	_ =	sdelay $0x1  }
0x635: {  	v2 =	vadd.f32 v37, v2  }
0x636: {  	v50 =	vand.u32 $0xFFFF0000, v62;
	v51 =	vshll.u32 v49, $0x10;
	v53 =	vand.u32 $0xFFFF0000, v49  }
0x637: {  	v14 =	vadd.f32 v50, v14;
	v55 =	vadd.f32 v53, v23;
	[tilespmem:s17+$0xC880] =	vst v2;
	v2 =	vshll.u32 v62, $0x10  }
0x638: {  	s26 =	sor.u32 $0x2C50, s23;
	v54 =	vadd.f32 v51, v21;
	v2 =	vadd.f32 v2, v16  }
0x639: {  	v14 =	vadd.f32 v55, v14;
	v52 =	vld [tilespmem:s26+$0x4880]  }
0x63a: {  	v2 =	vadd.f32 v54, v2  }
0x63b: {  	[tilespmem:s10+$0xF490] =	vst v14;
	v56 =	vld [tilespmem:s26+$0x880]  }
0x63c: {  	[tilespmem:s10+$0xF480] =	vst v2  }
0x63d: {  	v58 =	vld [tilespmem:s11+$0x2450]  }
0x63e: {  	v2 =	vmul.f32 v52, v3;
	v59 =	vld [tilespmem:s12+$0xACD0]  }
0x63f: {  	v0 =	vand.u32 $0xFFFF0000, v0;
	v57 =	vand.u32 $0xFFFF0000, v60  }
0x640: {  	v0 =	vadd.f32 v0, v56;
	v2 =	vadd.f32 v57, v2;
	_ =	sdelay $0x1  }
0x641: {  	v0 =	vadd.f32 v2, v0  }
0x642: {  	v2 =	vshll.u32 v58, $0x10;
	v16 =	vand.u32 $0xFFFF0000, v58;
	v60 =	vshll.u32 v59, $0x10  }
0x643: {  	v14 =	vand.u32 $0xFFFF0000, v59;
	[tilespmem:s26+$0xC880] =	vst v0;
	v2 =	vadd.f32 v2, v12;
	v62 =	vadd.f32 v60, v20  }
0x644: {  	s28 =	sor.u32 $0x2C60, s23;
	v16 =	vadd.f32 v16, v17;
	v14 =	vadd.f32 v14, v22;
	v0 =	vld [tilespmem:s25+$0x88F0]  }
0x645: {  	v61 =	vld [tilespmem:s28+$0x4880];
	v2 =	vadd.f32 v62, v2  }
0x646: {  	v63 =	vld [tilespmem:s24+$0x88F0];
	v39 =	vadd.f32 v14, v16  }
0x647: {  	v37 =	vld [tilespmem:s28+$0x880];
	[tilespmem:s10+$0xF4A0] =	vst v2  }
0x648: {  	[tilespmem:s10+$0xF4B0] =	vst v39  }
0x649: {  	v5 =	vadd.f32 v9, v5;
	v6 =	vadd.f32 v35, v6;
	v43 =	vld [tilespmem:s11+$0x2460]  }
0x64a: {  	v45 =	vand.u32 $0xFFFF0000, v40;
	v46 =	vadd.f32 v36, v18;
	v44 =	vld [tilespmem:s12+$0xACE0];
	v2 =	vmul.f32 v61, v3  }
0x64b: {  	v16 =	vadd.f32 v45, v19;
	v41 =	vshll.u32 v0, $0x10;
	v42 =	vshll.u32 v63, $0x10  }
0x64c: {  	v9 =	vadd.f32 v41, v37;
	v2 =	vadd.f32 v42, v2  }
0x64d: {  	v5 =	vadd.f32 v46, v5  }
0x64e: {  	v6 =	vadd.f32 v16, v6;
	v2 =	vadd.f32 v2, v9  }
0x64f: {  	[tilespmem:s21+$0xF4C0] =	vst v5;
	v5 =	vshll.u32 v43, $0x10;
	v47 =	vand.u32 $0xFFFF0000, v43;
	v48 =	vshll.u32 v44, $0x10  }
0x650: {  	[tilespmem:s21+$0xF4D0] =	vst v6;
	v12 =	vand.u32 $0xFFFF0000, v44;
	v5 =	vadd.f32 v5, v25;
	v14 =	vadd.f32 v48, v29  }
0x651: {  	v50 =	vld [tilespmem:s22+$0x2470];
	v9 =	vadd.f32 v47, v26;
	v12 =	vadd.f32 v12, v28  }
0x652: {  	s29 =	sor.u32 $0x2C70, s23;
	v4 =	vadd.f32 v30, v4;
	v51 =	vld [tilespmem:s9+$0xACF0];
	[tilespmem:s28+$0xC880] =	vst v2;
	v5 =	vadd.f32 v14, v5  }
0x653: {  	v52 =	vadd.f32 v31, v15;
	v2 =	vld [tilespmem:s29+$0x4880];
	v9 =	vadd.f32 v12, v9  }
0x654: {  	[tilespmem:s10+$0xF4C0] =	vst v5  }
0x655: {  	v11 =	vadd.f32 v33, v11;
	v4 =	vadd.f32 v52, v4;
	v49 =	vld [tilespmem:s29+$0x880];
	[tilespmem:s10+$0xF4D0] =	vst v9  }
0x656: {  	v0 =	vand.u32 $0xFFFF0000, v0;
	v55 =	vshll.u32 v50, $0x10;
	v56 =	vand.u32 $0xFFFF0000, v50;
	v54 =	vld [tilespmem:s11+$0x2470]  }
0x657: {  	v57 =	vshll.u32 v51, $0x10;
	v59 =	vand.u32 $0xFFFF0000, v51;
	v7 =	vadd.f32 v55, v7;
	v58 =	vld [tilespmem:s12+$0xACF0]  }
0x658: {  	v60 =	vadd.f32 v57, v10;
	v8 =	vadd.f32 v56, v8;
	v2 =	vmul.f32 v2, v3  }
0x659: {  	v38 =	vld [tilespmem:s10+$0x34F0];
	v53 =	vand.u32 $0xFFFF0000, v63;
	v61 =	vadd.f32 v59, v13;
	v5 =	vadd.f32 v11, v32  }
0x65a: {  	v0 =	vadd.f32 v0, v49;
	v2 =	vadd.f32 v53, v2  }
0x65b: {  	v62 =	vadd.f32 v61, v8;
	[tilespmem:s20+$0xF4E0] =	vst v5;
	v5 =	vshll.u32 v54, $0x10;
	v6 =	vand.u32 $0xFFFF0000, v54  }
0x65c: {  	v63 =	vshll.u32 v58, $0x10;
	v0 =	vadd.f32 v2, v0;
	v2 =	vadd.f32 v60, v7  }
0x65d: {  	[tilespmem:s20+$0xF4F0] =	vst v4;
	v4 =	vand.u32 $0xFFFF0000, v58;
	v5 =	vadd.f32 v5, v34;
	v8 =	vadd.f32 v63, v27  }
0x65e: {  	s18 =	sadd.s32 $0x1, s18;
	v4 =	vadd.f32 v4, v24;
	[tilespmem:s29+$0xC880] =	vst v0;
	v0 =	vadd.f32 v6, v38  }
0x65f: {  	p0 =	sne.s32 s18, $0x20;
	[tilespmem:s21+$0xF4E0] =	vst v2;
	v2 =	vadd.f32 v8, v5  }
.Ltmp2:
0x660: {  	s30 =	rddreg [dreg:$0x3];
	[tilespmem:s21+$0xF4F0] =	vst v62;
	v0 =	vadd.f32 v4, v0;
	(pc) =	sbr.rel @p0 .LBB2_2-.Ltmp2, $4  }
0x661: {  	s13 =	rddreg [dreg:$0x1];
	[tilespmem:s10+$0xF4E0] =	vst v2  }
0x662: {  	s1 =	simm.s32 $0xE880;
	s0 =	sadd.s32 s30, s19;
	s25 =	rddreg [dreg:$0x2];
	[tilespmem:s10+$0xF4F0] =	vst v0  }
0x663: {  	[hbm4b:s0+s5] =	stream.linear.scatter [tilespmem:s1], [sflag:$0x4], $0x2000, $0x38;
	[tilespmem:$0x10880] =	vst v63  }
0x664: {  	s8 =	rddreg [dreg:$0x5]  }
0x665: {  	s0 =	simm.s32 $0x3  }
0x666: {  	_ =	swait.ge [sflag:s0], $0x2000  }
0x667: {  	[sflag:s0] =	ssyncset.done $0x0  }
0x668: {  	s1 =	simm.s32 $0x4;
	[sflag:s0] =	ssyncadd.s32 $0xFFFFE000  }
0x669: {  	_ =	swait.ge [sflag:s1], $0x2000  }
0x66a: {  	s2 =	rddreg [dreg:$0xc]  }
0x66b: {  	s30 =	rddreg [dreg:$0xb];
	s2 =	sadd.s32 $0x1, s2  }
0x66c: {  	p0 =	sne.s32 s2, s30  }
.Ltmp3:
0x66d: {  	_ = 	snop;
	(pc) =	sbr.rel @p0 .LBB2_1-.Ltmp3, $3  }
0x66e: {  	_ =	sdelay $0x1  }
0x66f: {  	[sflag:s1] =	ssyncset.done $0x0  }
0x670: {  	[sflag:s1] =	ssyncadd.s32 $0xFFFFE000  }
0x671: {  	_ =	sfence.sel $0x180000  }
0x672: {  	[bflag:$0x0] =	sbarrier.arrive $0xFFFF  }
0x673: {  	_ =	strace $0x90000047  }
0x674: {  	s0 =	stileid.u32;
	[bflag:$0x2] =	sbarrier.arrive $0xFFFF  }
0x675: {  	p0 =	sne.s32 s0, $0x0;
	s0 =	rddreg [dreg:$0x4]  }
0x676: {  	s0 =	sadd.s32 @!p0 $0x100000, s0  }
0x677: {  	[sflag:s0] =	ssyncadd.tile.s32 @!p0 $0x1;
	_ =	shalt  }
.Lfunc_end2:
_tile_overlayer_lowered:
.L_overlay_start_2:
0x678: {  	(tag) =	ssettag $0x2  }
0x679: {  	s0 =	rddreg [dreg:$0x0];
	s2 =	stileid.u32  }
0x67a: {  	s1 =	rddreg [dreg:$0x1];
	p0 =	sne.s32 s2, $0x0  }
0x67b: {  	s3 =	rddreg [dreg:$0x2];
	[bflag:$0x3] =	sbarrier.arrive $0xFFFF;
	s2 =	simm.s32 @!p0 $0x1C05  }
0x67c: {  	[timem:s3], [sflag:s2] =	dma.local @!p0 [hbm:s0], s1  }
0x67d: {  	s0 =	simm.s32 @!p0 $0x5  }
0x67e: {  	_ =	swait.ge @!p0 [sflag:s0], s1  }
0x67f: {  	s1 =	ssub.s32 @!p0 $0x0, s1;
	[sflag:s0] =	ssyncset.done @!p0 $0x0  }
0x680: {  	[sflag:s0] =	ssyncadd.s32 @!p0 s1  }
0x681: {  	[bflag:$0x3] =	sbarrier.arrive $0xFFFF  }
0x682: {  	_ =	shalt  }

</sc_bundles>
